<compile_context>
chip_gen: v7x
topology: tpu7x:2x2x1
jax: 0.10.2.dev20260603
libtpu: 0.0.44.dev20260713+nightly
codegen_flags: <defaults>
</compile_context>

<pallas_src>
import functools

import jax
import jax.numpy as jnp
from jax import lax
from jax.experimental import pallas as pl
from jax.experimental.pallas import tpu as pltpu
from jax.experimental.pallas import tpu_sc as plsc

_NBUF = 16



@functools.lru_cache(maxsize=None)
def _make_gather(V, D, B):
    info = plsc.get_sparse_core_info()
    nc, ns = info.num_cores, info.num_subcores
    nw = nc * ns
    assert B % nw == 0 and (B // nw) % _NBUF == 0
    bpw = B // nw
    mesh = plsc.VectorSubcoreMesh(core_axis_name="c", subcore_axis_name="s")

    @functools.partial(
        pl.kernel, mesh=mesh,
        out_type=jax.ShapeDtypeStruct((B, D), jnp.float32),
        compiler_params=pltpu.CompilerParams(
            use_tc_tiling_on_sc=True, needs_layout_passes=False),
        scratch_types=[
            pltpu.VMEM((bpw,), jnp.int32),
            pltpu.VMEM((_NBUF, 8, D), jnp.float32),
            pltpu.VMEM((bpw, D), jnp.float32),
            pltpu.SemaphoreType.DMA((_NBUF,)),
        ],
    )
    def gather_kernel(table_hbm, idx_hbm, out_hbm, idx_v, grp_v, sel_v, sems):
        wid = lax.axis_index("s") * nc + lax.axis_index("c")
        base = wid * bpw
        pltpu.sync_copy(idx_hbm.at[pl.ds(base, bpw)], idx_v)
        iota16 = lax.iota(jnp.int32, 16)

        def fire(slot, v):
            goff = pl.multiple_of((v >> 3) * 8, 8)
            pltpu.async_copy(table_hbm.at[pl.ds(goff, 8), :],
                             grp_v.at[slot], sems.at[slot])

        def drain(slot):
            pltpu.make_async_copy(table_hbm.at[pl.ds(0, 8), :],
                                  grp_v.at[slot], sems.at[slot]).wait()

        def extract(i, slot, v):
            r = iota16 * 0 + (v & 7)
            for g in range(D // 16):
                vals = plsc.load_gather(grp_v.at[slot], [r, iota16 + g * 16])
                plsc.store_scatter(sel_v, [iota16 * 0 + i, iota16 + g * 16],
                                   vals)

        def prime(gi, _):
            vs = idx_v[pl.ds(gi * 16, 16)]
            for j in range(16):
                fire(gi * 16 + j, vs[j])
            return ()

        lax.fori_loop(0, _NBUF // 16, prime, ())

        def step(gi, _):
            vs_nxt = idx_v[pl.ds(gi * 16 + _NBUF, 16)]
            vs_cur = idx_v[pl.ds(gi * 16, 16)]
            for j in range(16):
                i = gi * 16 + j
                slot = i % _NBUF
                drain(slot)
                extract(i, slot, vs_cur[j])
                fire(slot, vs_nxt[j])
            return ()

        lax.fori_loop(0, (bpw - _NBUF) // 16, step, ())

        def tail(gi, _):
            base_i = bpw - _NBUF + gi * 16
            vs_cur = idx_v[pl.ds(base_i, 16)]
            for j in range(16):
                i = base_i + j
                slot = i % _NBUF
                drain(slot)
                extract(i, slot, vs_cur[j])
            return ()

        lax.fori_loop(0, _NBUF // 16, tail, ())
        pltpu.sync_copy(sel_v, out_hbm.at[pl.ds(base, bpw)])

    return gather_kernel



def _dense_body(x_ref, enc_ref, dec_ref, bias_ref, out_ref, loss_ref):
    x = x_ref[:]
    enc = enc_ref[:]
    dec = dec_ref[:]
    h = lax.dot_general(x, enc, (((1,), (1,)), ((), ())),
                        preferred_element_type=jnp.float32)
    binary = (h >= 0).astype(jnp.float32)
    y = lax.dot_general(binary, dec, (((1,), (1,)), ((), ())),
                        preferred_element_type=jnp.float32)
    out_ref[:] = y + bias_ref[:]
    corr = lax.dot_general(dec, enc, (((1,), (0,)), ((), ())),
                           preferred_element_type=jnp.float32)
    n = corr.shape[0]
    eye = (lax.broadcasted_iota(jnp.int32, (n, n), 0)
           == lax.broadcasted_iota(jnp.int32, (n, n), 1)).astype(jnp.float32)
    diff = corr - eye
    loss_ref[0, 0] = jnp.sqrt(jnp.sum(diff * diff))


@functools.lru_cache(maxsize=None)
def _make_dense(B, D, H, interpret=False):
    return pl.pallas_call(
        _dense_body,
        out_shape=(jax.ShapeDtypeStruct((B, D), jnp.float32),
                   jax.ShapeDtypeStruct((1, 1), jnp.float32)),
        in_specs=[pl.BlockSpec(memory_space=pltpu.VMEM)] * 4,
        out_specs=(pl.BlockSpec(memory_space=pltpu.VMEM),
                   pl.BlockSpec(memory_space=pltpu.SMEM)),
        interpret=interpret,
    )



def kernel(input, emb_table, enc_w, dec_w, dec_b):
    idx = input.astype(jnp.int32)
    (B,) = idx.shape
    V, D = emb_table.shape
    H = enc_w.shape[0]
    in_embed = _make_gather(V, D, B)(emb_table, idx)
    out_embed, loss = _make_dense(B, D, H)(
        in_embed, enc_w, dec_w, dec_b.reshape(1, D))
    return in_embed, out_embed, loss.reshape(())

# --- scband reference (transcript-rebuilt; emitter-appended) ---
"""Pipeline reference for scband-binarizing-autoencoder-69114613728557 (READ-ONLY COPY).

The authoritative reference and input builder live on the scoring server;
editing this copy changes nothing except your own understanding.
"""

import jax, jax.numpy as jnp
import numpy as np

VOCAB = 1000000
EMBED = 64
HIDDEN = 32
B = 16384


def setup_inputs(seed: int = 0) -> dict:
    key = jax.random.key(seed)
    k1, k2, k3, k4 = jax.random.split(key, 4)
    indices = jax.random.randint(k1, (B,), 0, VOCAB)
    emb_table = jax.random.normal(k2, (VOCAB, EMBED), dtype=jnp.float32)
    enc_w = jax.random.uniform(k3, (HIDDEN, EMBED), minval=-0.1, maxval=0.1, dtype=jnp.float32)
    dec_w = jax.random.uniform(k4, (EMBED, HIDDEN), minval=-0.1, maxval=0.1, dtype=jnp.float32)
    dec_b = jnp.zeros((EMBED,), dtype=jnp.float32)
    return {"input": indices, "emb_table": emb_table, "enc_w": enc_w, "dec_w": dec_w, "dec_b": dec_b}


def heaviside(x):
    return (x >= 0).astype(jnp.float32)


def reference(input, emb_table, enc_w, dec_w, dec_b):
    # in_embed = self.embedding(input)  (frozen embedding lookup)
    in_embed = jnp.take(emb_table, input, axis=0)
    # binary = heaviside(encoder(in_embed)); encoder is Linear(embed, hidden, bias=False)
    binary = heaviside(in_embed @ enc_w.T)
    # out_embed = decoder(binary); decoder is Linear(hidden, embed) with bias
    out_embed = binary @ dec_w.T + dec_b
    # correlation = decoder.weight @ encoder.weight  -> [embed, embed]
    correlation = dec_w @ enc_w
    reg_loss = jnp.linalg.norm(correlation - jnp.eye(correlation.shape[0], dtype=jnp.float32))
    return (in_embed, out_embed, reg_loss)

if __name__ == "__main__":
    import jax
    _d = setup_inputs()
    print(jax.jit(kernel)(*tuple(_d.values())))

</pallas_src>

<mosaic_0001>
#map = affine_map<(d0, d1) -> (0, 0)>
#map1 = affine_map<(d0, d1) -> (0)>
module attributes {stable_mosaic.version = 14 : i64} {
  func.func @gather_kernel(%arg0: i32, %arg1: i32, %arg2: memref<1000000x64xf32, #tpu.memory_space<hbm>>, %arg3: memref<16384xi32, #tpu.memory_space<hbm>>, %arg4: memref<16384x64xf32, #tpu.memory_space<hbm>>, %arg5: memref<512xi32, #tpu.memory_space<vmem>>, %arg6: memref<16x8x64xf32, #tpu.memory_space<vmem>>, %arg7: memref<512x64xf32, #tpu.memory_space<vmem>>, %arg8: memref<16x!tpu.dma_semaphore, #tpu.memory_space<semaphore_mem>>) attributes {dimension_semantics = [#tpu.dimension_semantics<core_parallel>, #tpu.dimension_semantics<subcore_parallel>], iteration_bounds = array<i64: 2, 16>, scalar_prefetch = 0 : i64, scratch_operands = 4 : i64, tpu.core_type = #tpu.core_type<sc_vector_subcore>, window_params = [{transform_indices = #map}, {transform_indices = #map1}, {transform_indices = #map}]} {
    %mul3A = arith.constant 2 : i32
    %mul3A_0 = arith.muli %arg1, %mul3A : i32
    %add3A = arith.addi %mul3A_0, %arg0 : i32
    %mul3A_1 = arith.constant 512 : i32
    %mul3A_2 = arith.muli %add3A, %mul3A_1 : i32
    "tpu.region"() ({
      %run_scoped3A = tpu.sem_alloc : memref<!tpu.dma_semaphore, #tpu.memory_space<semaphore_mem>>
      %dma_start3A_2118 = tpu.memref_slice %arg3[%mul3A_2] : memref<16384xi32, #tpu.memory_space<hbm>> -> memref<512xi32, #tpu.memory_space<hbm>>
      %dma_start3A_2119 = tpu.memref_slice %arg3[%mul3A_2] : memref<16384xi32, #tpu.memory_space<hbm>> -> memref<512xi32, #tpu.memory_space<hbm>>
      tpu.enqueue_dma source(%dma_start3A_2119 : memref<512xi32, #tpu.memory_space<hbm>>) target(%arg5 : memref<512xi32, #tpu.memory_space<vmem>>) target_semaphore(%run_scoped3A : memref<!tpu.dma_semaphore, #tpu.memory_space<semaphore_mem>>)
      %dma_wait3A_2120 = tpu.memref_slice %arg3[%mul3A_2] : memref<16384xi32, #tpu.memory_space<hbm>> -> memref<512xi32, #tpu.memory_space<hbm>>
      %dma_wait3A_2121 = tpu.memref_slice %arg3[%mul3A_2] : memref<16384xi32, #tpu.memory_space<hbm>> -> memref<512xi32, #tpu.memory_space<hbm>>
      tpu.wait_dma2 semaphore(%run_scoped3A : memref<!tpu.dma_semaphore, #tpu.memory_space<semaphore_mem>>) src(%dma_wait3A_2121 : memref<512xi32, #tpu.memory_space<hbm>>) dst(%arg5 : memref<512xi32, #tpu.memory_space<vmem>>)
      tpu.yield
    }) : () -> ()
    %iota3A = tpu.iota {dimensions = array<i32: 0>} : vector<16xi32>
    %scan3A = arith.constant 0 : i32
    %mul3A_3 = arith.constant 16 : i32
    %mul3A_4 = arith.muli %scan3A, %mul3A_3 : i32
    %get3A = arith.index_cast %mul3A_4 : i32 to index
    %get3A_5 = tpu.vector_load %arg5[%get3A] {strides = array<i32>} : memref<512xi32, #tpu.memory_space<vmem>>, vector<16xi32>,
    %mul3A_6 = arith.constant 16 : i32
    %mul3A_7 = arith.muli %scan3A, %mul3A_6 : i32
    %add3A_8 = arith.constant 0 : i32
    %add3A_9 = arith.addi %mul3A_7, %add3A_8 : i32
    %slice3A = vector.extract_strided_slice %get3A_5 {offsets = [0], sizes = [1], strides = [1]} : vector<16xi32> to vector<1xi32>
    %squeeze3A = vector.extract %slice3A[0] : i32 from vector<1xi32>
    %shift_right_arithmetic3A = arith.constant 3 : i32
    %shift_right_arithmetic3A_10 = arith.shrsi %squeeze3A, %shift_right_arithmetic3A : i32
    %mul3A_11 = arith.constant 8 : i32
    %mul3A_12 = arith.muli %shift_right_arithmetic3A_10, %mul3A_11 : i32
    %multiple_of3A = tpu.assume_multiple %mul3A_12, 8 : i32
    %dma_start3A = arith.constant 0 : i32
    %dma_start3A_13 = arith.constant 0 : i32
    %dma_start3A_14 = tpu.memref_slice %arg6[%add3A_9, %dma_start3A, %dma_start3A_13] : memref<16x8x64xf32, #tpu.memory_space<vmem>> -> memref<1x8x64xf32, #tpu.memory_space<vmem>>
    %dma_start3A_15 = tpu.memref_squeeze %dma_start3A_14 : memref<1x8x64xf32, #tpu.memory_space<vmem>> -> memref<8x64xf32, #tpu.memory_space<vmem>>
    %dma_start3A_16 = arith.constant 0 : i32
    %dma_start3A_17 = tpu.memref_slice %arg2[%multiple_of3A, %dma_start3A_16] : memref<1000000x64xf32, #tpu.memory_space<hbm>> -> memref<8x64xf32, #tpu.memory_space<hbm>>
    %dma_start3A_18 = tpu.memref_slice %arg8[%add3A_9] : memref<16x!tpu.dma_semaphore, #tpu.memory_space<semaphore_mem>> -> memref<1x!tpu.dma_semaphore, #tpu.memory_space<semaphore_mem>>
    %dma_start3A_19 = tpu.memref_squeeze %dma_start3A_18 : memref<1x!tpu.dma_semaphore, #tpu.memory_space<semaphore_mem>> -> memref<!tpu.dma_semaphore, #tpu.memory_space<semaphore_mem>>
    %dma_start3A_20 = arith.constant 0 : i32
    %dma_start3A_21 = arith.constant 0 : i32
    %dma_start3A_22 = tpu.memref_slice %arg6[%add3A_9, %dma_start3A_20, %dma_start3A_21] : memref<16x8x64xf32, #tpu.memory_space<vmem>> -> memref<1x8x64xf32, #tpu.memory_space<vmem>>
    %dma_start3A_23 = tpu.memref_squeeze %dma_start3A_22 : memref<1x8x64xf32, #tpu.memory_space<vmem>> -> memref<8x64xf32, #tpu.memory_space<vmem>>
    %dma_start3A_24 = arith.constant 0 : i32
    %dma_start3A_25 = tpu.memref_slice %arg2[%multiple_of3A, %dma_start3A_24] : memref<1000000x64xf32, #tpu.memory_space<hbm>> -> memref<8x64xf32, #tpu.memory_space<hbm>>
    tpu.enqueue_dma source(%dma_start3A_25 : memref<8x64xf32, #tpu.memory_space<hbm>>) target(%dma_start3A_23 : memref<8x64xf32, #tpu.memory_space<vmem>>) target_semaphore(%dma_start3A_19 : memref<!tpu.dma_semaphore, #tpu.memory_space<semaphore_mem>>)
    %mul3A_26 = arith.constant 16 : i32
    %mul3A_27 = arith.muli %scan3A, %mul3A_26 : i32
    %add3A_28 = arith.constant 1 : i32
    %add3A_29 = arith.addi %mul3A_27, %add3A_28 : i32
    %slice3A_30 = vector.extract_strided_slice %get3A_5 {offsets = [1], sizes = [1], strides = [1]} : vector<16xi32> to vector<1xi32>
    %squeeze3A_31 = vector.extract %slice3A_30[0] : i32 from vector<1xi32>
    %shift_right_arithmetic3A_32 = arith.constant 3 : i32
    %shift_right_arithmetic3A_33 = arith.shrsi %squeeze3A_31, %shift_right_arithmetic3A_32 : i32
    %mul3A_34 = arith.constant 8 : i32
    %mul3A_35 = arith.muli %shift_right_arithmetic3A_33, %mul3A_34 : i32
    %multiple_of3A_36 = tpu.assume_multiple %mul3A_35, 8 : i32
    %dma_start3A_37 = arith.constant 0 : i32
    %dma_start3A_38 = arith.constant 0 : i32
    %dma_start3A_39 = tpu.memref_slice %arg6[%add3A_29, %dma_start3A_37, %dma_start3A_38] : memref<16x8x64xf32, #tpu.memory_space<vmem>> -> memref<1x8x64xf32, #tpu.memory_space<vmem>>
    %dma_start3A_40 = tpu.memref_squeeze %dma_start3A_39 : memref<1x8x64xf32, #tpu.memory_space<vmem>> -> memref<8x64xf32, #tpu.memory_space<vmem>>
    %dma_start3A_41 = arith.constant 0 : i32
    %dma_start3A_42 = tpu.memref_slice %arg2[%multiple_of3A_36, %dma_start3A_41] : memref<1000000x64xf32, #tpu.memory_space<hbm>> -> memref<8x64xf32, #tpu.memory_space<hbm>>
    %dma_start3A_43 = tpu.memref_slice %arg8[%add3A_29] : memref<16x!tpu.dma_semaphore, #tpu.memory_space<semaphore_mem>> -> memref<1x!tpu.dma_semaphore, #tpu.memory_space<semaphore_mem>>
    %dma_start3A_44 = tpu.memref_squeeze %dma_start3A_43 : memref<1x!tpu.dma_semaphore, #tpu.memory_space<semaphore_mem>> -> memref<!tpu.dma_semaphore, #tpu.memory_space<semaphore_mem>>
    %dma_start3A_45 = arith.constant 0 : i32
    %dma_start3A_46 = arith.constant 0 : i32
    %dma_start3A_47 = tpu.memref_slice %arg6[%add3A_29, %dma_start3A_45, %dma_start3A_46] : memref<16x8x64xf32, #tpu.memory_space<vmem>> -> memref<1x8x64xf32, #tpu.memory_space<vmem>>
    %dma_start3A_48 = tpu.memref_squeeze %dma_start3A_47 : memref<1x8x64xf32, #tpu.memory_space<vmem>> -> memref<8x64xf32, #tpu.memory_space<vmem>>
    %dma_start3A_49 = arith.constant 0 : i32
    %dma_start3A_50 = tpu.memref_slice %arg2[%multiple_of3A_36, %dma_start3A_49] : memref<1000000x64xf32, #tpu.memory_space<hbm>> -> memref<8x64xf32, #tpu.memory_space<hbm>>
    tpu.enqueue_dma source(%dma_start3A_50 : memref<8x64xf32, #tpu.memory_space<hbm>>) target(%dma_start3A_48 : memref<8x64xf32, #tpu.memory_space<vmem>>) target_semaphore(%dma_start3A_44 : memref<!tpu.dma_semaphore, #tpu.memory_space<semaphore_mem>>)
    %mul3A_51 = arith.constant 16 : i32
    %mul3A_52 = arith.muli %scan3A, %mul3A_51 : i32
    %add3A_53 = arith.constant 2 : i32
    %add3A_54 = arith.addi %mul3A_52, %add3A_53 : i32
    %slice3A_55 = vector.extract_strided_slice %get3A_5 {offsets = [2], sizes = [1], strides = [1]} : vector<16xi32> to vector<1xi32>
    %squeeze3A_56 = vector.extract %slice3A_55[0] : i32 from vector<1xi32>
    %shift_right_arithmetic3A_57 = arith.constant 3 : i32
    %shift_right_arithmetic3A_58 = arith.shrsi %squeeze3A_56, %shift_right_arithmetic3A_57 : i32
    %mul3A_59 = arith.constant 8 : i32
    %mul3A_60 = arith.muli %shift_right_arithmetic3A_58, %mul3A_59 : i32
    %multiple_of3A_61 = tpu.assume_multiple %mul3A_60, 8 : i32
    %dma_start3A_62 = arith.constant 0 : i32
    %dma_start3A_63 = arith.constant 0 : i32
    %dma_start3A_64 = tpu.memref_slice %arg6[%add3A_54, %dma_start3A_62, %dma_start3A_63] : memref<16x8x64xf32, #tpu.memory_space<vmem>> -> memref<1x8x64xf32, #tpu.memory_space<vmem>>
    %dma_start3A_65 = tpu.memref_squeeze %dma_start3A_64 : memref<1x8x64xf32, #tpu.memory_space<vmem>> -> memref<8x64xf32, #tpu.memory_space<vmem>>
    %dma_start3A_66 = arith.constant 0 : i32
    %dma_start3A_67 = tpu.memref_slice %arg2[%multiple_of3A_61, %dma_start3A_66] : memref<1000000x64xf32, #tpu.memory_space<hbm>> -> memref<8x64xf32, #tpu.memory_space<hbm>>
    %dma_start3A_68 = tpu.memref_slice %arg8[%add3A_54] : memref<16x!tpu.dma_semaphore, #tpu.memory_space<semaphore_mem>> -> memref<1x!tpu.dma_semaphore, #tpu.memory_space<semaphore_mem>>
    %dma_start3A_69 = tpu.memref_squeeze %dma_start3A_68 : memref<1x!tpu.dma_semaphore, #tpu.memory_space<semaphore_mem>> -> memref<!tpu.dma_semaphore, #tpu.memory_space<semaphore_mem>>
    %dma_start3A_70 = arith.constant 0 : i32
    %dma_start3A_71 = arith.constant 0 : i32
    %dma_start3A_72 = tpu.memref_slice %arg6[%add3A_54, %dma_start3A_70, %dma_start3A_71] : memref<16x8x64xf32, #tpu.memory_space<vmem>> -> memref<1x8x64xf32, #tpu.memory_space<vmem>>
    %dma_start3A_73 = tpu.memref_squeeze %dma_start3A_72 : memref<1x8x64xf32, #tpu.memory_space<vmem>> -> memref<8x64xf32, #tpu.memory_space<vmem>>
    %dma_start3A_74 = arith.constant 0 : i32
    %dma_start3A_75 = tpu.memref_slice %arg2[%multiple_of3A_61, %dma_start3A_74] : memref<1000000x64xf32, #tpu.memory_space<hbm>> -> memref<8x64xf32, #tpu.memory_space<hbm>>
    tpu.enqueue_dma source(%dma_start3A_75 : memref<8x64xf32, #tpu.memory_space<hbm>>) target(%dma_start3A_73 : memref<8x64xf32, #tpu.memory_space<vmem>>) target_semaphore(%dma_start3A_69 : memref<!tpu.dma_semaphore, #tpu.memory_space<semaphore_mem>>)
    %mul3A_76 = arith.constant 16 : i32
    %mul3A_77 = arith.muli %scan3A, %mul3A_76 : i32
    %add3A_78 = arith.constant 3 : i32
    %add3A_79 = arith.addi %mul3A_77, %add3A_78 : i32
    %slice3A_80 = vector.extract_strided_slice %get3A_5 {offsets = [3], sizes = [1], strides = [1]} : vector<16xi32> to vector<1xi32>
    %squeeze3A_81 = vector.extract %slice3A_80[0] : i32 from vector<1xi32>
    %shift_right_arithmetic3A_82 = arith.constant 3 : i32
    %shift_right_arithmetic3A_83 = arith.shrsi %squeeze3A_81, %shift_right_arithmetic3A_82 : i32
    %mul3A_84 = arith.constant 8 : i32
    %mul3A_85 = arith.muli %shift_right_arithmetic3A_83, %mul3A_84 : i32
    %multiple_of3A_86 = tpu.assume_multiple %mul3A_85, 8 : i32
    %dma_start3A_87 = arith.constant 0 : i32
    %dma_start3A_88 = arith.constant 0 : i32
    %dma_start3A_89 = tpu.memref_slice %arg6[%add3A_79, %dma_start3A_87, %dma_start3A_88] : memref<16x8x64xf32, #tpu.memory_space<vmem>> -> memref<1x8x64xf32, #tpu.memory_space<vmem>>
    %dma_start3A_90 = tpu.memref_squeeze %dma_start3A_89 : memref<1x8x64xf32, #tpu.memory_space<vmem>> -> memref<8x64xf32, #tpu.memory_space<vmem>>
    %dma_start3A_91 = arith.constant 0 : i32
    %dma_start3A_92 = tpu.memref_slice %arg2[%multiple_of3A_86, %dma_start3A_91] : memref<1000000x64xf32, #tpu.memory_space<hbm>> -> memref<8x64xf32, #tpu.memory_space<hbm>>
    %dma_start3A_93 = tpu.memref_slice %arg8[%add3A_79] : memref<16x!tpu.dma_semaphore, #tpu.memory_space<semaphore_mem>> -> memref<1x!tpu.dma_semaphore, #tpu.memory_space<semaphore_mem>>
    %dma_start3A_94 = tpu.memref_squeeze %dma_start3A_93 : memref<1x!tpu.dma_semaphore, #tpu.memory_space<semaphore_mem>> -> memref<!tpu.dma_semaphore, #tpu.memory_space<semaphore_mem>>
    %dma_start3A_95 = arith.constant 0 : i32
    %dma_start3A_96 = arith.constant 0 : i32
    %dma_start3A_97 = tpu.memref_slice %arg6[%add3A_79, %dma_start3A_95, %dma_start3A_96] : memref<16x8x64xf32, #tpu.memory_space<vmem>> -> memref<1x8x64xf32, #tpu.memory_space<vmem>>
    %dma_start3A_98 = tpu.memref_squeeze %dma_start3A_97 : memref<1x8x64xf32, #tpu.memory_space<vmem>> -> memref<8x64xf32, #tpu.memory_space<vmem>>
    %dma_start3A_99 = arith.constant 0 : i32
    %dma_start3A_100 = tpu.memref_slice %arg2[%multiple_of3A_86, %dma_start3A_99] : memref<1000000x64xf32, #tpu.memory_space<hbm>> -> memref<8x64xf32, #tpu.memory_space<hbm>>
    tpu.enqueue_dma source(%dma_start3A_100 : memref<8x64xf32, #tpu.memory_space<hbm>>) target(%dma_start3A_98 : memref<8x64xf32, #tpu.memory_space<vmem>>) target_semaphore(%dma_start3A_94 : memref<!tpu.dma_semaphore, #tpu.memory_space<semaphore_mem>>)
    %mul3A_101 = arith.constant 16 : i32
    %mul3A_102 = arith.muli %scan3A, %mul3A_101 : i32
    %add3A_103 = arith.constant 4 : i32
    %add3A_104 = arith.addi %mul3A_102, %add3A_103 : i32
    %slice3A_105 = vector.extract_strided_slice %get3A_5 {offsets = [4], sizes = [1], strides = [1]} : vector<16xi32> to vector<1xi32>
    %squeeze3A_106 = vector.extract %slice3A_105[0] : i32 from vector<1xi32>
    %shift_right_arithmetic3A_107 = arith.constant 3 : i32
    %shift_right_arithmetic3A_108 = arith.shrsi %squeeze3A_106, %shift_right_arithmetic3A_107 : i32
    %mul3A_109 = arith.constant 8 : i32
    %mul3A_110 = arith.muli %shift_right_arithmetic3A_108, %mul3A_109 : i32
    %multiple_of3A_111 = tpu.assume_multiple %mul3A_110, 8 : i32
    %dma_start3A_112 = arith.constant 0 : i32
    %dma_start3A_113 = arith.constant 0 : i32
    %dma_start3A_114 = tpu.memref_slice %arg6[%add3A_104, %dma_start3A_112, %dma_start3A_113] : memref<16x8x64xf32, #tpu.memory_space<vmem>> -> memref<1x8x64xf32, #tpu.memory_space<vmem>>
    %dma_start3A_115 = tpu.memref_squeeze %dma_start3A_114 : memref<1x8x64xf32, #tpu.memory_space<vmem>> -> memref<8x64xf32, #tpu.memory_space<vmem>>
    %dma_start3A_116 = arith.constant 0 : i32
    %dma_start3A_117 = tpu.memref_slice %arg2[%multiple_of3A_111, %dma_start3A_116] : memref<1000000x64xf32, #tpu.memory_space<hbm>> -> memref<8x64xf32, #tpu.memory_space<hbm>>
    %dma_start3A_118 = tpu.memref_slice %arg8[%add3A_104] : memref<16x!tpu.dma_semaphore, #tpu.memory_space<semaphore_mem>> -> memref<1x!tpu.dma_semaphore, #tpu.memory_space<semaphore_mem>>
    %dma_start3A_119 = tpu.memref_squeeze %dma_start3A_118 : memref<1x!tpu.dma_semaphore, #tpu.memory_space<semaphore_mem>> -> memref<!tpu.dma_semaphore, #tpu.memory_space<semaphore_mem>>
    %dma_start3A_120 = arith.constant 0 : i32
    %dma_start3A_121 = arith.constant 0 : i32
    %dma_start3A_122 = tpu.memref_slice %arg6[%add3A_104, %dma_start3A_120, %dma_start3A_121] : memref<16x8x64xf32, #tpu.memory_space<vmem>> -> memref<1x8x64xf32, #tpu.memory_space<vmem>>
    %dma_start3A_123 = tpu.memref_squeeze %dma_start3A_122 : memref<1x8x64xf32, #tpu.memory_space<vmem>> -> memref<8x64xf32, #tpu.memory_space<vmem>>
    %dma_start3A_124 = arith.constant 0 : i32
    %dma_start3A_125 = tpu.memref_slice %arg2[%multiple_of3A_111, %dma_start3A_124] : memref<1000000x64xf32, #tpu.memory_space<hbm>> -> memref<8x64xf32, #tpu.memory_space<hbm>>
    tpu.enqueue_dma source(%dma_start3A_125 : memref<8x64xf32, #tpu.memory_space<hbm>>) target(%dma_start3A_123 : memref<8x64xf32, #tpu.memory_space<vmem>>) target_semaphore(%dma_start3A_119 : memref<!tpu.dma_semaphore, #tpu.memory_space<semaphore_mem>>)
    %mul3A_126 = arith.constant 16 : i32
    %mul3A_127 = arith.muli %scan3A, %mul3A_126 : i32
    %add3A_128 = arith.constant 5 : i32
    %add3A_129 = arith.addi %mul3A_127, %add3A_128 : i32
    %slice3A_130 = vector.extract_strided_slice %get3A_5 {offsets = [5], sizes = [1], strides = [1]} : vector<16xi32> to vector<1xi32>
    %squeeze3A_131 = vector.extract %slice3A_130[0] : i32 from vector<1xi32>
    %shift_right_arithmetic3A_132 = arith.constant 3 : i32
    %shift_right_arithmetic3A_133 = arith.shrsi %squeeze3A_131, %shift_right_arithmetic3A_132 : i32
    %mul3A_134 = arith.constant 8 : i32
    %mul3A_135 = arith.muli %shift_right_arithmetic3A_133, %mul3A_134 : i32
    %multiple_of3A_136 = tpu.assume_multiple %mul3A_135, 8 : i32
    %dma_start3A_137 = arith.constant 0 : i32
    %dma_start3A_138 = arith.constant 0 : i32
    %dma_start3A_139 = tpu.memref_slice %arg6[%add3A_129, %dma_start3A_137, %dma_start3A_138] : memref<16x8x64xf32, #tpu.memory_space<vmem>> -> memref<1x8x64xf32, #tpu.memory_space<vmem>>
    %dma_start3A_140 = tpu.memref_squeeze %dma_start3A_139 : memref<1x8x64xf32, #tpu.memory_space<vmem>> -> memref<8x64xf32, #tpu.memory_space<vmem>>
    %dma_start3A_141 = arith.constant 0 : i32
    %dma_start3A_142 = tpu.memref_slice %arg2[%multiple_of3A_136, %dma_start3A_141] : memref<1000000x64xf32, #tpu.memory_space<hbm>> -> memref<8x64xf32, #tpu.memory_space<hbm>>
    %dma_start3A_143 = tpu.memref_slice %arg8[%add3A_129] : memref<16x!tpu.dma_semaphore, #tpu.memory_space<semaphore_mem>> -> memref<1x!tpu.dma_semaphore, #tpu.memory_space<semaphore_mem>>
    %dma_start3A_144 = tpu.memref_squeeze %dma_start3A_143 : memref<1x!tpu.dma_semaphore, #tpu.memory_space<semaphore_mem>> -> memref<!tpu.dma_semaphore, #tpu.memory_space<semaphore_mem>>
    %dma_start3A_145 = arith.constant 0 : i32
    %dma_start3A_146 = arith.constant 0 : i32
    %dma_start3A_147 = tpu.memref_slice %arg6[%add3A_129, %dma_start3A_145, %dma_start3A_146] : memref<16x8x64xf32, #tpu.memory_space<vmem>> -> memref<1x8x64xf32, #tpu.memory_space<vmem>>
    %dma_start3A_148 = tpu.memref_squeeze %dma_start3A_147 : memref<1x8x64xf32, #tpu.memory_space<vmem>> -> memref<8x64xf32, #tpu.memory_space<vmem>>
    %dma_start3A_149 = arith.constant 0 : i32
    %dma_start3A_150 = tpu.memref_slice %arg2[%multiple_of3A_136, %dma_start3A_149] : memref<1000000x64xf32, #tpu.memory_space<hbm>> -> memref<8x64xf32, #tpu.memory_space<hbm>>
    tpu.enqueue_dma source(%dma_start3A_150 : memref<8x64xf32, #tpu.memory_space<hbm>>) target(%dma_start3A_148 : memref<8x64xf32, #tpu.memory_space<vmem>>) target_semaphore(%dma_start3A_144 : memref<!tpu.dma_semaphore, #tpu.memory_space<semaphore_mem>>)
    %mul3A_151 = arith.constant 16 : i32
    %mul3A_152 = arith.muli %scan3A, %mul3A_151 : i32
    %add3A_153 = arith.constant 6 : i32
    %add3A_154 = arith.addi %mul3A_152, %add3A_153 : i32
    %slice3A_155 = vector.extract_strided_slice %get3A_5 {offsets = [6], sizes = [1], strides = [1]} : vector<16xi32> to vector<1xi32>
    %squeeze3A_156 = vector.extract %slice3A_155[0] : i32 from vector<1xi32>
    %shift_right_arithmetic3A_157 = arith.constant 3 : i32
    %shift_right_arithmetic3A_158 = arith.shrsi %squeeze3A_156, %shift_right_arithmetic3A_157 : i32
    %mul3A_159 = arith.constant 8 : i32
    %mul3A_160 = arith.muli %shift_right_arithmetic3A_158, %mul3A_159 : i32
    %multiple_of3A_161 = tpu.assume_multiple %mul3A_160, 8 : i32
    %dma_start3A_162 = arith.constant 0 : i32
    %dma_start3A_163 = arith.constant 0 : i32
    %dma_start3A_164 = tpu.memref_slice %arg6[%add3A_154, %dma_start3A_162, %dma_start3A_163] : memref<16x8x64xf32, #tpu.memory_space<vmem>> -> memref<1x8x64xf32, #tpu.memory_space<vmem>>
    %dma_start3A_165 = tpu.memref_squeeze %dma_start3A_164 : memref<1x8x64xf32, #tpu.memory_space<vmem>> -> memref<8x64xf32, #tpu.memory_space<vmem>>
    %dma_start3A_166 = arith.constant 0 : i32
    %dma_start3A_167 = tpu.memref_slice %arg2[%multiple_of3A_161, %dma_start3A_166] : memref<1000000x64xf32, #tpu.memory_space<hbm>> -> memref<8x64xf32, #tpu.memory_space<hbm>>
    %dma_start3A_168 = tpu.memref_slice %arg8[%add3A_154] : memref<16x!tpu.dma_semaphore, #tpu.memory_space<semaphore_mem>> -> memref<1x!tpu.dma_semaphore, #tpu.memory_space<semaphore_mem>>
    %dma_start3A_169 = tpu.memref_squeeze %dma_start3A_168 : memref<1x!tpu.dma_semaphore, #tpu.memory_space<semaphore_mem>> -> memref<!tpu.dma_semaphore, #tpu.memory_space<semaphore_mem>>
    %dma_start3A_170 = arith.constant 0 : i32
    %dma_start3A_171 = arith.constant 0 : i32
    %dma_start3A_172 = tpu.memref_slice %arg6[%add3A_154, %dma_start3A_170, %dma_start3A_171] : memref<16x8x64xf32, #tpu.memory_space<vmem>> -> memref<1x8x64xf32, #tpu.memory_space<vmem>>
    %dma_start3A_173 = tpu.memref_squeeze %dma_start3A_172 : memref<1x8x64xf32, #tpu.memory_space<vmem>> -> memref<8x64xf32, #tpu.memory_space<vmem>>
    %dma_start3A_174 = arith.constant 0 : i32
    %dma_start3A_175 = tpu.memref_slice %arg2[%multiple_of3A_161, %dma_start3A_174] : memref<1000000x64xf32, #tpu.memory_space<hbm>> -> memref<8x64xf32, #tpu.memory_space<hbm>>
    tpu.enqueue_dma source(%dma_start3A_175 : memref<8x64xf32, #tpu.memory_space<hbm>>) target(%dma_start3A_173 : memref<8x64xf32, #tpu.memory_space<vmem>>) target_semaphore(%dma_start3A_169 : memref<!tpu.dma_semaphore, #tpu.memory_space<semaphore_mem>>)
    %mul3A_176 = arith.constant 16 : i32
    %mul3A_177 = arith.muli %scan3A, %mul3A_176 : i32
    %add3A_178 = arith.constant 7 : i32
    %add3A_179 = arith.addi %mul3A_177, %add3A_178 : i32
    %slice3A_180 = vector.extract_strided_slice %get3A_5 {offsets = [7], sizes = [1], strides = [1]} : vector<16xi32> to vector<1xi32>
    %squeeze3A_181 = vector.extract %slice3A_180[0] : i32 from vector<1xi32>
    %shift_right_arithmetic3A_182 = arith.constant 3 : i32
    %shift_right_arithmetic3A_183 = arith.shrsi %squeeze3A_181, %shift_right_arithmetic3A_182 : i32
    %mul3A_184 = arith.constant 8 : i32
    %mul3A_185 = arith.muli %shift_right_arithmetic3A_183, %mul3A_184 : i32
    %multiple_of3A_186 = tpu.assume_multiple %mul3A_185, 8 : i32
    %dma_start3A_187 = arith.constant 0 : i32
    %dma_start3A_188 = arith.constant 0 : i32
    %dma_start3A_189 = tpu.memref_slice %arg6[%add3A_179, %dma_start3A_187, %dma_start3A_188] : memref<16x8x64xf32, #tpu.memory_space<vmem>> -> memref<1x8x64xf32, #tpu.memory_space<vmem>>
    %dma_start3A_190 = tpu.memref_squeeze %dma_start3A_189 : memref<1x8x64xf32, #tpu.memory_space<vmem>> -> memref<8x64xf32, #tpu.memory_space<vmem>>
    %dma_start3A_191 = arith.constant 0 : i32
    %dma_start3A_192 = tpu.memref_slice %arg2[%multiple_of3A_186, %dma_start3A_191] : memref<1000000x64xf32, #tpu.memory_space<hbm>> -> memref<8x64xf32, #tpu.memory_space<hbm>>
    %dma_start3A_193 = tpu.memref_slice %arg8[%add3A_179] : memref<16x!tpu.dma_semaphore, #tpu.memory_space<semaphore_mem>> -> memref<1x!tpu.dma_semaphore, #tpu.memory_space<semaphore_mem>>
    %dma_start3A_194 = tpu.memref_squeeze %dma_start3A_193 : memref<1x!tpu.dma_semaphore, #tpu.memory_space<semaphore_mem>> -> memref<!tpu.dma_semaphore, #tpu.memory_space<semaphore_mem>>
    %dma_start3A_195 = arith.constant 0 : i32
    %dma_start3A_196 = arith.constant 0 : i32
    %dma_start3A_197 = tpu.memref_slice %arg6[%add3A_179, %dma_start3A_195, %dma_start3A_196] : memref<16x8x64xf32, #tpu.memory_space<vmem>> -> memref<1x8x64xf32, #tpu.memory_space<vmem>>
    %dma_start3A_198 = tpu.memref_squeeze %dma_start3A_197 : memref<1x8x64xf32, #tpu.memory_space<vmem>> -> memref<8x64xf32, #tpu.memory_space<vmem>>
    %dma_start3A_199 = arith.constant 0 : i32
    %dma_start3A_200 = tpu.memref_slice %arg2[%multiple_of3A_186, %dma_start3A_199] : memref<1000000x64xf32, #tpu.memory_space<hbm>> -> memref<8x64xf32, #tpu.memory_space<hbm>>
    tpu.enqueue_dma source(%dma_start3A_200 : memref<8x64xf32, #tpu.memory_space<hbm>>) target(%dma_start3A_198 : memref<8x64xf32, #tpu.memory_space<vmem>>) target_semaphore(%dma_start3A_194 : memref<!tpu.dma_semaphore, #tpu.memory_space<semaphore_mem>>)
    %mul3A_201 = arith.constant 16 : i32
    %mul3A_202 = arith.muli %scan3A, %mul3A_201 : i32
    %add3A_203 = arith.constant 8 : i32
    %add3A_204 = arith.addi %mul3A_202, %add3A_203 : i32
    %slice3A_205 = vector.extract_strided_slice %get3A_5 {offsets = [8], sizes = [1], strides = [1]} : vector<16xi32> to vector<1xi32>
    %squeeze3A_206 = vector.extract %slice3A_205[0] : i32 from vector<1xi32>
    %shift_right_arithmetic3A_207 = arith.constant 3 : i32
    %shift_right_arithmetic3A_208 = arith.shrsi %squeeze3A_206, %shift_right_arithmetic3A_207 : i32
    %mul3A_209 = arith.constant 8 : i32
    %mul3A_210 = arith.muli %shift_right_arithmetic3A_208, %mul3A_209 : i32
    %multiple_of3A_211 = tpu.assume_multiple %mul3A_210, 8 : i32
    %dma_start3A_212 = arith.constant 0 : i32
    %dma_start3A_213 = arith.constant 0 : i32
    %dma_start3A_214 = tpu.memref_slice %arg6[%add3A_204, %dma_start3A_212, %dma_start3A_213] : memref<16x8x64xf32, #tpu.memory_space<vmem>> -> memref<1x8x64xf32, #tpu.memory_space<vmem>>
    %dma_start3A_215 = tpu.memref_squeeze %dma_start3A_214 : memref<1x8x64xf32, #tpu.memory_space<vmem>> -> memref<8x64xf32, #tpu.memory_space<vmem>>
    %dma_start3A_216 = arith.constant 0 : i32
    %dma_start3A_217 = tpu.memref_slice %arg2[%multiple_of3A_211, %dma_start3A_216] : memref<1000000x64xf32, #tpu.memory_space<hbm>> -> memref<8x64xf32, #tpu.memory_space<hbm>>
    %dma_start3A_218 = tpu.memref_slice %arg8[%add3A_204] : memref<16x!tpu.dma_semaphore, #tpu.memory_space<semaphore_mem>> -> memref<1x!tpu.dma_semaphore, #tpu.memory_space<semaphore_mem>>
    %dma_start3A_219 = tpu.memref_squeeze %dma_start3A_218 : memref<1x!tpu.dma_semaphore, #tpu.memory_space<semaphore_mem>> -> memref<!tpu.dma_semaphore, #tpu.memory_space<semaphore_mem>>
    %dma_start3A_220 = arith.constant 0 : i32
    %dma_start3A_221 = arith.constant 0 : i32
    %dma_start3A_222 = tpu.memref_slice %arg6[%add3A_204, %dma_start3A_220, %dma_start3A_221] : memref<16x8x64xf32, #tpu.memory_space<vmem>> -> memref<1x8x64xf32, #tpu.memory_space<vmem>>
    %dma_start3A_223 = tpu.memref_squeeze %dma_start3A_222 : memref<1x8x64xf32, #tpu.memory_space<vmem>> -> memref<8x64xf32, #tpu.memory_space<vmem>>
    %dma_start3A_224 = arith.constant 0 : i32
    %dma_start3A_225 = tpu.memref_slice %arg2[%multiple_of3A_211, %dma_start3A_224] : memref<1000000x64xf32, #tpu.memory_space<hbm>> -> memref<8x64xf32, #tpu.memory_space<hbm>>
    tpu.enqueue_dma source(%dma_start3A_225 : memref<8x64xf32, #tpu.memory_space<hbm>>) target(%dma_start3A_223 : memref<8x64xf32, #tpu.memory_space<vmem>>) target_semaphore(%dma_start3A_219 : memref<!tpu.dma_semaphore, #tpu.memory_space<semaphore_mem>>)
    %mul3A_226 = arith.constant 16 : i32
    %mul3A_227 = arith.muli %scan3A, %mul3A_226 : i32
    %add3A_228 = arith.constant 9 : i32
    %add3A_229 = arith.addi %mul3A_227, %add3A_228 : i32
    %slice3A_230 = vector.extract_strided_slice %get3A_5 {offsets = [9], sizes = [1], strides = [1]} : vector<16xi32> to vector<1xi32>
    %squeeze3A_231 = vector.extract %slice3A_230[0] : i32 from vector<1xi32>
    %shift_right_arithmetic3A_232 = arith.constant 3 : i32
    %shift_right_arithmetic3A_233 = arith.shrsi %squeeze3A_231, %shift_right_arithmetic3A_232 : i32
    %mul3A_234 = arith.constant 8 : i32
    %mul3A_235 = arith.muli %shift_right_arithmetic3A_233, %mul3A_234 : i32
    %multiple_of3A_236 = tpu.assume_multiple %mul3A_235, 8 : i32
    %dma_start3A_237 = arith.constant 0 : i32
    %dma_start3A_238 = arith.constant 0 : i32
    %dma_start3A_239 = tpu.memref_slice %arg6[%add3A_229, %dma_start3A_237, %dma_start3A_238] : memref<16x8x64xf32, #tpu.memory_space<vmem>> -> memref<1x8x64xf32, #tpu.memory_space<vmem>>
    %dma_start3A_240 = tpu.memref_squeeze %dma_start3A_239 : memref<1x8x64xf32, #tpu.memory_space<vmem>> -> memref<8x64xf32, #tpu.memory_space<vmem>>
    %dma_start3A_241 = arith.constant 0 : i32
    %dma_start3A_242 = tpu.memref_slice %arg2[%multiple_of3A_236, %dma_start3A_241] : memref<1000000x64xf32, #tpu.memory_space<hbm>> -> memref<8x64xf32, #tpu.memory_space<hbm>>
    %dma_start3A_243 = tpu.memref_slice %arg8[%add3A_229] : memref<16x!tpu.dma_semaphore, #tpu.memory_space<semaphore_mem>> -> memref<1x!tpu.dma_semaphore, #tpu.memory_space<semaphore_mem>>
    %dma_start3A_244 = tpu.memref_squeeze %dma_start3A_243 : memref<1x!tpu.dma_semaphore, #tpu.memory_space<semaphore_mem>> -> memref<!tpu.dma_semaphore, #tpu.memory_space<semaphore_mem>>
    %dma_start3A_245 = arith.constant 0 : i32
    %dma_start3A_246 = arith.constant 0 : i32
    %dma_start3A_247 = tpu.memref_slice %arg6[%add3A_229, %dma_start3A_245, %dma_start3A_246] : memref<16x8x64xf32, #tpu.memory_space<vmem>> -> memref<1x8x64xf32, #tpu.memory_space<vmem>>
    %dma_start3A_248 = tpu.memref_squeeze %dma_start3A_247 : memref<1x8x64xf32, #tpu.memory_space<vmem>> -> memref<8x64xf32, #tpu.memory_space<vmem>>
    %dma_start3A_249 = arith.constant 0 : i32
    %dma_start3A_250 = tpu.memref_slice %arg2[%multiple_of3A_236, %dma_start3A_249] : memref<1000000x64xf32, #tpu.memory_space<hbm>> -> memref<8x64xf32, #tpu.memory_space<hbm>>
    tpu.enqueue_dma source(%dma_start3A_250 : memref<8x64xf32, #tpu.memory_space<hbm>>) target(%dma_start3A_248 : memref<8x64xf32, #tpu.memory_space<vmem>>) target_semaphore(%dma_start3A_244 : memref<!tpu.dma_semaphore, #tpu.memory_space<semaphore_mem>>)
    %mul3A_251 = arith.constant 16 : i32
    %mul3A_252 = arith.muli %scan3A, %mul3A_251 : i32
    %add3A_253 = arith.constant 10 : i32
    %add3A_254 = arith.addi %mul3A_252, %add3A_253 : i32
    %slice3A_255 = vector.extract_strided_slice %get3A_5 {offsets = [10], sizes = [1], strides = [1]} : vector<16xi32> to vector<1xi32>
    %squeeze3A_256 = vector.extract %slice3A_255[0] : i32 from vector<1xi32>
    %shift_right_arithmetic3A_257 = arith.constant 3 : i32
    %shift_right_arithmetic3A_258 = arith.shrsi %squeeze3A_256, %shift_right_arithmetic3A_257 : i32
    %mul3A_259 = arith.constant 8 : i32
    %mul3A_260 = arith.muli %shift_right_arithmetic3A_258, %mul3A_259 : i32
    %multiple_of3A_261 = tpu.assume_multiple %mul3A_260, 8 : i32
    %dma_start3A_262 = arith.constant 0 : i32
    %dma_start3A_263 = arith.constant 0 : i32
    %dma_start3A_264 = tpu.memref_slice %arg6[%add3A_254, %dma_start3A_262, %dma_start3A_263] : memref<16x8x64xf32, #tpu.memory_space<vmem>> -> memref<1x8x64xf32, #tpu.memory_space<vmem>>
    %dma_start3A_265 = tpu.memref_squeeze %dma_start3A_264 : memref<1x8x64xf32, #tpu.memory_space<vmem>> -> memref<8x64xf32, #tpu.memory_space<vmem>>
    %dma_start3A_266 = arith.constant 0 : i32
    %dma_start3A_267 = tpu.memref_slice %arg2[%multiple_of3A_261, %dma_start3A_266] : memref<1000000x64xf32, #tpu.memory_space<hbm>> -> memref<8x64xf32, #tpu.memory_space<hbm>>
    %dma_start3A_268 = tpu.memref_slice %arg8[%add3A_254] : memref<16x!tpu.dma_semaphore, #tpu.memory_space<semaphore_mem>> -> memref<1x!tpu.dma_semaphore, #tpu.memory_space<semaphore_mem>>
    %dma_start3A_269 = tpu.memref_squeeze %dma_start3A_268 : memref<1x!tpu.dma_semaphore, #tpu.memory_space<semaphore_mem>> -> memref<!tpu.dma_semaphore, #tpu.memory_space<semaphore_mem>>
    %dma_start3A_270 = arith.constant 0 : i32
    %dma_start3A_271 = arith.constant 0 : i32
    %dma_start3A_272 = tpu.memref_slice %arg6[%add3A_254, %dma_start3A_270, %dma_start3A_271] : memref<16x8x64xf32, #tpu.memory_space<vmem>> -> memref<1x8x64xf32, #tpu.memory_space<vmem>>
    %dma_start3A_273 = tpu.memref_squeeze %dma_start3A_272 : memref<1x8x64xf32, #tpu.memory_space<vmem>> -> memref<8x64xf32, #tpu.memory_space<vmem>>
    %dma_start3A_274 = arith.constant 0 : i32
    %dma_start3A_275 = tpu.memref_slice %arg2[%multiple_of3A_261, %dma_start3A_274] : memref<1000000x64xf32, #tpu.memory_space<hbm>> -> memref<8x64xf32, #tpu.memory_space<hbm>>
    tpu.enqueue_dma source(%dma_start3A_275 : memref<8x64xf32, #tpu.memory_space<hbm>>) target(%dma_start3A_273 : memref<8x64xf32, #tpu.memory_space<vmem>>) target_semaphore(%dma_start3A_269 : memref<!tpu.dma_semaphore, #tpu.memory_space<semaphore_mem>>)
    %mul3A_276 = arith.constant 16 : i32
    %mul3A_277 = arith.muli %scan3A, %mul3A_276 : i32
    %add3A_278 = arith.constant 11 : i32
    %add3A_279 = arith.addi %mul3A_277, %add3A_278 : i32
    %slice3A_280 = vector.extract_strided_slice %get3A_5 {offsets = [11], sizes = [1], strides = [1]} : vector<16xi32> to vector<1xi32>
    %squeeze3A_281 = vector.extract %slice3A_280[0] : i32 from vector<1xi32>
    %shift_right_arithmetic3A_282 = arith.constant 3 : i32
    %shift_right_arithmetic3A_283 = arith.shrsi %squeeze3A_281, %shift_right_arithmetic3A_282 : i32
    %mul3A_284 = arith.constant 8 : i32
    %mul3A_285 = arith.muli %shift_right_arithmetic3A_283, %mul3A_284 : i32
    %multiple_of3A_286 = tpu.assume_multiple %mul3A_285, 8 : i32
    %dma_start3A_287 = arith.constant 0 : i32
    %dma_start3A_288 = arith.constant 0 : i32
    %dma_start3A_289 = tpu.memref_slice %arg6[%add3A_279, %dma_start3A_287, %dma_start3A_288] : memref<16x8x64xf32, #tpu.memory_space<vmem>> -> memref<1x8x64xf32, #tpu.memory_space<vmem>>
    %dma_start3A_290 = tpu.memref_squeeze %dma_start3A_289 : memref<1x8x64xf32, #tpu.memory_space<vmem>> -> memref<8x64xf32, #tpu.memory_space<vmem>>
    %dma_start3A_291 = arith.constant 0 : i32
    %dma_start3A_292 = tpu.memref_slice %arg2[%multiple_of3A_286, %dma_start3A_291] : memref<1000000x64xf32, #tpu.memory_space<hbm>> -> memref<8x64xf32, #tpu.memory_space<hbm>>
    %dma_start3A_293 = tpu.memref_slice %arg8[%add3A_279] : memref<16x!tpu.dma_semaphore, #tpu.memory_space<semaphore_mem>> -> memref<1x!tpu.dma_semaphore, #tpu.memory_space<semaphore_mem>>
    %dma_start3A_294 = tpu.memref_squeeze %dma_start3A_293 : memref<1x!tpu.dma_semaphore, #tpu.memory_space<semaphore_mem>> -> memref<!tpu.dma_semaphore, #tpu.memory_space<semaphore_mem>>
    %dma_start3A_295 = arith.constant 0 : i32
    %dma_start3A_296 = arith.constant 0 : i32
    %dma_start3A_297 = tpu.memref_slice %arg6[%add3A_279, %dma_start3A_295, %dma_start3A_296] : memref<16x8x64xf32, #tpu.memory_space<vmem>> -> memref<1x8x64xf32, #tpu.memory_space<vmem>>
    %dma_start3A_298 = tpu.memref_squeeze %dma_start3A_297 : memref<1x8x64xf32, #tpu.memory_space<vmem>> -> memref<8x64xf32, #tpu.memory_space<vmem>>
    %dma_start3A_299 = arith.constant 0 : i32
    %dma_start3A_300 = tpu.memref_slice %arg2[%multiple_of3A_286, %dma_start3A_299] : memref<1000000x64xf32, #tpu.memory_space<hbm>> -> memref<8x64xf32, #tpu.memory_space<hbm>>
    tpu.enqueue_dma source(%dma_start3A_300 : memref<8x64xf32, #tpu.memory_space<hbm>>) target(%dma_start3A_298 : memref<8x64xf32, #tpu.memory_space<vmem>>) target_semaphore(%dma_start3A_294 : memref<!tpu.dma_semaphore, #tpu.memory_space<semaphore_mem>>)
    %mul3A_301 = arith.constant 16 : i32
    %mul3A_302 = arith.muli %scan3A, %mul3A_301 : i32
    %add3A_303 = arith.constant 12 : i32
    %add3A_304 = arith.addi %mul3A_302, %add3A_303 : i32
    %slice3A_305 = vector.extract_strided_slice %get3A_5 {offsets = [12], sizes = [1], strides = [1]} : vector<16xi32> to vector<1xi32>
    %squeeze3A_306 = vector.extract %slice3A_305[0] : i32 from vector<1xi32>
    %shift_right_arithmetic3A_307 = arith.constant 3 : i32
    %shift_right_arithmetic3A_308 = arith.shrsi %squeeze3A_306, %shift_right_arithmetic3A_307 : i32
    %mul3A_309 = arith.constant 8 : i32
    %mul3A_310 = arith.muli %shift_right_arithmetic3A_308, %mul3A_309 : i32
    %multiple_of3A_311 = tpu.assume_multiple %mul3A_310, 8 : i32
    %dma_start3A_312 = arith.constant 0 : i32
    %dma_start3A_313 = arith.constant 0 : i32
    %dma_start3A_314 = tpu.memref_slice %arg6[%add3A_304, %dma_start3A_312, %dma_start3A_313] : memref<16x8x64xf32, #tpu.memory_space<vmem>> -> memref<1x8x64xf32, #tpu.memory_space<vmem>>
    %dma_start3A_315 = tpu.memref_squeeze %dma_start3A_314 : memref<1x8x64xf32, #tpu.memory_space<vmem>> -> memref<8x64xf32, #tpu.memory_space<vmem>>
    %dma_start3A_316 = arith.constant 0 : i32
    %dma_start3A_317 = tpu.memref_slice %arg2[%multiple_of3A_311, %dma_start3A_316] : memref<1000000x64xf32, #tpu.memory_space<hbm>> -> memref<8x64xf32, #tpu.memory_space<hbm>>
    %dma_start3A_318 = tpu.memref_slice %arg8[%add3A_304] : memref<16x!tpu.dma_semaphore, #tpu.memory_space<semaphore_mem>> -> memref<1x!tpu.dma_semaphore, #tpu.memory_space<semaphore_mem>>
    %dma_start3A_319 = tpu.memref_squeeze %dma_start3A_318 : memref<1x!tpu.dma_semaphore, #tpu.memory_space<semaphore_mem>> -> memref<!tpu.dma_semaphore, #tpu.memory_space<semaphore_mem>>
    %dma_start3A_320 = arith.constant 0 : i32
    %dma_start3A_321 = arith.constant 0 : i32
    %dma_start3A_322 = tpu.memref_slice %arg6[%add3A_304, %dma_start3A_320, %dma_start3A_321] : memref<16x8x64xf32, #tpu.memory_space<vmem>> -> memref<1x8x64xf32, #tpu.memory_space<vmem>>
    %dma_start3A_323 = tpu.memref_squeeze %dma_start3A_322 : memref<1x8x64xf32, #tpu.memory_space<vmem>> -> memref<8x64xf32, #tpu.memory_space<vmem>>
    %dma_start3A_324 = arith.constant 0 : i32
    %dma_start3A_325 = tpu.memref_slice %arg2[%multiple_of3A_311, %dma_start3A_324] : memref<1000000x64xf32, #tpu.memory_space<hbm>> -> memref<8x64xf32, #tpu.memory_space<hbm>>
    tpu.enqueue_dma source(%dma_start3A_325 : memref<8x64xf32, #tpu.memory_space<hbm>>) target(%dma_start3A_323 : memref<8x64xf32, #tpu.memory_space<vmem>>) target_semaphore(%dma_start3A_319 : memref<!tpu.dma_semaphore, #tpu.memory_space<semaphore_mem>>)
    %mul3A_326 = arith.constant 16 : i32
    %mul3A_327 = arith.muli %scan3A, %mul3A_326 : i32
    %add3A_328 = arith.constant 13 : i32
    %add3A_329 = arith.addi %mul3A_327, %add3A_328 : i32
    %slice3A_330 = vector.extract_strided_slice %get3A_5 {offsets = [13], sizes = [1], strides = [1]} : vector<16xi32> to vector<1xi32>
    %squeeze3A_331 = vector.extract %slice3A_330[0] : i32 from vector<1xi32>
    %shift_right_arithmetic3A_332 = arith.constant 3 : i32
    %shift_right_arithmetic3A_333 = arith.shrsi %squeeze3A_331, %shift_right_arithmetic3A_332 : i32
    %mul3A_334 = arith.constant 8 : i32
    %mul3A_335 = arith.muli %shift_right_arithmetic3A_333, %mul3A_334 : i32
    %multiple_of3A_336 = tpu.assume_multiple %mul3A_335, 8 : i32
    %dma_start3A_337 = arith.constant 0 : i32
    %dma_start3A_338 = arith.constant 0 : i32
    %dma_start3A_339 = tpu.memref_slice %arg6[%add3A_329, %dma_start3A_337, %dma_start3A_338] : memref<16x8x64xf32, #tpu.memory_space<vmem>> -> memref<1x8x64xf32, #tpu.memory_space<vmem>>
    %dma_start3A_340 = tpu.memref_squeeze %dma_start3A_339 : memref<1x8x64xf32, #tpu.memory_space<vmem>> -> memref<8x64xf32, #tpu.memory_space<vmem>>
    %dma_start3A_341 = arith.constant 0 : i32
    %dma_start3A_342 = tpu.memref_slice %arg2[%multiple_of3A_336, %dma_start3A_341] : memref<1000000x64xf32, #tpu.memory_space<hbm>> -> memref<8x64xf32, #tpu.memory_space<hbm>>
    %dma_start3A_343 = tpu.memref_slice %arg8[%add3A_329] : memref<16x!tpu.dma_semaphore, #tpu.memory_space<semaphore_mem>> -> memref<1x!tpu.dma_semaphore, #tpu.memory_space<semaphore_mem>>
    %dma_start3A_344 = tpu.memref_squeeze %dma_start3A_343 : memref<1x!tpu.dma_semaphore, #tpu.memory_space<semaphore_mem>> -> memref<!tpu.dma_semaphore, #tpu.memory_space<semaphore_mem>>
    %dma_start3A_345 = arith.constant 0 : i32
    %dma_start3A_346 = arith.constant 0 : i32
    %dma_start3A_347 = tpu.memref_slice %arg6[%add3A_329, %dma_start3A_345, %dma_start3A_346] : memref<16x8x64xf32, #tpu.memory_space<vmem>> -> memref<1x8x64xf32, #tpu.memory_space<vmem>>
    %dma_start3A_348 = tpu.memref_squeeze %dma_start3A_347 : memref<1x8x64xf32, #tpu.memory_space<vmem>> -> memref<8x64xf32, #tpu.memory_space<vmem>>
    %dma_start3A_349 = arith.constant 0 : i32
    %dma_start3A_350 = tpu.memref_slice %arg2[%multiple_of3A_336, %dma_start3A_349] : memref<1000000x64xf32, #tpu.memory_space<hbm>> -> memref<8x64xf32, #tpu.memory_space<hbm>>
    tpu.enqueue_dma source(%dma_start3A_350 : memref<8x64xf32, #tpu.memory_space<hbm>>) target(%dma_start3A_348 : memref<8x64xf32, #tpu.memory_space<vmem>>) target_semaphore(%dma_start3A_344 : memref<!tpu.dma_semaphore, #tpu.memory_space<semaphore_mem>>)
    %mul3A_351 = arith.constant 16 : i32
    %mul3A_352 = arith.muli %scan3A, %mul3A_351 : i32
    %add3A_353 = arith.constant 14 : i32
    %add3A_354 = arith.addi %mul3A_352, %add3A_353 : i32
    %slice3A_355 = vector.extract_strided_slice %get3A_5 {offsets = [14], sizes = [1], strides = [1]} : vector<16xi32> to vector<1xi32>
    %squeeze3A_356 = vector.extract %slice3A_355[0] : i32 from vector<1xi32>
    %shift_right_arithmetic3A_357 = arith.constant 3 : i32
    %shift_right_arithmetic3A_358 = arith.shrsi %squeeze3A_356, %shift_right_arithmetic3A_357 : i32
    %mul3A_359 = arith.constant 8 : i32
    %mul3A_360 = arith.muli %shift_right_arithmetic3A_358, %mul3A_359 : i32
    %multiple_of3A_361 = tpu.assume_multiple %mul3A_360, 8 : i32
    %dma_start3A_362 = arith.constant 0 : i32
    %dma_start3A_363 = arith.constant 0 : i32
    %dma_start3A_364 = tpu.memref_slice %arg6[%add3A_354, %dma_start3A_362, %dma_start3A_363] : memref<16x8x64xf32, #tpu.memory_space<vmem>> -> memref<1x8x64xf32, #tpu.memory_space<vmem>>
    %dma_start3A_365 = tpu.memref_squeeze %dma_start3A_364 : memref<1x8x64xf32, #tpu.memory_space<vmem>> -> memref<8x64xf32, #tpu.memory_space<vmem>>
    %dma_start3A_366 = arith.constant 0 : i32
    %dma_start3A_367 = tpu.memref_slice %arg2[%multiple_of3A_361, %dma_start3A_366] : memref<1000000x64xf32, #tpu.memory_space<hbm>> -> memref<8x64xf32, #tpu.memory_space<hbm>>
    %dma_start3A_368 = tpu.memref_slice %arg8[%add3A_354] : memref<16x!tpu.dma_semaphore, #tpu.memory_space<semaphore_mem>> -> memref<1x!tpu.dma_semaphore, #tpu.memory_space<semaphore_mem>>
    %dma_start3A_369 = tpu.memref_squeeze %dma_start3A_368 : memref<1x!tpu.dma_semaphore, #tpu.memory_space<semaphore_mem>> -> memref<!tpu.dma_semaphore, #tpu.memory_space<semaphore_mem>>
    %dma_start3A_370 = arith.constant 0 : i32
    %dma_start3A_371 = arith.constant 0 : i32
    %dma_start3A_372 = tpu.memref_slice %arg6[%add3A_354, %dma_start3A_370, %dma_start3A_371] : memref<16x8x64xf32, #tpu.memory_space<vmem>> -> memref<1x8x64xf32, #tpu.memory_space<vmem>>
    %dma_start3A_373 = tpu.memref_squeeze %dma_start3A_372 : memref<1x8x64xf32, #tpu.memory_space<vmem>> -> memref<8x64xf32, #tpu.memory_space<vmem>>
    %dma_start3A_374 = arith.constant 0 : i32
    %dma_start3A_375 = tpu.memref_slice %arg2[%multiple_of3A_361, %dma_start3A_374] : memref<1000000x64xf32, #tpu.memory_space<hbm>> -> memref<8x64xf32, #tpu.memory_space<hbm>>
    tpu.enqueue_dma source(%dma_start3A_375 : memref<8x64xf32, #tpu.memory_space<hbm>>) target(%dma_start3A_373 : memref<8x64xf32, #tpu.memory_space<vmem>>) target_semaphore(%dma_start3A_369 : memref<!tpu.dma_semaphore, #tpu.memory_space<semaphore_mem>>)
    %mul3A_376 = arith.constant 16 : i32
    %mul3A_377 = arith.muli %scan3A, %mul3A_376 : i32
    %add3A_378 = arith.constant 15 : i32
    %add3A_379 = arith.addi %mul3A_377, %add3A_378 : i32
    %slice3A_380 = vector.extract_strided_slice %get3A_5 {offsets = [15], sizes = [1], strides = [1]} : vector<16xi32> to vector<1xi32>
    %squeeze3A_381 = vector.extract %slice3A_380[0] : i32 from vector<1xi32>
    %shift_right_arithmetic3A_382 = arith.constant 3 : i32
    %shift_right_arithmetic3A_383 = arith.shrsi %squeeze3A_381, %shift_right_arithmetic3A_382 : i32
    %mul3A_384 = arith.constant 8 : i32
    %mul3A_385 = arith.muli %shift_right_arithmetic3A_383, %mul3A_384 : i32
    %multiple_of3A_386 = tpu.assume_multiple %mul3A_385, 8 : i32
    %dma_start3A_387 = arith.constant 0 : i32
    %dma_start3A_388 = arith.constant 0 : i32
    %dma_start3A_389 = tpu.memref_slice %arg6[%add3A_379, %dma_start3A_387, %dma_start3A_388] : memref<16x8x64xf32, #tpu.memory_space<vmem>> -> memref<1x8x64xf32, #tpu.memory_space<vmem>>
    %dma_start3A_390 = tpu.memref_squeeze %dma_start3A_389 : memref<1x8x64xf32, #tpu.memory_space<vmem>> -> memref<8x64xf32, #tpu.memory_space<vmem>>
    %dma_start3A_391 = arith.constant 0 : i32
    %dma_start3A_392 = tpu.memref_slice %arg2[%multiple_of3A_386, %dma_start3A_391] : memref<1000000x64xf32, #tpu.memory_space<hbm>> -> memref<8x64xf32, #tpu.memory_space<hbm>>
    %dma_start3A_393 = tpu.memref_slice %arg8[%add3A_379] : memref<16x!tpu.dma_semaphore, #tpu.memory_space<semaphore_mem>> -> memref<1x!tpu.dma_semaphore, #tpu.memory_space<semaphore_mem>>
    %dma_start3A_394 = tpu.memref_squeeze %dma_start3A_393 : memref<1x!tpu.dma_semaphore, #tpu.memory_space<semaphore_mem>> -> memref<!tpu.dma_semaphore, #tpu.memory_space<semaphore_mem>>
    %dma_start3A_395 = arith.constant 0 : i32
    %dma_start3A_396 = arith.constant 0 : i32
    %dma_start3A_397 = tpu.memref_slice %arg6[%add3A_379, %dma_start3A_395, %dma_start3A_396] : memref<16x8x64xf32, #tpu.memory_space<vmem>> -> memref<1x8x64xf32, #tpu.memory_space<vmem>>
    %dma_start3A_398 = tpu.memref_squeeze %dma_start3A_397 : memref<1x8x64xf32, #tpu.memory_space<vmem>> -> memref<8x64xf32, #tpu.memory_space<vmem>>
    %dma_start3A_399 = arith.constant 0 : i32
    %dma_start3A_400 = tpu.memref_slice %arg2[%multiple_of3A_386, %dma_start3A_399] : memref<1000000x64xf32, #tpu.memory_space<hbm>> -> memref<8x64xf32, #tpu.memory_space<hbm>>
    tpu.enqueue_dma source(%dma_start3A_400 : memref<8x64xf32, #tpu.memory_space<hbm>>) target(%dma_start3A_398 : memref<8x64xf32, #tpu.memory_space<vmem>>) target_semaphore(%dma_start3A_394 : memref<!tpu.dma_semaphore, #tpu.memory_space<semaphore_mem>>)
    %scan3A_401 = arith.constant 1 : i32
    %scan3A_402 = arith.constant 0 : i32
    %scan3A_403 = arith.constant 31 : i32
    %scan3A_404 = arith.addi %scan3A_402, %scan3A_403 : i32
    %scan3A_405 = arith.constant 1 : i32
    scf.for %scan3A_2118 = %scan3A_402 to %scan3A_404 step %scan3A_405  : i32 {
      %mul3A_2119 = arith.constant 16 : i32
      %mul3A_2120 = arith.muli %scan3A_2118, %mul3A_2119 : i32
      %add3A_2121 = arith.constant 16 : i32
      %add3A_2122 = arith.addi %mul3A_2120, %add3A_2121 : i32
      %get3A_2123 = arith.index_cast %add3A_2122 : i32 to index
      %get3A_2124 = tpu.vector_load %arg5[%get3A_2123] {strides = array<i32>} : memref<512xi32, #tpu.memory_space<vmem>>, vector<16xi32>,
      %mul3A_2125 = arith.constant 16 : i32
      %mul3A_2126 = arith.muli %scan3A_2118, %mul3A_2125 : i32
      %get3A_2127 = arith.index_cast %mul3A_2126 : i32 to index
      %get3A_2128 = tpu.vector_load %arg5[%get3A_2127] {strides = array<i32>} : memref<512xi32, #tpu.memory_space<vmem>>, vector<16xi32>,
      %mul3A_2129 = arith.constant 16 : i32
      %mul3A_2130 = arith.muli %scan3A_2118, %mul3A_2129 : i32
      %add3A_2131 = arith.constant 0 : i32
      %add3A_2132 = arith.addi %mul3A_2130, %add3A_2131 : i32
      %jit3A_2133 = arith.constant 16 : i32
      %eq3A_2134 = arith.constant 0 : i32
      %eq3A_2135 = arith.cmpi eq, %jit3A_2133, %eq3A_2134 : i32
      %jit3A_2136 = arith.constant 1 : i32
      %select_n3A_2137 = arith.select %eq3A_2135, %jit3A_2136, %jit3A_2133 : i32
      %rem3A_2138 = arith.remsi %add3A_2132, %select_n3A_2137 : i32
      %ne3A_2139 = arith.constant 0 : i32
      %ne3A_2140 = arith.cmpi ne, %rem3A_2138, %ne3A_2139 : i32
      %lt3A_2141 = arith.constant 0 : i32
      %lt3A_2142 = arith.cmpi slt, %rem3A_2138, %lt3A_2141 : i32
      %lt3A_2143 = arith.constant 0 : i32
      %lt3A_2144 = arith.cmpi slt, %select_n3A_2137, %lt3A_2143 : i32
      %ne3A_2145 = arith.xori %lt3A_2142, %lt3A_2144 : i1
      %and3A_2146 = arith.andi %ne3A_2145, %ne3A_2140 : i1
      %add3A_2147 = arith.addi %rem3A_2138, %select_n3A_2137 : i32
      %select_n3A_2148 = arith.select %and3A_2146, %add3A_2147, %rem3A_2138 : i32
      %dma_wait3A_2149 = arith.constant 0 : i32
      %dma_wait3A_2150 = arith.constant 0 : i32
      %dma_wait3A_2151 = tpu.memref_slice %arg6[%select_n3A_2148, %dma_wait3A_2149, %dma_wait3A_2150] : memref<16x8x64xf32, #tpu.memory_space<vmem>> -> memref<1x8x64xf32, #tpu.memory_space<vmem>>
      %dma_wait3A_2152 = tpu.memref_squeeze %dma_wait3A_2151 : memref<1x8x64xf32, #tpu.memory_space<vmem>> -> memref<8x64xf32, #tpu.memory_space<vmem>>
      %dma_wait3A_2153 = arith.constant 0 : i32
      %dma_wait3A_2154 = arith.constant 0 : i32
      %dma_wait3A_2155 = tpu.memref_slice %arg2[%dma_wait3A_2153, %dma_wait3A_2154] : memref<1000000x64xf32, #tpu.memory_space<hbm>> -> memref<8x64xf32, #tpu.memory_space<hbm>>
      %dma_wait3A_2156 = tpu.memref_slice %arg8[%select_n3A_2148] : memref<16x!tpu.dma_semaphore, #tpu.memory_space<semaphore_mem>> -> memref<1x!tpu.dma_semaphore, #tpu.memory_space<semaphore_mem>>
      %dma_wait3A_2157 = tpu.memref_squeeze %dma_wait3A_2156 : memref<1x!tpu.dma_semaphore, #tpu.memory_space<semaphore_mem>> -> memref<!tpu.dma_semaphore, #tpu.memory_space<semaphore_mem>>
      %dma_wait3A_2158 = arith.constant 0 : i32
      %dma_wait3A_2159 = arith.constant 0 : i32
      %dma_wait3A_2160 = tpu.memref_slice %arg6[%select_n3A_2148, %dma_wait3A_2158, %dma_wait3A_2159] : memref<16x8x64xf32, #tpu.memory_space<vmem>> -> memref<1x8x64xf32, #tpu.memory_space<vmem>>
      %dma_wait3A_2161 = tpu.memref_squeeze %dma_wait3A_2160 : memref<1x8x64xf32, #tpu.memory_space<vmem>> -> memref<8x64xf32, #tpu.memory_space<vmem>>
      %dma_wait3A_2162 = arith.constant 0 : i32
      %dma_wait3A_2163 = arith.constant 0 : i32
      %dma_wait3A_2164 = tpu.memref_slice %arg2[%dma_wait3A_2162, %dma_wait3A_2163] : memref<1000000x64xf32, #tpu.memory_space<hbm>> -> memref<8x64xf32, #tpu.memory_space<hbm>>
      tpu.wait_dma2 semaphore(%dma_wait3A_2157 : memref<!tpu.dma_semaphore, #tpu.memory_space<semaphore_mem>>) src(%dma_wait3A_2164 : memref<8x64xf32, #tpu.memory_space<hbm>>) dst(%dma_wait3A_2161 : memref<8x64xf32, #tpu.memory_space<vmem>>)
      %slice3A_2165 = vector.extract_strided_slice %get3A_2128 {offsets = [0], sizes = [1], strides = [1]} : vector<16xi32> to vector<1xi32>
      %squeeze3A_2166 = vector.extract %slice3A_2165[0] : i32 from vector<1xi32>
      %mul3A_2167 = arith.constant 0 : i32
      %mul3A_2168 = vector.broadcast %mul3A_2167 : i32 to vector<16xi32>
      %mul3A_2169 = arith.muli %iota3A, %mul3A_2168 : vector<16xi32>
      %and3A_2170 = arith.constant 7 : i32
      %and3A_2171 = arith.andi %squeeze3A_2166, %and3A_2170 : i32
      %add3A_2172 = vector.broadcast %and3A_2171 : i32 to vector<16xi32>
      %add3A_2173 = arith.addi %mul3A_2169, %add3A_2172 : vector<16xi32>
      %add3A_2174 = arith.constant 0 : i32
      %add3A_2175 = vector.broadcast %add3A_2174 : i32 to vector<16xi32>
      %add3A_2176 = arith.addi %iota3A, %add3A_2175 : vector<16xi32>
      %gather3A_2177 = arith.constant 0 : i32
      %gather3A_2178 = arith.constant 0 : i32
      %gather3A_2179 = tpu.memref_slice %arg6[%select_n3A_2148, %gather3A_2177, %gather3A_2178] : memref<16x8x64xf32, #tpu.memory_space<vmem>> -> memref<1x8x64xf32, #tpu.memory_space<vmem>>
      %gather3A_2180 = tpu.memref_squeeze %gather3A_2179 : memref<1x8x64xf32, #tpu.memory_space<vmem>> -> memref<8x64xf32, #tpu.memory_space<vmem>>
      %gather3A_2181 = tpu.vector_load_idx %gather3A_2180[%add3A_2173, %add3A_2176] : memref<8x64xf32, #tpu.memory_space<vmem>>[vector<16xi32>, vector<16xi32>], vector<16xf32>,
      %mul3A_2182 = arith.constant 0 : i32
      %mul3A_2183 = vector.broadcast %mul3A_2182 : i32 to vector<16xi32>
      %mul3A_2184 = arith.muli %iota3A, %mul3A_2183 : vector<16xi32>
      %add3A_2185 = vector.broadcast %add3A_2132 : i32 to vector<16xi32>
      %add3A_2186 = arith.addi %mul3A_2184, %add3A_2185 : vector<16xi32>
      %add3A_2187 = arith.constant 0 : i32
      %add3A_2188 = vector.broadcast %add3A_2187 : i32 to vector<16xi32>
      %add3A_2189 = arith.addi %iota3A, %add3A_2188 : vector<16xi32>
      tpu.vector_store_idx %arg7[%add3A_2186, %add3A_2189], %gather3A_2181 : memref<512x64xf32, #tpu.memory_space<vmem>>[vector<16xi32>, vector<16xi32>], vector<16xf32>,
      %add3A_2190 = arith.constant 16 : i32
      %add3A_2191 = vector.broadcast %add3A_2190 : i32 to vector<16xi32>
      %add3A_2192 = arith.addi %iota3A, %add3A_2191 : vector<16xi32>
      %gather3A_2193 = arith.constant 0 : i32
      %gather3A_2194 = arith.constant 0 : i32
      %gather3A_2195 = tpu.memref_slice %arg6[%select_n3A_2148, %gather3A_2193, %gather3A_2194] : memref<16x8x64xf32, #tpu.memory_space<vmem>> -> memref<1x8x64xf32, #tpu.memory_space<vmem>>
      %gather3A_2196 = tpu.memref_squeeze %gather3A_2195 : memref<1x8x64xf32, #tpu.memory_space<vmem>> -> memref<8x64xf32, #tpu.memory_space<vmem>>
      %gather3A_2197 = tpu.vector_load_idx %gather3A_2196[%add3A_2173, %add3A_2192] : memref<8x64xf32, #tpu.memory_space<vmem>>[vector<16xi32>, vector<16xi32>], vector<16xf32>,
      %mul3A_2198 = arith.constant 0 : i32
      %mul3A_2199 = vector.broadcast %mul3A_2198 : i32 to vector<16xi32>
      %mul3A_2200 = arith.muli %iota3A, %mul3A_2199 : vector<16xi32>
      %add3A_2201 = vector.broadcast %add3A_2132 : i32 to vector<16xi32>
      %add3A_2202 = arith.addi %mul3A_2200, %add3A_2201 : vector<16xi32>
      %add3A_2203 = arith.constant 16 : i32
      %add3A_2204 = vector.broadcast %add3A_2203 : i32 to vector<16xi32>
      %add3A_2205 = arith.addi %iota3A, %add3A_2204 : vector<16xi32>
      tpu.vector_store_idx %arg7[%add3A_2202, %add3A_2205], %gather3A_2197 : memref<512x64xf32, #tpu.memory_space<vmem>>[vector<16xi32>, vector<16xi32>], vector<16xf32>,
      %add3A_2206 = arith.constant 32 : i32
      %add3A_2207 = vector.broadcast %add3A_2206 : i32 to vector<16xi32>
      %add3A_2208 = arith.addi %iota3A, %add3A_2207 : vector<16xi32>
      %gather3A_2209 = arith.constant 0 : i32
      %gather3A_2210 = arith.constant 0 : i32
      %gather3A_2211 = tpu.memref_slice %arg6[%select_n3A_2148, %gather3A_2209, %gather3A_2210] : memref<16x8x64xf32, #tpu.memory_space<vmem>> -> memref<1x8x64xf32, #tpu.memory_space<vmem>>
      %gather3A_2212 = tpu.memref_squeeze %gather3A_2211 : memref<1x8x64xf32, #tpu.memory_space<vmem>> -> memref<8x64xf32, #tpu.memory_space<vmem>>
      %gather3A_2213 = tpu.vector_load_idx %gather3A_2212[%add3A_2173, %add3A_2208] : memref<8x64xf32, #tpu.memory_space<vmem>>[vector<16xi32>, vector<16xi32>], vector<16xf32>,
      %mul3A_2214 = arith.constant 0 : i32
      %mul3A_2215 = vector.broadcast %mul3A_2214 : i32 to vector<16xi32>
      %mul3A_2216 = arith.muli %iota3A, %mul3A_2215 : vector<16xi32>
      %add3A_2217 = vector.broadcast %add3A_2132 : i32 to vector<16xi32>
      %add3A_2218 = arith.addi %mul3A_2216, %add3A_2217 : vector<16xi32>
      %add3A_2219 = arith.constant 32 : i32
      %add3A_2220 = vector.broadcast %add3A_2219 : i32 to vector<16xi32>
      %add3A_2221 = arith.addi %iota3A, %add3A_2220 : vector<16xi32>
      tpu.vector_store_idx %arg7[%add3A_2218, %add3A_2221], %gather3A_2213 : memref<512x64xf32, #tpu.memory_space<vmem>>[vector<16xi32>, vector<16xi32>], vector<16xf32>,
      %add3A_2222 = arith.constant 48 : i32
      %add3A_2223 = vector.broadcast %add3A_2222 : i32 to vector<16xi32>
      %add3A_2224 = arith.addi %iota3A, %add3A_2223 : vector<16xi32>
      %gather3A_2225 = arith.constant 0 : i32
      %gather3A_2226 = arith.constant 0 : i32
      %gather3A_2227 = tpu.memref_slice %arg6[%select_n3A_2148, %gather3A_2225, %gather3A_2226] : memref<16x8x64xf32, #tpu.memory_space<vmem>> -> memref<1x8x64xf32, #tpu.memory_space<vmem>>
      %gather3A_2228 = tpu.memref_squeeze %gather3A_2227 : memref<1x8x64xf32, #tpu.memory_space<vmem>> -> memref<8x64xf32, #tpu.memory_space<vmem>>
      %gather3A_2229 = tpu.vector_load_idx %gather3A_2228[%add3A_2173, %add3A_2224] : memref<8x64xf32, #tpu.memory_space<vmem>>[vector<16xi32>, vector<16xi32>], vector<16xf32>,
      %mul3A_2230 = arith.constant 0 : i32
      %mul3A_2231 = vector.broadcast %mul3A_2230 : i32 to vector<16xi32>
      %mul3A_2232 = arith.muli %iota3A, %mul3A_2231 : vector<16xi32>
      %add3A_2233 = vector.broadcast %add3A_2132 : i32 to vector<16xi32>
      %add3A_2234 = arith.addi %mul3A_2232, %add3A_2233 : vector<16xi32>
      %add3A_2235 = arith.constant 48 : i32
      %add3A_2236 = vector.broadcast %add3A_2235 : i32 to vector<16xi32>
      %add3A_2237 = arith.addi %iota3A, %add3A_2236 : vector<16xi32>
      tpu.vector_store_idx %arg7[%add3A_2234, %add3A_2237], %gather3A_2229 : memref<512x64xf32, #tpu.memory_space<vmem>>[vector<16xi32>, vector<16xi32>], vector<16xf32>,
      %slice3A_2238 = vector.extract_strided_slice %get3A_2124 {offsets = [0], sizes = [1], strides = [1]} : vector<16xi32> to vector<1xi32>
      %squeeze3A_2239 = vector.extract %slice3A_2238[0] : i32 from vector<1xi32>
      %shift_right_arithmetic3A_2240 = arith.constant 3 : i32
      %shift_right_arithmetic3A_2241 = arith.shrsi %squeeze3A_2239, %shift_right_arithmetic3A_2240 : i32
      %mul3A_2242 = arith.constant 8 : i32
      %mul3A_2243 = arith.muli %shift_right_arithmetic3A_2241, %mul3A_2242 : i32
      %multiple_of3A_2244 = tpu.assume_multiple %mul3A_2243, 8 : i32
      %dma_start3A_2245 = arith.constant 0 : i32
      %dma_start3A_2246 = arith.constant 0 : i32
      %dma_start3A_2247 = tpu.memref_slice %arg6[%select_n3A_2148, %dma_start3A_2245, %dma_start3A_2246] : memref<16x8x64xf32, #tpu.memory_space<vmem>> -> memref<1x8x64xf32, #tpu.memory_space<vmem>>
      %dma_start3A_2248 = tpu.memref_squeeze %dma_start3A_2247 : memref<1x8x64xf32, #tpu.memory_space<vmem>> -> memref<8x64xf32, #tpu.memory_space<vmem>>
      %dma_start3A_2249 = arith.constant 0 : i32
      %dma_start3A_2250 = tpu.memref_slice %arg2[%multiple_of3A_2244, %dma_start3A_2249] : memref<1000000x64xf32, #tpu.memory_space<hbm>> -> memref<8x64xf32, #tpu.memory_space<hbm>>
      %dma_start3A_2251 = tpu.memref_slice %arg8[%select_n3A_2148] : memref<16x!tpu.dma_semaphore, #tpu.memory_space<semaphore_mem>> -> memref<1x!tpu.dma_semaphore, #tpu.memory_space<semaphore_mem>>
      %dma_start3A_2252 = tpu.memref_squeeze %dma_start3A_2251 : memref<1x!tpu.dma_semaphore, #tpu.memory_space<semaphore_mem>> -> memref<!tpu.dma_semaphore, #tpu.memory_space<semaphore_mem>>
      %dma_start3A_2253 = arith.constant 0 : i32
      %dma_start3A_2254 = arith.constant 0 : i32
      %dma_start3A_2255 = tpu.memref_slice %arg6[%select_n3A_2148, %dma_start3A_2253, %dma_start3A_2254] : memref<16x8x64xf32, #tpu.memory_space<vmem>> -> memref<1x8x64xf32, #tpu.memory_space<vmem>>
      %dma_start3A_2256 = tpu.memref_squeeze %dma_start3A_2255 : memref<1x8x64xf32, #tpu.memory_space<vmem>> -> memref<8x64xf32, #tpu.memory_space<vmem>>
      %dma_start3A_2257 = arith.constant 0 : i32
      %dma_start3A_2258 = tpu.memref_slice %arg2[%multiple_of3A_2244, %dma_start3A_2257] : memref<1000000x64xf32, #tpu.memory_space<hbm>> -> memref<8x64xf32, #tpu.memory_space<hbm>>
      tpu.enqueue_dma source(%dma_start3A_2258 : memref<8x64xf32, #tpu.memory_space<hbm>>) target(%dma_start3A_2256 : memref<8x64xf32, #tpu.memory_space<vmem>>) target_semaphore(%dma_start3A_2252 : memref<!tpu.dma_semaphore, #tpu.memory_space<semaphore_mem>>)
      %mul3A_2259 = arith.constant 16 : i32
      %mul3A_2260 = arith.muli %scan3A_2118, %mul3A_2259 : i32
      %add3A_2261 = arith.constant 1 : i32
      %add3A_2262 = arith.addi %mul3A_2260, %add3A_2261 : i32
      %jit3A_2263 = arith.constant 16 : i32
      %eq3A_2264 = arith.constant 0 : i32
      %eq3A_2265 = arith.cmpi eq, %jit3A_2263, %eq3A_2264 : i32
      %jit3A_2266 = arith.constant 1 : i32
      %select_n3A_2267 = arith.select %eq3A_2265, %jit3A_2266, %jit3A_2263 : i32
      %rem3A_2268 = arith.remsi %add3A_2262, %select_n3A_2267 : i32
      %ne3A_2269 = arith.constant 0 : i32
      %ne3A_2270 = arith.cmpi ne, %rem3A_2268, %ne3A_2269 : i32
      %lt3A_2271 = arith.constant 0 : i32
      %lt3A_2272 = arith.cmpi slt, %rem3A_2268, %lt3A_2271 : i32
      %lt3A_2273 = arith.constant 0 : i32
      %lt3A_2274 = arith.cmpi slt, %select_n3A_2267, %lt3A_2273 : i32
      %ne3A_2275 = arith.xori %lt3A_2272, %lt3A_2274 : i1
      %and3A_2276 = arith.andi %ne3A_2275, %ne3A_2270 : i1
      %add3A_2277 = arith.addi %rem3A_2268, %select_n3A_2267 : i32
      %select_n3A_2278 = arith.select %and3A_2276, %add3A_2277, %rem3A_2268 : i32
      %dma_wait3A_2279 = arith.constant 0 : i32
      %dma_wait3A_2280 = arith.constant 0 : i32
      %dma_wait3A_2281 = tpu.memref_slice %arg6[%select_n3A_2278, %dma_wait3A_2279, %dma_wait3A_2280] : memref<16x8x64xf32, #tpu.memory_space<vmem>> -> memref<1x8x64xf32, #tpu.memory_space<vmem>>
      %dma_wait3A_2282 = tpu.memref_squeeze %dma_wait3A_2281 : memref<1x8x64xf32, #tpu.memory_space<vmem>> -> memref<8x64xf32, #tpu.memory_space<vmem>>
      %dma_wait3A_2283 = arith.constant 0 : i32
      %dma_wait3A_2284 = arith.constant 0 : i32
      %dma_wait3A_2285 = tpu.memref_slice %arg2[%dma_wait3A_2283, %dma_wait3A_2284] : memref<1000000x64xf32, #tpu.memory_space<hbm>> -> memref<8x64xf32, #tpu.memory_space<hbm>>
      %dma_wait3A_2286 = tpu.memref_slice %arg8[%select_n3A_2278] : memref<16x!tpu.dma_semaphore, #tpu.memory_space<semaphore_mem>> -> memref<1x!tpu.dma_semaphore, #tpu.memory_space<semaphore_mem>>
      %dma_wait3A_2287 = tpu.memref_squeeze %dma_wait3A_2286 : memref<1x!tpu.dma_semaphore, #tpu.memory_space<semaphore_mem>> -> memref<!tpu.dma_semaphore, #tpu.memory_space<semaphore_mem>>
      %dma_wait3A_2288 = arith.constant 0 : i32
      %dma_wait3A_2289 = arith.constant 0 : i32
      %dma_wait3A_2290 = tpu.memref_slice %arg6[%select_n3A_2278, %dma_wait3A_2288, %dma_wait3A_2289] : memref<16x8x64xf32, #tpu.memory_space<vmem>> -> memref<1x8x64xf32, #tpu.memory_space<vmem>>
      %dma_wait3A_2291 = tpu.memref_squeeze %dma_wait3A_2290 : memref<1x8x64xf32, #tpu.memory_space<vmem>> -> memref<8x64xf32, #tpu.memory_space<vmem>>
      %dma_wait3A_2292 = arith.constant 0 : i32
      %dma_wait3A_2293 = arith.constant 0 : i32
      %dma_wait3A_2294 = tpu.memref_slice %arg2[%dma_wait3A_2292, %dma_wait3A_2293] : memref<1000000x64xf32, #tpu.memory_space<hbm>> -> memref<8x64xf32, #tpu.memory_space<hbm>>
      tpu.wait_dma2 semaphore(%dma_wait3A_2287 : memref<!tpu.dma_semaphore, #tpu.memory_space<semaphore_mem>>) src(%dma_wait3A_2294 : memref<8x64xf32, #tpu.memory_space<hbm>>) dst(%dma_wait3A_2291 : memref<8x64xf32, #tpu.memory_space<vmem>>)
      %slice3A_2295 = vector.extract_strided_slice %get3A_2128 {offsets = [1], sizes = [1], strides = [1]} : vector<16xi32> to vector<1xi32>
      %squeeze3A_2296 = vector.extract %slice3A_2295[0] : i32 from vector<1xi32>
      %mul3A_2297 = arith.constant 0 : i32
      %mul3A_2298 = vector.broadcast %mul3A_2297 : i32 to vector<16xi32>
      %mul3A_2299 = arith.muli %iota3A, %mul3A_2298 : vector<16xi32>
      %and3A_2300 = arith.constant 7 : i32
      %and3A_2301 = arith.andi %squeeze3A_2296, %and3A_2300 : i32
      %add3A_2302 = vector.broadcast %and3A_2301 : i32 to vector<16xi32>
      %add3A_2303 = arith.addi %mul3A_2299, %add3A_2302 : vector<16xi32>
      %add3A_2304 = arith.constant 0 : i32
      %add3A_2305 = vector.broadcast %add3A_2304 : i32 to vector<16xi32>
      %add3A_2306 = arith.addi %iota3A, %add3A_2305 : vector<16xi32>
      %gather3A_2307 = arith.constant 0 : i32
      %gather3A_2308 = arith.constant 0 : i32
      %gather3A_2309 = tpu.memref_slice %arg6[%select_n3A_2278, %gather3A_2307, %gather3A_2308] : memref<16x8x64xf32, #tpu.memory_space<vmem>> -> memref<1x8x64xf32, #tpu.memory_space<vmem>>
      %gather3A_2310 = tpu.memref_squeeze %gather3A_2309 : memref<1x8x64xf32, #tpu.memory_space<vmem>> -> memref<8x64xf32, #tpu.memory_space<vmem>>
      %gather3A_2311 = tpu.vector_load_idx %gather3A_2310[%add3A_2303, %add3A_2306] : memref<8x64xf32, #tpu.memory_space<vmem>>[vector<16xi32>, vector<16xi32>], vector<16xf32>,
      %mul3A_2312 = arith.constant 0 : i32
      %mul3A_2313 = vector.broadcast %mul3A_2312 : i32 to vector<16xi32>
      %mul3A_2314 = arith.muli %iota3A, %mul3A_2313 : vector<16xi32>
      %add3A_2315 = vector.broadcast %add3A_2262 : i32 to vector<16xi32>
      %add3A_2316 = arith.addi %mul3A_2314, %add3A_2315 : vector<16xi32>
      %add3A_2317 = arith.constant 0 : i32
      %add3A_2318 = vector.broadcast %add3A_2317 : i32 to vector<16xi32>
      %add3A_2319 = arith.addi %iota3A, %add3A_2318 : vector<16xi32>
      tpu.vector_store_idx %arg7[%add3A_2316, %add3A_2319], %gather3A_2311 : memref<512x64xf32, #tpu.memory_space<vmem>>[vector<16xi32>, vector<16xi32>], vector<16xf32>,
      %add3A_2320 = arith.constant 16 : i32
      %add3A_2321 = vector.broadcast %add3A_2320 : i32 to vector<16xi32>
      %add3A_2322 = arith.addi %iota3A, %add3A_2321 : vector<16xi32>
      %gather3A_2323 = arith.constant 0 : i32
      %gather3A_2324 = arith.constant 0 : i32
      %gather3A_2325 = tpu.memref_slice %arg6[%select_n3A_2278, %gather3A_2323, %gather3A_2324] : memref<16x8x64xf32, #tpu.memory_space<vmem>> -> memref<1x8x64xf32, #tpu.memory_space<vmem>>
      %gather3A_2326 = tpu.memref_squeeze %gather3A_2325 : memref<1x8x64xf32, #tpu.memory_space<vmem>> -> memref<8x64xf32, #tpu.memory_space<vmem>>
      %gather3A_2327 = tpu.vector_load_idx %gather3A_2326[%add3A_2303, %add3A_2322] : memref<8x64xf32, #tpu.memory_space<vmem>>[vector<16xi32>, vector<16xi32>], vector<16xf32>,
      %mul3A_2328 = arith.constant 0 : i32
      %mul3A_2329 = vector.broadcast %mul3A_2328 : i32 to vector<16xi32>
      %mul3A_2330 = arith.muli %iota3A, %mul3A_2329 : vector<16xi32>
      %add3A_2331 = vector.broadcast %add3A_2262 : i32 to vector<16xi32>
      %add3A_2332 = arith.addi %mul3A_2330, %add3A_2331 : vector<16xi32>
      %add3A_2333 = arith.constant 16 : i32
      %add3A_2334 = vector.broadcast %add3A_2333 : i32 to vector<16xi32>
      %add3A_2335 = arith.addi %iota3A, %add3A_2334 : vector<16xi32>
      tpu.vector_store_idx %arg7[%add3A_2332, %add3A_2335], %gather3A_2327 : memref<512x64xf32, #tpu.memory_space<vmem>>[vector<16xi32>, vector<16xi32>], vector<16xf32>,
      %add3A_2336 = arith.constant 32 : i32
      %add3A_2337 = vector.broadcast %add3A_2336 : i32 to vector<16xi32>
      %add3A_2338 = arith.addi %iota3A, %add3A_2337 : vector<16xi32>
      %gather3A_2339 = arith.constant 0 : i32
      %gather3A_2340 = arith.constant 0 : i32
      %gather3A_2341 = tpu.memref_slice %arg6[%select_n3A_2278, %gather3A_2339, %gather3A_2340] : memref<16x8x64xf32, #tpu.memory_space<vmem>> -> memref<1x8x64xf32, #tpu.memory_space<vmem>>
      %gather3A_2342 = tpu.memref_squeeze %gather3A_2341 : memref<1x8x64xf32, #tpu.memory_space<vmem>> -> memref<8x64xf32, #tpu.memory_space<vmem>>
      %gather3A_2343 = tpu.vector_load_idx %gather3A_2342[%add3A_2303, %add3A_2338] : memref<8x64xf32, #tpu.memory_space<vmem>>[vector<16xi32>, vector<16xi32>], vector<16xf32>,
      %mul3A_2344 = arith.constant 0 : i32
      %mul3A_2345 = vector.broadcast %mul3A_2344 : i32 to vector<16xi32>
      %mul3A_2346 = arith.muli %iota3A, %mul3A_2345 : vector<16xi32>
      %add3A_2347 = vector.broadcast %add3A_2262 : i32 to vector<16xi32>
      %add3A_2348 = arith.addi %mul3A_2346, %add3A_2347 : vector<16xi32>
      %add3A_2349 = arith.constant 32 : i32
      %add3A_2350 = vector.broadcast %add3A_2349 : i32 to vector<16xi32>
      %add3A_2351 = arith.addi %iota3A, %add3A_2350 : vector<16xi32>
      tpu.vector_store_idx %arg7[%add3A_2348, %add3A_2351], %gather3A_2343 : memref<512x64xf32, #tpu.memory_space<vmem>>[vector<16xi32>, vector<16xi32>], vector<16xf32>,
      %add3A_2352 = arith.constant 48 : i32
      %add3A_2353 = vector.broadcast %add3A_2352 : i32 to vector<16xi32>
      %add3A_2354 = arith.addi %iota3A, %add3A_2353 : vector<16xi32>
      %gather3A_2355 = arith.constant 0 : i32
      %gather3A_2356 = arith.constant 0 : i32
      %gather3A_2357 = tpu.memref_slice %arg6[%select_n3A_2278, %gather3A_2355, %gather3A_2356] : memref<16x8x64xf32, #tpu.memory_space<vmem>> -> memref<1x8x64xf32, #tpu.memory_space<vmem>>
      %gather3A_2358 = tpu.memref_squeeze %gather3A_2357 : memref<1x8x64xf32, #tpu.memory_space<vmem>> -> memref<8x64xf32, #tpu.memory_space<vmem>>
      %gather3A_2359 = tpu.vector_load_idx %gather3A_2358[%add3A_2303, %add3A_2354] : memref<8x64xf32, #tpu.memory_space<vmem>>[vector<16xi32>, vector<16xi32>], vector<16xf32>,
      %mul3A_2360 = arith.constant 0 : i32
      %mul3A_2361 = vector.broadcast %mul3A_2360 : i32 to vector<16xi32>
      %mul3A_2362 = arith.muli %iota3A, %mul3A_2361 : vector<16xi32>
      %add3A_2363 = vector.broadcast %add3A_2262 : i32 to vector<16xi32>
      %add3A_2364 = arith.addi %mul3A_2362, %add3A_2363 : vector<16xi32>
      %add3A_2365 = arith.constant 48 : i32
      %add3A_2366 = vector.broadcast %add3A_2365 : i32 to vector<16xi32>
      %add3A_2367 = arith.addi %iota3A, %add3A_2366 : vector<16xi32>
      tpu.vector_store_idx %arg7[%add3A_2364, %add3A_2367], %gather3A_2359 : memref<512x64xf32, #tpu.memory_space<vmem>>[vector<16xi32>, vector<16xi32>], vector<16xf32>,
      %slice3A_2368 = vector.extract_strided_slice %get3A_2124 {offsets = [1], sizes = [1], strides = [1]} : vector<16xi32> to vector<1xi32>
      %squeeze3A_2369 = vector.extract %slice3A_2368[0] : i32 from vector<1xi32>
      %shift_right_arithmetic3A_2370 = arith.constant 3 : i32
      %shift_right_arithmetic3A_2371 = arith.shrsi %squeeze3A_2369, %shift_right_arithmetic3A_2370 : i32
      %mul3A_2372 = arith.constant 8 : i32
      %mul3A_2373 = arith.muli %shift_right_arithmetic3A_2371, %mul3A_2372 : i32
      %multiple_of3A_2374 = tpu.assume_multiple %mul3A_2373, 8 : i32
      %dma_start3A_2375 = arith.constant 0 : i32
      %dma_start3A_2376 = arith.constant 0 : i32
      %dma_start3A_2377 = tpu.memref_slice %arg6[%select_n3A_2278, %dma_start3A_2375, %dma_start3A_2376] : memref<16x8x64xf32, #tpu.memory_space<vmem>> -> memref<1x8x64xf32, #tpu.memory_space<vmem>>
      %dma_start3A_2378 = tpu.memref_squeeze %dma_start3A_2377 : memref<1x8x64xf32, #tpu.memory_space<vmem>> -> memref<8x64xf32, #tpu.memory_space<vmem>>
      %dma_start3A_2379 = arith.constant 0 : i32
      %dma_start3A_2380 = tpu.memref_slice %arg2[%multiple_of3A_2374, %dma_start3A_2379] : memref<1000000x64xf32, #tpu.memory_space<hbm>> -> memref<8x64xf32, #tpu.memory_space<hbm>>
      %dma_start3A_2381 = tpu.memref_slice %arg8[%select_n3A_2278] : memref<16x!tpu.dma_semaphore, #tpu.memory_space<semaphore_mem>> -> memref<1x!tpu.dma_semaphore, #tpu.memory_space<semaphore_mem>>
      %dma_start3A_2382 = tpu.memref_squeeze %dma_start3A_2381 : memref<1x!tpu.dma_semaphore, #tpu.memory_space<semaphore_mem>> -> memref<!tpu.dma_semaphore, #tpu.memory_space<semaphore_mem>>
      %dma_start3A_2383 = arith.constant 0 : i32
      %dma_start3A_2384 = arith.constant 0 : i32
      %dma_start3A_2385 = tpu.memref_slice %arg6[%select_n3A_2278, %dma_start3A_2383, %dma_start3A_2384] : memref<16x8x64xf32, #tpu.memory_space<vmem>> -> memref<1x8x64xf32, #tpu.memory_space<vmem>>
      %dma_start3A_2386 = tpu.memref_squeeze %dma_start3A_2385 : memref<1x8x64xf32, #tpu.memory_space<vmem>> -> memref<8x64xf32, #tpu.memory_space<vmem>>
      %dma_start3A_2387 = arith.constant 0 : i32
      %dma_start3A_2388 = tpu.memref_slice %arg2[%multiple_of3A_2374, %dma_start3A_2387] : memref<1000000x64xf32, #tpu.memory_space<hbm>> -> memref<8x64xf32, #tpu.memory_space<hbm>>
      tpu.enqueue_dma source(%dma_start3A_2388 : memref<8x64xf32, #tpu.memory_space<hbm>>) target(%dma_start3A_2386 : memref<8x64xf32, #tpu.memory_space<vmem>>) target_semaphore(%dma_start3A_2382 : memref<!tpu.dma_semaphore, #tpu.memory_space<semaphore_mem>>)
      %mul3A_2389 = arith.constant 16 : i32
      %mul3A_2390 = arith.muli %scan3A_2118, %mul3A_2389 : i32
      %add3A_2391 = arith.constant 2 : i32
      %add3A_2392 = arith.addi %mul3A_2390, %add3A_2391 : i32
      %jit3A_2393 = arith.constant 16 : i32
      %eq3A_2394 = arith.constant 0 : i32
      %eq3A_2395 = arith.cmpi eq, %jit3A_2393, %eq3A_2394 : i32
      %jit3A_2396 = arith.constant 1 : i32
      %select_n3A_2397 = arith.select %eq3A_2395, %jit3A_2396, %jit3A_2393 : i32
      %rem3A_2398 = arith.remsi %add3A_2392, %select_n3A_2397 : i32
      %ne3A_2399 = arith.constant 0 : i32
      %ne3A_2400 = arith.cmpi ne, %rem3A_2398, %ne3A_2399 : i32
      %lt3A_2401 = arith.constant 0 : i32
      %lt3A_2402 = arith.cmpi slt, %rem3A_2398, %lt3A_2401 : i32
      %lt3A_2403 = arith.constant 0 : i32
      %lt3A_2404 = arith.cmpi slt, %select_n3A_2397, %lt3A_2403 : i32
      %ne3A_2405 = arith.xori %lt3A_2402, %lt3A_2404 : i1
      %and3A_2406 = arith.andi %ne3A_2405, %ne3A_2400 : i1
      %add3A_2407 = arith.addi %rem3A_2398, %select_n3A_2397 : i32
      %select_n3A_2408 = arith.select %and3A_2406, %add3A_2407, %rem3A_2398 : i32
      %dma_wait3A_2409 = arith.constant 0 : i32
      %dma_wait3A_2410 = arith.constant 0 : i32
      %dma_wait3A_2411 = tpu.memref_slice %arg6[%select_n3A_2408, %dma_wait3A_2409, %dma_wait3A_2410] : memref<16x8x64xf32, #tpu.memory_space<vmem>> -> memref<1x8x64xf32, #tpu.memory_space<vmem>>
      %dma_wait3A_2412 = tpu.memref_squeeze %dma_wait3A_2411 : memref<1x8x64xf32, #tpu.memory_space<vmem>> -> memref<8x64xf32, #tpu.memory_space<vmem>>
      %dma_wait3A_2413 = arith.constant 0 : i32
      %dma_wait3A_2414 = arith.constant 0 : i32
      %dma_wait3A_2415 = tpu.memref_slice %arg2[%dma_wait3A_2413, %dma_wait3A_2414] : memref<1000000x64xf32, #tpu.memory_space<hbm>> -> memref<8x64xf32, #tpu.memory_space<hbm>>
      %dma_wait3A_2416 = tpu.memref_slice %arg8[%select_n3A_2408] : memref<16x!tpu.dma_semaphore, #tpu.memory_space<semaphore_mem>> -> memref<1x!tpu.dma_semaphore, #tpu.memory_space<semaphore_mem>>
      %dma_wait3A_2417 = tpu.memref_squeeze %dma_wait3A_2416 : memref<1x!tpu.dma_semaphore, #tpu.memory_space<semaphore_mem>> -> memref<!tpu.dma_semaphore, #tpu.memory_space<semaphore_mem>>
      %dma_wait3A_2418 = arith.constant 0 : i32
      %dma_wait3A_2419 = arith.constant 0 : i32
      %dma_wait3A_2420 = tpu.memref_slice %arg6[%select_n3A_2408, %dma_wait3A_2418, %dma_wait3A_2419] : memref<16x8x64xf32, #tpu.memory_space<vmem>> -> memref<1x8x64xf32, #tpu.memory_space<vmem>>
      %dma_wait3A_2421 = tpu.memref_squeeze %dma_wait3A_2420 : memref<1x8x64xf32, #tpu.memory_space<vmem>> -> memref<8x64xf32, #tpu.memory_space<vmem>>
      %dma_wait3A_2422 = arith.constant 0 : i32
      %dma_wait3A_2423 = arith.constant 0 : i32
      %dma_wait3A_2424 = tpu.memref_slice %arg2[%dma_wait3A_2422, %dma_wait3A_2423] : memref<1000000x64xf32, #tpu.memory_space<hbm>> -> memref<8x64xf32, #tpu.memory_space<hbm>>
      tpu.wait_dma2 semaphore(%dma_wait3A_2417 : memref<!tpu.dma_semaphore, #tpu.memory_space<semaphore_mem>>) src(%dma_wait3A_2424 : memref<8x64xf32, #tpu.memory_space<hbm>>) dst(%dma_wait3A_2421 : memref<8x64xf32, #tpu.memory_space<vmem>>)
      %slice3A_2425 = vector.extract_strided_slice %get3A_2128 {offsets = [2], sizes = [1], strides = [1]} : vector<16xi32> to vector<1xi32>
      %squeeze3A_2426 = vector.extract %slice3A_2425[0] : i32 from vector<1xi32>
      %mul3A_2427 = arith.constant 0 : i32
      %mul3A_2428 = vector.broadcast %mul3A_2427 : i32 to vector<16xi32>
      %mul3A_2429 = arith.muli %iota3A, %mul3A_2428 : vector<16xi32>
      %and3A_2430 = arith.constant 7 : i32
      %and3A_2431 = arith.andi %squeeze3A_2426, %and3A_2430 : i32
      %add3A_2432 = vector.broadcast %and3A_2431 : i32 to vector<16xi32>
      %add3A_2433 = arith.addi %mul3A_2429, %add3A_2432 : vector<16xi32>
      %add3A_2434 = arith.constant 0 : i32
      %add3A_2435 = vector.broadcast %add3A_2434 : i32 to vector<16xi32>
      %add3A_2436 = arith.addi %iota3A, %add3A_2435 : vector<16xi32>
      %gather3A_2437 = arith.constant 0 : i32
      %gather3A_2438 = arith.constant 0 : i32
      %gather3A_2439 = tpu.memref_slice %arg6[%select_n3A_2408, %gather3A_2437, %gather3A_2438] : memref<16x8x64xf32, #tpu.memory_space<vmem>> -> memref<1x8x64xf32, #tpu.memory_space<vmem>>
      %gather3A_2440 = tpu.memref_squeeze %gather3A_2439 : memref<1x8x64xf32, #tpu.memory_space<vmem>> -> memref<8x64xf32, #tpu.memory_space<vmem>>
      %gather3A_2441 = tpu.vector_load_idx %gather3A_2440[%add3A_2433, %add3A_2436] : memref<8x64xf32, #tpu.memory_space<vmem>>[vector<16xi32>, vector<16xi32>], vector<16xf32>,
      %mul3A_2442 = arith.constant 0 : i32
      %mul3A_2443 = vector.broadcast %mul3A_2442 : i32 to vector<16xi32>
      %mul3A_2444 = arith.muli %iota3A, %mul3A_2443 : vector<16xi32>
      %add3A_2445 = vector.broadcast %add3A_2392 : i32 to vector<16xi32>
      %add3A_2446 = arith.addi %mul3A_2444, %add3A_2445 : vector<16xi32>
      %add3A_2447 = arith.constant 0 : i32
      %add3A_2448 = vector.broadcast %add3A_2447 : i32 to vector<16xi32>
      %add3A_2449 = arith.addi %iota3A, %add3A_2448 : vector<16xi32>
      tpu.vector_store_idx %arg7[%add3A_2446, %add3A_2449], %gather3A_2441 : memref<512x64xf32, #tpu.memory_space<vmem>>[vector<16xi32>, vector<16xi32>], vector<16xf32>,
      %add3A_2450 = arith.constant 16 : i32
      %add3A_2451 = vector.broadcast %add3A_2450 : i32 to vector<16xi32>
      %add3A_2452 = arith.addi %iota3A, %add3A_2451 : vector<16xi32>
      %gather3A_2453 = arith.constant 0 : i32
      %gather3A_2454 = arith.constant 0 : i32
      %gather3A_2455 = tpu.memref_slice %arg6[%select_n3A_2408, %gather3A_2453, %gather3A_2454] : memref<16x8x64xf32, #tpu.memory_space<vmem>> -> memref<1x8x64xf32, #tpu.memory_space<vmem>>
      %gather3A_2456 = tpu.memref_squeeze %gather3A_2455 : memref<1x8x64xf32, #tpu.memory_space<vmem>> -> memref<8x64xf32, #tpu.memory_space<vmem>>
      %gather3A_2457 = tpu.vector_load_idx %gather3A_2456[%add3A_2433, %add3A_2452] : memref<8x64xf32, #tpu.memory_space<vmem>>[vector<16xi32>, vector<16xi32>], vector<16xf32>,
      %mul3A_2458 = arith.constant 0 : i32
      %mul3A_2459 = vector.broadcast %mul3A_2458 : i32 to vector<16xi32>
      %mul3A_2460 = arith.muli %iota3A, %mul3A_2459 : vector<16xi32>
      %add3A_2461 = vector.broadcast %add3A_2392 : i32 to vector<16xi32>
      %add3A_2462 = arith.addi %mul3A_2460, %add3A_2461 : vector<16xi32>
      %add3A_2463 = arith.constant 16 : i32
      %add3A_2464 = vector.broadcast %add3A_2463 : i32 to vector<16xi32>
      %add3A_2465 = arith.addi %iota3A, %add3A_2464 : vector<16xi32>
      tpu.vector_store_idx %arg7[%add3A_2462, %add3A_2465], %gather3A_2457 : memref<512x64xf32, #tpu.memory_space<vmem>>[vector<16xi32>, vector<16xi32>], vector<16xf32>,
      %add3A_2466 = arith.constant 32 : i32
      %add3A_2467 = vector.broadcast %add3A_2466 : i32 to vector<16xi32>
      %add3A_2468 = arith.addi %iota3A, %add3A_2467 : vector<16xi32>
      %gather3A_2469 = arith.constant 0 : i32
      %gather3A_2470 = arith.constant 0 : i32
      %gather3A_2471 = tpu.memref_slice %arg6[%select_n3A_2408, %gather3A_2469, %gather3A_2470] : memref<16x8x64xf32, #tpu.memory_space<vmem>> -> memref<1x8x64xf32, #tpu.memory_space<vmem>>
      %gather3A_2472 = tpu.memref_squeeze %gather3A_2471 : memref<1x8x64xf32, #tpu.memory_space<vmem>> -> memref<8x64xf32, #tpu.memory_space<vmem>>
      %gather3A_2473 = tpu.vector_load_idx %gather3A_2472[%add3A_2433, %add3A_2468] : memref<8x64xf32, #tpu.memory_space<vmem>>[vector<16xi32>, vector<16xi32>], vector<16xf32>,
      %mul3A_2474 = arith.constant 0 : i32
      %mul3A_2475 = vector.broadcast %mul3A_2474 : i32 to vector<16xi32>
      %mul3A_2476 = arith.muli %iota3A, %mul3A_2475 : vector<16xi32>
      %add3A_2477 = vector.broadcast %add3A_2392 : i32 to vector<16xi32>
      %add3A_2478 = arith.addi %mul3A_2476, %add3A_2477 : vector<16xi32>
      %add3A_2479 = arith.constant 32 : i32
      %add3A_2480 = vector.broadcast %add3A_2479 : i32 to vector<16xi32>
      %add3A_2481 = arith.addi %iota3A, %add3A_2480 : vector<16xi32>
      tpu.vector_store_idx %arg7[%add3A_2478, %add3A_2481], %gather3A_2473 : memref<512x64xf32, #tpu.memory_space<vmem>>[vector<16xi32>, vector<16xi32>], vector<16xf32>,
      %add3A_2482 = arith.constant 48 : i32
      %add3A_2483 = vector.broadcast %add3A_2482 : i32 to vector<16xi32>
      %add3A_2484 = arith.addi %iota3A, %add3A_2483 : vector<16xi32>
      %gather3A_2485 = arith.constant 0 : i32
      %gather3A_2486 = arith.constant 0 : i32
      %gather3A_2487 = tpu.memref_slice %arg6[%select_n3A_2408, %gather3A_2485, %gather3A_2486] : memref<16x8x64xf32, #tpu.memory_space<vmem>> -> memref<1x8x64xf32, #tpu.memory_space<vmem>>
      %gather3A_2488 = tpu.memref_squeeze %gather3A_2487 : memref<1x8x64xf32, #tpu.memory_space<vmem>> -> memref<8x64xf32, #tpu.memory_space<vmem>>
      %gather3A_2489 = tpu.vector_load_idx %gather3A_2488[%add3A_2433, %add3A_2484] : memref<8x64xf32, #tpu.memory_space<vmem>>[vector<16xi32>, vector<16xi32>], vector<16xf32>,
      %mul3A_2490 = arith.constant 0 : i32
      %mul3A_2491 = vector.broadcast %mul3A_2490 : i32 to vector<16xi32>
      %mul3A_2492 = arith.muli %iota3A, %mul3A_2491 : vector<16xi32>
      %add3A_2493 = vector.broadcast %add3A_2392 : i32 to vector<16xi32>
      %add3A_2494 = arith.addi %mul3A_2492, %add3A_2493 : vector<16xi32>
      %add3A_2495 = arith.constant 48 : i32
      %add3A_2496 = vector.broadcast %add3A_2495 : i32 to vector<16xi32>
      %add3A_2497 = arith.addi %iota3A, %add3A_2496 : vector<16xi32>
      tpu.vector_store_idx %arg7[%add3A_2494, %add3A_2497], %gather3A_2489 : memref<512x64xf32, #tpu.memory_space<vmem>>[vector<16xi32>, vector<16xi32>], vector<16xf32>,
      %slice3A_2498 = vector.extract_strided_slice %get3A_2124 {offsets = [2], sizes = [1], strides = [1]} : vector<16xi32> to vector<1xi32>
      %squeeze3A_2499 = vector.extract %slice3A_2498[0] : i32 from vector<1xi32>
      %shift_right_arithmetic3A_2500 = arith.constant 3 : i32
      %shift_right_arithmetic3A_2501 = arith.shrsi %squeeze3A_2499, %shift_right_arithmetic3A_2500 : i32
      %mul3A_2502 = arith.constant 8 : i32
      %mul3A_2503 = arith.muli %shift_right_arithmetic3A_2501, %mul3A_2502 : i32
      %multiple_of3A_2504 = tpu.assume_multiple %mul3A_2503, 8 : i32
      %dma_start3A_2505 = arith.constant 0 : i32
      %dma_start3A_2506 = arith.constant 0 : i32
      %dma_start3A_2507 = tpu.memref_slice %arg6[%select_n3A_2408, %dma_start3A_2505, %dma_start3A_2506] : memref<16x8x64xf32, #tpu.memory_space<vmem>> -> memref<1x8x64xf32, #tpu.memory_space<vmem>>
      %dma_start3A_2508 = tpu.memref_squeeze %dma_start3A_2507 : memref<1x8x64xf32, #tpu.memory_space<vmem>> -> memref<8x64xf32, #tpu.memory_space<vmem>>
      %dma_start3A_2509 = arith.constant 0 : i32
      %dma_start3A_2510 = tpu.memref_slice %arg2[%multiple_of3A_2504, %dma_start3A_2509] : memref<1000000x64xf32, #tpu.memory_space<hbm>> -> memref<8x64xf32, #tpu.memory_space<hbm>>
      %dma_start3A_2511 = tpu.memref_slice %arg8[%select_n3A_2408] : memref<16x!tpu.dma_semaphore, #tpu.memory_space<semaphore_mem>> -> memref<1x!tpu.dma_semaphore, #tpu.memory_space<semaphore_mem>>
      %dma_start3A_2512 = tpu.memref_squeeze %dma_start3A_2511 : memref<1x!tpu.dma_semaphore, #tpu.memory_space<semaphore_mem>> -> memref<!tpu.dma_semaphore, #tpu.memory_space<semaphore_mem>>
      %dma_start3A_2513 = arith.constant 0 : i32
      %dma_start3A_2514 = arith.constant 0 : i32
      %dma_start3A_2515 = tpu.memref_slice %arg6[%select_n3A_2408, %dma_start3A_2513, %dma_start3A_2514] : memref<16x8x64xf32, #tpu.memory_space<vmem>> -> memref<1x8x64xf32, #tpu.memory_space<vmem>>
      %dma_start3A_2516 = tpu.memref_squeeze %dma_start3A_2515 : memref<1x8x64xf32, #tpu.memory_space<vmem>> -> memref<8x64xf32, #tpu.memory_space<vmem>>
      %dma_start3A_2517 = arith.constant 0 : i32
      %dma_start3A_2518 = tpu.memref_slice %arg2[%multiple_of3A_2504, %dma_start3A_2517] : memref<1000000x64xf32, #tpu.memory_space<hbm>> -> memref<8x64xf32, #tpu.memory_space<hbm>>
      tpu.enqueue_dma source(%dma_start3A_2518 : memref<8x64xf32, #tpu.memory_space<hbm>>) target(%dma_start3A_2516 : memref<8x64xf32, #tpu.memory_space<vmem>>) target_semaphore(%dma_start3A_2512 : memref<!tpu.dma_semaphore, #tpu.memory_space<semaphore_mem>>)
      %mul3A_2519 = arith.constant 16 : i32
      %mul3A_2520 = arith.muli %scan3A_2118, %mul3A_2519 : i32
      %add3A_2521 = arith.constant 3 : i32
      %add3A_2522 = arith.addi %mul3A_2520, %add3A_2521 : i32
      %jit3A_2523 = arith.constant 16 : i32
      %eq3A_2524 = arith.constant 0 : i32
      %eq3A_2525 = arith.cmpi eq, %jit3A_2523, %eq3A_2524 : i32
      %jit3A_2526 = arith.constant 1 : i32
      %select_n3A_2527 = arith.select %eq3A_2525, %jit3A_2526, %jit3A_2523 : i32
      %rem3A_2528 = arith.remsi %add3A_2522, %select_n3A_2527 : i32
      %ne3A_2529 = arith.constant 0 : i32
      %ne3A_2530 = arith.cmpi ne, %rem3A_2528, %ne3A_2529 : i32
      %lt3A_2531 = arith.constant 0 : i32
      %lt3A_2532 = arith.cmpi slt, %rem3A_2528, %lt3A_2531 : i32
      %lt3A_2533 = arith.constant 0 : i32
      %lt3A_2534 = arith.cmpi slt, %select_n3A_2527, %lt3A_2533 : i32
      %ne3A_2535 = arith.xori %lt3A_2532, %lt3A_2534 : i1
      %and3A_2536 = arith.andi %ne3A_2535, %ne3A_2530 : i1
      %add3A_2537 = arith.addi %rem3A_2528, %select_n3A_2527 : i32
      %select_n3A_2538 = arith.select %and3A_2536, %add3A_2537, %rem3A_2528 : i32
      %dma_wait3A_2539 = arith.constant 0 : i32
      %dma_wait3A_2540 = arith.constant 0 : i32
      %dma_wait3A_2541 = tpu.memref_slice %arg6[%select_n3A_2538, %dma_wait3A_2539, %dma_wait3A_2540] : memref<16x8x64xf32, #tpu.memory_space<vmem>> -> memref<1x8x64xf32, #tpu.memory_space<vmem>>
      %dma_wait3A_2542 = tpu.memref_squeeze %dma_wait3A_2541 : memref<1x8x64xf32, #tpu.memory_space<vmem>> -> memref<8x64xf32, #tpu.memory_space<vmem>>
      %dma_wait3A_2543 = arith.constant 0 : i32
      %dma_wait3A_2544 = arith.constant 0 : i32
      %dma_wait3A_2545 = tpu.memref_slice %arg2[%dma_wait3A_2543, %dma_wait3A_2544] : memref<1000000x64xf32, #tpu.memory_space<hbm>> -> memref<8x64xf32, #tpu.memory_space<hbm>>
      %dma_wait3A_2546 = tpu.memref_slice %arg8[%select_n3A_2538] : memref<16x!tpu.dma_semaphore, #tpu.memory_space<semaphore_mem>> -> memref<1x!tpu.dma_semaphore, #tpu.memory_space<semaphore_mem>>
      %dma_wait3A_2547 = tpu.memref_squeeze %dma_wait3A_2546 : memref<1x!tpu.dma_semaphore, #tpu.memory_space<semaphore_mem>> -> memref<!tpu.dma_semaphore, #tpu.memory_space<semaphore_mem>>
      %dma_wait3A_2548 = arith.constant 0 : i32
      %dma_wait3A_2549 = arith.constant 0 : i32
      %dma_wait3A_2550 = tpu.memref_slice %arg6[%select_n3A_2538, %dma_wait3A_2548, %dma_wait3A_2549] : memref<16x8x64xf32, #tpu.memory_space<vmem>> -> memref<1x8x64xf32, #tpu.memory_space<vmem>>
      %dma_wait3A_2551 = tpu.memref_squeeze %dma_wait3A_2550 : memref<1x8x64xf32, #tpu.memory_space<vmem>> -> memref<8x64xf32, #tpu.memory_space<vmem>>
      %dma_wait3A_2552 = arith.constant 0 : i32
      %dma_wait3A_2553 = arith.constant 0 : i32
      %dma_wait3A_2554 = tpu.memref_slice %arg2[%dma_wait3A_2552, %dma_wait3A_2553] : memref<1000000x64xf32, #tpu.memory_space<hbm>> -> memref<8x64xf32, #tpu.memory_space<hbm>>
      tpu.wait_dma2 semaphore(%dma_wait3A_2547 : memref<!tpu.dma_semaphore, #tpu.memory_space<semaphore_mem>>) src(%dma_wait3A_2554 : memref<8x64xf32, #tpu.memory_space<hbm>>) dst(%dma_wait3A_2551 : memref<8x64xf32, #tpu.memory_space<vmem>>)
      %slice3A_2555 = vector.extract_strided_slice %get3A_2128 {offsets = [3], sizes = [1], strides = [1]} : vector<16xi32> to vector<1xi32>
      %squeeze3A_2556 = vector.extract %slice3A_2555[0] : i32 from vector<1xi32>
      %mul3A_2557 = arith.constant 0 : i32
      %mul3A_2558 = vector.broadcast %mul3A_2557 : i32 to vector<16xi32>
      %mul3A_2559 = arith.muli %iota3A, %mul3A_2558 : vector<16xi32>
      %and3A_2560 = arith.constant 7 : i32
      %and3A_2561 = arith.andi %squeeze3A_2556, %and3A_2560 : i32
      %add3A_2562 = vector.broadcast %and3A_2561 : i32 to vector<16xi32>
      %add3A_2563 = arith.addi %mul3A_2559, %add3A_2562 : vector<16xi32>
      %add3A_2564 = arith.constant 0 : i32
      %add3A_2565 = vector.broadcast %add3A_2564 : i32 to vector<16xi32>
      %add3A_2566 = arith.addi %iota3A, %add3A_2565 : vector<16xi32>
      %gather3A_2567 = arith.constant 0 : i32
      %gather3A_2568 = arith.constant 0 : i32
      %gather3A_2569 = tpu.memref_slice %arg6[%select_n3A_2538, %gather3A_2567, %gather3A_2568] : memref<16x8x64xf32, #tpu.memory_space<vmem>> -> memref<1x8x64xf32, #tpu.memory_space<vmem>>
      %gather3A_2570 = tpu.memref_squeeze %gather3A_2569 : memref<1x8x64xf32, #tpu.memory_space<vmem>> -> memref<8x64xf32, #tpu.memory_space<vmem>>
      %gather3A_2571 = tpu.vector_load_idx %gather3A_2570[%add3A_2563, %add3A_2566] : memref<8x64xf32, #tpu.memory_space<vmem>>[vector<16xi32>, vector<16xi32>], vector<16xf32>,
      %mul3A_2572 = arith.constant 0 : i32
      %mul3A_2573 = vector.broadcast %mul3A_2572 : i32 to vector<16xi32>
      %mul3A_2574 = arith.muli %iota3A, %mul3A_2573 : vector<16xi32>
      %add3A_2575 = vector.broadcast %add3A_2522 : i32 to vector<16xi32>
      %add3A_2576 = arith.addi %mul3A_2574, %add3A_2575 : vector<16xi32>
      %add3A_2577 = arith.constant 0 : i32
      %add3A_2578 = vector.broadcast %add3A_2577 : i32 to vector<16xi32>
      %add3A_2579 = arith.addi %iota3A, %add3A_2578 : vector<16xi32>
      tpu.vector_store_idx %arg7[%add3A_2576, %add3A_2579], %gather3A_2571 : memref<512x64xf32, #tpu.memory_space<vmem>>[vector<16xi32>, vector<16xi32>], vector<16xf32>,
      %add3A_2580 = arith.constant 16 : i32
      %add3A_2581 = vector.broadcast %add3A_2580 : i32 to vector<16xi32>
      %add3A_2582 = arith.addi %iota3A, %add3A_2581 : vector<16xi32>
      %gather3A_2583 = arith.constant 0 : i32
      %gather3A_2584 = arith.constant 0 : i32
      %gather3A_2585 = tpu.memref_slice %arg6[%select_n3A_2538, %gather3A_2583, %gather3A_2584] : memref<16x8x64xf32, #tpu.memory_space<vmem>> -> memref<1x8x64xf32, #tpu.memory_space<vmem>>
      %gather3A_2586 = tpu.memref_squeeze %gather3A_2585 : memref<1x8x64xf32, #tpu.memory_space<vmem>> -> memref<8x64xf32, #tpu.memory_space<vmem>>
      %gather3A_2587 = tpu.vector_load_idx %gather3A_2586[%add3A_2563, %add3A_2582] : memref<8x64xf32, #tpu.memory_space<vmem>>[vector<16xi32>, vector<16xi32>], vector<16xf32>,
      %mul3A_2588 = arith.constant 0 : i32
      %mul3A_2589 = vector.broadcast %mul3A_2588 : i32 to vector<16xi32>
      %mul3A_2590 = arith.muli %iota3A, %mul3A_2589 : vector<16xi32>
      %add3A_2591 = vector.broadcast %add3A_2522 : i32 to vector<16xi32>
      %add3A_2592 = arith.addi %mul3A_2590, %add3A_2591 : vector<16xi32>
      %add3A_2593 = arith.constant 16 : i32
      %add3A_2594 = vector.broadcast %add3A_2593 : i32 to vector<16xi32>
      %add3A_2595 = arith.addi %iota3A, %add3A_2594 : vector<16xi32>
      tpu.vector_store_idx %arg7[%add3A_2592, %add3A_2595], %gather3A_2587 : memref<512x64xf32, #tpu.memory_space<vmem>>[vector<16xi32>, vector<16xi32>], vector<16xf32>,
      %add3A_2596 = arith.constant 32 : i32
      %add3A_2597 = vector.broadcast %add3A_2596 : i32 to vector<16xi32>
      %add3A_2598 = arith.addi %iota3A, %add3A_2597 : vector<16xi32>
      %gather3A_2599 = arith.constant 0 : i32
      %gather3A_2600 = arith.constant 0 : i32
      %gather3A_2601 = tpu.memref_slice %arg6[%select_n3A_2538, %gather3A_2599, %gather3A_2600] : memref<16x8x64xf32, #tpu.memory_space<vmem>> -> memref<1x8x64xf32, #tpu.memory_space<vmem>>
      %gather3A_2602 = tpu.memref_squeeze %gather3A_2601 : memref<1x8x64xf32, #tpu.memory_space<vmem>> -> memref<8x64xf32, #tpu.memory_space<vmem>>
      %gather3A_2603 = tpu.vector_load_idx %gather3A_2602[%add3A_2563, %add3A_2598] : memref<8x64xf32, #tpu.memory_space<vmem>>[vector<16xi32>, vector<16xi32>], vector<16xf32>,
      %mul3A_2604 = arith.constant 0 : i32
      %mul3A_2605 = vector.broadcast %mul3A_2604 : i32 to vector<16xi32>
      %mul3A_2606 = arith.muli %iota3A, %mul3A_2605 : vector<16xi32>
      %add3A_2607 = vector.broadcast %add3A_2522 : i32 to vector<16xi32>
      %add3A_2608 = arith.addi %mul3A_2606, %add3A_2607 : vector<16xi32>
      %add3A_2609 = arith.constant 32 : i32
      %add3A_2610 = vector.broadcast %add3A_2609 : i32 to vector<16xi32>
      %add3A_2611 = arith.addi %iota3A, %add3A_2610 : vector<16xi32>
      tpu.vector_store_idx %arg7[%add3A_2608, %add3A_2611], %gather3A_2603 : memref<512x64xf32, #tpu.memory_space<vmem>>[vector<16xi32>, vector<16xi32>], vector<16xf32>,
      %add3A_2612 = arith.constant 48 : i32
      %add3A_2613 = vector.broadcast %add3A_2612 : i32 to vector<16xi32>
      %add3A_2614 = arith.addi %iota3A, %add3A_2613 : vector<16xi32>
      %gather3A_2615 = arith.constant 0 : i32
      %gather3A_2616 = arith.constant 0 : i32
      %gather3A_2617 = tpu.memref_slice %arg6[%select_n3A_2538, %gather3A_2615, %gather3A_2616] : memref<16x8x64xf32, #tpu.memory_space<vmem>> -> memref<1x8x64xf32, #tpu.memory_space<vmem>>
      %gather3A_2618 = tpu.memref_squeeze %gather3A_2617 : memref<1x8x64xf32, #tpu.memory_space<vmem>> -> memref<8x64xf32, #tpu.memory_space<vmem>>
      %gather3A_2619 = tpu.vector_load_idx %gather3A_2618[%add3A_2563, %add3A_2614] : memref<8x64xf32, #tpu.memory_space<vmem>>[vector<16xi32>, vector<16xi32>], vector<16xf32>,
      %mul3A_2620 = arith.constant 0 : i32
      %mul3A_2621 = vector.broadcast %mul3A_2620 : i32 to vector<16xi32>
      %mul3A_2622 = arith.muli %iota3A, %mul3A_2621 : vector<16xi32>
      %add3A_2623 = vector.broadcast %add3A_2522 : i32 to vector<16xi32>
      %add3A_2624 = arith.addi %mul3A_2622, %add3A_2623 : vector<16xi32>
      %add3A_2625 = arith.constant 48 : i32
      %add3A_2626 = vector.broadcast %add3A_2625 : i32 to vector<16xi32>
      %add3A_2627 = arith.addi %iota3A, %add3A_2626 : vector<16xi32>
      tpu.vector_store_idx %arg7[%add3A_2624, %add3A_2627], %gather3A_2619 : memref<512x64xf32, #tpu.memory_space<vmem>>[vector<16xi32>, vector<16xi32>], vector<16xf32>,
      %slice3A_2628 = vector.extract_strided_slice %get3A_2124 {offsets = [3], sizes = [1], strides = [1]} : vector<16xi32> to vector<1xi32>
      %squeeze3A_2629 = vector.extract %slice3A_2628[0] : i32 from vector<1xi32>
      %shift_right_arithmetic3A_2630 = arith.constant 3 : i32
      %shift_right_arithmetic3A_2631 = arith.shrsi %squeeze3A_2629, %shift_right_arithmetic3A_2630 : i32
      %mul3A_2632 = arith.constant 8 : i32
      %mul3A_2633 = arith.muli %shift_right_arithmetic3A_2631, %mul3A_2632 : i32
      %multiple_of3A_2634 = tpu.assume_multiple %mul3A_2633, 8 : i32
      %dma_start3A_2635 = arith.constant 0 : i32
      %dma_start3A_2636 = arith.constant 0 : i32
      %dma_start3A_2637 = tpu.memref_slice %arg6[%select_n3A_2538, %dma_start3A_2635, %dma_start3A_2636] : memref<16x8x64xf32, #tpu.memory_space<vmem>> -> memref<1x8x64xf32, #tpu.memory_space<vmem>>
      %dma_start3A_2638 = tpu.memref_squeeze %dma_start3A_2637 : memref<1x8x64xf32, #tpu.memory_space<vmem>> -> memref<8x64xf32, #tpu.memory_space<vmem>>
      %dma_start3A_2639 = arith.constant 0 : i32
      %dma_start3A_2640 = tpu.memref_slice %arg2[%multiple_of3A_2634, %dma_start3A_2639] : memref<1000000x64xf32, #tpu.memory_space<hbm>> -> memref<8x64xf32, #tpu.memory_space<hbm>>
      %dma_start3A_2641 = tpu.memref_slice %arg8[%select_n3A_2538] : memref<16x!tpu.dma_semaphore, #tpu.memory_space<semaphore_mem>> -> memref<1x!tpu.dma_semaphore, #tpu.memory_space<semaphore_mem>>
      %dma_start3A_2642 = tpu.memref_squeeze %dma_start3A_2641 : memref<1x!tpu.dma_semaphore, #tpu.memory_space<semaphore_mem>> -> memref<!tpu.dma_semaphore, #tpu.memory_space<semaphore_mem>>
      %dma_start3A_2643 = arith.constant 0 : i32
      %dma_start3A_2644 = arith.constant 0 : i32
      %dma_start3A_2645 = tpu.memref_slice %arg6[%select_n3A_2538, %dma_start3A_2643, %dma_start3A_2644] : memref<16x8x64xf32, #tpu.memory_space<vmem>> -> memref<1x8x64xf32, #tpu.memory_space<vmem>>
      %dma_start3A_2646 = tpu.memref_squeeze %dma_start3A_2645 : memref<1x8x64xf32, #tpu.memory_space<vmem>> -> memref<8x64xf32, #tpu.memory_space<vmem>>
      %dma_start3A_2647 = arith.constant 0 : i32
      %dma_start3A_2648 = tpu.memref_slice %arg2[%multiple_of3A_2634, %dma_start3A_2647] : memref<1000000x64xf32, #tpu.memory_space<hbm>> -> memref<8x64xf32, #tpu.memory_space<hbm>>
      tpu.enqueue_dma source(%dma_start3A_2648 : memref<8x64xf32, #tpu.memory_space<hbm>>) target(%dma_start3A_2646 : memref<8x64xf32, #tpu.memory_space<vmem>>) target_semaphore(%dma_start3A_2642 : memref<!tpu.dma_semaphore, #tpu.memory_space<semaphore_mem>>)
      %mul3A_2649 = arith.constant 16 : i32
      %mul3A_2650 = arith.muli %scan3A_2118, %mul3A_2649 : i32
      %add3A_2651 = arith.constant 4 : i32
      %add3A_2652 = arith.addi %mul3A_2650, %add3A_2651 : i32
      %jit3A_2653 = arith.constant 16 : i32
      %eq3A_2654 = arith.constant 0 : i32
      %eq3A_2655 = arith.cmpi eq, %jit3A_2653, %eq3A_2654 : i32
      %jit3A_2656 = arith.constant 1 : i32
      %select_n3A_2657 = arith.select %eq3A_2655, %jit3A_2656, %jit3A_2653 : i32
      %rem3A_2658 = arith.remsi %add3A_2652, %select_n3A_2657 : i32
      %ne3A_2659 = arith.constant 0 : i32
      %ne3A_2660 = arith.cmpi ne, %rem3A_2658, %ne3A_2659 : i32
      %lt3A_2661 = arith.constant 0 : i32
      %lt3A_2662 = arith.cmpi slt, %rem3A_2658, %lt3A_2661 : i32
      %lt3A_2663 = arith.constant 0 : i32
      %lt3A_2664 = arith.cmpi slt, %select_n3A_2657, %lt3A_2663 : i32
      %ne3A_2665 = arith.xori %lt3A_2662, %lt3A_2664 : i1
      %and3A_2666 = arith.andi %ne3A_2665, %ne3A_2660 : i1
      %add3A_2667 = arith.addi %rem3A_2658, %select_n3A_2657 : i32
      %select_n3A_2668 = arith.select %and3A_2666, %add3A_2667, %rem3A_2658 : i32
      %dma_wait3A_2669 = arith.constant 0 : i32
      %dma_wait3A_2670 = arith.constant 0 : i32
      %dma_wait3A_2671 = tpu.memref_slice %arg6[%select_n3A_2668, %dma_wait3A_2669, %dma_wait3A_2670] : memref<16x8x64xf32, #tpu.memory_space<vmem>> -> memref<1x8x64xf32, #tpu.memory_space<vmem>>
      %dma_wait3A_2672 = tpu.memref_squeeze %dma_wait3A_2671 : memref<1x8x64xf32, #tpu.memory_space<vmem>> -> memref<8x64xf32, #tpu.memory_space<vmem>>
      %dma_wait3A_2673 = arith.constant 0 : i32
      %dma_wait3A_2674 = arith.constant 0 : i32
      %dma_wait3A_2675 = tpu.memref_slice %arg2[%dma_wait3A_2673, %dma_wait3A_2674] : memref<1000000x64xf32, #tpu.memory_space<hbm>> -> memref<8x64xf32, #tpu.memory_space<hbm>>
      %dma_wait3A_2676 = tpu.memref_slice %arg8[%select_n3A_2668] : memref<16x!tpu.dma_semaphore, #tpu.memory_space<semaphore_mem>> -> memref<1x!tpu.dma_semaphore, #tpu.memory_space<semaphore_mem>>
      %dma_wait3A_2677 = tpu.memref_squeeze %dma_wait3A_2676 : memref<1x!tpu.dma_semaphore, #tpu.memory_space<semaphore_mem>> -> memref<!tpu.dma_semaphore, #tpu.memory_space<semaphore_mem>>
      %dma_wait3A_2678 = arith.constant 0 : i32
      %dma_wait3A_2679 = arith.constant 0 : i32
      %dma_wait3A_2680 = tpu.memref_slice %arg6[%select_n3A_2668, %dma_wait3A_2678, %dma_wait3A_2679] : memref<16x8x64xf32, #tpu.memory_space<vmem>> -> memref<1x8x64xf32, #tpu.memory_space<vmem>>
      %dma_wait3A_2681 = tpu.memref_squeeze %dma_wait3A_2680 : memref<1x8x64xf32, #tpu.memory_space<vmem>> -> memref<8x64xf32, #tpu.memory_space<vmem>>
      %dma_wait3A_2682 = arith.constant 0 : i32
      %dma_wait3A_2683 = arith.constant 0 : i32
      %dma_wait3A_2684 = tpu.memref_slice %arg2[%dma_wait3A_2682, %dma_wait3A_2683] : memref<1000000x64xf32, #tpu.memory_space<hbm>> -> memref<8x64xf32, #tpu.memory_space<hbm>>
      tpu.wait_dma2 semaphore(%dma_wait3A_2677 : memref<!tpu.dma_semaphore, #tpu.memory_space<semaphore_mem>>) src(%dma_wait3A_2684 : memref<8x64xf32, #tpu.memory_space<hbm>>) dst(%dma_wait3A_2681 : memref<8x64xf32, #tpu.memory_space<vmem>>)
      %slice3A_2685 = vector.extract_strided_slice %get3A_2128 {offsets = [4], sizes = [1], strides = [1]} : vector<16xi32> to vector<1xi32>
      %squeeze3A_2686 = vector.extract %slice3A_2685[0] : i32 from vector<1xi32>
      %mul3A_2687 = arith.constant 0 : i32
      %mul3A_2688 = vector.broadcast %mul3A_2687 : i32 to vector<16xi32>
      %mul3A_2689 = arith.muli %iota3A, %mul3A_2688 : vector<16xi32>
      %and3A_2690 = arith.constant 7 : i32
      %and3A_2691 = arith.andi %squeeze3A_2686, %and3A_2690 : i32
      %add3A_2692 = vector.broadcast %and3A_2691 : i32 to vector<16xi32>
      %add3A_2693 = arith.addi %mul3A_2689, %add3A_2692 : vector<16xi32>
      %add3A_2694 = arith.constant 0 : i32
      %add3A_2695 = vector.broadcast %add3A_2694 : i32 to vector<16xi32>
      %add3A_2696 = arith.addi %iota3A, %add3A_2695 : vector<16xi32>
      %gather3A_2697 = arith.constant 0 : i32
      %gather3A_2698 = arith.constant 0 : i32
      %gather3A_2699 = tpu.memref_slice %arg6[%select_n3A_2668, %gather3A_2697, %gather3A_2698] : memref<16x8x64xf32, #tpu.memory_space<vmem>> -> memref<1x8x64xf32, #tpu.memory_space<vmem>>
      %gather3A_2700 = tpu.memref_squeeze %gather3A_2699 : memref<1x8x64xf32, #tpu.memory_space<vmem>> -> memref<8x64xf32, #tpu.memory_space<vmem>>
      %gather3A_2701 = tpu.vector_load_idx %gather3A_2700[%add3A_2693, %add3A_2696] : memref<8x64xf32, #tpu.memory_space<vmem>>[vector<16xi32>, vector<16xi32>], vector<16xf32>,
      %mul3A_2702 = arith.constant 0 : i32
      %mul3A_2703 = vector.broadcast %mul3A_2702 : i32 to vector<16xi32>
      %mul3A_2704 = arith.muli %iota3A, %mul3A_2703 : vector<16xi32>
      %add3A_2705 = vector.broadcast %add3A_2652 : i32 to vector<16xi32>
      %add3A_2706 = arith.addi %mul3A_2704, %add3A_2705 : vector<16xi32>
      %add3A_2707 = arith.constant 0 : i32
      %add3A_2708 = vector.broadcast %add3A_2707 : i32 to vector<16xi32>
      %add3A_2709 = arith.addi %iota3A, %add3A_2708 : vector<16xi32>
      tpu.vector_store_idx %arg7[%add3A_2706, %add3A_2709], %gather3A_2701 : memref<512x64xf32, #tpu.memory_space<vmem>>[vector<16xi32>, vector<16xi32>], vector<16xf32>,
      %add3A_2710 = arith.constant 16 : i32
      %add3A_2711 = vector.broadcast %add3A_2710 : i32 to vector<16xi32>
      %add3A_2712 = arith.addi %iota3A, %add3A_2711 : vector<16xi32>
      %gather3A_2713 = arith.constant 0 : i32
      %gather3A_2714 = arith.constant 0 : i32
      %gather3A_2715 = tpu.memref_slice %arg6[%select_n3A_2668, %gather3A_2713, %gather3A_2714] : memref<16x8x64xf32, #tpu.memory_space<vmem>> -> memref<1x8x64xf32, #tpu.memory_space<vmem>>
      %gather3A_2716 = tpu.memref_squeeze %gather3A_2715 : memref<1x8x64xf32, #tpu.memory_space<vmem>> -> memref<8x64xf32, #tpu.memory_space<vmem>>
      %gather3A_2717 = tpu.vector_load_idx %gather3A_2716[%add3A_2693, %add3A_2712] : memref<8x64xf32, #tpu.memory_space<vmem>>[vector<16xi32>, vector<16xi32>], vector<16xf32>,
      %mul3A_2718 = arith.constant 0 : i32
      %mul3A_2719 = vector.broadcast %mul3A_2718 : i32 to vector<16xi32>
      %mul3A_2720 = arith.muli %iota3A, %mul3A_2719 : vector<16xi32>
      %add3A_2721 = vector.broadcast %add3A_2652 : i32 to vector<16xi32>
      %add3A_2722 = arith.addi %mul3A_2720, %add3A_2721 : vector<16xi32>
      %add3A_2723 = arith.constant 16 : i32
      %add3A_2724 = vector.broadcast %add3A_2723 : i32 to vector<16xi32>
      %add3A_2725 = arith.addi %iota3A, %add3A_2724 : vector<16xi32>
      tpu.vector_store_idx %arg7[%add3A_2722, %add3A_2725], %gather3A_2717 : memref<512x64xf32, #tpu.memory_space<vmem>>[vector<16xi32>, vector<16xi32>], vector<16xf32>,
      %add3A_2726 = arith.constant 32 : i32
      %add3A_2727 = vector.broadcast %add3A_2726 : i32 to vector<16xi32>
      %add3A_2728 = arith.addi %iota3A, %add3A_2727 : vector<16xi32>
      %gather3A_2729 = arith.constant 0 : i32
      %gather3A_2730 = arith.constant 0 : i32
      %gather3A_2731 = tpu.memref_slice %arg6[%select_n3A_2668, %gather3A_2729, %gather3A_2730] : memref<16x8x64xf32, #tpu.memory_space<vmem>> -> memref<1x8x64xf32, #tpu.memory_space<vmem>>
      %gather3A_2732 = tpu.memref_squeeze %gather3A_2731 : memref<1x8x64xf32, #tpu.memory_space<vmem>> -> memref<8x64xf32, #tpu.memory_space<vmem>>
      %gather3A_2733 = tpu.vector_load_idx %gather3A_2732[%add3A_2693, %add3A_2728] : memref<8x64xf32, #tpu.memory_space<vmem>>[vector<16xi32>, vector<16xi32>], vector<16xf32>,
      %mul3A_2734 = arith.constant 0 : i32
      %mul3A_2735 = vector.broadcast %mul3A_2734 : i32 to vector<16xi32>
      %mul3A_2736 = arith.muli %iota3A, %mul3A_2735 : vector<16xi32>
      %add3A_2737 = vector.broadcast %add3A_2652 : i32 to vector<16xi32>
      %add3A_2738 = arith.addi %mul3A_2736, %add3A_2737 : vector<16xi32>
      %add3A_2739 = arith.constant 32 : i32
      %add3A_2740 = vector.broadcast %add3A_2739 : i32 to vector<16xi32>
      %add3A_2741 = arith.addi %iota3A, %add3A_2740 : vector<16xi32>
      tpu.vector_store_idx %arg7[%add3A_2738, %add3A_2741], %gather3A_2733 : memref<512x64xf32, #tpu.memory_space<vmem>>[vector<16xi32>, vector<16xi32>], vector<16xf32>,
      %add3A_2742 = arith.constant 48 : i32
      %add3A_2743 = vector.broadcast %add3A_2742 : i32 to vector<16xi32>
      %add3A_2744 = arith.addi %iota3A, %add3A_2743 : vector<16xi32>
      %gather3A_2745 = arith.constant 0 : i32
      %gather3A_2746 = arith.constant 0 : i32
      %gather3A_2747 = tpu.memref_slice %arg6[%select_n3A_2668, %gather3A_2745, %gather3A_2746] : memref<16x8x64xf32, #tpu.memory_space<vmem>> -> memref<1x8x64xf32, #tpu.memory_space<vmem>>
      %gather3A_2748 = tpu.memref_squeeze %gather3A_2747 : memref<1x8x64xf32, #tpu.memory_space<vmem>> -> memref<8x64xf32, #tpu.memory_space<vmem>>
      %gather3A_2749 = tpu.vector_load_idx %gather3A_2748[%add3A_2693, %add3A_2744] : memref<8x64xf32, #tpu.memory_space<vmem>>[vector<16xi32>, vector<16xi32>], vector<16xf32>,
      %mul3A_2750 = arith.constant 0 : i32
      %mul3A_2751 = vector.broadcast %mul3A_2750 : i32 to vector<16xi32>
      %mul3A_2752 = arith.muli %iota3A, %mul3A_2751 : vector<16xi32>
      %add3A_2753 = vector.broadcast %add3A_2652 : i32 to vector<16xi32>
      %add3A_2754 = arith.addi %mul3A_2752, %add3A_2753 : vector<16xi32>
      %add3A_2755 = arith.constant 48 : i32
      %add3A_2756 = vector.broadcast %add3A_2755 : i32 to vector<16xi32>
      %add3A_2757 = arith.addi %iota3A, %add3A_2756 : vector<16xi32>
      tpu.vector_store_idx %arg7[%add3A_2754, %add3A_2757], %gather3A_2749 : memref<512x64xf32, #tpu.memory_space<vmem>>[vector<16xi32>, vector<16xi32>], vector<16xf32>,
      %slice3A_2758 = vector.extract_strided_slice %get3A_2124 {offsets = [4], sizes = [1], strides = [1]} : vector<16xi32> to vector<1xi32>
      %squeeze3A_2759 = vector.extract %slice3A_2758[0] : i32 from vector<1xi32>
      %shift_right_arithmetic3A_2760 = arith.constant 3 : i32
      %shift_right_arithmetic3A_2761 = arith.shrsi %squeeze3A_2759, %shift_right_arithmetic3A_2760 : i32
      %mul3A_2762 = arith.constant 8 : i32
      %mul3A_2763 = arith.muli %shift_right_arithmetic3A_2761, %mul3A_2762 : i32
      %multiple_of3A_2764 = tpu.assume_multiple %mul3A_2763, 8 : i32
      %dma_start3A_2765 = arith.constant 0 : i32
      %dma_start3A_2766 = arith.constant 0 : i32
      %dma_start3A_2767 = tpu.memref_slice %arg6[%select_n3A_2668, %dma_start3A_2765, %dma_start3A_2766] : memref<16x8x64xf32, #tpu.memory_space<vmem>> -> memref<1x8x64xf32, #tpu.memory_space<vmem>>
      %dma_start3A_2768 = tpu.memref_squeeze %dma_start3A_2767 : memref<1x8x64xf32, #tpu.memory_space<vmem>> -> memref<8x64xf32, #tpu.memory_space<vmem>>
      %dma_start3A_2769 = arith.constant 0 : i32
      %dma_start3A_2770 = tpu.memref_slice %arg2[%multiple_of3A_2764, %dma_start3A_2769] : memref<1000000x64xf32, #tpu.memory_space<hbm>> -> memref<8x64xf32, #tpu.memory_space<hbm>>
      %dma_start3A_2771 = tpu.memref_slice %arg8[%select_n3A_2668] : memref<16x!tpu.dma_semaphore, #tpu.memory_space<semaphore_mem>> -> memref<1x!tpu.dma_semaphore, #tpu.memory_space<semaphore_mem>>
      %dma_start3A_2772 = tpu.memref_squeeze %dma_start3A_2771 : memref<1x!tpu.dma_semaphore, #tpu.memory_space<semaphore_mem>> -> memref<!tpu.dma_semaphore, #tpu.memory_space<semaphore_mem>>
      %dma_start3A_2773 = arith.constant 0 : i32
      %dma_start3A_2774 = arith.constant 0 : i32
      %dma_start3A_2775 = tpu.memref_slice %arg6[%select_n3A_2668, %dma_start3A_2773, %dma_start3A_2774] : memref<16x8x64xf32, #tpu.memory_space<vmem>> -> memref<1x8x64xf32, #tpu.memory_space<vmem>>
      %dma_start3A_2776 = tpu.memref_squeeze %dma_start3A_2775 : memref<1x8x64xf32, #tpu.memory_space<vmem>> -> memref<8x64xf32, #tpu.memory_space<vmem>>
      %dma_start3A_2777 = arith.constant 0 : i32
      %dma_start3A_2778 = tpu.memref_slice %arg2[%multiple_of3A_2764, %dma_start3A_2777] : memref<1000000x64xf32, #tpu.memory_space<hbm>> -> memref<8x64xf32, #tpu.memory_space<hbm>>
      tpu.enqueue_dma source(%dma_start3A_2778 : memref<8x64xf32, #tpu.memory_space<hbm>>) target(%dma_start3A_2776 : memref<8x64xf32, #tpu.memory_space<vmem>>) target_semaphore(%dma_start3A_2772 : memref<!tpu.dma_semaphore, #tpu.memory_space<semaphore_mem>>)
      %mul3A_2779 = arith.constant 16 : i32
      %mul3A_2780 = arith.muli %scan3A_2118, %mul3A_2779 : i32
      %add3A_2781 = arith.constant 5 : i32
      %add3A_2782 = arith.addi %mul3A_2780, %add3A_2781 : i32
      %jit3A_2783 = arith.constant 16 : i32
      %eq3A_2784 = arith.constant 0 : i32
      %eq3A_2785 = arith.cmpi eq, %jit3A_2783, %eq3A_2784 : i32
      %jit3A_2786 = arith.constant 1 : i32
      %select_n3A_2787 = arith.select %eq3A_2785, %jit3A_2786, %jit3A_2783 : i32
      %rem3A_2788 = arith.remsi %add3A_2782, %select_n3A_2787 : i32
      %ne3A_2789 = arith.constant 0 : i32
      %ne3A_2790 = arith.cmpi ne, %rem3A_2788, %ne3A_2789 : i32
      %lt3A_2791 = arith.constant 0 : i32
      %lt3A_2792 = arith.cmpi slt, %rem3A_2788, %lt3A_2791 : i32
      %lt3A_2793 = arith.constant 0 : i32
      %lt3A_2794 = arith.cmpi slt, %select_n3A_2787, %lt3A_2793 : i32
      %ne3A_2795 = arith.xori %lt3A_2792, %lt3A_2794 : i1
      %and3A_2796 = arith.andi %ne3A_2795, %ne3A_2790 : i1
      %add3A_2797 = arith.addi %rem3A_2788, %select_n3A_2787 : i32
      %select_n3A_2798 = arith.select %and3A_2796, %add3A_2797, %rem3A_2788 : i32
      %dma_wait3A_2799 = arith.constant 0 : i32
      %dma_wait3A_2800 = arith.constant 0 : i32
      %dma_wait3A_2801 = tpu.memref_slice %arg6[%select_n3A_2798, %dma_wait3A_2799, %dma_wait3A_2800] : memref<16x8x64xf32, #tpu.memory_space<vmem>> -> memref<1x8x64xf32, #tpu.memory_space<vmem>>
      %dma_wait3A_2802 = tpu.memref_squeeze %dma_wait3A_2801 : memref<1x8x64xf32, #tpu.memory_space<vmem>> -> memref<8x64xf32, #tpu.memory_space<vmem>>
      %dma_wait3A_2803 = arith.constant 0 : i32
      %dma_wait3A_2804 = arith.constant 0 : i32
      %dma_wait3A_2805 = tpu.memref_slice %arg2[%dma_wait3A_2803, %dma_wait3A_2804] : memref<1000000x64xf32, #tpu.memory_space<hbm>> -> memref<8x64xf32, #tpu.memory_space<hbm>>
      %dma_wait3A_2806 = tpu.memref_slice %arg8[%select_n3A_2798] : memref<16x!tpu.dma_semaphore, #tpu.memory_space<semaphore_mem>> -> memref<1x!tpu.dma_semaphore, #tpu.memory_space<semaphore_mem>>
      %dma_wait3A_2807 = tpu.memref_squeeze %dma_wait3A_2806 : memref<1x!tpu.dma_semaphore, #tpu.memory_space<semaphore_mem>> -> memref<!tpu.dma_semaphore, #tpu.memory_space<semaphore_mem>>
      %dma_wait3A_2808 = arith.constant 0 : i32
      %dma_wait3A_2809 = arith.constant 0 : i32
      %dma_wait3A_2810 = tpu.memref_slice %arg6[%select_n3A_2798, %dma_wait3A_2808, %dma_wait3A_2809] : memref<16x8x64xf32, #tpu.memory_space<vmem>> -> memref<1x8x64xf32, #tpu.memory_space<vmem>>
      %dma_wait3A_2811 = tpu.memref_squeeze %dma_wait3A_2810 : memref<1x8x64xf32, #tpu.memory_space<vmem>> -> memref<8x64xf32, #tpu.memory_space<vmem>>
      %dma_wait3A_2812 = arith.constant 0 : i32
      %dma_wait3A_2813 = arith.constant 0 : i32
      %dma_wait3A_2814 = tpu.memref_slice %arg2[%dma_wait3A_2812, %dma_wait3A_2813] : memref<1000000x64xf32, #tpu.memory_space<hbm>> -> memref<8x64xf32, #tpu.memory_space<hbm>>
      tpu.wait_dma2 semaphore(%dma_wait3A_2807 : memref<!tpu.dma_semaphore, #tpu.memory_space<semaphore_mem>>) src(%dma_wait3A_2814 : memref<8x64xf32, #tpu.memory_space<hbm>>) dst(%dma_wait3A_2811 : memref<8x64xf32, #tpu.memory_space<vmem>>)
      %slice3A_2815 = vector.extract_strided_slice %get3A_2128 {offsets = [5], sizes = [1], strides = [1]} : vector<16xi32> to vector<1xi32>
      %squeeze3A_2816 = vector.extract %slice3A_2815[0] : i32 from vector<1xi32>
      %mul3A_2817 = arith.constant 0 : i32
      %mul3A_2818 = vector.broadcast %mul3A_2817 : i32 to vector<16xi32>
      %mul3A_2819 = arith.muli %iota3A, %mul3A_2818 : vector<16xi32>
      %and3A_2820 = arith.constant 7 : i32
      %and3A_2821 = arith.andi %squeeze3A_2816, %and3A_2820 : i32
      %add3A_2822 = vector.broadcast %and3A_2821 : i32 to vector<16xi32>
      %add3A_2823 = arith.addi %mul3A_2819, %add3A_2822 : vector<16xi32>
      %add3A_2824 = arith.constant 0 : i32
      %add3A_2825 = vector.broadcast %add3A_2824 : i32 to vector<16xi32>
      %add3A_2826 = arith.addi %iota3A, %add3A_2825 : vector<16xi32>
      %gather3A_2827 = arith.constant 0 : i32
      %gather3A_2828 = arith.constant 0 : i32
      %gather3A_2829 = tpu.memref_slice %arg6[%select_n3A_2798, %gather3A_2827, %gather3A_2828] : memref<16x8x64xf32, #tpu.memory_space<vmem>> -> memref<1x8x64xf32, #tpu.memory_space<vmem>>
      %gather3A_2830 = tpu.memref_squeeze %gather3A_2829 : memref<1x8x64xf32, #tpu.memory_space<vmem>> -> memref<8x64xf32, #tpu.memory_space<vmem>>
      %gather3A_2831 = tpu.vector_load_idx %gather3A_2830[%add3A_2823, %add3A_2826] : memref<8x64xf32, #tpu.memory_space<vmem>>[vector<16xi32>, vector<16xi32>], vector<16xf32>,
      %mul3A_2832 = arith.constant 0 : i32
      %mul3A_2833 = vector.broadcast %mul3A_2832 : i32 to vector<16xi32>
      %mul3A_2834 = arith.muli %iota3A, %mul3A_2833 : vector<16xi32>
      %add3A_2835 = vector.broadcast %add3A_2782 : i32 to vector<16xi32>
      %add3A_2836 = arith.addi %mul3A_2834, %add3A_2835 : vector<16xi32>
      %add3A_2837 = arith.constant 0 : i32
      %add3A_2838 = vector.broadcast %add3A_2837 : i32 to vector<16xi32>
      %add3A_2839 = arith.addi %iota3A, %add3A_2838 : vector<16xi32>
      tpu.vector_store_idx %arg7[%add3A_2836, %add3A_2839], %gather3A_2831 : memref<512x64xf32, #tpu.memory_space<vmem>>[vector<16xi32>, vector<16xi32>], vector<16xf32>,
      %add3A_2840 = arith.constant 16 : i32
      %add3A_2841 = vector.broadcast %add3A_2840 : i32 to vector<16xi32>
      %add3A_2842 = arith.addi %iota3A, %add3A_2841 : vector<16xi32>
      %gather3A_2843 = arith.constant 0 : i32
      %gather3A_2844 = arith.constant 0 : i32
      %gather3A_2845 = tpu.memref_slice %arg6[%select_n3A_2798, %gather3A_2843, %gather3A_2844] : memref<16x8x64xf32, #tpu.memory_space<vmem>> -> memref<1x8x64xf32, #tpu.memory_space<vmem>>
      %gather3A_2846 = tpu.memref_squeeze %gather3A_2845 : memref<1x8x64xf32, #tpu.memory_space<vmem>> -> memref<8x64xf32, #tpu.memory_space<vmem>>
      %gather3A_2847 = tpu.vector_load_idx %gather3A_2846[%add3A_2823, %add3A_2842] : memref<8x64xf32, #tpu.memory_space<vmem>>[vector<16xi32>, vector<16xi32>], vector<16xf32>,
      %mul3A_2848 = arith.constant 0 : i32
      %mul3A_2849 = vector.broadcast %mul3A_2848 : i32 to vector<16xi32>
      %mul3A_2850 = arith.muli %iota3A, %mul3A_2849 : vector<16xi32>
      %add3A_2851 = vector.broadcast %add3A_2782 : i32 to vector<16xi32>
      %add3A_2852 = arith.addi %mul3A_2850, %add3A_2851 : vector<16xi32>
      %add3A_2853 = arith.constant 16 : i32
      %add3A_2854 = vector.broadcast %add3A_2853 : i32 to vector<16xi32>
      %add3A_2855 = arith.addi %iota3A, %add3A_2854 : vector<16xi32>
      tpu.vector_store_idx %arg7[%add3A_2852, %add3A_2855], %gather3A_2847 : memref<512x64xf32, #tpu.memory_space<vmem>>[vector<16xi32>, vector<16xi32>], vector<16xf32>,
      %add3A_2856 = arith.constant 32 : i32
      %add3A_2857 = vector.broadcast %add3A_2856 : i32 to vector<16xi32>
      %add3A_2858 = arith.addi %iota3A, %add3A_2857 : vector<16xi32>
      %gather3A_2859 = arith.constant 0 : i32
      %gather3A_2860 = arith.constant 0 : i32
      %gather3A_2861 = tpu.memref_slice %arg6[%select_n3A_2798, %gather3A_2859, %gather3A_2860] : memref<16x8x64xf32, #tpu.memory_space<vmem>> -> memref<1x8x64xf32, #tpu.memory_space<vmem>>
      %gather3A_2862 = tpu.memref_squeeze %gather3A_2861 : memref<1x8x64xf32, #tpu.memory_space<vmem>> -> memref<8x64xf32, #tpu.memory_space<vmem>>
      %gather3A_2863 = tpu.vector_load_idx %gather3A_2862[%add3A_2823, %add3A_2858] : memref<8x64xf32, #tpu.memory_space<vmem>>[vector<16xi32>, vector<16xi32>], vector<16xf32>,
      %mul3A_2864 = arith.constant 0 : i32
      %mul3A_2865 = vector.broadcast %mul3A_2864 : i32 to vector<16xi32>
      %mul3A_2866 = arith.muli %iota3A, %mul3A_2865 : vector<16xi32>
      %add3A_2867 = vector.broadcast %add3A_2782 : i32 to vector<16xi32>
      %add3A_2868 = arith.addi %mul3A_2866, %add3A_2867 : vector<16xi32>
      %add3A_2869 = arith.constant 32 : i32
      %add3A_2870 = vector.broadcast %add3A_2869 : i32 to vector<16xi32>
      %add3A_2871 = arith.addi %iota3A, %add3A_2870 : vector<16xi32>
      tpu.vector_store_idx %arg7[%add3A_2868, %add3A_2871], %gather3A_2863 : memref<512x64xf32, #tpu.memory_space<vmem>>[vector<16xi32>, vector<16xi32>], vector<16xf32>,
      %add3A_2872 = arith.constant 48 : i32
      %add3A_2873 = vector.broadcast %add3A_2872 : i32 to vector<16xi32>
      %add3A_2874 = arith.addi %iota3A, %add3A_2873 : vector<16xi32>
      %gather3A_2875 = arith.constant 0 : i32
      %gather3A_2876 = arith.constant 0 : i32
      %gather3A_2877 = tpu.memref_slice %arg6[%select_n3A_2798, %gather3A_2875, %gather3A_2876] : memref<16x8x64xf32, #tpu.memory_space<vmem>> -> memref<1x8x64xf32, #tpu.memory_space<vmem>>
      %gather3A_2878 = tpu.memref_squeeze %gather3A_2877 : memref<1x8x64xf32, #tpu.memory_space<vmem>> -> memref<8x64xf32, #tpu.memory_space<vmem>>
      %gather3A_2879 = tpu.vector_load_idx %gather3A_2878[%add3A_2823, %add3A_2874] : memref<8x64xf32, #tpu.memory_space<vmem>>[vector<16xi32>, vector<16xi32>], vector<16xf32>,
      %mul3A_2880 = arith.constant 0 : i32
      %mul3A_2881 = vector.broadcast %mul3A_2880 : i32 to vector<16xi32>
      %mul3A_2882 = arith.muli %iota3A, %mul3A_2881 : vector<16xi32>
      %add3A_2883 = vector.broadcast %add3A_2782 : i32 to vector<16xi32>
      %add3A_2884 = arith.addi %mul3A_2882, %add3A_2883 : vector<16xi32>
      %add3A_2885 = arith.constant 48 : i32
      %add3A_2886 = vector.broadcast %add3A_2885 : i32 to vector<16xi32>
      %add3A_2887 = arith.addi %iota3A, %add3A_2886 : vector<16xi32>
      tpu.vector_store_idx %arg7[%add3A_2884, %add3A_2887], %gather3A_2879 : memref<512x64xf32, #tpu.memory_space<vmem>>[vector<16xi32>, vector<16xi32>], vector<16xf32>,
      %slice3A_2888 = vector.extract_strided_slice %get3A_2124 {offsets = [5], sizes = [1], strides = [1]} : vector<16xi32> to vector<1xi32>
      %squeeze3A_2889 = vector.extract %slice3A_2888[0] : i32 from vector<1xi32>
      %shift_right_arithmetic3A_2890 = arith.constant 3 : i32
      %shift_right_arithmetic3A_2891 = arith.shrsi %squeeze3A_2889, %shift_right_arithmetic3A_2890 : i32
      %mul3A_2892 = arith.constant 8 : i32
      %mul3A_2893 = arith.muli %shift_right_arithmetic3A_2891, %mul3A_2892 : i32
      %multiple_of3A_2894 = tpu.assume_multiple %mul3A_2893, 8 : i32
      %dma_start3A_2895 = arith.constant 0 : i32
      %dma_start3A_2896 = arith.constant 0 : i32
      %dma_start3A_2897 = tpu.memref_slice %arg6[%select_n3A_2798, %dma_start3A_2895, %dma_start3A_2896] : memref<16x8x64xf32, #tpu.memory_space<vmem>> -> memref<1x8x64xf32, #tpu.memory_space<vmem>>
      %dma_start3A_2898 = tpu.memref_squeeze %dma_start3A_2897 : memref<1x8x64xf32, #tpu.memory_space<vmem>> -> memref<8x64xf32, #tpu.memory_space<vmem>>
      %dma_start3A_2899 = arith.constant 0 : i32
      %dma_start3A_2900 = tpu.memref_slice %arg2[%multiple_of3A_2894, %dma_start3A_2899] : memref<1000000x64xf32, #tpu.memory_space<hbm>> -> memref<8x64xf32, #tpu.memory_space<hbm>>
      %dma_start3A_2901 = tpu.memref_slice %arg8[%select_n3A_2798] : memref<16x!tpu.dma_semaphore, #tpu.memory_space<semaphore_mem>> -> memref<1x!tpu.dma_semaphore, #tpu.memory_space<semaphore_mem>>
      %dma_start3A_2902 = tpu.memref_squeeze %dma_start3A_2901 : memref<1x!tpu.dma_semaphore, #tpu.memory_space<semaphore_mem>> -> memref<!tpu.dma_semaphore, #tpu.memory_space<semaphore_mem>>
      %dma_start3A_2903 = arith.constant 0 : i32
      %dma_start3A_2904 = arith.constant 0 : i32
      %dma_start3A_2905 = tpu.memref_slice %arg6[%select_n3A_2798, %dma_start3A_2903, %dma_start3A_2904] : memref<16x8x64xf32, #tpu.memory_space<vmem>> -> memref<1x8x64xf32, #tpu.memory_space<vmem>>
      %dma_start3A_2906 = tpu.memref_squeeze %dma_start3A_2905 : memref<1x8x64xf32, #tpu.memory_space<vmem>> -> memref<8x64xf32, #tpu.memory_space<vmem>>
      %dma_start3A_2907 = arith.constant 0 : i32
      %dma_start3A_2908 = tpu.memref_slice %arg2[%multiple_of3A_2894, %dma_start3A_2907] : memref<1000000x64xf32, #tpu.memory_space<hbm>> -> memref<8x64xf32, #tpu.memory_space<hbm>>
      tpu.enqueue_dma source(%dma_start3A_2908 : memref<8x64xf32, #tpu.memory_space<hbm>>) target(%dma_start3A_2906 : memref<8x64xf32, #tpu.memory_space<vmem>>) target_semaphore(%dma_start3A_2902 : memref<!tpu.dma_semaphore, #tpu.memory_space<semaphore_mem>>)
      %mul3A_2909 = arith.constant 16 : i32
      %mul3A_2910 = arith.muli %scan3A_2118, %mul3A_2909 : i32
      %add3A_2911 = arith.constant 6 : i32
      %add3A_2912 = arith.addi %mul3A_2910, %add3A_2911 : i32
      %jit3A_2913 = arith.constant 16 : i32
      %eq3A_2914 = arith.constant 0 : i32
      %eq3A_2915 = arith.cmpi eq, %jit3A_2913, %eq3A_2914 : i32
      %jit3A_2916 = arith.constant 1 : i32
      %select_n3A_2917 = arith.select %eq3A_2915, %jit3A_2916, %jit3A_2913 : i32
      %rem3A_2918 = arith.remsi %add3A_2912, %select_n3A_2917 : i32
      %ne3A_2919 = arith.constant 0 : i32
      %ne3A_2920 = arith.cmpi ne, %rem3A_2918, %ne3A_2919 : i32
      %lt3A_2921 = arith.constant 0 : i32
      %lt3A_2922 = arith.cmpi slt, %rem3A_2918, %lt3A_2921 : i32
      %lt3A_2923 = arith.constant 0 : i32
      %lt3A_2924 = arith.cmpi slt, %select_n3A_2917, %lt3A_2923 : i32
      %ne3A_2925 = arith.xori %lt3A_2922, %lt3A_2924 : i1
      %and3A_2926 = arith.andi %ne3A_2925, %ne3A_2920 : i1
      %add3A_2927 = arith.addi %rem3A_2918, %select_n3A_2917 : i32
      %select_n3A_2928 = arith.select %and3A_2926, %add3A_2927, %rem3A_2918 : i32
      %dma_wait3A_2929 = arith.constant 0 : i32
      %dma_wait3A_2930 = arith.constant 0 : i32
      %dma_wait3A_2931 = tpu.memref_slice %arg6[%select_n3A_2928, %dma_wait3A_2929, %dma_wait3A_2930] : memref<16x8x64xf32, #tpu.memory_space<vmem>> -> memref<1x8x64xf32, #tpu.memory_space<vmem>>
      %dma_wait3A_2932 = tpu.memref_squeeze %dma_wait3A_2931 : memref<1x8x64xf32, #tpu.memory_space<vmem>> -> memref<8x64xf32, #tpu.memory_space<vmem>>
      %dma_wait3A_2933 = arith.constant 0 : i32
      %dma_wait3A_2934 = arith.constant 0 : i32
      %dma_wait3A_2935 = tpu.memref_slice %arg2[%dma_wait3A_2933, %dma_wait3A_2934] : memref<1000000x64xf32, #tpu.memory_space<hbm>> -> memref<8x64xf32, #tpu.memory_space<hbm>>
      %dma_wait3A_2936 = tpu.memref_slice %arg8[%select_n3A_2928] : memref<16x!tpu.dma_semaphore, #tpu.memory_space<semaphore_mem>> -> memref<1x!tpu.dma_semaphore, #tpu.memory_space<semaphore_mem>>
      %dma_wait3A_2937 = tpu.memref_squeeze %dma_wait3A_2936 : memref<1x!tpu.dma_semaphore, #tpu.memory_space<semaphore_mem>> -> memref<!tpu.dma_semaphore, #tpu.memory_space<semaphore_mem>>
      %dma_wait3A_2938 = arith.constant 0 : i32
      %dma_wait3A_2939 = arith.constant 0 : i32
      %dma_wait3A_2940 = tpu.memref_slice %arg6[%select_n3A_2928, %dma_wait3A_2938, %dma_wait3A_2939] : memref<16x8x64xf32, #tpu.memory_space<vmem>> -> memref<1x8x64xf32, #tpu.memory_space<vmem>>
      %dma_wait3A_2941 = tpu.memref_squeeze %dma_wait3A_2940 : memref<1x8x64xf32, #tpu.memory_space<vmem>> -> memref<8x64xf32, #tpu.memory_space<vmem>>
      %dma_wait3A_2942 = arith.constant 0 : i32
      %dma_wait3A_2943 = arith.constant 0 : i32
      %dma_wait3A_2944 = tpu.memref_slice %arg2[%dma_wait3A_2942, %dma_wait3A_2943] : memref<1000000x64xf32, #tpu.memory_space<hbm>> -> memref<8x64xf32, #tpu.memory_space<hbm>>
      tpu.wait_dma2 semaphore(%dma_wait3A_2937 : memref<!tpu.dma_semaphore, #tpu.memory_space<semaphore_mem>>) src(%dma_wait3A_2944 : memref<8x64xf32, #tpu.memory_space<hbm>>) dst(%dma_wait3A_2941 : memref<8x64xf32, #tpu.memory_space<vmem>>)
      %slice3A_2945 = vector.extract_strided_slice %get3A_2128 {offsets = [6], sizes = [1], strides = [1]} : vector<16xi32> to vector<1xi32>
      %squeeze3A_2946 = vector.extract %slice3A_2945[0] : i32 from vector<1xi32>
      %mul3A_2947 = arith.constant 0 : i32
      %mul3A_2948 = vector.broadcast %mul3A_2947 : i32 to vector<16xi32>
      %mul3A_2949 = arith.muli %iota3A, %mul3A_2948 : vector<16xi32>
      %and3A_2950 = arith.constant 7 : i32
      %and3A_2951 = arith.andi %squeeze3A_2946, %and3A_2950 : i32
      %add3A_2952 = vector.broadcast %and3A_2951 : i32 to vector<16xi32>
      %add3A_2953 = arith.addi %mul3A_2949, %add3A_2952 : vector<16xi32>
      %add3A_2954 = arith.constant 0 : i32
      %add3A_2955 = vector.broadcast %add3A_2954 : i32 to vector<16xi32>
      %add3A_2956 = arith.addi %iota3A, %add3A_2955 : vector<16xi32>
      %gather3A_2957 = arith.constant 0 : i32
      %gather3A_2958 = arith.constant 0 : i32
      %gather3A_2959 = tpu.memref_slice %arg6[%select_n3A_2928, %gather3A_2957, %gather3A_2958] : memref<16x8x64xf32, #tpu.memory_space<vmem>> -> memref<1x8x64xf32, #tpu.memory_space<vmem>>
      %gather3A_2960 = tpu.memref_squeeze %gather3A_2959 : memref<1x8x64xf32, #tpu.memory_space<vmem>> -> memref<8x64xf32, #tpu.memory_space<vmem>>
      %gather3A_2961 = tpu.vector_load_idx %gather3A_2960[%add3A_2953, %add3A_2956] : memref<8x64xf32, #tpu.memory_space<vmem>>[vector<16xi32>, vector<16xi32>], vector<16xf32>,
      %mul3A_2962 = arith.constant 0 : i32
      %mul3A_2963 = vector.broadcast %mul3A_2962 : i32 to vector<16xi32>
      %mul3A_2964 = arith.muli %iota3A, %mul3A_2963 : vector<16xi32>
      %add3A_2965 = vector.broadcast %add3A_2912 : i32 to vector<16xi32>
      %add3A_2966 = arith.addi %mul3A_2964, %add3A_2965 : vector<16xi32>
      %add3A_2967 = arith.constant 0 : i32
      %add3A_2968 = vector.broadcast %add3A_2967 : i32 to vector<16xi32>
      %add3A_2969 = arith.addi %iota3A, %add3A_2968 : vector<16xi32>
      tpu.vector_store_idx %arg7[%add3A_2966, %add3A_2969], %gather3A_2961 : memref<512x64xf32, #tpu.memory_space<vmem>>[vector<16xi32>, vector<16xi32>], vector<16xf32>,
      %add3A_2970 = arith.constant 16 : i32
      %add3A_2971 = vector.broadcast %add3A_2970 : i32 to vector<16xi32>
      %add3A_2972 = arith.addi %iota3A, %add3A_2971 : vector<16xi32>
      %gather3A_2973 = arith.constant 0 : i32
      %gather3A_2974 = arith.constant 0 : i32
      %gather3A_2975 = tpu.memref_slice %arg6[%select_n3A_2928, %gather3A_2973, %gather3A_2974] : memref<16x8x64xf32, #tpu.memory_space<vmem>> -> memref<1x8x64xf32, #tpu.memory_space<vmem>>
      %gather3A_2976 = tpu.memref_squeeze %gather3A_2975 : memref<1x8x64xf32, #tpu.memory_space<vmem>> -> memref<8x64xf32, #tpu.memory_space<vmem>>
      %gather3A_2977 = tpu.vector_load_idx %gather3A_2976[%add3A_2953, %add3A_2972] : memref<8x64xf32, #tpu.memory_space<vmem>>[vector<16xi32>, vector<16xi32>], vector<16xf32>,
      %mul3A_2978 = arith.constant 0 : i32
      %mul3A_2979 = vector.broadcast %mul3A_2978 : i32 to vector<16xi32>
      %mul3A_2980 = arith.muli %iota3A, %mul3A_2979 : vector<16xi32>
      %add3A_2981 = vector.broadcast %add3A_2912 : i32 to vector<16xi32>
      %add3A_2982 = arith.addi %mul3A_2980, %add3A_2981 : vector<16xi32>
      %add3A_2983 = arith.constant 16 : i32
      %add3A_2984 = vector.broadcast %add3A_2983 : i32 to vector<16xi32>
      %add3A_2985 = arith.addi %iota3A, %add3A_2984 : vector<16xi32>
      tpu.vector_store_idx %arg7[%add3A_2982, %add3A_2985], %gather3A_2977 : memref<512x64xf32, #tpu.memory_space<vmem>>[vector<16xi32>, vector<16xi32>], vector<16xf32>,
      %add3A_2986 = arith.constant 32 : i32
      %add3A_2987 = vector.broadcast %add3A_2986 : i32 to vector<16xi32>
      %add3A_2988 = arith.addi %iota3A, %add3A_2987 : vector<16xi32>
      %gather3A_2989 = arith.constant 0 : i32
      %gather3A_2990 = arith.constant 0 : i32
      %gather3A_2991 = tpu.memref_slice %arg6[%select_n3A_2928, %gather3A_2989, %gather3A_2990] : memref<16x8x64xf32, #tpu.memory_space<vmem>> -> memref<1x8x64xf32, #tpu.memory_space<vmem>>
      %gather3A_2992 = tpu.memref_squeeze %gather3A_2991 : memref<1x8x64xf32, #tpu.memory_space<vmem>> -> memref<8x64xf32, #tpu.memory_space<vmem>>
      %gather3A_2993 = tpu.vector_load_idx %gather3A_2992[%add3A_2953, %add3A_2988] : memref<8x64xf32, #tpu.memory_space<vmem>>[vector<16xi32>, vector<16xi32>], vector<16xf32>,
      %mul3A_2994 = arith.constant 0 : i32
      %mul3A_2995 = vector.broadcast %mul3A_2994 : i32 to vector<16xi32>
      %mul3A_2996 = arith.muli %iota3A, %mul3A_2995 : vector<16xi32>
      %add3A_2997 = vector.broadcast %add3A_2912 : i32 to vector<16xi32>
      %add3A_2998 = arith.addi %mul3A_2996, %add3A_2997 : vector<16xi32>
      %add3A_2999 = arith.constant 32 : i32
      %add3A_3000 = vector.broadcast %add3A_2999 : i32 to vector<16xi32>
      %add3A_3001 = arith.addi %iota3A, %add3A_3000 : vector<16xi32>
      tpu.vector_store_idx %arg7[%add3A_2998, %add3A_3001], %gather3A_2993 : memref<512x64xf32, #tpu.memory_space<vmem>>[vector<16xi32>, vector<16xi32>], vector<16xf32>,
      %add3A_3002 = arith.constant 48 : i32
      %add3A_3003 = vector.broadcast %add3A_3002 : i32 to vector<16xi32>
      %add3A_3004 = arith.addi %iota3A, %add3A_3003 : vector<16xi32>
      %gather3A_3005 = arith.constant 0 : i32
      %gather3A_3006 = arith.constant 0 : i32
      %gather3A_3007 = tpu.memref_slice %arg6[%select_n3A_2928, %gather3A_3005, %gather3A_3006] : memref<16x8x64xf32, #tpu.memory_space<vmem>> -> memref<1x8x64xf32, #tpu.memory_space<vmem>>
      %gather3A_3008 = tpu.memref_squeeze %gather3A_3007 : memref<1x8x64xf32, #tpu.memory_space<vmem>> -> memref<8x64xf32, #tpu.memory_space<vmem>>
      %gather3A_3009 = tpu.vector_load_idx %gather3A_3008[%add3A_2953, %add3A_3004] : memref<8x64xf32, #tpu.memory_space<vmem>>[vector<16xi32>, vector<16xi32>], vector<16xf32>,
      %mul3A_3010 = arith.constant 0 : i32
      %mul3A_3011 = vector.broadcast %mul3A_3010 : i32 to vector<16xi32>
      %mul3A_3012 = arith.muli %iota3A, %mul3A_3011 : vector<16xi32>
      %add3A_3013 = vector.broadcast %add3A_2912 : i32 to vector<16xi32>
      %add3A_3014 = arith.addi %mul3A_3012, %add3A_3013 : vector<16xi32>
      %add3A_3015 = arith.constant 48 : i32
      %add3A_3016 = vector.broadcast %add3A_3015 : i32 to vector<16xi32>
      %add3A_3017 = arith.addi %iota3A, %add3A_3016 : vector<16xi32>
      tpu.vector_store_idx %arg7[%add3A_3014, %add3A_3017], %gather3A_3009 : memref<512x64xf32, #tpu.memory_space<vmem>>[vector<16xi32>, vector<16xi32>], vector<16xf32>,
      %slice3A_3018 = vector.extract_strided_slice %get3A_2124 {offsets = [6], sizes = [1], strides = [1]} : vector<16xi32> to vector<1xi32>
      %squeeze3A_3019 = vector.extract %slice3A_3018[0] : i32 from vector<1xi32>
      %shift_right_arithmetic3A_3020 = arith.constant 3 : i32
      %shift_right_arithmetic3A_3021 = arith.shrsi %squeeze3A_3019, %shift_right_arithmetic3A_3020 : i32
      %mul3A_3022 = arith.constant 8 : i32
      %mul3A_3023 = arith.muli %shift_right_arithmetic3A_3021, %mul3A_3022 : i32
      %multiple_of3A_3024 = tpu.assume_multiple %mul3A_3023, 8 : i32
      %dma_start3A_3025 = arith.constant 0 : i32
      %dma_start3A_3026 = arith.constant 0 : i32
      %dma_start3A_3027 = tpu.memref_slice %arg6[%select_n3A_2928, %dma_start3A_3025, %dma_start3A_3026] : memref<16x8x64xf32, #tpu.memory_space<vmem>> -> memref<1x8x64xf32, #tpu.memory_space<vmem>>
      %dma_start3A_3028 = tpu.memref_squeeze %dma_start3A_3027 : memref<1x8x64xf32, #tpu.memory_space<vmem>> -> memref<8x64xf32, #tpu.memory_space<vmem>>
      %dma_start3A_3029 = arith.constant 0 : i32
      %dma_start3A_3030 = tpu.memref_slice %arg2[%multiple_of3A_3024, %dma_start3A_3029] : memref<1000000x64xf32, #tpu.memory_space<hbm>> -> memref<8x64xf32, #tpu.memory_space<hbm>>
      %dma_start3A_3031 = tpu.memref_slice %arg8[%select_n3A_2928] : memref<16x!tpu.dma_semaphore, #tpu.memory_space<semaphore_mem>> -> memref<1x!tpu.dma_semaphore, #tpu.memory_space<semaphore_mem>>
      %dma_start3A_3032 = tpu.memref_squeeze %dma_start3A_3031 : memref<1x!tpu.dma_semaphore, #tpu.memory_space<semaphore_mem>> -> memref<!tpu.dma_semaphore, #tpu.memory_space<semaphore_mem>>
      %dma_start3A_3033 = arith.constant 0 : i32
      %dma_start3A_3034 = arith.constant 0 : i32
      %dma_start3A_3035 = tpu.memref_slice %arg6[%select_n3A_2928, %dma_start3A_3033, %dma_start3A_3034] : memref<16x8x64xf32, #tpu.memory_space<vmem>> -> memref<1x8x64xf32, #tpu.memory_space<vmem>>
      %dma_start3A_3036 = tpu.memref_squeeze %dma_start3A_3035 : memref<1x8x64xf32, #tpu.memory_space<vmem>> -> memref<8x64xf32, #tpu.memory_space<vmem>>
      %dma_start3A_3037 = arith.constant 0 : i32
      %dma_start3A_3038 = tpu.memref_slice %arg2[%multiple_of3A_3024, %dma_start3A_3037] : memref<1000000x64xf32, #tpu.memory_space<hbm>> -> memref<8x64xf32, #tpu.memory_space<hbm>>
      tpu.enqueue_dma source(%dma_start3A_3038 : memref<8x64xf32, #tpu.memory_space<hbm>>) target(%dma_start3A_3036 : memref<8x64xf32, #tpu.memory_space<vmem>>) target_semaphore(%dma_start3A_3032 : memref<!tpu.dma_semaphore, #tpu.memory_space<semaphore_mem>>)
      %mul3A_3039 = arith.constant 16 : i32
      %mul3A_3040 = arith.muli %scan3A_2118, %mul3A_3039 : i32
      %add3A_3041 = arith.constant 7 : i32
      %add3A_3042 = arith.addi %mul3A_3040, %add3A_3041 : i32
      %jit3A_3043 = arith.constant 16 : i32
      %eq3A_3044 = arith.constant 0 : i32
      %eq3A_3045 = arith.cmpi eq, %jit3A_3043, %eq3A_3044 : i32
      %jit3A_3046 = arith.constant 1 : i32
      %select_n3A_3047 = arith.select %eq3A_3045, %jit3A_3046, %jit3A_3043 : i32
      %rem3A_3048 = arith.remsi %add3A_3042, %select_n3A_3047 : i32
      %ne3A_3049 = arith.constant 0 : i32
      %ne3A_3050 = arith.cmpi ne, %rem3A_3048, %ne3A_3049 : i32
      %lt3A_3051 = arith.constant 0 : i32
      %lt3A_3052 = arith.cmpi slt, %rem3A_3048, %lt3A_3051 : i32
      %lt3A_3053 = arith.constant 0 : i32
      %lt3A_3054 = arith.cmpi slt, %select_n3A_3047, %lt3A_3053 : i32
      %ne3A_3055 = arith.xori %lt3A_3052, %lt3A_3054 : i1
      %and3A_3056 = arith.andi %ne3A_3055, %ne3A_3050 : i1
      %add3A_3057 = arith.addi %rem3A_3048, %select_n3A_3047 : i32
      %select_n3A_3058 = arith.select %and3A_3056, %add3A_3057, %rem3A_3048 : i32
      %dma_wait3A_3059 = arith.constant 0 : i32
      %dma_wait3A_3060 = arith.constant 0 : i32
      %dma_wait3A_3061 = tpu.memref_slice %arg6[%select_n3A_3058, %dma_wait3A_3059, %dma_wait3A_3060] : memref<16x8x64xf32, #tpu.memory_space<vmem>> -> memref<1x8x64xf32, #tpu.memory_space<vmem>>
      %dma_wait3A_3062 = tpu.memref_squeeze %dma_wait3A_3061 : memref<1x8x64xf32, #tpu.memory_space<vmem>> -> memref<8x64xf32, #tpu.memory_space<vmem>>
      %dma_wait3A_3063 = arith.constant 0 : i32
      %dma_wait3A_3064 = arith.constant 0 : i32
      %dma_wait3A_3065 = tpu.memref_slice %arg2[%dma_wait3A_3063, %dma_wait3A_3064] : memref<1000000x64xf32, #tpu.memory_space<hbm>> -> memref<8x64xf32, #tpu.memory_space<hbm>>
      %dma_wait3A_3066 = tpu.memref_slice %arg8[%select_n3A_3058] : memref<16x!tpu.dma_semaphore, #tpu.memory_space<semaphore_mem>> -> memref<1x!tpu.dma_semaphore, #tpu.memory_space<semaphore_mem>>
      %dma_wait3A_3067 = tpu.memref_squeeze %dma_wait3A_3066 : memref<1x!tpu.dma_semaphore, #tpu.memory_space<semaphore_mem>> -> memref<!tpu.dma_semaphore, #tpu.memory_space<semaphore_mem>>
      %dma_wait3A_3068 = arith.constant 0 : i32
      %dma_wait3A_3069 = arith.constant 0 : i32
      %dma_wait3A_3070 = tpu.memref_slice %arg6[%select_n3A_3058, %dma_wait3A_3068, %dma_wait3A_3069] : memref<16x8x64xf32, #tpu.memory_space<vmem>> -> memref<1x8x64xf32, #tpu.memory_space<vmem>>
      %dma_wait3A_3071 = tpu.memref_squeeze %dma_wait3A_3070 : memref<1x8x64xf32, #tpu.memory_space<vmem>> -> memref<8x64xf32, #tpu.memory_space<vmem>>
      %dma_wait3A_3072 = arith.constant 0 : i32
      %dma_wait3A_3073 = arith.constant 0 : i32
      %dma_wait3A_3074 = tpu.memref_slice %arg2[%dma_wait3A_3072, %dma_wait3A_3073] : memref<1000000x64xf32, #tpu.memory_space<hbm>> -> memref<8x64xf32, #tpu.memory_space<hbm>>
      tpu.wait_dma2 semaphore(%dma_wait3A_3067 : memref<!tpu.dma_semaphore, #tpu.memory_space<semaphore_mem>>) src(%dma_wait3A_3074 : memref<8x64xf32, #tpu.memory_space<hbm>>) dst(%dma_wait3A_3071 : memref<8x64xf32, #tpu.memory_space<vmem>>)
      %slice3A_3075 = vector.extract_strided_slice %get3A_2128 {offsets = [7], sizes = [1], strides = [1]} : vector<16xi32> to vector<1xi32>
      %squeeze3A_3076 = vector.extract %slice3A_3075[0] : i32 from vector<1xi32>
      %mul3A_3077 = arith.constant 0 : i32
      %mul3A_3078 = vector.broadcast %mul3A_3077 : i32 to vector<16xi32>
      %mul3A_3079 = arith.muli %iota3A, %mul3A_3078 : vector<16xi32>
      %and3A_3080 = arith.constant 7 : i32
      %and3A_3081 = arith.andi %squeeze3A_3076, %and3A_3080 : i32
      %add3A_3082 = vector.broadcast %and3A_3081 : i32 to vector<16xi32>
      %add3A_3083 = arith.addi %mul3A_3079, %add3A_3082 : vector<16xi32>
      %add3A_3084 = arith.constant 0 : i32
      %add3A_3085 = vector.broadcast %add3A_3084 : i32 to vector<16xi32>
      %add3A_3086 = arith.addi %iota3A, %add3A_3085 : vector<16xi32>
      %gather3A_3087 = arith.constant 0 : i32
      %gather3A_3088 = arith.constant 0 : i32
      %gather3A_3089 = tpu.memref_slice %arg6[%select_n3A_3058, %gather3A_3087, %gather3A_3088] : memref<16x8x64xf32, #tpu.memory_space<vmem>> -> memref<1x8x64xf32, #tpu.memory_space<vmem>>
      %gather3A_3090 = tpu.memref_squeeze %gather3A_3089 : memref<1x8x64xf32, #tpu.memory_space<vmem>> -> memref<8x64xf32, #tpu.memory_space<vmem>>
      %gather3A_3091 = tpu.vector_load_idx %gather3A_3090[%add3A_3083, %add3A_3086] : memref<8x64xf32, #tpu.memory_space<vmem>>[vector<16xi32>, vector<16xi32>], vector<16xf32>,
      %mul3A_3092 = arith.constant 0 : i32
      %mul3A_3093 = vector.broadcast %mul3A_3092 : i32 to vector<16xi32>
      %mul3A_3094 = arith.muli %iota3A, %mul3A_3093 : vector<16xi32>
      %add3A_3095 = vector.broadcast %add3A_3042 : i32 to vector<16xi32>
      %add3A_3096 = arith.addi %mul3A_3094, %add3A_3095 : vector<16xi32>
      %add3A_3097 = arith.constant 0 : i32
      %add3A_3098 = vector.broadcast %add3A_3097 : i32 to vector<16xi32>
      %add3A_3099 = arith.addi %iota3A, %add3A_3098 : vector<16xi32>
      tpu.vector_store_idx %arg7[%add3A_3096, %add3A_3099], %gather3A_3091 : memref<512x64xf32, #tpu.memory_space<vmem>>[vector<16xi32>, vector<16xi32>], vector<16xf32>,
      %add3A_3100 = arith.constant 16 : i32
      %add3A_3101 = vector.broadcast %add3A_3100 : i32 to vector<16xi32>
      %add3A_3102 = arith.addi %iota3A, %add3A_3101 : vector<16xi32>
      %gather3A_3103 = arith.constant 0 : i32
      %gather3A_3104 = arith.constant 0 : i32
      %gather3A_3105 = tpu.memref_slice %arg6[%select_n3A_3058, %gather3A_3103, %gather3A_3104] : memref<16x8x64xf32, #tpu.memory_space<vmem>> -> memref<1x8x64xf32, #tpu.memory_space<vmem>>
      %gather3A_3106 = tpu.memref_squeeze %gather3A_3105 : memref<1x8x64xf32, #tpu.memory_space<vmem>> -> memref<8x64xf32, #tpu.memory_space<vmem>>
      %gather3A_3107 = tpu.vector_load_idx %gather3A_3106[%add3A_3083, %add3A_3102] : memref<8x64xf32, #tpu.memory_space<vmem>>[vector<16xi32>, vector<16xi32>], vector<16xf32>,
      %mul3A_3108 = arith.constant 0 : i32
      %mul3A_3109 = vector.broadcast %mul3A_3108 : i32 to vector<16xi32>
      %mul3A_3110 = arith.muli %iota3A, %mul3A_3109 : vector<16xi32>
      %add3A_3111 = vector.broadcast %add3A_3042 : i32 to vector<16xi32>
      %add3A_3112 = arith.addi %mul3A_3110, %add3A_3111 : vector<16xi32>
      %add3A_3113 = arith.constant 16 : i32
      %add3A_3114 = vector.broadcast %add3A_3113 : i32 to vector<16xi32>
      %add3A_3115 = arith.addi %iota3A, %add3A_3114 : vector<16xi32>
      tpu.vector_store_idx %arg7[%add3A_3112, %add3A_3115], %gather3A_3107 : memref<512x64xf32, #tpu.memory_space<vmem>>[vector<16xi32>, vector<16xi32>], vector<16xf32>,
      %add3A_3116 = arith.constant 32 : i32
      %add3A_3117 = vector.broadcast %add3A_3116 : i32 to vector<16xi32>
      %add3A_3118 = arith.addi %iota3A, %add3A_3117 : vector<16xi32>
      %gather3A_3119 = arith.constant 0 : i32
      %gather3A_3120 = arith.constant 0 : i32
      %gather3A_3121 = tpu.memref_slice %arg6[%select_n3A_3058, %gather3A_3119, %gather3A_3120] : memref<16x8x64xf32, #tpu.memory_space<vmem>> -> memref<1x8x64xf32, #tpu.memory_space<vmem>>
      %gather3A_3122 = tpu.memref_squeeze %gather3A_3121 : memref<1x8x64xf32, #tpu.memory_space<vmem>> -> memref<8x64xf32, #tpu.memory_space<vmem>>
      %gather3A_3123 = tpu.vector_load_idx %gather3A_3122[%add3A_3083, %add3A_3118] : memref<8x64xf32, #tpu.memory_space<vmem>>[vector<16xi32>, vector<16xi32>], vector<16xf32>,
      %mul3A_3124 = arith.constant 0 : i32
      %mul3A_3125 = vector.broadcast %mul3A_3124 : i32 to vector<16xi32>
      %mul3A_3126 = arith.muli %iota3A, %mul3A_3125 : vector<16xi32>
      %add3A_3127 = vector.broadcast %add3A_3042 : i32 to vector<16xi32>
      %add3A_3128 = arith.addi %mul3A_3126, %add3A_3127 : vector<16xi32>
      %add3A_3129 = arith.constant 32 : i32
      %add3A_3130 = vector.broadcast %add3A_3129 : i32 to vector<16xi32>
      %add3A_3131 = arith.addi %iota3A, %add3A_3130 : vector<16xi32>
      tpu.vector_store_idx %arg7[%add3A_3128, %add3A_3131], %gather3A_3123 : memref<512x64xf32, #tpu.memory_space<vmem>>[vector<16xi32>, vector<16xi32>], vector<16xf32>,
      %add3A_3132 = arith.constant 48 : i32
      %add3A_3133 = vector.broadcast %add3A_3132 : i32 to vector<16xi32>
      %add3A_3134 = arith.addi %iota3A, %add3A_3133 : vector<16xi32>
      %gather3A_3135 = arith.constant 0 : i32
      %gather3A_3136 = arith.constant 0 : i32
      %gather3A_3137 = tpu.memref_slice %arg6[%select_n3A_3058, %gather3A_3135, %gather3A_3136] : memref<16x8x64xf32, #tpu.memory_space<vmem>> -> memref<1x8x64xf32, #tpu.memory_space<vmem>>
      %gather3A_3138 = tpu.memref_squeeze %gather3A_3137 : memref<1x8x64xf32, #tpu.memory_space<vmem>> -> memref<8x64xf32, #tpu.memory_space<vmem>>
      %gather3A_3139 = tpu.vector_load_idx %gather3A_3138[%add3A_3083, %add3A_3134] : memref<8x64xf32, #tpu.memory_space<vmem>>[vector<16xi32>, vector<16xi32>], vector<16xf32>,
      %mul3A_3140 = arith.constant 0 : i32
      %mul3A_3141 = vector.broadcast %mul3A_3140 : i32 to vector<16xi32>
      %mul3A_3142 = arith.muli %iota3A, %mul3A_3141 : vector<16xi32>
      %add3A_3143 = vector.broadcast %add3A_3042 : i32 to vector<16xi32>
      %add3A_3144 = arith.addi %mul3A_3142, %add3A_3143 : vector<16xi32>
      %add3A_3145 = arith.constant 48 : i32
      %add3A_3146 = vector.broadcast %add3A_3145 : i32 to vector<16xi32>
      %add3A_3147 = arith.addi %iota3A, %add3A_3146 : vector<16xi32>
      tpu.vector_store_idx %arg7[%add3A_3144, %add3A_3147], %gather3A_3139 : memref<512x64xf32, #tpu.memory_space<vmem>>[vector<16xi32>, vector<16xi32>], vector<16xf32>,
      %slice3A_3148 = vector.extract_strided_slice %get3A_2124 {offsets = [7], sizes = [1], strides = [1]} : vector<16xi32> to vector<1xi32>
      %squeeze3A_3149 = vector.extract %slice3A_3148[0] : i32 from vector<1xi32>
      %shift_right_arithmetic3A_3150 = arith.constant 3 : i32
      %shift_right_arithmetic3A_3151 = arith.shrsi %squeeze3A_3149, %shift_right_arithmetic3A_3150 : i32
      %mul3A_3152 = arith.constant 8 : i32
      %mul3A_3153 = arith.muli %shift_right_arithmetic3A_3151, %mul3A_3152 : i32
      %multiple_of3A_3154 = tpu.assume_multiple %mul3A_3153, 8 : i32
      %dma_start3A_3155 = arith.constant 0 : i32
      %dma_start3A_3156 = arith.constant 0 : i32
      %dma_start3A_3157 = tpu.memref_slice %arg6[%select_n3A_3058, %dma_start3A_3155, %dma_start3A_3156] : memref<16x8x64xf32, #tpu.memory_space<vmem>> -> memref<1x8x64xf32, #tpu.memory_space<vmem>>
      %dma_start3A_3158 = tpu.memref_squeeze %dma_start3A_3157 : memref<1x8x64xf32, #tpu.memory_space<vmem>> -> memref<8x64xf32, #tpu.memory_space<vmem>>
      %dma_start3A_3159 = arith.constant 0 : i32
      %dma_start3A_3160 = tpu.memref_slice %arg2[%multiple_of3A_3154, %dma_start3A_3159] : memref<1000000x64xf32, #tpu.memory_space<hbm>> -> memref<8x64xf32, #tpu.memory_space<hbm>>
      %dma_start3A_3161 = tpu.memref_slice %arg8[%select_n3A_3058] : memref<16x!tpu.dma_semaphore, #tpu.memory_space<semaphore_mem>> -> memref<1x!tpu.dma_semaphore, #tpu.memory_space<semaphore_mem>>
      %dma_start3A_3162 = tpu.memref_squeeze %dma_start3A_3161 : memref<1x!tpu.dma_semaphore, #tpu.memory_space<semaphore_mem>> -> memref<!tpu.dma_semaphore, #tpu.memory_space<semaphore_mem>>
      %dma_start3A_3163 = arith.constant 0 : i32
      %dma_start3A_3164 = arith.constant 0 : i32
      %dma_start3A_3165 = tpu.memref_slice %arg6[%select_n3A_3058, %dma_start3A_3163, %dma_start3A_3164] : memref<16x8x64xf32, #tpu.memory_space<vmem>> -> memref<1x8x64xf32, #tpu.memory_space<vmem>>
      %dma_start3A_3166 = tpu.memref_squeeze %dma_start3A_3165 : memref<1x8x64xf32, #tpu.memory_space<vmem>> -> memref<8x64xf32, #tpu.memory_space<vmem>>
      %dma_start3A_3167 = arith.constant 0 : i32
      %dma_start3A_3168 = tpu.memref_slice %arg2[%multiple_of3A_3154, %dma_start3A_3167] : memref<1000000x64xf32, #tpu.memory_space<hbm>> -> memref<8x64xf32, #tpu.memory_space<hbm>>
      tpu.enqueue_dma source(%dma_start3A_3168 : memref<8x64xf32, #tpu.memory_space<hbm>>) target(%dma_start3A_3166 : memref<8x64xf32, #tpu.memory_space<vmem>>) target_semaphore(%dma_start3A_3162 : memref<!tpu.dma_semaphore, #tpu.memory_space<semaphore_mem>>)
      %mul3A_3169 = arith.constant 16 : i32
      %mul3A_3170 = arith.muli %scan3A_2118, %mul3A_3169 : i32
      %add3A_3171 = arith.constant 8 : i32
      %add3A_3172 = arith.addi %mul3A_3170, %add3A_3171 : i32
      %jit3A_3173 = arith.constant 16 : i32
      %eq3A_3174 = arith.constant 0 : i32
      %eq3A_3175 = arith.cmpi eq, %jit3A_3173, %eq3A_3174 : i32
      %jit3A_3176 = arith.constant 1 : i32
      %select_n3A_3177 = arith.select %eq3A_3175, %jit3A_3176, %jit3A_3173 : i32
      %rem3A_3178 = arith.remsi %add3A_3172, %select_n3A_3177 : i32
      %ne3A_3179 = arith.constant 0 : i32
      %ne3A_3180 = arith.cmpi ne, %rem3A_3178, %ne3A_3179 : i32
      %lt3A_3181 = arith.constant 0 : i32
      %lt3A_3182 = arith.cmpi slt, %rem3A_3178, %lt3A_3181 : i32
      %lt3A_3183 = arith.constant 0 : i32
      %lt3A_3184 = arith.cmpi slt, %select_n3A_3177, %lt3A_3183 : i32
      %ne3A_3185 = arith.xori %lt3A_3182, %lt3A_3184 : i1
      %and3A_3186 = arith.andi %ne3A_3185, %ne3A_3180 : i1
      %add3A_3187 = arith.addi %rem3A_3178, %select_n3A_3177 : i32
      %select_n3A_3188 = arith.select %and3A_3186, %add3A_3187, %rem3A_3178 : i32
      %dma_wait3A_3189 = arith.constant 0 : i32
      %dma_wait3A_3190 = arith.constant 0 : i32
      %dma_wait3A_3191 = tpu.memref_slice %arg6[%select_n3A_3188, %dma_wait3A_3189, %dma_wait3A_3190] : memref<16x8x64xf32, #tpu.memory_space<vmem>> -> memref<1x8x64xf32, #tpu.memory_space<vmem>>
      %dma_wait3A_3192 = tpu.memref_squeeze %dma_wait3A_3191 : memref<1x8x64xf32, #tpu.memory_space<vmem>> -> memref<8x64xf32, #tpu.memory_space<vmem>>
      %dma_wait3A_3193 = arith.constant 0 : i32
      %dma_wait3A_3194 = arith.constant 0 : i32
      %dma_wait3A_3195 = tpu.memref_slice %arg2[%dma_wait3A_3193, %dma_wait3A_3194] : memref<1000000x64xf32, #tpu.memory_space<hbm>> -> memref<8x64xf32, #tpu.memory_space<hbm>>
      %dma_wait3A_3196 = tpu.memref_slice %arg8[%select_n3A_3188] : memref<16x!tpu.dma_semaphore, #tpu.memory_space<semaphore_mem>> -> memref<1x!tpu.dma_semaphore, #tpu.memory_space<semaphore_mem>>
      %dma_wait3A_3197 = tpu.memref_squeeze %dma_wait3A_3196 : memref<1x!tpu.dma_semaphore, #tpu.memory_space<semaphore_mem>> -> memref<!tpu.dma_semaphore, #tpu.memory_space<semaphore_mem>>
      %dma_wait3A_3198 = arith.constant 0 : i32
      %dma_wait3A_3199 = arith.constant 0 : i32
      %dma_wait3A_3200 = tpu.memref_slice %arg6[%select_n3A_3188, %dma_wait3A_3198, %dma_wait3A_3199] : memref<16x8x64xf32, #tpu.memory_space<vmem>> -> memref<1x8x64xf32, #tpu.memory_space<vmem>>
      %dma_wait3A_3201 = tpu.memref_squeeze %dma_wait3A_3200 : memref<1x8x64xf32, #tpu.memory_space<vmem>> -> memref<8x64xf32, #tpu.memory_space<vmem>>
      %dma_wait3A_3202 = arith.constant 0 : i32
      %dma_wait3A_3203 = arith.constant 0 : i32
      %dma_wait3A_3204 = tpu.memref_slice %arg2[%dma_wait3A_3202, %dma_wait3A_3203] : memref<1000000x64xf32, #tpu.memory_space<hbm>> -> memref<8x64xf32, #tpu.memory_space<hbm>>
      tpu.wait_dma2 semaphore(%dma_wait3A_3197 : memref<!tpu.dma_semaphore, #tpu.memory_space<semaphore_mem>>) src(%dma_wait3A_3204 : memref<8x64xf32, #tpu.memory_space<hbm>>) dst(%dma_wait3A_3201 : memref<8x64xf32, #tpu.memory_space<vmem>>)
      %slice3A_3205 = vector.extract_strided_slice %get3A_2128 {offsets = [8], sizes = [1], strides = [1]} : vector<16xi32> to vector<1xi32>
      %squeeze3A_3206 = vector.extract %slice3A_3205[0] : i32 from vector<1xi32>
      %mul3A_3207 = arith.constant 0 : i32
      %mul3A_3208 = vector.broadcast %mul3A_3207 : i32 to vector<16xi32>
      %mul3A_3209 = arith.muli %iota3A, %mul3A_3208 : vector<16xi32>
      %and3A_3210 = arith.constant 7 : i32
      %and3A_3211 = arith.andi %squeeze3A_3206, %and3A_3210 : i32
      %add3A_3212 = vector.broadcast %and3A_3211 : i32 to vector<16xi32>
      %add3A_3213 = arith.addi %mul3A_3209, %add3A_3212 : vector<16xi32>
      %add3A_3214 = arith.constant 0 : i32
      %add3A_3215 = vector.broadcast %add3A_3214 : i32 to vector<16xi32>
      %add3A_3216 = arith.addi %iota3A, %add3A_3215 : vector<16xi32>
      %gather3A_3217 = arith.constant 0 : i32
      %gather3A_3218 = arith.constant 0 : i32
      %gather3A_3219 = tpu.memref_slice %arg6[%select_n3A_3188, %gather3A_3217, %gather3A_3218] : memref<16x8x64xf32, #tpu.memory_space<vmem>> -> memref<1x8x64xf32, #tpu.memory_space<vmem>>
      %gather3A_3220 = tpu.memref_squeeze %gather3A_3219 : memref<1x8x64xf32, #tpu.memory_space<vmem>> -> memref<8x64xf32, #tpu.memory_space<vmem>>
      %gather3A_3221 = tpu.vector_load_idx %gather3A_3220[%add3A_3213, %add3A_3216] : memref<8x64xf32, #tpu.memory_space<vmem>>[vector<16xi32>, vector<16xi32>], vector<16xf32>,
      %mul3A_3222 = arith.constant 0 : i32
      %mul3A_3223 = vector.broadcast %mul3A_3222 : i32 to vector<16xi32>
      %mul3A_3224 = arith.muli %iota3A, %mul3A_3223 : vector<16xi32>
      %add3A_3225 = vector.broadcast %add3A_3172 : i32 to vector<16xi32>
      %add3A_3226 = arith.addi %mul3A_3224, %add3A_3225 : vector<16xi32>
      %add3A_3227 = arith.constant 0 : i32
      %add3A_3228 = vector.broadcast %add3A_3227 : i32 to vector<16xi32>
      %add3A_3229 = arith.addi %iota3A, %add3A_3228 : vector<16xi32>
      tpu.vector_store_idx %arg7[%add3A_3226, %add3A_3229], %gather3A_3221 : memref<512x64xf32, #tpu.memory_space<vmem>>[vector<16xi32>, vector<16xi32>], vector<16xf32>,
      %add3A_3230 = arith.constant 16 : i32
      %add3A_3231 = vector.broadcast %add3A_3230 : i32 to vector<16xi32>
      %add3A_3232 = arith.addi %iota3A, %add3A_3231 : vector<16xi32>
      %gather3A_3233 = arith.constant 0 : i32
      %gather3A_3234 = arith.constant 0 : i32
      %gather3A_3235 = tpu.memref_slice %arg6[%select_n3A_3188, %gather3A_3233, %gather3A_3234] : memref<16x8x64xf32, #tpu.memory_space<vmem>> -> memref<1x8x64xf32, #tpu.memory_space<vmem>>
      %gather3A_3236 = tpu.memref_squeeze %gather3A_3235 : memref<1x8x64xf32, #tpu.memory_space<vmem>> -> memref<8x64xf32, #tpu.memory_space<vmem>>
      %gather3A_3237 = tpu.vector_load_idx %gather3A_3236[%add3A_3213, %add3A_3232] : memref<8x64xf32, #tpu.memory_space<vmem>>[vector<16xi32>, vector<16xi32>], vector<16xf32>,
      %mul3A_3238 = arith.constant 0 : i32
      %mul3A_3239 = vector.broadcast %mul3A_3238 : i32 to vector<16xi32>
      %mul3A_3240 = arith.muli %iota3A, %mul3A_3239 : vector<16xi32>
      %add3A_3241 = vector.broadcast %add3A_3172 : i32 to vector<16xi32>
      %add3A_3242 = arith.addi %mul3A_3240, %add3A_3241 : vector<16xi32>
      %add3A_3243 = arith.constant 16 : i32
      %add3A_3244 = vector.broadcast %add3A_3243 : i32 to vector<16xi32>
      %add3A_3245 = arith.addi %iota3A, %add3A_3244 : vector<16xi32>
      tpu.vector_store_idx %arg7[%add3A_3242, %add3A_3245], %gather3A_3237 : memref<512x64xf32, #tpu.memory_space<vmem>>[vector<16xi32>, vector<16xi32>], vector<16xf32>,
      %add3A_3246 = arith.constant 32 : i32
      %add3A_3247 = vector.broadcast %add3A_3246 : i32 to vector<16xi32>
      %add3A_3248 = arith.addi %iota3A, %add3A_3247 : vector<16xi32>
      %gather3A_3249 = arith.constant 0 : i32
      %gather3A_3250 = arith.constant 0 : i32
      %gather3A_3251 = tpu.memref_slice %arg6[%select_n3A_3188, %gather3A_3249, %gather3A_3250] : memref<16x8x64xf32, #tpu.memory_space<vmem>> -> memref<1x8x64xf32, #tpu.memory_space<vmem>>
      %gather3A_3252 = tpu.memref_squeeze %gather3A_3251 : memref<1x8x64xf32, #tpu.memory_space<vmem>> -> memref<8x64xf32, #tpu.memory_space<vmem>>
      %gather3A_3253 = tpu.vector_load_idx %gather3A_3252[%add3A_3213, %add3A_3248] : memref<8x64xf32, #tpu.memory_space<vmem>>[vector<16xi32>, vector<16xi32>], vector<16xf32>,
      %mul3A_3254 = arith.constant 0 : i32
      %mul3A_3255 = vector.broadcast %mul3A_3254 : i32 to vector<16xi32>
      %mul3A_3256 = arith.muli %iota3A, %mul3A_3255 : vector<16xi32>
      %add3A_3257 = vector.broadcast %add3A_3172 : i32 to vector<16xi32>
      %add3A_3258 = arith.addi %mul3A_3256, %add3A_3257 : vector<16xi32>
      %add3A_3259 = arith.constant 32 : i32
      %add3A_3260 = vector.broadcast %add3A_3259 : i32 to vector<16xi32>
      %add3A_3261 = arith.addi %iota3A, %add3A_3260 : vector<16xi32>
      tpu.vector_store_idx %arg7[%add3A_3258, %add3A_3261], %gather3A_3253 : memref<512x64xf32, #tpu.memory_space<vmem>>[vector<16xi32>, vector<16xi32>], vector<16xf32>,
      %add3A_3262 = arith.constant 48 : i32
      %add3A_3263 = vector.broadcast %add3A_3262 : i32 to vector<16xi32>
      %add3A_3264 = arith.addi %iota3A, %add3A_3263 : vector<16xi32>
      %gather3A_3265 = arith.constant 0 : i32
      %gather3A_3266 = arith.constant 0 : i32
      %gather3A_3267 = tpu.memref_slice %arg6[%select_n3A_3188, %gather3A_3265, %gather3A_3266] : memref<16x8x64xf32, #tpu.memory_space<vmem>> -> memref<1x8x64xf32, #tpu.memory_space<vmem>>
      %gather3A_3268 = tpu.memref_squeeze %gather3A_3267 : memref<1x8x64xf32, #tpu.memory_space<vmem>> -> memref<8x64xf32, #tpu.memory_space<vmem>>
      %gather3A_3269 = tpu.vector_load_idx %gather3A_3268[%add3A_3213, %add3A_3264] : memref<8x64xf32, #tpu.memory_space<vmem>>[vector<16xi32>, vector<16xi32>], vector<16xf32>,
      %mul3A_3270 = arith.constant 0 : i32
      %mul3A_3271 = vector.broadcast %mul3A_3270 : i32 to vector<16xi32>
      %mul3A_3272 = arith.muli %iota3A, %mul3A_3271 : vector<16xi32>
      %add3A_3273 = vector.broadcast %add3A_3172 : i32 to vector<16xi32>
      %add3A_3274 = arith.addi %mul3A_3272, %add3A_3273 : vector<16xi32>
      %add3A_3275 = arith.constant 48 : i32
      %add3A_3276 = vector.broadcast %add3A_3275 : i32 to vector<16xi32>
      %add3A_3277 = arith.addi %iota3A, %add3A_3276 : vector<16xi32>
      tpu.vector_store_idx %arg7[%add3A_3274, %add3A_3277], %gather3A_3269 : memref<512x64xf32, #tpu.memory_space<vmem>>[vector<16xi32>, vector<16xi32>], vector<16xf32>,
      %slice3A_3278 = vector.extract_strided_slice %get3A_2124 {offsets = [8], sizes = [1], strides = [1]} : vector<16xi32> to vector<1xi32>
      %squeeze3A_3279 = vector.extract %slice3A_3278[0] : i32 from vector<1xi32>
      %shift_right_arithmetic3A_3280 = arith.constant 3 : i32
      %shift_right_arithmetic3A_3281 = arith.shrsi %squeeze3A_3279, %shift_right_arithmetic3A_3280 : i32
      %mul3A_3282 = arith.constant 8 : i32
      %mul3A_3283 = arith.muli %shift_right_arithmetic3A_3281, %mul3A_3282 : i32
      %multiple_of3A_3284 = tpu.assume_multiple %mul3A_3283, 8 : i32
      %dma_start3A_3285 = arith.constant 0 : i32
      %dma_start3A_3286 = arith.constant 0 : i32
      %dma_start3A_3287 = tpu.memref_slice %arg6[%select_n3A_3188, %dma_start3A_3285, %dma_start3A_3286] : memref<16x8x64xf32, #tpu.memory_space<vmem>> -> memref<1x8x64xf32, #tpu.memory_space<vmem>>
      %dma_start3A_3288 = tpu.memref_squeeze %dma_start3A_3287 : memref<1x8x64xf32, #tpu.memory_space<vmem>> -> memref<8x64xf32, #tpu.memory_space<vmem>>
      %dma_start3A_3289 = arith.constant 0 : i32
      %dma_start3A_3290 = tpu.memref_slice %arg2[%multiple_of3A_3284, %dma_start3A_3289] : memref<1000000x64xf32, #tpu.memory_space<hbm>> -> memref<8x64xf32, #tpu.memory_space<hbm>>
      %dma_start3A_3291 = tpu.memref_slice %arg8[%select_n3A_3188] : memref<16x!tpu.dma_semaphore, #tpu.memory_space<semaphore_mem>> -> memref<1x!tpu.dma_semaphore, #tpu.memory_space<semaphore_mem>>
      %dma_start3A_3292 = tpu.memref_squeeze %dma_start3A_3291 : memref<1x!tpu.dma_semaphore, #tpu.memory_space<semaphore_mem>> -> memref<!tpu.dma_semaphore, #tpu.memory_space<semaphore_mem>>
      %dma_start3A_3293 = arith.constant 0 : i32
      %dma_start3A_3294 = arith.constant 0 : i32
      %dma_start3A_3295 = tpu.memref_slice %arg6[%select_n3A_3188, %dma_start3A_3293, %dma_start3A_3294] : memref<16x8x64xf32, #tpu.memory_space<vmem>> -> memref<1x8x64xf32, #tpu.memory_space<vmem>>
      %dma_start3A_3296 = tpu.memref_squeeze %dma_start3A_3295 : memref<1x8x64xf32, #tpu.memory_space<vmem>> -> memref<8x64xf32, #tpu.memory_space<vmem>>
      %dma_start3A_3297 = arith.constant 0 : i32
      %dma_start3A_3298 = tpu.memref_slice %arg2[%multiple_of3A_3284, %dma_start3A_3297] : memref<1000000x64xf32, #tpu.memory_space<hbm>> -> memref<8x64xf32, #tpu.memory_space<hbm>>
      tpu.enqueue_dma source(%dma_start3A_3298 : memref<8x64xf32, #tpu.memory_space<hbm>>) target(%dma_start3A_3296 : memref<8x64xf32, #tpu.memory_space<vmem>>) target_semaphore(%dma_start3A_3292 : memref<!tpu.dma_semaphore, #tpu.memory_space<semaphore_mem>>)
      %mul3A_3299 = arith.constant 16 : i32
      %mul3A_3300 = arith.muli %scan3A_2118, %mul3A_3299 : i32
      %add3A_3301 = arith.constant 9 : i32
      %add3A_3302 = arith.addi %mul3A_3300, %add3A_3301 : i32
      %jit3A_3303 = arith.constant 16 : i32
      %eq3A_3304 = arith.constant 0 : i32
      %eq3A_3305 = arith.cmpi eq, %jit3A_3303, %eq3A_3304 : i32
      %jit3A_3306 = arith.constant 1 : i32
      %select_n3A_3307 = arith.select %eq3A_3305, %jit3A_3306, %jit3A_3303 : i32
      %rem3A_3308 = arith.remsi %add3A_3302, %select_n3A_3307 : i32
      %ne3A_3309 = arith.constant 0 : i32
      %ne3A_3310 = arith.cmpi ne, %rem3A_3308, %ne3A_3309 : i32
      %lt3A_3311 = arith.constant 0 : i32
      %lt3A_3312 = arith.cmpi slt, %rem3A_3308, %lt3A_3311 : i32
      %lt3A_3313 = arith.constant 0 : i32
      %lt3A_3314 = arith.cmpi slt, %select_n3A_3307, %lt3A_3313 : i32
      %ne3A_3315 = arith.xori %lt3A_3312, %lt3A_3314 : i1
      %and3A_3316 = arith.andi %ne3A_3315, %ne3A_3310 : i1
      %add3A_3317 = arith.addi %rem3A_3308, %select_n3A_3307 : i32
      %select_n3A_3318 = arith.select %and3A_3316, %add3A_3317, %rem3A_3308 : i32
      %dma_wait3A_3319 = arith.constant 0 : i32
      %dma_wait3A_3320 = arith.constant 0 : i32
      %dma_wait3A_3321 = tpu.memref_slice %arg6[%select_n3A_3318, %dma_wait3A_3319, %dma_wait3A_3320] : memref<16x8x64xf32, #tpu.memory_space<vmem>> -> memref<1x8x64xf32, #tpu.memory_space<vmem>>
      %dma_wait3A_3322 = tpu.memref_squeeze %dma_wait3A_3321 : memref<1x8x64xf32, #tpu.memory_space<vmem>> -> memref<8x64xf32, #tpu.memory_space<vmem>>
      %dma_wait3A_3323 = arith.constant 0 : i32
      %dma_wait3A_3324 = arith.constant 0 : i32
      %dma_wait3A_3325 = tpu.memref_slice %arg2[%dma_wait3A_3323, %dma_wait3A_3324] : memref<1000000x64xf32, #tpu.memory_space<hbm>> -> memref<8x64xf32, #tpu.memory_space<hbm>>
      %dma_wait3A_3326 = tpu.memref_slice %arg8[%select_n3A_3318] : memref<16x!tpu.dma_semaphore, #tpu.memory_space<semaphore_mem>> -> memref<1x!tpu.dma_semaphore, #tpu.memory_space<semaphore_mem>>
      %dma_wait3A_3327 = tpu.memref_squeeze %dma_wait3A_3326 : memref<1x!tpu.dma_semaphore, #tpu.memory_space<semaphore_mem>> -> memref<!tpu.dma_semaphore, #tpu.memory_space<semaphore_mem>>
      %dma_wait3A_3328 = arith.constant 0 : i32
      %dma_wait3A_3329 = arith.constant 0 : i32
      %dma_wait3A_3330 = tpu.memref_slice %arg6[%select_n3A_3318, %dma_wait3A_3328, %dma_wait3A_3329] : memref<16x8x64xf32, #tpu.memory_space<vmem>> -> memref<1x8x64xf32, #tpu.memory_space<vmem>>
      %dma_wait3A_3331 = tpu.memref_squeeze %dma_wait3A_3330 : memref<1x8x64xf32, #tpu.memory_space<vmem>> -> memref<8x64xf32, #tpu.memory_space<vmem>>
      %dma_wait3A_3332 = arith.constant 0 : i32
      %dma_wait3A_3333 = arith.constant 0 : i32
      %dma_wait3A_3334 = tpu.memref_slice %arg2[%dma_wait3A_3332, %dma_wait3A_3333] : memref<1000000x64xf32, #tpu.memory_space<hbm>> -> memref<8x64xf32, #tpu.memory_space<hbm>>
      tpu.wait_dma2 semaphore(%dma_wait3A_3327 : memref<!tpu.dma_semaphore, #tpu.memory_space<semaphore_mem>>) src(%dma_wait3A_3334 : memref<8x64xf32, #tpu.memory_space<hbm>>) dst(%dma_wait3A_3331 : memref<8x64xf32, #tpu.memory_space<vmem>>)
      %slice3A_3335 = vector.extract_strided_slice %get3A_2128 {offsets = [9], sizes = [1], strides = [1]} : vector<16xi32> to vector<1xi32>
      %squeeze3A_3336 = vector.extract %slice3A_3335[0] : i32 from vector<1xi32>
      %mul3A_3337 = arith.constant 0 : i32
      %mul3A_3338 = vector.broadcast %mul3A_3337 : i32 to vector<16xi32>
      %mul3A_3339 = arith.muli %iota3A, %mul3A_3338 : vector<16xi32>
      %and3A_3340 = arith.constant 7 : i32
      %and3A_3341 = arith.andi %squeeze3A_3336, %and3A_3340 : i32
      %add3A_3342 = vector.broadcast %and3A_3341 : i32 to vector<16xi32>
      %add3A_3343 = arith.addi %mul3A_3339, %add3A_3342 : vector<16xi32>
      %add3A_3344 = arith.constant 0 : i32
      %add3A_3345 = vector.broadcast %add3A_3344 : i32 to vector<16xi32>
      %add3A_3346 = arith.addi %iota3A, %add3A_3345 : vector<16xi32>
      %gather3A_3347 = arith.constant 0 : i32
      %gather3A_3348 = arith.constant 0 : i32
      %gather3A_3349 = tpu.memref_slice %arg6[%select_n3A_3318, %gather3A_3347, %gather3A_3348] : memref<16x8x64xf32, #tpu.memory_space<vmem>> -> memref<1x8x64xf32, #tpu.memory_space<vmem>>
      %gather3A_3350 = tpu.memref_squeeze %gather3A_3349 : memref<1x8x64xf32, #tpu.memory_space<vmem>> -> memref<8x64xf32, #tpu.memory_space<vmem>>
      %gather3A_3351 = tpu.vector_load_idx %gather3A_3350[%add3A_3343, %add3A_3346] : memref<8x64xf32, #tpu.memory_space<vmem>>[vector<16xi32>, vector<16xi32>], vector<16xf32>,
      %mul3A_3352 = arith.constant 0 : i32
      %mul3A_3353 = vector.broadcast %mul3A_3352 : i32 to vector<16xi32>
      %mul3A_3354 = arith.muli %iota3A, %mul3A_3353 : vector<16xi32>
      %add3A_3355 = vector.broadcast %add3A_3302 : i32 to vector<16xi32>
      %add3A_3356 = arith.addi %mul3A_3354, %add3A_3355 : vector<16xi32>
      %add3A_3357 = arith.constant 0 : i32
      %add3A_3358 = vector.broadcast %add3A_3357 : i32 to vector<16xi32>
      %add3A_3359 = arith.addi %iota3A, %add3A_3358 : vector<16xi32>
      tpu.vector_store_idx %arg7[%add3A_3356, %add3A_3359], %gather3A_3351 : memref<512x64xf32, #tpu.memory_space<vmem>>[vector<16xi32>, vector<16xi32>], vector<16xf32>,
      %add3A_3360 = arith.constant 16 : i32
      %add3A_3361 = vector.broadcast %add3A_3360 : i32 to vector<16xi32>
      %add3A_3362 = arith.addi %iota3A, %add3A_3361 : vector<16xi32>
      %gather3A_3363 = arith.constant 0 : i32
      %gather3A_3364 = arith.constant 0 : i32
      %gather3A_3365 = tpu.memref_slice %arg6[%select_n3A_3318, %gather3A_3363, %gather3A_3364] : memref<16x8x64xf32, #tpu.memory_space<vmem>> -> memref<1x8x64xf32, #tpu.memory_space<vmem>>
      %gather3A_3366 = tpu.memref_squeeze %gather3A_3365 : memref<1x8x64xf32, #tpu.memory_space<vmem>> -> memref<8x64xf32, #tpu.memory_space<vmem>>
      %gather3A_3367 = tpu.vector_load_idx %gather3A_3366[%add3A_3343, %add3A_3362] : memref<8x64xf32, #tpu.memory_space<vmem>>[vector<16xi32>, vector<16xi32>], vector<16xf32>,
      %mul3A_3368 = arith.constant 0 : i32
      %mul3A_3369 = vector.broadcast %mul3A_3368 : i32 to vector<16xi32>
      %mul3A_3370 = arith.muli %iota3A, %mul3A_3369 : vector<16xi32>
      %add3A_3371 = vector.broadcast %add3A_3302 : i32 to vector<16xi32>
      %add3A_3372 = arith.addi %mul3A_3370, %add3A_3371 : vector<16xi32>
      %add3A_3373 = arith.constant 16 : i32
      %add3A_3374 = vector.broadcast %add3A_3373 : i32 to vector<16xi32>
      %add3A_3375 = arith.addi %iota3A, %add3A_3374 : vector<16xi32>
      tpu.vector_store_idx %arg7[%add3A_3372, %add3A_3375], %gather3A_3367 : memref<512x64xf32, #tpu.memory_space<vmem>>[vector<16xi32>, vector<16xi32>], vector<16xf32>,
      %add3A_3376 = arith.constant 32 : i32
      %add3A_3377 = vector.broadcast %add3A_3376 : i32 to vector<16xi32>
      %add3A_3378 = arith.addi %iota3A, %add3A_3377 : vector<16xi32>
      %gather3A_3379 = arith.constant 0 : i32
      %gather3A_3380 = arith.constant 0 : i32
      %gather3A_3381 = tpu.memref_slice %arg6[%select_n3A_3318, %gather3A_3379, %gather3A_3380] : memref<16x8x64xf32, #tpu.memory_space<vmem>> -> memref<1x8x64xf32, #tpu.memory_space<vmem>>
      %gather3A_3382 = tpu.memref_squeeze %gather3A_3381 : memref<1x8x64xf32, #tpu.memory_space<vmem>> -> memref<8x64xf32, #tpu.memory_space<vmem>>
      %gather3A_3383 = tpu.vector_load_idx %gather3A_3382[%add3A_3343, %add3A_3378] : memref<8x64xf32, #tpu.memory_space<vmem>>[vector<16xi32>, vector<16xi32>], vector<16xf32>,
      %mul3A_3384 = arith.constant 0 : i32
      %mul3A_3385 = vector.broadcast %mul3A_3384 : i32 to vector<16xi32>
      %mul3A_3386 = arith.muli %iota3A, %mul3A_3385 : vector<16xi32>
      %add3A_3387 = vector.broadcast %add3A_3302 : i32 to vector<16xi32>
      %add3A_3388 = arith.addi %mul3A_3386, %add3A_3387 : vector<16xi32>
      %add3A_3389 = arith.constant 32 : i32
      %add3A_3390 = vector.broadcast %add3A_3389 : i32 to vector<16xi32>
      %add3A_3391 = arith.addi %iota3A, %add3A_3390 : vector<16xi32>
      tpu.vector_store_idx %arg7[%add3A_3388, %add3A_3391], %gather3A_3383 : memref<512x64xf32, #tpu.memory_space<vmem>>[vector<16xi32>, vector<16xi32>], vector<16xf32>,
      %add3A_3392 = arith.constant 48 : i32
      %add3A_3393 = vector.broadcast %add3A_3392 : i32 to vector<16xi32>
      %add3A_3394 = arith.addi %iota3A, %add3A_3393 : vector<16xi32>
      %gather3A_3395 = arith.constant 0 : i32
      %gather3A_3396 = arith.constant 0 : i32
      %gather3A_3397 = tpu.memref_slice %arg6[%select_n3A_3318, %gather3A_3395, %gather3A_3396] : memref<16x8x64xf32, #tpu.memory_space<vmem>> -> memref<1x8x64xf32, #tpu.memory_space<vmem>>
      %gather3A_3398 = tpu.memref_squeeze %gather3A_3397 : memref<1x8x64xf32, #tpu.memory_space<vmem>> -> memref<8x64xf32, #tpu.memory_space<vmem>>
      %gather3A_3399 = tpu.vector_load_idx %gather3A_3398[%add3A_3343, %add3A_3394] : memref<8x64xf32, #tpu.memory_space<vmem>>[vector<16xi32>, vector<16xi32>], vector<16xf32>,
      %mul3A_3400 = arith.constant 0 : i32
      %mul3A_3401 = vector.broadcast %mul3A_3400 : i32 to vector<16xi32>
      %mul3A_3402 = arith.muli %iota3A, %mul3A_3401 : vector<16xi32>
      %add3A_3403 = vector.broadcast %add3A_3302 : i32 to vector<16xi32>
      %add3A_3404 = arith.addi %mul3A_3402, %add3A_3403 : vector<16xi32>
      %add3A_3405 = arith.constant 48 : i32
      %add3A_3406 = vector.broadcast %add3A_3405 : i32 to vector<16xi32>
      %add3A_3407 = arith.addi %iota3A, %add3A_3406 : vector<16xi32>
      tpu.vector_store_idx %arg7[%add3A_3404, %add3A_3407], %gather3A_3399 : memref<512x64xf32, #tpu.memory_space<vmem>>[vector<16xi32>, vector<16xi32>], vector<16xf32>,
      %slice3A_3408 = vector.extract_strided_slice %get3A_2124 {offsets = [9], sizes = [1], strides = [1]} : vector<16xi32> to vector<1xi32>
      %squeeze3A_3409 = vector.extract %slice3A_3408[0] : i32 from vector<1xi32>
      %shift_right_arithmetic3A_3410 = arith.constant 3 : i32
      %shift_right_arithmetic3A_3411 = arith.shrsi %squeeze3A_3409, %shift_right_arithmetic3A_3410 : i32
      %mul3A_3412 = arith.constant 8 : i32
      %mul3A_3413 = arith.muli %shift_right_arithmetic3A_3411, %mul3A_3412 : i32
      %multiple_of3A_3414 = tpu.assume_multiple %mul3A_3413, 8 : i32
      %dma_start3A_3415 = arith.constant 0 : i32
      %dma_start3A_3416 = arith.constant 0 : i32
      %dma_start3A_3417 = tpu.memref_slice %arg6[%select_n3A_3318, %dma_start3A_3415, %dma_start3A_3416] : memref<16x8x64xf32, #tpu.memory_space<vmem>> -> memref<1x8x64xf32, #tpu.memory_space<vmem>>
      %dma_start3A_3418 = tpu.memref_squeeze %dma_start3A_3417 : memref<1x8x64xf32, #tpu.memory_space<vmem>> -> memref<8x64xf32, #tpu.memory_space<vmem>>
      %dma_start3A_3419 = arith.constant 0 : i32
      %dma_start3A_3420 = tpu.memref_slice %arg2[%multiple_of3A_3414, %dma_start3A_3419] : memref<1000000x64xf32, #tpu.memory_space<hbm>> -> memref<8x64xf32, #tpu.memory_space<hbm>>
      %dma_start3A_3421 = tpu.memref_slice %arg8[%select_n3A_3318] : memref<16x!tpu.dma_semaphore, #tpu.memory_space<semaphore_mem>> -> memref<1x!tpu.dma_semaphore, #tpu.memory_space<semaphore_mem>>
      %dma_start3A_3422 = tpu.memref_squeeze %dma_start3A_3421 : memref<1x!tpu.dma_semaphore, #tpu.memory_space<semaphore_mem>> -> memref<!tpu.dma_semaphore, #tpu.memory_space<semaphore_mem>>
      %dma_start3A_3423 = arith.constant 0 : i32
      %dma_start3A_3424 = arith.constant 0 : i32
      %dma_start3A_3425 = tpu.memref_slice %arg6[%select_n3A_3318, %dma_start3A_3423, %dma_start3A_3424] : memref<16x8x64xf32, #tpu.memory_space<vmem>> -> memref<1x8x64xf32, #tpu.memory_space<vmem>>
      %dma_start3A_3426 = tpu.memref_squeeze %dma_start3A_3425 : memref<1x8x64xf32, #tpu.memory_space<vmem>> -> memref<8x64xf32, #tpu.memory_space<vmem>>
      %dma_start3A_3427 = arith.constant 0 : i32
      %dma_start3A_3428 = tpu.memref_slice %arg2[%multiple_of3A_3414, %dma_start3A_3427] : memref<1000000x64xf32, #tpu.memory_space<hbm>> -> memref<8x64xf32, #tpu.memory_space<hbm>>
      tpu.enqueue_dma source(%dma_start3A_3428 : memref<8x64xf32, #tpu.memory_space<hbm>>) target(%dma_start3A_3426 : memref<8x64xf32, #tpu.memory_space<vmem>>) target_semaphore(%dma_start3A_3422 : memref<!tpu.dma_semaphore, #tpu.memory_space<semaphore_mem>>)
      %mul3A_3429 = arith.constant 16 : i32
      %mul3A_3430 = arith.muli %scan3A_2118, %mul3A_3429 : i32
      %add3A_3431 = arith.constant 10 : i32
      %add3A_3432 = arith.addi %mul3A_3430, %add3A_3431 : i32
      %jit3A_3433 = arith.constant 16 : i32
      %eq3A_3434 = arith.constant 0 : i32
      %eq3A_3435 = arith.cmpi eq, %jit3A_3433, %eq3A_3434 : i32
      %jit3A_3436 = arith.constant 1 : i32
      %select_n3A_3437 = arith.select %eq3A_3435, %jit3A_3436, %jit3A_3433 : i32
      %rem3A_3438 = arith.remsi %add3A_3432, %select_n3A_3437 : i32
      %ne3A_3439 = arith.constant 0 : i32
      %ne3A_3440 = arith.cmpi ne, %rem3A_3438, %ne3A_3439 : i32
      %lt3A_3441 = arith.constant 0 : i32
      %lt3A_3442 = arith.cmpi slt, %rem3A_3438, %lt3A_3441 : i32
      %lt3A_3443 = arith.constant 0 : i32
      %lt3A_3444 = arith.cmpi slt, %select_n3A_3437, %lt3A_3443 : i32
      %ne3A_3445 = arith.xori %lt3A_3442, %lt3A_3444 : i1
      %and3A_3446 = arith.andi %ne3A_3445, %ne3A_3440 : i1
      %add3A_3447 = arith.addi %rem3A_3438, %select_n3A_3437 : i32
      %select_n3A_3448 = arith.select %and3A_3446, %add3A_3447, %rem3A_3438 : i32
      %dma_wait3A_3449 = arith.constant 0 : i32
      %dma_wait3A_3450 = arith.constant 0 : i32
      %dma_wait3A_3451 = tpu.memref_slice %arg6[%select_n3A_3448, %dma_wait3A_3449, %dma_wait3A_3450] : memref<16x8x64xf32, #tpu.memory_space<vmem>> -> memref<1x8x64xf32, #tpu.memory_space<vmem>>
      %dma_wait3A_3452 = tpu.memref_squeeze %dma_wait3A_3451 : memref<1x8x64xf32, #tpu.memory_space<vmem>> -> memref<8x64xf32, #tpu.memory_space<vmem>>
      %dma_wait3A_3453 = arith.constant 0 : i32
      %dma_wait3A_3454 = arith.constant 0 : i32
      %dma_wait3A_3455 = tpu.memref_slice %arg2[%dma_wait3A_3453, %dma_wait3A_3454] : memref<1000000x64xf32, #tpu.memory_space<hbm>> -> memref<8x64xf32, #tpu.memory_space<hbm>>
      %dma_wait3A_3456 = tpu.memref_slice %arg8[%select_n3A_3448] : memref<16x!tpu.dma_semaphore, #tpu.memory_space<semaphore_mem>> -> memref<1x!tpu.dma_semaphore, #tpu.memory_space<semaphore_mem>>
      %dma_wait3A_3457 = tpu.memref_squeeze %dma_wait3A_3456 : memref<1x!tpu.dma_semaphore, #tpu.memory_space<semaphore_mem>> -> memref<!tpu.dma_semaphore, #tpu.memory_space<semaphore_mem>>
      %dma_wait3A_3458 = arith.constant 0 : i32
      %dma_wait3A_3459 = arith.constant 0 : i32
      %dma_wait3A_3460 = tpu.memref_slice %arg6[%select_n3A_3448, %dma_wait3A_3458, %dma_wait3A_3459] : memref<16x8x64xf32, #tpu.memory_space<vmem>> -> memref<1x8x64xf32, #tpu.memory_space<vmem>>
      %dma_wait3A_3461 = tpu.memref_squeeze %dma_wait3A_3460 : memref<1x8x64xf32, #tpu.memory_space<vmem>> -> memref<8x64xf32, #tpu.memory_space<vmem>>
      %dma_wait3A_3462 = arith.constant 0 : i32
      %dma_wait3A_3463 = arith.constant 0 : i32
      %dma_wait3A_3464 = tpu.memref_slice %arg2[%dma_wait3A_3462, %dma_wait3A_3463] : memref<1000000x64xf32, #tpu.memory_space<hbm>> -> memref<8x64xf32, #tpu.memory_space<hbm>>
      tpu.wait_dma2 semaphore(%dma_wait3A_3457 : memref<!tpu.dma_semaphore, #tpu.memory_space<semaphore_mem>>) src(%dma_wait3A_3464 : memref<8x64xf32, #tpu.memory_space<hbm>>) dst(%dma_wait3A_3461 : memref<8x64xf32, #tpu.memory_space<vmem>>)
      %slice3A_3465 = vector.extract_strided_slice %get3A_2128 {offsets = [10], sizes = [1], strides = [1]} : vector<16xi32> to vector<1xi32>
      %squeeze3A_3466 = vector.extract %slice3A_3465[0] : i32 from vector<1xi32>
      %mul3A_3467 = arith.constant 0 : i32
      %mul3A_3468 = vector.broadcast %mul3A_3467 : i32 to vector<16xi32>
      %mul3A_3469 = arith.muli %iota3A, %mul3A_3468 : vector<16xi32>
      %and3A_3470 = arith.constant 7 : i32
      %and3A_3471 = arith.andi %squeeze3A_3466, %and3A_3470 : i32
      %add3A_3472 = vector.broadcast %and3A_3471 : i32 to vector<16xi32>
      %add3A_3473 = arith.addi %mul3A_3469, %add3A_3472 : vector<16xi32>
      %add3A_3474 = arith.constant 0 : i32
      %add3A_3475 = vector.broadcast %add3A_3474 : i32 to vector<16xi32>
      %add3A_3476 = arith.addi %iota3A, %add3A_3475 : vector<16xi32>
      %gather3A_3477 = arith.constant 0 : i32
      %gather3A_3478 = arith.constant 0 : i32
      %gather3A_3479 = tpu.memref_slice %arg6[%select_n3A_3448, %gather3A_3477, %gather3A_3478] : memref<16x8x64xf32, #tpu.memory_space<vmem>> -> memref<1x8x64xf32, #tpu.memory_space<vmem>>
      %gather3A_3480 = tpu.memref_squeeze %gather3A_3479 : memref<1x8x64xf32, #tpu.memory_space<vmem>> -> memref<8x64xf32, #tpu.memory_space<vmem>>
      %gather3A_3481 = tpu.vector_load_idx %gather3A_3480[%add3A_3473, %add3A_3476] : memref<8x64xf32, #tpu.memory_space<vmem>>[vector<16xi32>, vector<16xi32>], vector<16xf32>,
      %mul3A_3482 = arith.constant 0 : i32
      %mul3A_3483 = vector.broadcast %mul3A_3482 : i32 to vector<16xi32>
      %mul3A_3484 = arith.muli %iota3A, %mul3A_3483 : vector<16xi32>
      %add3A_3485 = vector.broadcast %add3A_3432 : i32 to vector<16xi32>
      %add3A_3486 = arith.addi %mul3A_3484, %add3A_3485 : vector<16xi32>
      %add3A_3487 = arith.constant 0 : i32
      %add3A_3488 = vector.broadcast %add3A_3487 : i32 to vector<16xi32>
      %add3A_3489 = arith.addi %iota3A, %add3A_3488 : vector<16xi32>
      tpu.vector_store_idx %arg7[%add3A_3486, %add3A_3489], %gather3A_3481 : memref<512x64xf32, #tpu.memory_space<vmem>>[vector<16xi32>, vector<16xi32>], vector<16xf32>,
      %add3A_3490 = arith.constant 16 : i32
      %add3A_3491 = vector.broadcast %add3A_3490 : i32 to vector<16xi32>
      %add3A_3492 = arith.addi %iota3A, %add3A_3491 : vector<16xi32>
      %gather3A_3493 = arith.constant 0 : i32
      %gather3A_3494 = arith.constant 0 : i32
      %gather3A_3495 = tpu.memref_slice %arg6[%select_n3A_3448, %gather3A_3493, %gather3A_3494] : memref<16x8x64xf32, #tpu.memory_space<vmem>> -> memref<1x8x64xf32, #tpu.memory_space<vmem>>
      %gather3A_3496 = tpu.memref_squeeze %gather3A_3495 : memref<1x8x64xf32, #tpu.memory_space<vmem>> -> memref<8x64xf32, #tpu.memory_space<vmem>>
      %gather3A_3497 = tpu.vector_load_idx %gather3A_3496[%add3A_3473, %add3A_3492] : memref<8x64xf32, #tpu.memory_space<vmem>>[vector<16xi32>, vector<16xi32>], vector<16xf32>,
      %mul3A_3498 = arith.constant 0 : i32
      %mul3A_3499 = vector.broadcast %mul3A_3498 : i32 to vector<16xi32>
      %mul3A_3500 = arith.muli %iota3A, %mul3A_3499 : vector<16xi32>
      %add3A_3501 = vector.broadcast %add3A_3432 : i32 to vector<16xi32>
      %add3A_3502 = arith.addi %mul3A_3500, %add3A_3501 : vector<16xi32>
      %add3A_3503 = arith.constant 16 : i32
      %add3A_3504 = vector.broadcast %add3A_3503 : i32 to vector<16xi32>
      %add3A_3505 = arith.addi %iota3A, %add3A_3504 : vector<16xi32>
      tpu.vector_store_idx %arg7[%add3A_3502, %add3A_3505], %gather3A_3497 : memref<512x64xf32, #tpu.memory_space<vmem>>[vector<16xi32>, vector<16xi32>], vector<16xf32>,
      %add3A_3506 = arith.constant 32 : i32
      %add3A_3507 = vector.broadcast %add3A_3506 : i32 to vector<16xi32>
      %add3A_3508 = arith.addi %iota3A, %add3A_3507 : vector<16xi32>
      %gather3A_3509 = arith.constant 0 : i32
      %gather3A_3510 = arith.constant 0 : i32
      %gather3A_3511 = tpu.memref_slice %arg6[%select_n3A_3448, %gather3A_3509, %gather3A_3510] : memref<16x8x64xf32, #tpu.memory_space<vmem>> -> memref<1x8x64xf32, #tpu.memory_space<vmem>>
      %gather3A_3512 = tpu.memref_squeeze %gather3A_3511 : memref<1x8x64xf32, #tpu.memory_space<vmem>> -> memref<8x64xf32, #tpu.memory_space<vmem>>
      %gather3A_3513 = tpu.vector_load_idx %gather3A_3512[%add3A_3473, %add3A_3508] : memref<8x64xf32, #tpu.memory_space<vmem>>[vector<16xi32>, vector<16xi32>], vector<16xf32>,
      %mul3A_3514 = arith.constant 0 : i32
      %mul3A_3515 = vector.broadcast %mul3A_3514 : i32 to vector<16xi32>
      %mul3A_3516 = arith.muli %iota3A, %mul3A_3515 : vector<16xi32>
      %add3A_3517 = vector.broadcast %add3A_3432 : i32 to vector<16xi32>
      %add3A_3518 = arith.addi %mul3A_3516, %add3A_3517 : vector<16xi32>
      %add3A_3519 = arith.constant 32 : i32
      %add3A_3520 = vector.broadcast %add3A_3519 : i32 to vector<16xi32>
      %add3A_3521 = arith.addi %iota3A, %add3A_3520 : vector<16xi32>
      tpu.vector_store_idx %arg7[%add3A_3518, %add3A_3521], %gather3A_3513 : memref<512x64xf32, #tpu.memory_space<vmem>>[vector<16xi32>, vector<16xi32>], vector<16xf32>,
      %add3A_3522 = arith.constant 48 : i32
      %add3A_3523 = vector.broadcast %add3A_3522 : i32 to vector<16xi32>
      %add3A_3524 = arith.addi %iota3A, %add3A_3523 : vector<16xi32>
      %gather3A_3525 = arith.constant 0 : i32
      %gather3A_3526 = arith.constant 0 : i32
      %gather3A_3527 = tpu.memref_slice %arg6[%select_n3A_3448, %gather3A_3525, %gather3A_3526] : memref<16x8x64xf32, #tpu.memory_space<vmem>> -> memref<1x8x64xf32, #tpu.memory_space<vmem>>
      %gather3A_3528 = tpu.memref_squeeze %gather3A_3527 : memref<1x8x64xf32, #tpu.memory_space<vmem>> -> memref<8x64xf32, #tpu.memory_space<vmem>>
      %gather3A_3529 = tpu.vector_load_idx %gather3A_3528[%add3A_3473, %add3A_3524] : memref<8x64xf32, #tpu.memory_space<vmem>>[vector<16xi32>, vector<16xi32>], vector<16xf32>,
      %mul3A_3530 = arith.constant 0 : i32
      %mul3A_3531 = vector.broadcast %mul3A_3530 : i32 to vector<16xi32>
      %mul3A_3532 = arith.muli %iota3A, %mul3A_3531 : vector<16xi32>
      %add3A_3533 = vector.broadcast %add3A_3432 : i32 to vector<16xi32>
      %add3A_3534 = arith.addi %mul3A_3532, %add3A_3533 : vector<16xi32>
      %add3A_3535 = arith.constant 48 : i32
      %add3A_3536 = vector.broadcast %add3A_3535 : i32 to vector<16xi32>
      %add3A_3537 = arith.addi %iota3A, %add3A_3536 : vector<16xi32>
      tpu.vector_store_idx %arg7[%add3A_3534, %add3A_3537], %gather3A_3529 : memref<512x64xf32, #tpu.memory_space<vmem>>[vector<16xi32>, vector<16xi32>], vector<16xf32>,
      %slice3A_3538 = vector.extract_strided_slice %get3A_2124 {offsets = [10], sizes = [1], strides = [1]} : vector<16xi32> to vector<1xi32>
      %squeeze3A_3539 = vector.extract %slice3A_3538[0] : i32 from vector<1xi32>
      %shift_right_arithmetic3A_3540 = arith.constant 3 : i32
      %shift_right_arithmetic3A_3541 = arith.shrsi %squeeze3A_3539, %shift_right_arithmetic3A_3540 : i32
      %mul3A_3542 = arith.constant 8 : i32
      %mul3A_3543 = arith.muli %shift_right_arithmetic3A_3541, %mul3A_3542 : i32
      %multiple_of3A_3544 = tpu.assume_multiple %mul3A_3543, 8 : i32
      %dma_start3A_3545 = arith.constant 0 : i32
      %dma_start3A_3546 = arith.constant 0 : i32
      %dma_start3A_3547 = tpu.memref_slice %arg6[%select_n3A_3448, %dma_start3A_3545, %dma_start3A_3546] : memref<16x8x64xf32, #tpu.memory_space<vmem>> -> memref<1x8x64xf32, #tpu.memory_space<vmem>>
      %dma_start3A_3548 = tpu.memref_squeeze %dma_start3A_3547 : memref<1x8x64xf32, #tpu.memory_space<vmem>> -> memref<8x64xf32, #tpu.memory_space<vmem>>
      %dma_start3A_3549 = arith.constant 0 : i32
      %dma_start3A_3550 = tpu.memref_slice %arg2[%multiple_of3A_3544, %dma_start3A_3549] : memref<1000000x64xf32, #tpu.memory_space<hbm>> -> memref<8x64xf32, #tpu.memory_space<hbm>>
      %dma_start3A_3551 = tpu.memref_slice %arg8[%select_n3A_3448] : memref<16x!tpu.dma_semaphore, #tpu.memory_space<semaphore_mem>> -> memref<1x!tpu.dma_semaphore, #tpu.memory_space<semaphore_mem>>
      %dma_start3A_3552 = tpu.memref_squeeze %dma_start3A_3551 : memref<1x!tpu.dma_semaphore, #tpu.memory_space<semaphore_mem>> -> memref<!tpu.dma_semaphore, #tpu.memory_space<semaphore_mem>>
      %dma_start3A_3553 = arith.constant 0 : i32
      %dma_start3A_3554 = arith.constant 0 : i32
      %dma_start3A_3555 = tpu.memref_slice %arg6[%select_n3A_3448, %dma_start3A_3553, %dma_start3A_3554] : memref<16x8x64xf32, #tpu.memory_space<vmem>> -> memref<1x8x64xf32, #tpu.memory_space<vmem>>
      %dma_start3A_3556 = tpu.memref_squeeze %dma_start3A_3555 : memref<1x8x64xf32, #tpu.memory_space<vmem>> -> memref<8x64xf32, #tpu.memory_space<vmem>>
      %dma_start3A_3557 = arith.constant 0 : i32
      %dma_start3A_3558 = tpu.memref_slice %arg2[%multiple_of3A_3544, %dma_start3A_3557] : memref<1000000x64xf32, #tpu.memory_space<hbm>> -> memref<8x64xf32, #tpu.memory_space<hbm>>
      tpu.enqueue_dma source(%dma_start3A_3558 : memref<8x64xf32, #tpu.memory_space<hbm>>) target(%dma_start3A_3556 : memref<8x64xf32, #tpu.memory_space<vmem>>) target_semaphore(%dma_start3A_3552 : memref<!tpu.dma_semaphore, #tpu.memory_space<semaphore_mem>>)
      %mul3A_3559 = arith.constant 16 : i32
      %mul3A_3560 = arith.muli %scan3A_2118, %mul3A_3559 : i32
      %add3A_3561 = arith.constant 11 : i32
      %add3A_3562 = arith.addi %mul3A_3560, %add3A_3561 : i32
      %jit3A_3563 = arith.constant 16 : i32
      %eq3A_3564 = arith.constant 0 : i32
      %eq3A_3565 = arith.cmpi eq, %jit3A_3563, %eq3A_3564 : i32
      %jit3A_3566 = arith.constant 1 : i32
      %select_n3A_3567 = arith.select %eq3A_3565, %jit3A_3566, %jit3A_3563 : i32
      %rem3A_3568 = arith.remsi %add3A_3562, %select_n3A_3567 : i32
      %ne3A_3569 = arith.constant 0 : i32
      %ne3A_3570 = arith.cmpi ne, %rem3A_3568, %ne3A_3569 : i32
      %lt3A_3571 = arith.constant 0 : i32
      %lt3A_3572 = arith.cmpi slt, %rem3A_3568, %lt3A_3571 : i32
      %lt3A_3573 = arith.constant 0 : i32
      %lt3A_3574 = arith.cmpi slt, %select_n3A_3567, %lt3A_3573 : i32
      %ne3A_3575 = arith.xori %lt3A_3572, %lt3A_3574 : i1
      %and3A_3576 = arith.andi %ne3A_3575, %ne3A_3570 : i1
      %add3A_3577 = arith.addi %rem3A_3568, %select_n3A_3567 : i32
      %select_n3A_3578 = arith.select %and3A_3576, %add3A_3577, %rem3A_3568 : i32
      %dma_wait3A_3579 = arith.constant 0 : i32
      %dma_wait3A_3580 = arith.constant 0 : i32
      %dma_wait3A_3581 = tpu.memref_slice %arg6[%select_n3A_3578, %dma_wait3A_3579, %dma_wait3A_3580] : memref<16x8x64xf32, #tpu.memory_space<vmem>> -> memref<1x8x64xf32, #tpu.memory_space<vmem>>
      %dma_wait3A_3582 = tpu.memref_squeeze %dma_wait3A_3581 : memref<1x8x64xf32, #tpu.memory_space<vmem>> -> memref<8x64xf32, #tpu.memory_space<vmem>>
      %dma_wait3A_3583 = arith.constant 0 : i32
      %dma_wait3A_3584 = arith.constant 0 : i32
      %dma_wait3A_3585 = tpu.memref_slice %arg2[%dma_wait3A_3583, %dma_wait3A_3584] : memref<1000000x64xf32, #tpu.memory_space<hbm>> -> memref<8x64xf32, #tpu.memory_space<hbm>>
      %dma_wait3A_3586 = tpu.memref_slice %arg8[%select_n3A_3578] : memref<16x!tpu.dma_semaphore, #tpu.memory_space<semaphore_mem>> -> memref<1x!tpu.dma_semaphore, #tpu.memory_space<semaphore_mem>>
      %dma_wait3A_3587 = tpu.memref_squeeze %dma_wait3A_3586 : memref<1x!tpu.dma_semaphore, #tpu.memory_space<semaphore_mem>> -> memref<!tpu.dma_semaphore, #tpu.memory_space<semaphore_mem>>
      %dma_wait3A_3588 = arith.constant 0 : i32
      %dma_wait3A_3589 = arith.constant 0 : i32
      %dma_wait3A_3590 = tpu.memref_slice %arg6[%select_n3A_3578, %dma_wait3A_3588, %dma_wait3A_3589] : memref<16x8x64xf32, #tpu.memory_space<vmem>> -> memref<1x8x64xf32, #tpu.memory_space<vmem>>
      %dma_wait3A_3591 = tpu.memref_squeeze %dma_wait3A_3590 : memref<1x8x64xf32, #tpu.memory_space<vmem>> -> memref<8x64xf32, #tpu.memory_space<vmem>>
      %dma_wait3A_3592 = arith.constant 0 : i32
      %dma_wait3A_3593 = arith.constant 0 : i32
      %dma_wait3A_3594 = tpu.memref_slice %arg2[%dma_wait3A_3592, %dma_wait3A_3593] : memref<1000000x64xf32, #tpu.memory_space<hbm>> -> memref<8x64xf32, #tpu.memory_space<hbm>>
      tpu.wait_dma2 semaphore(%dma_wait3A_3587 : memref<!tpu.dma_semaphore, #tpu.memory_space<semaphore_mem>>) src(%dma_wait3A_3594 : memref<8x64xf32, #tpu.memory_space<hbm>>) dst(%dma_wait3A_3591 : memref<8x64xf32, #tpu.memory_space<vmem>>)
      %slice3A_3595 = vector.extract_strided_slice %get3A_2128 {offsets = [11], sizes = [1], strides = [1]} : vector<16xi32> to vector<1xi32>
      %squeeze3A_3596 = vector.extract %slice3A_3595[0] : i32 from vector<1xi32>
      %mul3A_3597 = arith.constant 0 : i32
      %mul3A_3598 = vector.broadcast %mul3A_3597 : i32 to vector<16xi32>
      %mul3A_3599 = arith.muli %iota3A, %mul3A_3598 : vector<16xi32>
      %and3A_3600 = arith.constant 7 : i32
      %and3A_3601 = arith.andi %squeeze3A_3596, %and3A_3600 : i32
      %add3A_3602 = vector.broadcast %and3A_3601 : i32 to vector<16xi32>
      %add3A_3603 = arith.addi %mul3A_3599, %add3A_3602 : vector<16xi32>
      %add3A_3604 = arith.constant 0 : i32
      %add3A_3605 = vector.broadcast %add3A_3604 : i32 to vector<16xi32>
      %add3A_3606 = arith.addi %iota3A, %add3A_3605 : vector<16xi32>
      %gather3A_3607 = arith.constant 0 : i32
      %gather3A_3608 = arith.constant 0 : i32
      %gather3A_3609 = tpu.memref_slice %arg6[%select_n3A_3578, %gather3A_3607, %gather3A_3608] : memref<16x8x64xf32, #tpu.memory_space<vmem>> -> memref<1x8x64xf32, #tpu.memory_space<vmem>>
      %gather3A_3610 = tpu.memref_squeeze %gather3A_3609 : memref<1x8x64xf32, #tpu.memory_space<vmem>> -> memref<8x64xf32, #tpu.memory_space<vmem>>
      %gather3A_3611 = tpu.vector_load_idx %gather3A_3610[%add3A_3603, %add3A_3606] : memref<8x64xf32, #tpu.memory_space<vmem>>[vector<16xi32>, vector<16xi32>], vector<16xf32>,
      %mul3A_3612 = arith.constant 0 : i32
      %mul3A_3613 = vector.broadcast %mul3A_3612 : i32 to vector<16xi32>
      %mul3A_3614 = arith.muli %iota3A, %mul3A_3613 : vector<16xi32>
      %add3A_3615 = vector.broadcast %add3A_3562 : i32 to vector<16xi32>
      %add3A_3616 = arith.addi %mul3A_3614, %add3A_3615 : vector<16xi32>
      %add3A_3617 = arith.constant 0 : i32
      %add3A_3618 = vector.broadcast %add3A_3617 : i32 to vector<16xi32>
      %add3A_3619 = arith.addi %iota3A, %add3A_3618 : vector<16xi32>
      tpu.vector_store_idx %arg7[%add3A_3616, %add3A_3619], %gather3A_3611 : memref<512x64xf32, #tpu.memory_space<vmem>>[vector<16xi32>, vector<16xi32>], vector<16xf32>,
      %add3A_3620 = arith.constant 16 : i32
      %add3A_3621 = vector.broadcast %add3A_3620 : i32 to vector<16xi32>
      %add3A_3622 = arith.addi %iota3A, %add3A_3621 : vector<16xi32>
      %gather3A_3623 = arith.constant 0 : i32
      %gather3A_3624 = arith.constant 0 : i32
      %gather3A_3625 = tpu.memref_slice %arg6[%select_n3A_3578, %gather3A_3623, %gather3A_3624] : memref<16x8x64xf32, #tpu.memory_space<vmem>> -> memref<1x8x64xf32, #tpu.memory_space<vmem>>
      %gather3A_3626 = tpu.memref_squeeze %gather3A_3625 : memref<1x8x64xf32, #tpu.memory_space<vmem>> -> memref<8x64xf32, #tpu.memory_space<vmem>>
      %gather3A_3627 = tpu.vector_load_idx %gather3A_3626[%add3A_3603, %add3A_3622] : memref<8x64xf32, #tpu.memory_space<vmem>>[vector<16xi32>, vector<16xi32>], vector<16xf32>,
      %mul3A_3628 = arith.constant 0 : i32
      %mul3A_3629 = vector.broadcast %mul3A_3628 : i32 to vector<16xi32>
      %mul3A_3630 = arith.muli %iota3A, %mul3A_3629 : vector<16xi32>
      %add3A_3631 = vector.broadcast %add3A_3562 : i32 to vector<16xi32>
      %add3A_3632 = arith.addi %mul3A_3630, %add3A_3631 : vector<16xi32>
      %add3A_3633 = arith.constant 16 : i32
      %add3A_3634 = vector.broadcast %add3A_3633 : i32 to vector<16xi32>
      %add3A_3635 = arith.addi %iota3A, %add3A_3634 : vector<16xi32>
      tpu.vector_store_idx %arg7[%add3A_3632, %add3A_3635], %gather3A_3627 : memref<512x64xf32, #tpu.memory_space<vmem>>[vector<16xi32>, vector<16xi32>], vector<16xf32>,
      %add3A_3636 = arith.constant 32 : i32
      %add3A_3637 = vector.broadcast %add3A_3636 : i32 to vector<16xi32>
      %add3A_3638 = arith.addi %iota3A, %add3A_3637 : vector<16xi32>
      %gather3A_3639 = arith.constant 0 : i32
      %gather3A_3640 = arith.constant 0 : i32
      %gather3A_3641 = tpu.memref_slice %arg6[%select_n3A_3578, %gather3A_3639, %gather3A_3640] : memref<16x8x64xf32, #tpu.memory_space<vmem>> -> memref<1x8x64xf32, #tpu.memory_space<vmem>>
      %gather3A_3642 = tpu.memref_squeeze %gather3A_3641 : memref<1x8x64xf32, #tpu.memory_space<vmem>> -> memref<8x64xf32, #tpu.memory_space<vmem>>
      %gather3A_3643 = tpu.vector_load_idx %gather3A_3642[%add3A_3603, %add3A_3638] : memref<8x64xf32, #tpu.memory_space<vmem>>[vector<16xi32>, vector<16xi32>], vector<16xf32>,
      %mul3A_3644 = arith.constant 0 : i32
      %mul3A_3645 = vector.broadcast %mul3A_3644 : i32 to vector<16xi32>
      %mul3A_3646 = arith.muli %iota3A, %mul3A_3645 : vector<16xi32>
      %add3A_3647 = vector.broadcast %add3A_3562 : i32 to vector<16xi32>
      %add3A_3648 = arith.addi %mul3A_3646, %add3A_3647 : vector<16xi32>
      %add3A_3649 = arith.constant 32 : i32
      %add3A_3650 = vector.broadcast %add3A_3649 : i32 to vector<16xi32>
      %add3A_3651 = arith.addi %iota3A, %add3A_3650 : vector<16xi32>
      tpu.vector_store_idx %arg7[%add3A_3648, %add3A_3651], %gather3A_3643 : memref<512x64xf32, #tpu.memory_space<vmem>>[vector<16xi32>, vector<16xi32>], vector<16xf32>,
      %add3A_3652 = arith.constant 48 : i32
      %add3A_3653 = vector.broadcast %add3A_3652 : i32 to vector<16xi32>
      %add3A_3654 = arith.addi %iota3A, %add3A_3653 : vector<16xi32>
      %gather3A_3655 = arith.constant 0 : i32
      %gather3A_3656 = arith.constant 0 : i32
      %gather3A_3657 = tpu.memref_slice %arg6[%select_n3A_3578, %gather3A_3655, %gather3A_3656] : memref<16x8x64xf32, #tpu.memory_space<vmem>> -> memref<1x8x64xf32, #tpu.memory_space<vmem>>
      %gather3A_3658 = tpu.memref_squeeze %gather3A_3657 : memref<1x8x64xf32, #tpu.memory_space<vmem>> -> memref<8x64xf32, #tpu.memory_space<vmem>>
      %gather3A_3659 = tpu.vector_load_idx %gather3A_3658[%add3A_3603, %add3A_3654] : memref<8x64xf32, #tpu.memory_space<vmem>>[vector<16xi32>, vector<16xi32>], vector<16xf32>,
      %mul3A_3660 = arith.constant 0 : i32
      %mul3A_3661 = vector.broadcast %mul3A_3660 : i32 to vector<16xi32>
      %mul3A_3662 = arith.muli %iota3A, %mul3A_3661 : vector<16xi32>
      %add3A_3663 = vector.broadcast %add3A_3562 : i32 to vector<16xi32>
      %add3A_3664 = arith.addi %mul3A_3662, %add3A_3663 : vector<16xi32>
      %add3A_3665 = arith.constant 48 : i32
      %add3A_3666 = vector.broadcast %add3A_3665 : i32 to vector<16xi32>
      %add3A_3667 = arith.addi %iota3A, %add3A_3666 : vector<16xi32>
      tpu.vector_store_idx %arg7[%add3A_3664, %add3A_3667], %gather3A_3659 : memref<512x64xf32, #tpu.memory_space<vmem>>[vector<16xi32>, vector<16xi32>], vector<16xf32>,
      %slice3A_3668 = vector.extract_strided_slice %get3A_2124 {offsets = [11], sizes = [1], strides = [1]} : vector<16xi32> to vector<1xi32>
      %squeeze3A_3669 = vector.extract %slice3A_3668[0] : i32 from vector<1xi32>
      %shift_right_arithmetic3A_3670 = arith.constant 3 : i32
      %shift_right_arithmetic3A_3671 = arith.shrsi %squeeze3A_3669, %shift_right_arithmetic3A_3670 : i32
      %mul3A_3672 = arith.constant 8 : i32
      %mul3A_3673 = arith.muli %shift_right_arithmetic3A_3671, %mul3A_3672 : i32
      %multiple_of3A_3674 = tpu.assume_multiple %mul3A_3673, 8 : i32
      %dma_start3A_3675 = arith.constant 0 : i32
      %dma_start3A_3676 = arith.constant 0 : i32
      %dma_start3A_3677 = tpu.memref_slice %arg6[%select_n3A_3578, %dma_start3A_3675, %dma_start3A_3676] : memref<16x8x64xf32, #tpu.memory_space<vmem>> -> memref<1x8x64xf32, #tpu.memory_space<vmem>>
      %dma_start3A_3678 = tpu.memref_squeeze %dma_start3A_3677 : memref<1x8x64xf32, #tpu.memory_space<vmem>> -> memref<8x64xf32, #tpu.memory_space<vmem>>
      %dma_start3A_3679 = arith.constant 0 : i32
      %dma_start3A_3680 = tpu.memref_slice %arg2[%multiple_of3A_3674, %dma_start3A_3679] : memref<1000000x64xf32, #tpu.memory_space<hbm>> -> memref<8x64xf32, #tpu.memory_space<hbm>>
      %dma_start3A_3681 = tpu.memref_slice %arg8[%select_n3A_3578] : memref<16x!tpu.dma_semaphore, #tpu.memory_space<semaphore_mem>> -> memref<1x!tpu.dma_semaphore, #tpu.memory_space<semaphore_mem>>
      %dma_start3A_3682 = tpu.memref_squeeze %dma_start3A_3681 : memref<1x!tpu.dma_semaphore, #tpu.memory_space<semaphore_mem>> -> memref<!tpu.dma_semaphore, #tpu.memory_space<semaphore_mem>>
      %dma_start3A_3683 = arith.constant 0 : i32
      %dma_start3A_3684 = arith.constant 0 : i32
      %dma_start3A_3685 = tpu.memref_slice %arg6[%select_n3A_3578, %dma_start3A_3683, %dma_start3A_3684] : memref<16x8x64xf32, #tpu.memory_space<vmem>> -> memref<1x8x64xf32, #tpu.memory_space<vmem>>
      %dma_start3A_3686 = tpu.memref_squeeze %dma_start3A_3685 : memref<1x8x64xf32, #tpu.memory_space<vmem>> -> memref<8x64xf32, #tpu.memory_space<vmem>>
      %dma_start3A_3687 = arith.constant 0 : i32
      %dma_start3A_3688 = tpu.memref_slice %arg2[%multiple_of3A_3674, %dma_start3A_3687] : memref<1000000x64xf32, #tpu.memory_space<hbm>> -> memref<8x64xf32, #tpu.memory_space<hbm>>
      tpu.enqueue_dma source(%dma_start3A_3688 : memref<8x64xf32, #tpu.memory_space<hbm>>) target(%dma_start3A_3686 : memref<8x64xf32, #tpu.memory_space<vmem>>) target_semaphore(%dma_start3A_3682 : memref<!tpu.dma_semaphore, #tpu.memory_space<semaphore_mem>>)
      %mul3A_3689 = arith.constant 16 : i32
      %mul3A_3690 = arith.muli %scan3A_2118, %mul3A_3689 : i32
      %add3A_3691 = arith.constant 12 : i32
      %add3A_3692 = arith.addi %mul3A_3690, %add3A_3691 : i32
      %jit3A_3693 = arith.constant 16 : i32
      %eq3A_3694 = arith.constant 0 : i32
      %eq3A_3695 = arith.cmpi eq, %jit3A_3693, %eq3A_3694 : i32
      %jit3A_3696 = arith.constant 1 : i32
      %select_n3A_3697 = arith.select %eq3A_3695, %jit3A_3696, %jit3A_3693 : i32
      %rem3A_3698 = arith.remsi %add3A_3692, %select_n3A_3697 : i32
      %ne3A_3699 = arith.constant 0 : i32
      %ne3A_3700 = arith.cmpi ne, %rem3A_3698, %ne3A_3699 : i32
      %lt3A_3701 = arith.constant 0 : i32
      %lt3A_3702 = arith.cmpi slt, %rem3A_3698, %lt3A_3701 : i32
      %lt3A_3703 = arith.constant 0 : i32
      %lt3A_3704 = arith.cmpi slt, %select_n3A_3697, %lt3A_3703 : i32
      %ne3A_3705 = arith.xori %lt3A_3702, %lt3A_3704 : i1
      %and3A_3706 = arith.andi %ne3A_3705, %ne3A_3700 : i1
      %add3A_3707 = arith.addi %rem3A_3698, %select_n3A_3697 : i32
      %select_n3A_3708 = arith.select %and3A_3706, %add3A_3707, %rem3A_3698 : i32
      %dma_wait3A_3709 = arith.constant 0 : i32
      %dma_wait3A_3710 = arith.constant 0 : i32
      %dma_wait3A_3711 = tpu.memref_slice %arg6[%select_n3A_3708, %dma_wait3A_3709, %dma_wait3A_3710] : memref<16x8x64xf32, #tpu.memory_space<vmem>> -> memref<1x8x64xf32, #tpu.memory_space<vmem>>
      %dma_wait3A_3712 = tpu.memref_squeeze %dma_wait3A_3711 : memref<1x8x64xf32, #tpu.memory_space<vmem>> -> memref<8x64xf32, #tpu.memory_space<vmem>>
      %dma_wait3A_3713 = arith.constant 0 : i32
      %dma_wait3A_3714 = arith.constant 0 : i32
      %dma_wait3A_3715 = tpu.memref_slice %arg2[%dma_wait3A_3713, %dma_wait3A_3714] : memref<1000000x64xf32, #tpu.memory_space<hbm>> -> memref<8x64xf32, #tpu.memory_space<hbm>>
      %dma_wait3A_3716 = tpu.memref_slice %arg8[%select_n3A_3708] : memref<16x!tpu.dma_semaphore, #tpu.memory_space<semaphore_mem>> -> memref<1x!tpu.dma_semaphore, #tpu.memory_space<semaphore_mem>>
      %dma_wait3A_3717 = tpu.memref_squeeze %dma_wait3A_3716 : memref<1x!tpu.dma_semaphore, #tpu.memory_space<semaphore_mem>> -> memref<!tpu.dma_semaphore, #tpu.memory_space<semaphore_mem>>
      %dma_wait3A_3718 = arith.constant 0 : i32
      %dma_wait3A_3719 = arith.constant 0 : i32
      %dma_wait3A_3720 = tpu.memref_slice %arg6[%select_n3A_3708, %dma_wait3A_3718, %dma_wait3A_3719] : memref<16x8x64xf32, #tpu.memory_space<vmem>> -> memref<1x8x64xf32, #tpu.memory_space<vmem>>
      %dma_wait3A_3721 = tpu.memref_squeeze %dma_wait3A_3720 : memref<1x8x64xf32, #tpu.memory_space<vmem>> -> memref<8x64xf32, #tpu.memory_space<vmem>>
      %dma_wait3A_3722 = arith.constant 0 : i32
      %dma_wait3A_3723 = arith.constant 0 : i32
      %dma_wait3A_3724 = tpu.memref_slice %arg2[%dma_wait3A_3722, %dma_wait3A_3723] : memref<1000000x64xf32, #tpu.memory_space<hbm>> -> memref<8x64xf32, #tpu.memory_space<hbm>>
      tpu.wait_dma2 semaphore(%dma_wait3A_3717 : memref<!tpu.dma_semaphore, #tpu.memory_space<semaphore_mem>>) src(%dma_wait3A_3724 : memref<8x64xf32, #tpu.memory_space<hbm>>) dst(%dma_wait3A_3721 : memref<8x64xf32, #tpu.memory_space<vmem>>)
      %slice3A_3725 = vector.extract_strided_slice %get3A_2128 {offsets = [12], sizes = [1], strides = [1]} : vector<16xi32> to vector<1xi32>
      %squeeze3A_3726 = vector.extract %slice3A_3725[0] : i32 from vector<1xi32>
      %mul3A_3727 = arith.constant 0 : i32
      %mul3A_3728 = vector.broadcast %mul3A_3727 : i32 to vector<16xi32>
      %mul3A_3729 = arith.muli %iota3A, %mul3A_3728 : vector<16xi32>
      %and3A_3730 = arith.constant 7 : i32
      %and3A_3731 = arith.andi %squeeze3A_3726, %and3A_3730 : i32
      %add3A_3732 = vector.broadcast %and3A_3731 : i32 to vector<16xi32>
      %add3A_3733 = arith.addi %mul3A_3729, %add3A_3732 : vector<16xi32>
      %add3A_3734 = arith.constant 0 : i32
      %add3A_3735 = vector.broadcast %add3A_3734 : i32 to vector<16xi32>
      %add3A_3736 = arith.addi %iota3A, %add3A_3735 : vector<16xi32>
      %gather3A_3737 = arith.constant 0 : i32
      %gather3A_3738 = arith.constant 0 : i32
      %gather3A_3739 = tpu.memref_slice %arg6[%select_n3A_3708, %gather3A_3737, %gather3A_3738] : memref<16x8x64xf32, #tpu.memory_space<vmem>> -> memref<1x8x64xf32, #tpu.memory_space<vmem>>
      %gather3A_3740 = tpu.memref_squeeze %gather3A_3739 : memref<1x8x64xf32, #tpu.memory_space<vmem>> -> memref<8x64xf32, #tpu.memory_space<vmem>>
      %gather3A_3741 = tpu.vector_load_idx %gather3A_3740[%add3A_3733, %add3A_3736] : memref<8x64xf32, #tpu.memory_space<vmem>>[vector<16xi32>, vector<16xi32>], vector<16xf32>,
      %mul3A_3742 = arith.constant 0 : i32
      %mul3A_3743 = vector.broadcast %mul3A_3742 : i32 to vector<16xi32>
      %mul3A_3744 = arith.muli %iota3A, %mul3A_3743 : vector<16xi32>
      %add3A_3745 = vector.broadcast %add3A_3692 : i32 to vector<16xi32>
      %add3A_3746 = arith.addi %mul3A_3744, %add3A_3745 : vector<16xi32>
      %add3A_3747 = arith.constant 0 : i32
      %add3A_3748 = vector.broadcast %add3A_3747 : i32 to vector<16xi32>
      %add3A_3749 = arith.addi %iota3A, %add3A_3748 : vector<16xi32>
      tpu.vector_store_idx %arg7[%add3A_3746, %add3A_3749], %gather3A_3741 : memref<512x64xf32, #tpu.memory_space<vmem>>[vector<16xi32>, vector<16xi32>], vector<16xf32>,
      %add3A_3750 = arith.constant 16 : i32
      %add3A_3751 = vector.broadcast %add3A_3750 : i32 to vector<16xi32>
      %add3A_3752 = arith.addi %iota3A, %add3A_3751 : vector<16xi32>
      %gather3A_3753 = arith.constant 0 : i32
      %gather3A_3754 = arith.constant 0 : i32
      %gather3A_3755 = tpu.memref_slice %arg6[%select_n3A_3708, %gather3A_3753, %gather3A_3754] : memref<16x8x64xf32, #tpu.memory_space<vmem>> -> memref<1x8x64xf32, #tpu.memory_space<vmem>>
      %gather3A_3756 = tpu.memref_squeeze %gather3A_3755 : memref<1x8x64xf32, #tpu.memory_space<vmem>> -> memref<8x64xf32, #tpu.memory_space<vmem>>
      %gather3A_3757 = tpu.vector_load_idx %gather3A_3756[%add3A_3733, %add3A_3752] : memref<8x64xf32, #tpu.memory_space<vmem>>[vector<16xi32>, vector<16xi32>], vector<16xf32>,
      %mul3A_3758 = arith.constant 0 : i32
      %mul3A_3759 = vector.broadcast %mul3A_3758 : i32 to vector<16xi32>
      %mul3A_3760 = arith.muli %iota3A, %mul3A_3759 : vector<16xi32>
      %add3A_3761 = vector.broadcast %add3A_3692 : i32 to vector<16xi32>
      %add3A_3762 = arith.addi %mul3A_3760, %add3A_3761 : vector<16xi32>
      %add3A_3763 = arith.constant 16 : i32
      %add3A_3764 = vector.broadcast %add3A_3763 : i32 to vector<16xi32>
      %add3A_3765 = arith.addi %iota3A, %add3A_3764 : vector<16xi32>
      tpu.vector_store_idx %arg7[%add3A_3762, %add3A_3765], %gather3A_3757 : memref<512x64xf32, #tpu.memory_space<vmem>>[vector<16xi32>, vector<16xi32>], vector<16xf32>,
      %add3A_3766 = arith.constant 32 : i32
      %add3A_3767 = vector.broadcast %add3A_3766 : i32 to vector<16xi32>
      %add3A_3768 = arith.addi %iota3A, %add3A_3767 : vector<16xi32>
      %gather3A_3769 = arith.constant 0 : i32
      %gather3A_3770 = arith.constant 0 : i32
      %gather3A_3771 = tpu.memref_slice %arg6[%select_n3A_3708, %gather3A_3769, %gather3A_3770] : memref<16x8x64xf32, #tpu.memory_space<vmem>> -> memref<1x8x64xf32, #tpu.memory_space<vmem>>
      %gather3A_3772 = tpu.memref_squeeze %gather3A_3771 : memref<1x8x64xf32, #tpu.memory_space<vmem>> -> memref<8x64xf32, #tpu.memory_space<vmem>>
      %gather3A_3773 = tpu.vector_load_idx %gather3A_3772[%add3A_3733, %add3A_3768] : memref<8x64xf32, #tpu.memory_space<vmem>>[vector<16xi32>, vector<16xi32>], vector<16xf32>,
      %mul3A_3774 = arith.constant 0 : i32
      %mul3A_3775 = vector.broadcast %mul3A_3774 : i32 to vector<16xi32>
      %mul3A_3776 = arith.muli %iota3A, %mul3A_3775 : vector<16xi32>
      %add3A_3777 = vector.broadcast %add3A_3692 : i32 to vector<16xi32>
      %add3A_3778 = arith.addi %mul3A_3776, %add3A_3777 : vector<16xi32>
      %add3A_3779 = arith.constant 32 : i32
      %add3A_3780 = vector.broadcast %add3A_3779 : i32 to vector<16xi32>
      %add3A_3781 = arith.addi %iota3A, %add3A_3780 : vector<16xi32>
      tpu.vector_store_idx %arg7[%add3A_3778, %add3A_3781], %gather3A_3773 : memref<512x64xf32, #tpu.memory_space<vmem>>[vector<16xi32>, vector<16xi32>], vector<16xf32>,
      %add3A_3782 = arith.constant 48 : i32
      %add3A_3783 = vector.broadcast %add3A_3782 : i32 to vector<16xi32>
      %add3A_3784 = arith.addi %iota3A, %add3A_3783 : vector<16xi32>
      %gather3A_3785 = arith.constant 0 : i32
      %gather3A_3786 = arith.constant 0 : i32
      %gather3A_3787 = tpu.memref_slice %arg6[%select_n3A_3708, %gather3A_3785, %gather3A_3786] : memref<16x8x64xf32, #tpu.memory_space<vmem>> -> memref<1x8x64xf32, #tpu.memory_space<vmem>>
      %gather3A_3788 = tpu.memref_squeeze %gather3A_3787 : memref<1x8x64xf32, #tpu.memory_space<vmem>> -> memref<8x64xf32, #tpu.memory_space<vmem>>
      %gather3A_3789 = tpu.vector_load_idx %gather3A_3788[%add3A_3733, %add3A_3784] : memref<8x64xf32, #tpu.memory_space<vmem>>[vector<16xi32>, vector<16xi32>], vector<16xf32>,
      %mul3A_3790 = arith.constant 0 : i32
      %mul3A_3791 = vector.broadcast %mul3A_3790 : i32 to vector<16xi32>
      %mul3A_3792 = arith.muli %iota3A, %mul3A_3791 : vector<16xi32>
      %add3A_3793 = vector.broadcast %add3A_3692 : i32 to vector<16xi32>
      %add3A_3794 = arith.addi %mul3A_3792, %add3A_3793 : vector<16xi32>
      %add3A_3795 = arith.constant 48 : i32
      %add3A_3796 = vector.broadcast %add3A_3795 : i32 to vector<16xi32>
      %add3A_3797 = arith.addi %iota3A, %add3A_3796 : vector<16xi32>
      tpu.vector_store_idx %arg7[%add3A_3794, %add3A_3797], %gather3A_3789 : memref<512x64xf32, #tpu.memory_space<vmem>>[vector<16xi32>, vector<16xi32>], vector<16xf32>,
      %slice3A_3798 = vector.extract_strided_slice %get3A_2124 {offsets = [12], sizes = [1], strides = [1]} : vector<16xi32> to vector<1xi32>
      %squeeze3A_3799 = vector.extract %slice3A_3798[0] : i32 from vector<1xi32>
      %shift_right_arithmetic3A_3800 = arith.constant 3 : i32
      %shift_right_arithmetic3A_3801 = arith.shrsi %squeeze3A_3799, %shift_right_arithmetic3A_3800 : i32
      %mul3A_3802 = arith.constant 8 : i32
      %mul3A_3803 = arith.muli %shift_right_arithmetic3A_3801, %mul3A_3802 : i32
      %multiple_of3A_3804 = tpu.assume_multiple %mul3A_3803, 8 : i32
      %dma_start3A_3805 = arith.constant 0 : i32
      %dma_start3A_3806 = arith.constant 0 : i32
      %dma_start3A_3807 = tpu.memref_slice %arg6[%select_n3A_3708, %dma_start3A_3805, %dma_start3A_3806] : memref<16x8x64xf32, #tpu.memory_space<vmem>> -> memref<1x8x64xf32, #tpu.memory_space<vmem>>
      %dma_start3A_3808 = tpu.memref_squeeze %dma_start3A_3807 : memref<1x8x64xf32, #tpu.memory_space<vmem>> -> memref<8x64xf32, #tpu.memory_space<vmem>>
      %dma_start3A_3809 = arith.constant 0 : i32
      %dma_start3A_3810 = tpu.memref_slice %arg2[%multiple_of3A_3804, %dma_start3A_3809] : memref<1000000x64xf32, #tpu.memory_space<hbm>> -> memref<8x64xf32, #tpu.memory_space<hbm>>
      %dma_start3A_3811 = tpu.memref_slice %arg8[%select_n3A_3708] : memref<16x!tpu.dma_semaphore, #tpu.memory_space<semaphore_mem>> -> memref<1x!tpu.dma_semaphore, #tpu.memory_space<semaphore_mem>>
      %dma_start3A_3812 = tpu.memref_squeeze %dma_start3A_3811 : memref<1x!tpu.dma_semaphore, #tpu.memory_space<semaphore_mem>> -> memref<!tpu.dma_semaphore, #tpu.memory_space<semaphore_mem>>
      %dma_start3A_3813 = arith.constant 0 : i32
      %dma_start3A_3814 = arith.constant 0 : i32
      %dma_start3A_3815 = tpu.memref_slice %arg6[%select_n3A_3708, %dma_start3A_3813, %dma_start3A_3814] : memref<16x8x64xf32, #tpu.memory_space<vmem>> -> memref<1x8x64xf32, #tpu.memory_space<vmem>>
      %dma_start3A_3816 = tpu.memref_squeeze %dma_start3A_3815 : memref<1x8x64xf32, #tpu.memory_space<vmem>> -> memref<8x64xf32, #tpu.memory_space<vmem>>
      %dma_start3A_3817 = arith.constant 0 : i32
      %dma_start3A_3818 = tpu.memref_slice %arg2[%multiple_of3A_3804, %dma_start3A_3817] : memref<1000000x64xf32, #tpu.memory_space<hbm>> -> memref<8x64xf32, #tpu.memory_space<hbm>>
      tpu.enqueue_dma source(%dma_start3A_3818 : memref<8x64xf32, #tpu.memory_space<hbm>>) target(%dma_start3A_3816 : memref<8x64xf32, #tpu.memory_space<vmem>>) target_semaphore(%dma_start3A_3812 : memref<!tpu.dma_semaphore, #tpu.memory_space<semaphore_mem>>)
      %mul3A_3819 = arith.constant 16 : i32
      %mul3A_3820 = arith.muli %scan3A_2118, %mul3A_3819 : i32
      %add3A_3821 = arith.constant 13 : i32
      %add3A_3822 = arith.addi %mul3A_3820, %add3A_3821 : i32
      %jit3A_3823 = arith.constant 16 : i32
      %eq3A_3824 = arith.constant 0 : i32
      %eq3A_3825 = arith.cmpi eq, %jit3A_3823, %eq3A_3824 : i32
      %jit3A_3826 = arith.constant 1 : i32
      %select_n3A_3827 = arith.select %eq3A_3825, %jit3A_3826, %jit3A_3823 : i32
      %rem3A_3828 = arith.remsi %add3A_3822, %select_n3A_3827 : i32
      %ne3A_3829 = arith.constant 0 : i32
      %ne3A_3830 = arith.cmpi ne, %rem3A_3828, %ne3A_3829 : i32
      %lt3A_3831 = arith.constant 0 : i32
      %lt3A_3832 = arith.cmpi slt, %rem3A_3828, %lt3A_3831 : i32
      %lt3A_3833 = arith.constant 0 : i32
      %lt3A_3834 = arith.cmpi slt, %select_n3A_3827, %lt3A_3833 : i32
      %ne3A_3835 = arith.xori %lt3A_3832, %lt3A_3834 : i1
      %and3A_3836 = arith.andi %ne3A_3835, %ne3A_3830 : i1
      %add3A_3837 = arith.addi %rem3A_3828, %select_n3A_3827 : i32
      %select_n3A_3838 = arith.select %and3A_3836, %add3A_3837, %rem3A_3828 : i32
      %dma_wait3A_3839 = arith.constant 0 : i32
      %dma_wait3A_3840 = arith.constant 0 : i32
      %dma_wait3A_3841 = tpu.memref_slice %arg6[%select_n3A_3838, %dma_wait3A_3839, %dma_wait3A_3840] : memref<16x8x64xf32, #tpu.memory_space<vmem>> -> memref<1x8x64xf32, #tpu.memory_space<vmem>>
      %dma_wait3A_3842 = tpu.memref_squeeze %dma_wait3A_3841 : memref<1x8x64xf32, #tpu.memory_space<vmem>> -> memref<8x64xf32, #tpu.memory_space<vmem>>
      %dma_wait3A_3843 = arith.constant 0 : i32
      %dma_wait3A_3844 = arith.constant 0 : i32
      %dma_wait3A_3845 = tpu.memref_slice %arg2[%dma_wait3A_3843, %dma_wait3A_3844] : memref<1000000x64xf32, #tpu.memory_space<hbm>> -> memref<8x64xf32, #tpu.memory_space<hbm>>
      %dma_wait3A_3846 = tpu.memref_slice %arg8[%select_n3A_3838] : memref<16x!tpu.dma_semaphore, #tpu.memory_space<semaphore_mem>> -> memref<1x!tpu.dma_semaphore, #tpu.memory_space<semaphore_mem>>
      %dma_wait3A_3847 = tpu.memref_squeeze %dma_wait3A_3846 : memref<1x!tpu.dma_semaphore, #tpu.memory_space<semaphore_mem>> -> memref<!tpu.dma_semaphore, #tpu.memory_space<semaphore_mem>>
      %dma_wait3A_3848 = arith.constant 0 : i32
      %dma_wait3A_3849 = arith.constant 0 : i32
      %dma_wait3A_3850 = tpu.memref_slice %arg6[%select_n3A_3838, %dma_wait3A_3848, %dma_wait3A_3849] : memref<16x8x64xf32, #tpu.memory_space<vmem>> -> memref<1x8x64xf32, #tpu.memory_space<vmem>>
      %dma_wait3A_3851 = tpu.memref_squeeze %dma_wait3A_3850 : memref<1x8x64xf32, #tpu.memory_space<vmem>> -> memref<8x64xf32, #tpu.memory_space<vmem>>
      %dma_wait3A_3852 = arith.constant 0 : i32
      %dma_wait3A_3853 = arith.constant 0 : i32
      %dma_wait3A_3854 = tpu.memref_slice %arg2[%dma_wait3A_3852, %dma_wait3A_3853] : memref<1000000x64xf32, #tpu.memory_space<hbm>> -> memref<8x64xf32, #tpu.memory_space<hbm>>
      tpu.wait_dma2 semaphore(%dma_wait3A_3847 : memref<!tpu.dma_semaphore, #tpu.memory_space<semaphore_mem>>) src(%dma_wait3A_3854 : memref<8x64xf32, #tpu.memory_space<hbm>>) dst(%dma_wait3A_3851 : memref<8x64xf32, #tpu.memory_space<vmem>>)
      %slice3A_3855 = vector.extract_strided_slice %get3A_2128 {offsets = [13], sizes = [1], strides = [1]} : vector<16xi32> to vector<1xi32>
      %squeeze3A_3856 = vector.extract %slice3A_3855[0] : i32 from vector<1xi32>
      %mul3A_3857 = arith.constant 0 : i32
      %mul3A_3858 = vector.broadcast %mul3A_3857 : i32 to vector<16xi32>
      %mul3A_3859 = arith.muli %iota3A, %mul3A_3858 : vector<16xi32>
      %and3A_3860 = arith.constant 7 : i32
      %and3A_3861 = arith.andi %squeeze3A_3856, %and3A_3860 : i32
      %add3A_3862 = vector.broadcast %and3A_3861 : i32 to vector<16xi32>
      %add3A_3863 = arith.addi %mul3A_3859, %add3A_3862 : vector<16xi32>
      %add3A_3864 = arith.constant 0 : i32
      %add3A_3865 = vector.broadcast %add3A_3864 : i32 to vector<16xi32>
      %add3A_3866 = arith.addi %iota3A, %add3A_3865 : vector<16xi32>
      %gather3A_3867 = arith.constant 0 : i32
      %gather3A_3868 = arith.constant 0 : i32
      %gather3A_3869 = tpu.memref_slice %arg6[%select_n3A_3838, %gather3A_3867, %gather3A_3868] : memref<16x8x64xf32, #tpu.memory_space<vmem>> -> memref<1x8x64xf32, #tpu.memory_space<vmem>>
      %gather3A_3870 = tpu.memref_squeeze %gather3A_3869 : memref<1x8x64xf32, #tpu.memory_space<vmem>> -> memref<8x64xf32, #tpu.memory_space<vmem>>
      %gather3A_3871 = tpu.vector_load_idx %gather3A_3870[%add3A_3863, %add3A_3866] : memref<8x64xf32, #tpu.memory_space<vmem>>[vector<16xi32>, vector<16xi32>], vector<16xf32>,
      %mul3A_3872 = arith.constant 0 : i32
      %mul3A_3873 = vector.broadcast %mul3A_3872 : i32 to vector<16xi32>
      %mul3A_3874 = arith.muli %iota3A, %mul3A_3873 : vector<16xi32>
      %add3A_3875 = vector.broadcast %add3A_3822 : i32 to vector<16xi32>
      %add3A_3876 = arith.addi %mul3A_3874, %add3A_3875 : vector<16xi32>
      %add3A_3877 = arith.constant 0 : i32
      %add3A_3878 = vector.broadcast %add3A_3877 : i32 to vector<16xi32>
      %add3A_3879 = arith.addi %iota3A, %add3A_3878 : vector<16xi32>
      tpu.vector_store_idx %arg7[%add3A_3876, %add3A_3879], %gather3A_3871 : memref<512x64xf32, #tpu.memory_space<vmem>>[vector<16xi32>, vector<16xi32>], vector<16xf32>,
      %add3A_3880 = arith.constant 16 : i32
      %add3A_3881 = vector.broadcast %add3A_3880 : i32 to vector<16xi32>
      %add3A_3882 = arith.addi %iota3A, %add3A_3881 : vector<16xi32>
      %gather3A_3883 = arith.constant 0 : i32
      %gather3A_3884 = arith.constant 0 : i32
      %gather3A_3885 = tpu.memref_slice %arg6[%select_n3A_3838, %gather3A_3883, %gather3A_3884] : memref<16x8x64xf32, #tpu.memory_space<vmem>> -> memref<1x8x64xf32, #tpu.memory_space<vmem>>
      %gather3A_3886 = tpu.memref_squeeze %gather3A_3885 : memref<1x8x64xf32, #tpu.memory_space<vmem>> -> memref<8x64xf32, #tpu.memory_space<vmem>>
      %gather3A_3887 = tpu.vector_load_idx %gather3A_3886[%add3A_3863, %add3A_3882] : memref<8x64xf32, #tpu.memory_space<vmem>>[vector<16xi32>, vector<16xi32>], vector<16xf32>,
      %mul3A_3888 = arith.constant 0 : i32
      %mul3A_3889 = vector.broadcast %mul3A_3888 : i32 to vector<16xi32>
      %mul3A_3890 = arith.muli %iota3A, %mul3A_3889 : vector<16xi32>
      %add3A_3891 = vector.broadcast %add3A_3822 : i32 to vector<16xi32>
      %add3A_3892 = arith.addi %mul3A_3890, %add3A_3891 : vector<16xi32>
      %add3A_3893 = arith.constant 16 : i32
      %add3A_3894 = vector.broadcast %add3A_3893 : i32 to vector<16xi32>
      %add3A_3895 = arith.addi %iota3A, %add3A_3894 : vector<16xi32>
      tpu.vector_store_idx %arg7[%add3A_3892, %add3A_3895], %gather3A_3887 : memref<512x64xf32, #tpu.memory_space<vmem>>[vector<16xi32>, vector<16xi32>], vector<16xf32>,
      %add3A_3896 = arith.constant 32 : i32
      %add3A_3897 = vector.broadcast %add3A_3896 : i32 to vector<16xi32>
      %add3A_3898 = arith.addi %iota3A, %add3A_3897 : vector<16xi32>
      %gather3A_3899 = arith.constant 0 : i32
      %gather3A_3900 = arith.constant 0 : i32
      %gather3A_3901 = tpu.memref_slice %arg6[%select_n3A_3838, %gather3A_3899, %gather3A_3900] : memref<16x8x64xf32, #tpu.memory_space<vmem>> -> memref<1x8x64xf32, #tpu.memory_space<vmem>>
      %gather3A_3902 = tpu.memref_squeeze %gather3A_3901 : memref<1x8x64xf32, #tpu.memory_space<vmem>> -> memref<8x64xf32, #tpu.memory_space<vmem>>
      %gather3A_3903 = tpu.vector_load_idx %gather3A_3902[%add3A_3863, %add3A_3898] : memref<8x64xf32, #tpu.memory_space<vmem>>[vector<16xi32>, vector<16xi32>], vector<16xf32>,
      %mul3A_3904 = arith.constant 0 : i32
      %mul3A_3905 = vector.broadcast %mul3A_3904 : i32 to vector<16xi32>
      %mul3A_3906 = arith.muli %iota3A, %mul3A_3905 : vector<16xi32>
      %add3A_3907 = vector.broadcast %add3A_3822 : i32 to vector<16xi32>
      %add3A_3908 = arith.addi %mul3A_3906, %add3A_3907 : vector<16xi32>
      %add3A_3909 = arith.constant 32 : i32
      %add3A_3910 = vector.broadcast %add3A_3909 : i32 to vector<16xi32>
      %add3A_3911 = arith.addi %iota3A, %add3A_3910 : vector<16xi32>
      tpu.vector_store_idx %arg7[%add3A_3908, %add3A_3911], %gather3A_3903 : memref<512x64xf32, #tpu.memory_space<vmem>>[vector<16xi32>, vector<16xi32>], vector<16xf32>,
      %add3A_3912 = arith.constant 48 : i32
      %add3A_3913 = vector.broadcast %add3A_3912 : i32 to vector<16xi32>
      %add3A_3914 = arith.addi %iota3A, %add3A_3913 : vector<16xi32>
      %gather3A_3915 = arith.constant 0 : i32
      %gather3A_3916 = arith.constant 0 : i32
      %gather3A_3917 = tpu.memref_slice %arg6[%select_n3A_3838, %gather3A_3915, %gather3A_3916] : memref<16x8x64xf32, #tpu.memory_space<vmem>> -> memref<1x8x64xf32, #tpu.memory_space<vmem>>
      %gather3A_3918 = tpu.memref_squeeze %gather3A_3917 : memref<1x8x64xf32, #tpu.memory_space<vmem>> -> memref<8x64xf32, #tpu.memory_space<vmem>>
      %gather3A_3919 = tpu.vector_load_idx %gather3A_3918[%add3A_3863, %add3A_3914] : memref<8x64xf32, #tpu.memory_space<vmem>>[vector<16xi32>, vector<16xi32>], vector<16xf32>,
      %mul3A_3920 = arith.constant 0 : i32
      %mul3A_3921 = vector.broadcast %mul3A_3920 : i32 to vector<16xi32>
      %mul3A_3922 = arith.muli %iota3A, %mul3A_3921 : vector<16xi32>
      %add3A_3923 = vector.broadcast %add3A_3822 : i32 to vector<16xi32>
      %add3A_3924 = arith.addi %mul3A_3922, %add3A_3923 : vector<16xi32>
      %add3A_3925 = arith.constant 48 : i32
      %add3A_3926 = vector.broadcast %add3A_3925 : i32 to vector<16xi32>
      %add3A_3927 = arith.addi %iota3A, %add3A_3926 : vector<16xi32>
      tpu.vector_store_idx %arg7[%add3A_3924, %add3A_3927], %gather3A_3919 : memref<512x64xf32, #tpu.memory_space<vmem>>[vector<16xi32>, vector<16xi32>], vector<16xf32>,
      %slice3A_3928 = vector.extract_strided_slice %get3A_2124 {offsets = [13], sizes = [1], strides = [1]} : vector<16xi32> to vector<1xi32>
      %squeeze3A_3929 = vector.extract %slice3A_3928[0] : i32 from vector<1xi32>
      %shift_right_arithmetic3A_3930 = arith.constant 3 : i32
      %shift_right_arithmetic3A_3931 = arith.shrsi %squeeze3A_3929, %shift_right_arithmetic3A_3930 : i32
      %mul3A_3932 = arith.constant 8 : i32
      %mul3A_3933 = arith.muli %shift_right_arithmetic3A_3931, %mul3A_3932 : i32
      %multiple_of3A_3934 = tpu.assume_multiple %mul3A_3933, 8 : i32
      %dma_start3A_3935 = arith.constant 0 : i32
      %dma_start3A_3936 = arith.constant 0 : i32
      %dma_start3A_3937 = tpu.memref_slice %arg6[%select_n3A_3838, %dma_start3A_3935, %dma_start3A_3936] : memref<16x8x64xf32, #tpu.memory_space<vmem>> -> memref<1x8x64xf32, #tpu.memory_space<vmem>>
      %dma_start3A_3938 = tpu.memref_squeeze %dma_start3A_3937 : memref<1x8x64xf32, #tpu.memory_space<vmem>> -> memref<8x64xf32, #tpu.memory_space<vmem>>
      %dma_start3A_3939 = arith.constant 0 : i32
      %dma_start3A_3940 = tpu.memref_slice %arg2[%multiple_of3A_3934, %dma_start3A_3939] : memref<1000000x64xf32, #tpu.memory_space<hbm>> -> memref<8x64xf32, #tpu.memory_space<hbm>>
      %dma_start3A_3941 = tpu.memref_slice %arg8[%select_n3A_3838] : memref<16x!tpu.dma_semaphore, #tpu.memory_space<semaphore_mem>> -> memref<1x!tpu.dma_semaphore, #tpu.memory_space<semaphore_mem>>
      %dma_start3A_3942 = tpu.memref_squeeze %dma_start3A_3941 : memref<1x!tpu.dma_semaphore, #tpu.memory_space<semaphore_mem>> -> memref<!tpu.dma_semaphore, #tpu.memory_space<semaphore_mem>>
      %dma_start3A_3943 = arith.constant 0 : i32
      %dma_start3A_3944 = arith.constant 0 : i32
      %dma_start3A_3945 = tpu.memref_slice %arg6[%select_n3A_3838, %dma_start3A_3943, %dma_start3A_3944] : memref<16x8x64xf32, #tpu.memory_space<vmem>> -> memref<1x8x64xf32, #tpu.memory_space<vmem>>
      %dma_start3A_3946 = tpu.memref_squeeze %dma_start3A_3945 : memref<1x8x64xf32, #tpu.memory_space<vmem>> -> memref<8x64xf32, #tpu.memory_space<vmem>>
      %dma_start3A_3947 = arith.constant 0 : i32
      %dma_start3A_3948 = tpu.memref_slice %arg2[%multiple_of3A_3934, %dma_start3A_3947] : memref<1000000x64xf32, #tpu.memory_space<hbm>> -> memref<8x64xf32, #tpu.memory_space<hbm>>
      tpu.enqueue_dma source(%dma_start3A_3948 : memref<8x64xf32, #tpu.memory_space<hbm>>) target(%dma_start3A_3946 : memref<8x64xf32, #tpu.memory_space<vmem>>) target_semaphore(%dma_start3A_3942 : memref<!tpu.dma_semaphore, #tpu.memory_space<semaphore_mem>>)
      %mul3A_3949 = arith.constant 16 : i32
      %mul3A_3950 = arith.muli %scan3A_2118, %mul3A_3949 : i32
      %add3A_3951 = arith.constant 14 : i32
      %add3A_3952 = arith.addi %mul3A_3950, %add3A_3951 : i32
      %jit3A_3953 = arith.constant 16 : i32
      %eq3A_3954 = arith.constant 0 : i32
      %eq3A_3955 = arith.cmpi eq, %jit3A_3953, %eq3A_3954 : i32
      %jit3A_3956 = arith.constant 1 : i32
      %select_n3A_3957 = arith.select %eq3A_3955, %jit3A_3956, %jit3A_3953 : i32
      %rem3A_3958 = arith.remsi %add3A_3952, %select_n3A_3957 : i32
      %ne3A_3959 = arith.constant 0 : i32
      %ne3A_3960 = arith.cmpi ne, %rem3A_3958, %ne3A_3959 : i32
      %lt3A_3961 = arith.constant 0 : i32
      %lt3A_3962 = arith.cmpi slt, %rem3A_3958, %lt3A_3961 : i32
      %lt3A_3963 = arith.constant 0 : i32
      %lt3A_3964 = arith.cmpi slt, %select_n3A_3957, %lt3A_3963 : i32
      %ne3A_3965 = arith.xori %lt3A_3962, %lt3A_3964 : i1
      %and3A_3966 = arith.andi %ne3A_3965, %ne3A_3960 : i1
      %add3A_3967 = arith.addi %rem3A_3958, %select_n3A_3957 : i32
      %select_n3A_3968 = arith.select %and3A_3966, %add3A_3967, %rem3A_3958 : i32
      %dma_wait3A_3969 = arith.constant 0 : i32
      %dma_wait3A_3970 = arith.constant 0 : i32
      %dma_wait3A_3971 = tpu.memref_slice %arg6[%select_n3A_3968, %dma_wait3A_3969, %dma_wait3A_3970] : memref<16x8x64xf32, #tpu.memory_space<vmem>> -> memref<1x8x64xf32, #tpu.memory_space<vmem>>
      %dma_wait3A_3972 = tpu.memref_squeeze %dma_wait3A_3971 : memref<1x8x64xf32, #tpu.memory_space<vmem>> -> memref<8x64xf32, #tpu.memory_space<vmem>>
      %dma_wait3A_3973 = arith.constant 0 : i32
      %dma_wait3A_3974 = arith.constant 0 : i32
      %dma_wait3A_3975 = tpu.memref_slice %arg2[%dma_wait3A_3973, %dma_wait3A_3974] : memref<1000000x64xf32, #tpu.memory_space<hbm>> -> memref<8x64xf32, #tpu.memory_space<hbm>>
      %dma_wait3A_3976 = tpu.memref_slice %arg8[%select_n3A_3968] : memref<16x!tpu.dma_semaphore, #tpu.memory_space<semaphore_mem>> -> memref<1x!tpu.dma_semaphore, #tpu.memory_space<semaphore_mem>>
      %dma_wait3A_3977 = tpu.memref_squeeze %dma_wait3A_3976 : memref<1x!tpu.dma_semaphore, #tpu.memory_space<semaphore_mem>> -> memref<!tpu.dma_semaphore, #tpu.memory_space<semaphore_mem>>
      %dma_wait3A_3978 = arith.constant 0 : i32
      %dma_wait3A_3979 = arith.constant 0 : i32
      %dma_wait3A_3980 = tpu.memref_slice %arg6[%select_n3A_3968, %dma_wait3A_3978, %dma_wait3A_3979] : memref<16x8x64xf32, #tpu.memory_space<vmem>> -> memref<1x8x64xf32, #tpu.memory_space<vmem>>
      %dma_wait3A_3981 = tpu.memref_squeeze %dma_wait3A_3980 : memref<1x8x64xf32, #tpu.memory_space<vmem>> -> memref<8x64xf32, #tpu.memory_space<vmem>>
      %dma_wait3A_3982 = arith.constant 0 : i32
      %dma_wait3A_3983 = arith.constant 0 : i32
      %dma_wait3A_3984 = tpu.memref_slice %arg2[%dma_wait3A_3982, %dma_wait3A_3983] : memref<1000000x64xf32, #tpu.memory_space<hbm>> -> memref<8x64xf32, #tpu.memory_space<hbm>>
      tpu.wait_dma2 semaphore(%dma_wait3A_3977 : memref<!tpu.dma_semaphore, #tpu.memory_space<semaphore_mem>>) src(%dma_wait3A_3984 : memref<8x64xf32, #tpu.memory_space<hbm>>) dst(%dma_wait3A_3981 : memref<8x64xf32, #tpu.memory_space<vmem>>)
      %slice3A_3985 = vector.extract_strided_slice %get3A_2128 {offsets = [14], sizes = [1], strides = [1]} : vector<16xi32> to vector<1xi32>
      %squeeze3A_3986 = vector.extract %slice3A_3985[0] : i32 from vector<1xi32>
      %mul3A_3987 = arith.constant 0 : i32
      %mul3A_3988 = vector.broadcast %mul3A_3987 : i32 to vector<16xi32>
      %mul3A_3989 = arith.muli %iota3A, %mul3A_3988 : vector<16xi32>
      %and3A_3990 = arith.constant 7 : i32
      %and3A_3991 = arith.andi %squeeze3A_3986, %and3A_3990 : i32
      %add3A_3992 = vector.broadcast %and3A_3991 : i32 to vector<16xi32>
      %add3A_3993 = arith.addi %mul3A_3989, %add3A_3992 : vector<16xi32>
      %add3A_3994 = arith.constant 0 : i32
      %add3A_3995 = vector.broadcast %add3A_3994 : i32 to vector<16xi32>
      %add3A_3996 = arith.addi %iota3A, %add3A_3995 : vector<16xi32>
      %gather3A_3997 = arith.constant 0 : i32
      %gather3A_3998 = arith.constant 0 : i32
      %gather3A_3999 = tpu.memref_slice %arg6[%select_n3A_3968, %gather3A_3997, %gather3A_3998] : memref<16x8x64xf32, #tpu.memory_space<vmem>> -> memref<1x8x64xf32, #tpu.memory_space<vmem>>
      %gather3A_4000 = tpu.memref_squeeze %gather3A_3999 : memref<1x8x64xf32, #tpu.memory_space<vmem>> -> memref<8x64xf32, #tpu.memory_space<vmem>>
      %gather3A_4001 = tpu.vector_load_idx %gather3A_4000[%add3A_3993, %add3A_3996] : memref<8x64xf32, #tpu.memory_space<vmem>>[vector<16xi32>, vector<16xi32>], vector<16xf32>,
      %mul3A_4002 = arith.constant 0 : i32
      %mul3A_4003 = vector.broadcast %mul3A_4002 : i32 to vector<16xi32>
      %mul3A_4004 = arith.muli %iota3A, %mul3A_4003 : vector<16xi32>
      %add3A_4005 = vector.broadcast %add3A_3952 : i32 to vector<16xi32>
      %add3A_4006 = arith.addi %mul3A_4004, %add3A_4005 : vector<16xi32>
      %add3A_4007 = arith.constant 0 : i32
      %add3A_4008 = vector.broadcast %add3A_4007 : i32 to vector<16xi32>
      %add3A_4009 = arith.addi %iota3A, %add3A_4008 : vector<16xi32>
      tpu.vector_store_idx %arg7[%add3A_4006, %add3A_4009], %gather3A_4001 : memref<512x64xf32, #tpu.memory_space<vmem>>[vector<16xi32>, vector<16xi32>], vector<16xf32>,
      %add3A_4010 = arith.constant 16 : i32
      %add3A_4011 = vector.broadcast %add3A_4010 : i32 to vector<16xi32>
      %add3A_4012 = arith.addi %iota3A, %add3A_4011 : vector<16xi32>
      %gather3A_4013 = arith.constant 0 : i32
      %gather3A_4014 = arith.constant 0 : i32
      %gather3A_4015 = tpu.memref_slice %arg6[%select_n3A_3968, %gather3A_4013, %gather3A_4014] : memref<16x8x64xf32, #tpu.memory_space<vmem>> -> memref<1x8x64xf32, #tpu.memory_space<vmem>>
      %gather3A_4016 = tpu.memref_squeeze %gather3A_4015 : memref<1x8x64xf32, #tpu.memory_space<vmem>> -> memref<8x64xf32, #tpu.memory_space<vmem>>
      %gather3A_4017 = tpu.vector_load_idx %gather3A_4016[%add3A_3993, %add3A_4012] : memref<8x64xf32, #tpu.memory_space<vmem>>[vector<16xi32>, vector<16xi32>], vector<16xf32>,
      %mul3A_4018 = arith.constant 0 : i32
      %mul3A_4019 = vector.broadcast %mul3A_4018 : i32 to vector<16xi32>
      %mul3A_4020 = arith.muli %iota3A, %mul3A_4019 : vector<16xi32>
      %add3A_4021 = vector.broadcast %add3A_3952 : i32 to vector<16xi32>
      %add3A_4022 = arith.addi %mul3A_4020, %add3A_4021 : vector<16xi32>
      %add3A_4023 = arith.constant 16 : i32
      %add3A_4024 = vector.broadcast %add3A_4023 : i32 to vector<16xi32>
      %add3A_4025 = arith.addi %iota3A, %add3A_4024 : vector<16xi32>
      tpu.vector_store_idx %arg7[%add3A_4022, %add3A_4025], %gather3A_4017 : memref<512x64xf32, #tpu.memory_space<vmem>>[vector<16xi32>, vector<16xi32>], vector<16xf32>,
      %add3A_4026 = arith.constant 32 : i32
      %add3A_4027 = vector.broadcast %add3A_4026 : i32 to vector<16xi32>
      %add3A_4028 = arith.addi %iota3A, %add3A_4027 : vector<16xi32>
      %gather3A_4029 = arith.constant 0 : i32
      %gather3A_4030 = arith.constant 0 : i32
      %gather3A_4031 = tpu.memref_slice %arg6[%select_n3A_3968, %gather3A_4029, %gather3A_4030] : memref<16x8x64xf32, #tpu.memory_space<vmem>> -> memref<1x8x64xf32, #tpu.memory_space<vmem>>
      %gather3A_4032 = tpu.memref_squeeze %gather3A_4031 : memref<1x8x64xf32, #tpu.memory_space<vmem>> -> memref<8x64xf32, #tpu.memory_space<vmem>>
      %gather3A_4033 = tpu.vector_load_idx %gather3A_4032[%add3A_3993, %add3A_4028] : memref<8x64xf32, #tpu.memory_space<vmem>>[vector<16xi32>, vector<16xi32>], vector<16xf32>,
      %mul3A_4034 = arith.constant 0 : i32
      %mul3A_4035 = vector.broadcast %mul3A_4034 : i32 to vector<16xi32>
      %mul3A_4036 = arith.muli %iota3A, %mul3A_4035 : vector<16xi32>
      %add3A_4037 = vector.broadcast %add3A_3952 : i32 to vector<16xi32>
      %add3A_4038 = arith.addi %mul3A_4036, %add3A_4037 : vector<16xi32>
      %add3A_4039 = arith.constant 32 : i32
      %add3A_4040 = vector.broadcast %add3A_4039 : i32 to vector<16xi32>
      %add3A_4041 = arith.addi %iota3A, %add3A_4040 : vector<16xi32>
      tpu.vector_store_idx %arg7[%add3A_4038, %add3A_4041], %gather3A_4033 : memref<512x64xf32, #tpu.memory_space<vmem>>[vector<16xi32>, vector<16xi32>], vector<16xf32>,
      %add3A_4042 = arith.constant 48 : i32
      %add3A_4043 = vector.broadcast %add3A_4042 : i32 to vector<16xi32>
      %add3A_4044 = arith.addi %iota3A, %add3A_4043 : vector<16xi32>
      %gather3A_4045 = arith.constant 0 : i32
      %gather3A_4046 = arith.constant 0 : i32
      %gather3A_4047 = tpu.memref_slice %arg6[%select_n3A_3968, %gather3A_4045, %gather3A_4046] : memref<16x8x64xf32, #tpu.memory_space<vmem>> -> memref<1x8x64xf32, #tpu.memory_space<vmem>>
      %gather3A_4048 = tpu.memref_squeeze %gather3A_4047 : memref<1x8x64xf32, #tpu.memory_space<vmem>> -> memref<8x64xf32, #tpu.memory_space<vmem>>
      %gather3A_4049 = tpu.vector_load_idx %gather3A_4048[%add3A_3993, %add3A_4044] : memref<8x64xf32, #tpu.memory_space<vmem>>[vector<16xi32>, vector<16xi32>], vector<16xf32>,
      %mul3A_4050 = arith.constant 0 : i32
      %mul3A_4051 = vector.broadcast %mul3A_4050 : i32 to vector<16xi32>
      %mul3A_4052 = arith.muli %iota3A, %mul3A_4051 : vector<16xi32>
      %add3A_4053 = vector.broadcast %add3A_3952 : i32 to vector<16xi32>
      %add3A_4054 = arith.addi %mul3A_4052, %add3A_4053 : vector<16xi32>
      %add3A_4055 = arith.constant 48 : i32
      %add3A_4056 = vector.broadcast %add3A_4055 : i32 to vector<16xi32>
      %add3A_4057 = arith.addi %iota3A, %add3A_4056 : vector<16xi32>
      tpu.vector_store_idx %arg7[%add3A_4054, %add3A_4057], %gather3A_4049 : memref<512x64xf32, #tpu.memory_space<vmem>>[vector<16xi32>, vector<16xi32>], vector<16xf32>,
      %slice3A_4058 = vector.extract_strided_slice %get3A_2124 {offsets = [14], sizes = [1], strides = [1]} : vector<16xi32> to vector<1xi32>
      %squeeze3A_4059 = vector.extract %slice3A_4058[0] : i32 from vector<1xi32>
      %shift_right_arithmetic3A_4060 = arith.constant 3 : i32
      %shift_right_arithmetic3A_4061 = arith.shrsi %squeeze3A_4059, %shift_right_arithmetic3A_4060 : i32
      %mul3A_4062 = arith.constant 8 : i32
      %mul3A_4063 = arith.muli %shift_right_arithmetic3A_4061, %mul3A_4062 : i32
      %multiple_of3A_4064 = tpu.assume_multiple %mul3A_4063, 8 : i32
      %dma_start3A_4065 = arith.constant 0 : i32
      %dma_start3A_4066 = arith.constant 0 : i32
      %dma_start3A_4067 = tpu.memref_slice %arg6[%select_n3A_3968, %dma_start3A_4065, %dma_start3A_4066] : memref<16x8x64xf32, #tpu.memory_space<vmem>> -> memref<1x8x64xf32, #tpu.memory_space<vmem>>
      %dma_start3A_4068 = tpu.memref_squeeze %dma_start3A_4067 : memref<1x8x64xf32, #tpu.memory_space<vmem>> -> memref<8x64xf32, #tpu.memory_space<vmem>>
      %dma_start3A_4069 = arith.constant 0 : i32
      %dma_start3A_4070 = tpu.memref_slice %arg2[%multiple_of3A_4064, %dma_start3A_4069] : memref<1000000x64xf32, #tpu.memory_space<hbm>> -> memref<8x64xf32, #tpu.memory_space<hbm>>
      %dma_start3A_4071 = tpu.memref_slice %arg8[%select_n3A_3968] : memref<16x!tpu.dma_semaphore, #tpu.memory_space<semaphore_mem>> -> memref<1x!tpu.dma_semaphore, #tpu.memory_space<semaphore_mem>>
      %dma_start3A_4072 = tpu.memref_squeeze %dma_start3A_4071 : memref<1x!tpu.dma_semaphore, #tpu.memory_space<semaphore_mem>> -> memref<!tpu.dma_semaphore, #tpu.memory_space<semaphore_mem>>
      %dma_start3A_4073 = arith.constant 0 : i32
      %dma_start3A_4074 = arith.constant 0 : i32
      %dma_start3A_4075 = tpu.memref_slice %arg6[%select_n3A_3968, %dma_start3A_4073, %dma_start3A_4074] : memref<16x8x64xf32, #tpu.memory_space<vmem>> -> memref<1x8x64xf32, #tpu.memory_space<vmem>>
      %dma_start3A_4076 = tpu.memref_squeeze %dma_start3A_4075 : memref<1x8x64xf32, #tpu.memory_space<vmem>> -> memref<8x64xf32, #tpu.memory_space<vmem>>
      %dma_start3A_4077 = arith.constant 0 : i32
      %dma_start3A_4078 = tpu.memref_slice %arg2[%multiple_of3A_4064, %dma_start3A_4077] : memref<1000000x64xf32, #tpu.memory_space<hbm>> -> memref<8x64xf32, #tpu.memory_space<hbm>>
      tpu.enqueue_dma source(%dma_start3A_4078 : memref<8x64xf32, #tpu.memory_space<hbm>>) target(%dma_start3A_4076 : memref<8x64xf32, #tpu.memory_space<vmem>>) target_semaphore(%dma_start3A_4072 : memref<!tpu.dma_semaphore, #tpu.memory_space<semaphore_mem>>)
      %mul3A_4079 = arith.constant 16 : i32
      %mul3A_4080 = arith.muli %scan3A_2118, %mul3A_4079 : i32
      %add3A_4081 = arith.constant 15 : i32
      %add3A_4082 = arith.addi %mul3A_4080, %add3A_4081 : i32
      %jit3A_4083 = arith.constant 16 : i32
      %eq3A_4084 = arith.constant 0 : i32
      %eq3A_4085 = arith.cmpi eq, %jit3A_4083, %eq3A_4084 : i32
      %jit3A_4086 = arith.constant 1 : i32
      %select_n3A_4087 = arith.select %eq3A_4085, %jit3A_4086, %jit3A_4083 : i32
      %rem3A_4088 = arith.remsi %add3A_4082, %select_n3A_4087 : i32
      %ne3A_4089 = arith.constant 0 : i32
      %ne3A_4090 = arith.cmpi ne, %rem3A_4088, %ne3A_4089 : i32
      %lt3A_4091 = arith.constant 0 : i32
      %lt3A_4092 = arith.cmpi slt, %rem3A_4088, %lt3A_4091 : i32
      %lt3A_4093 = arith.constant 0 : i32
      %lt3A_4094 = arith.cmpi slt, %select_n3A_4087, %lt3A_4093 : i32
      %ne3A_4095 = arith.xori %lt3A_4092, %lt3A_4094 : i1
      %and3A_4096 = arith.andi %ne3A_4095, %ne3A_4090 : i1
      %add3A_4097 = arith.addi %rem3A_4088, %select_n3A_4087 : i32
      %select_n3A_4098 = arith.select %and3A_4096, %add3A_4097, %rem3A_4088 : i32
      %dma_wait3A_4099 = arith.constant 0 : i32
      %dma_wait3A_4100 = arith.constant 0 : i32
      %dma_wait3A_4101 = tpu.memref_slice %arg6[%select_n3A_4098, %dma_wait3A_4099, %dma_wait3A_4100] : memref<16x8x64xf32, #tpu.memory_space<vmem>> -> memref<1x8x64xf32, #tpu.memory_space<vmem>>
      %dma_wait3A_4102 = tpu.memref_squeeze %dma_wait3A_4101 : memref<1x8x64xf32, #tpu.memory_space<vmem>> -> memref<8x64xf32, #tpu.memory_space<vmem>>
      %dma_wait3A_4103 = arith.constant 0 : i32
      %dma_wait3A_4104 = arith.constant 0 : i32
      %dma_wait3A_4105 = tpu.memref_slice %arg2[%dma_wait3A_4103, %dma_wait3A_4104] : memref<1000000x64xf32, #tpu.memory_space<hbm>> -> memref<8x64xf32, #tpu.memory_space<hbm>>
      %dma_wait3A_4106 = tpu.memref_slice %arg8[%select_n3A_4098] : memref<16x!tpu.dma_semaphore, #tpu.memory_space<semaphore_mem>> -> memref<1x!tpu.dma_semaphore, #tpu.memory_space<semaphore_mem>>
      %dma_wait3A_4107 = tpu.memref_squeeze %dma_wait3A_4106 : memref<1x!tpu.dma_semaphore, #tpu.memory_space<semaphore_mem>> -> memref<!tpu.dma_semaphore, #tpu.memory_space<semaphore_mem>>
      %dma_wait3A_4108 = arith.constant 0 : i32
      %dma_wait3A_4109 = arith.constant 0 : i32
      %dma_wait3A_4110 = tpu.memref_slice %arg6[%select_n3A_4098, %dma_wait3A_4108, %dma_wait3A_4109] : memref<16x8x64xf32, #tpu.memory_space<vmem>> -> memref<1x8x64xf32, #tpu.memory_space<vmem>>
      %dma_wait3A_4111 = tpu.memref_squeeze %dma_wait3A_4110 : memref<1x8x64xf32, #tpu.memory_space<vmem>> -> memref<8x64xf32, #tpu.memory_space<vmem>>
      %dma_wait3A_4112 = arith.constant 0 : i32
      %dma_wait3A_4113 = arith.constant 0 : i32
      %dma_wait3A_4114 = tpu.memref_slice %arg2[%dma_wait3A_4112, %dma_wait3A_4113] : memref<1000000x64xf32, #tpu.memory_space<hbm>> -> memref<8x64xf32, #tpu.memory_space<hbm>>
      tpu.wait_dma2 semaphore(%dma_wait3A_4107 : memref<!tpu.dma_semaphore, #tpu.memory_space<semaphore_mem>>) src(%dma_wait3A_4114 : memref<8x64xf32, #tpu.memory_space<hbm>>) dst(%dma_wait3A_4111 : memref<8x64xf32, #tpu.memory_space<vmem>>)
      %slice3A_4115 = vector.extract_strided_slice %get3A_2128 {offsets = [15], sizes = [1], strides = [1]} : vector<16xi32> to vector<1xi32>
      %squeeze3A_4116 = vector.extract %slice3A_4115[0] : i32 from vector<1xi32>
      %mul3A_4117 = arith.constant 0 : i32
      %mul3A_4118 = vector.broadcast %mul3A_4117 : i32 to vector<16xi32>
      %mul3A_4119 = arith.muli %iota3A, %mul3A_4118 : vector<16xi32>
      %and3A_4120 = arith.constant 7 : i32
      %and3A_4121 = arith.andi %squeeze3A_4116, %and3A_4120 : i32
      %add3A_4122 = vector.broadcast %and3A_4121 : i32 to vector<16xi32>
      %add3A_4123 = arith.addi %mul3A_4119, %add3A_4122 : vector<16xi32>
      %add3A_4124 = arith.constant 0 : i32
      %add3A_4125 = vector.broadcast %add3A_4124 : i32 to vector<16xi32>
      %add3A_4126 = arith.addi %iota3A, %add3A_4125 : vector<16xi32>
      %gather3A_4127 = arith.constant 0 : i32
      %gather3A_4128 = arith.constant 0 : i32
      %gather3A_4129 = tpu.memref_slice %arg6[%select_n3A_4098, %gather3A_4127, %gather3A_4128] : memref<16x8x64xf32, #tpu.memory_space<vmem>> -> memref<1x8x64xf32, #tpu.memory_space<vmem>>
      %gather3A_4130 = tpu.memref_squeeze %gather3A_4129 : memref<1x8x64xf32, #tpu.memory_space<vmem>> -> memref<8x64xf32, #tpu.memory_space<vmem>>
      %gather3A_4131 = tpu.vector_load_idx %gather3A_4130[%add3A_4123, %add3A_4126] : memref<8x64xf32, #tpu.memory_space<vmem>>[vector<16xi32>, vector<16xi32>], vector<16xf32>,
      %mul3A_4132 = arith.constant 0 : i32
      %mul3A_4133 = vector.broadcast %mul3A_4132 : i32 to vector<16xi32>
      %mul3A_4134 = arith.muli %iota3A, %mul3A_4133 : vector<16xi32>
      %add3A_4135 = vector.broadcast %add3A_4082 : i32 to vector<16xi32>
      %add3A_4136 = arith.addi %mul3A_4134, %add3A_4135 : vector<16xi32>
      %add3A_4137 = arith.constant 0 : i32
      %add3A_4138 = vector.broadcast %add3A_4137 : i32 to vector<16xi32>
      %add3A_4139 = arith.addi %iota3A, %add3A_4138 : vector<16xi32>
      tpu.vector_store_idx %arg7[%add3A_4136, %add3A_4139], %gather3A_4131 : memref<512x64xf32, #tpu.memory_space<vmem>>[vector<16xi32>, vector<16xi32>], vector<16xf32>,
      %add3A_4140 = arith.constant 16 : i32
      %add3A_4141 = vector.broadcast %add3A_4140 : i32 to vector<16xi32>
      %add3A_4142 = arith.addi %iota3A, %add3A_4141 : vector<16xi32>
      %gather3A_4143 = arith.constant 0 : i32
      %gather3A_4144 = arith.constant 0 : i32
      %gather3A_4145 = tpu.memref_slice %arg6[%select_n3A_4098, %gather3A_4143, %gather3A_4144] : memref<16x8x64xf32, #tpu.memory_space<vmem>> -> memref<1x8x64xf32, #tpu.memory_space<vmem>>
      %gather3A_4146 = tpu.memref_squeeze %gather3A_4145 : memref<1x8x64xf32, #tpu.memory_space<vmem>> -> memref<8x64xf32, #tpu.memory_space<vmem>>
      %gather3A_4147 = tpu.vector_load_idx %gather3A_4146[%add3A_4123, %add3A_4142] : memref<8x64xf32, #tpu.memory_space<vmem>>[vector<16xi32>, vector<16xi32>], vector<16xf32>,
      %mul3A_4148 = arith.constant 0 : i32
      %mul3A_4149 = vector.broadcast %mul3A_4148 : i32 to vector<16xi32>
      %mul3A_4150 = arith.muli %iota3A, %mul3A_4149 : vector<16xi32>
      %add3A_4151 = vector.broadcast %add3A_4082 : i32 to vector<16xi32>
      %add3A_4152 = arith.addi %mul3A_4150, %add3A_4151 : vector<16xi32>
      %add3A_4153 = arith.constant 16 : i32
      %add3A_4154 = vector.broadcast %add3A_4153 : i32 to vector<16xi32>
      %add3A_4155 = arith.addi %iota3A, %add3A_4154 : vector<16xi32>
      tpu.vector_store_idx %arg7[%add3A_4152, %add3A_4155], %gather3A_4147 : memref<512x64xf32, #tpu.memory_space<vmem>>[vector<16xi32>, vector<16xi32>], vector<16xf32>,
      %add3A_4156 = arith.constant 32 : i32
      %add3A_4157 = vector.broadcast %add3A_4156 : i32 to vector<16xi32>
      %add3A_4158 = arith.addi %iota3A, %add3A_4157 : vector<16xi32>
      %gather3A_4159 = arith.constant 0 : i32
      %gather3A_4160 = arith.constant 0 : i32
      %gather3A_4161 = tpu.memref_slice %arg6[%select_n3A_4098, %gather3A_4159, %gather3A_4160] : memref<16x8x64xf32, #tpu.memory_space<vmem>> -> memref<1x8x64xf32, #tpu.memory_space<vmem>>
      %gather3A_4162 = tpu.memref_squeeze %gather3A_4161 : memref<1x8x64xf32, #tpu.memory_space<vmem>> -> memref<8x64xf32, #tpu.memory_space<vmem>>
      %gather3A_4163 = tpu.vector_load_idx %gather3A_4162[%add3A_4123, %add3A_4158] : memref<8x64xf32, #tpu.memory_space<vmem>>[vector<16xi32>, vector<16xi32>], vector<16xf32>,
      %mul3A_4164 = arith.constant 0 : i32
      %mul3A_4165 = vector.broadcast %mul3A_4164 : i32 to vector<16xi32>
      %mul3A_4166 = arith.muli %iota3A, %mul3A_4165 : vector<16xi32>
      %add3A_4167 = vector.broadcast %add3A_4082 : i32 to vector<16xi32>
      %add3A_4168 = arith.addi %mul3A_4166, %add3A_4167 : vector<16xi32>
      %add3A_4169 = arith.constant 32 : i32
      %add3A_4170 = vector.broadcast %add3A_4169 : i32 to vector<16xi32>
      %add3A_4171 = arith.addi %iota3A, %add3A_4170 : vector<16xi32>
      tpu.vector_store_idx %arg7[%add3A_4168, %add3A_4171], %gather3A_4163 : memref<512x64xf32, #tpu.memory_space<vmem>>[vector<16xi32>, vector<16xi32>], vector<16xf32>,
      %add3A_4172 = arith.constant 48 : i32
      %add3A_4173 = vector.broadcast %add3A_4172 : i32 to vector<16xi32>
      %add3A_4174 = arith.addi %iota3A, %add3A_4173 : vector<16xi32>
      %gather3A_4175 = arith.constant 0 : i32
      %gather3A_4176 = arith.constant 0 : i32
      %gather3A_4177 = tpu.memref_slice %arg6[%select_n3A_4098, %gather3A_4175, %gather3A_4176] : memref<16x8x64xf32, #tpu.memory_space<vmem>> -> memref<1x8x64xf32, #tpu.memory_space<vmem>>
      %gather3A_4178 = tpu.memref_squeeze %gather3A_4177 : memref<1x8x64xf32, #tpu.memory_space<vmem>> -> memref<8x64xf32, #tpu.memory_space<vmem>>
      %gather3A_4179 = tpu.vector_load_idx %gather3A_4178[%add3A_4123, %add3A_4174] : memref<8x64xf32, #tpu.memory_space<vmem>>[vector<16xi32>, vector<16xi32>], vector<16xf32>,
      %mul3A_4180 = arith.constant 0 : i32
      %mul3A_4181 = vector.broadcast %mul3A_4180 : i32 to vector<16xi32>
      %mul3A_4182 = arith.muli %iota3A, %mul3A_4181 : vector<16xi32>
      %add3A_4183 = vector.broadcast %add3A_4082 : i32 to vector<16xi32>
      %add3A_4184 = arith.addi %mul3A_4182, %add3A_4183 : vector<16xi32>
      %add3A_4185 = arith.constant 48 : i32
      %add3A_4186 = vector.broadcast %add3A_4185 : i32 to vector<16xi32>
      %add3A_4187 = arith.addi %iota3A, %add3A_4186 : vector<16xi32>
      tpu.vector_store_idx %arg7[%add3A_4184, %add3A_4187], %gather3A_4179 : memref<512x64xf32, #tpu.memory_space<vmem>>[vector<16xi32>, vector<16xi32>], vector<16xf32>,
      %slice3A_4188 = vector.extract_strided_slice %get3A_2124 {offsets = [15], sizes = [1], strides = [1]} : vector<16xi32> to vector<1xi32>
      %squeeze3A_4189 = vector.extract %slice3A_4188[0] : i32 from vector<1xi32>
      %shift_right_arithmetic3A_4190 = arith.constant 3 : i32
      %shift_right_arithmetic3A_4191 = arith.shrsi %squeeze3A_4189, %shift_right_arithmetic3A_4190 : i32
      %mul3A_4192 = arith.constant 8 : i32
      %mul3A_4193 = arith.muli %shift_right_arithmetic3A_4191, %mul3A_4192 : i32
      %multiple_of3A_4194 = tpu.assume_multiple %mul3A_4193, 8 : i32
      %dma_start3A_4195 = arith.constant 0 : i32
      %dma_start3A_4196 = arith.constant 0 : i32
      %dma_start3A_4197 = tpu.memref_slice %arg6[%select_n3A_4098, %dma_start3A_4195, %dma_start3A_4196] : memref<16x8x64xf32, #tpu.memory_space<vmem>> -> memref<1x8x64xf32, #tpu.memory_space<vmem>>
      %dma_start3A_4198 = tpu.memref_squeeze %dma_start3A_4197 : memref<1x8x64xf32, #tpu.memory_space<vmem>> -> memref<8x64xf32, #tpu.memory_space<vmem>>
      %dma_start3A_4199 = arith.constant 0 : i32
      %dma_start3A_4200 = tpu.memref_slice %arg2[%multiple_of3A_4194, %dma_start3A_4199] : memref<1000000x64xf32, #tpu.memory_space<hbm>> -> memref<8x64xf32, #tpu.memory_space<hbm>>
      %dma_start3A_4201 = tpu.memref_slice %arg8[%select_n3A_4098] : memref<16x!tpu.dma_semaphore, #tpu.memory_space<semaphore_mem>> -> memref<1x!tpu.dma_semaphore, #tpu.memory_space<semaphore_mem>>
      %dma_start3A_4202 = tpu.memref_squeeze %dma_start3A_4201 : memref<1x!tpu.dma_semaphore, #tpu.memory_space<semaphore_mem>> -> memref<!tpu.dma_semaphore, #tpu.memory_space<semaphore_mem>>
      %dma_start3A_4203 = arith.constant 0 : i32
      %dma_start3A_4204 = arith.constant 0 : i32
      %dma_start3A_4205 = tpu.memref_slice %arg6[%select_n3A_4098, %dma_start3A_4203, %dma_start3A_4204] : memref<16x8x64xf32, #tpu.memory_space<vmem>> -> memref<1x8x64xf32, #tpu.memory_space<vmem>>
      %dma_start3A_4206 = tpu.memref_squeeze %dma_start3A_4205 : memref<1x8x64xf32, #tpu.memory_space<vmem>> -> memref<8x64xf32, #tpu.memory_space<vmem>>
      %dma_start3A_4207 = arith.constant 0 : i32
      %dma_start3A_4208 = tpu.memref_slice %arg2[%multiple_of3A_4194, %dma_start3A_4207] : memref<1000000x64xf32, #tpu.memory_space<hbm>> -> memref<8x64xf32, #tpu.memory_space<hbm>>
      tpu.enqueue_dma source(%dma_start3A_4208 : memref<8x64xf32, #tpu.memory_space<hbm>>) target(%dma_start3A_4206 : memref<8x64xf32, #tpu.memory_space<vmem>>) target_semaphore(%dma_start3A_4202 : memref<!tpu.dma_semaphore, #tpu.memory_space<semaphore_mem>>)
    }
    %scan3A_406 = arith.constant 31 : i32
    %scan3A_407 = arith.constant 0 : i32
    %mul3A_408 = arith.constant 16 : i32
    %mul3A_409 = arith.muli %scan3A_407, %mul3A_408 : i32
    %add3A_410 = arith.constant 496 : i32
    %add3A_411 = arith.addi %add3A_410, %mul3A_409 : i32
    %get3A_412 = arith.index_cast %add3A_411 : i32 to index
    %get3A_413 = tpu.vector_load %arg5[%get3A_412] {strides = array<i32>} : memref<512xi32, #tpu.memory_space<vmem>>, vector<16xi32>,
    %add3A_414 = arith.constant 0 : i32
    %add3A_415 = arith.addi %add3A_411, %add3A_414 : i32
    %jit3A = arith.constant 16 : i32
    %eq3A = arith.constant 0 : i32
    %eq3A_416 = arith.cmpi eq, %jit3A, %eq3A : i32
    %jit3A_417 = arith.constant 1 : i32
    %select_n3A = arith.select %eq3A_416, %jit3A_417, %jit3A : i32
    %rem3A = arith.remsi %add3A_415, %select_n3A : i32
    %ne3A = arith.constant 0 : i32
    %ne3A_418 = arith.cmpi ne, %rem3A, %ne3A : i32
    %lt3A = arith.constant 0 : i32
    %lt3A_419 = arith.cmpi slt, %rem3A, %lt3A : i32
    %lt3A_420 = arith.constant 0 : i32
    %lt3A_421 = arith.cmpi slt, %select_n3A, %lt3A_420 : i32
    %ne3A_422 = arith.xori %lt3A_419, %lt3A_421 : i1
    %and3A = arith.andi %ne3A_422, %ne3A_418 : i1
    %add3A_423 = arith.addi %rem3A, %select_n3A : i32
    %select_n3A_424 = arith.select %and3A, %add3A_423, %rem3A : i32
    %dma_wait3A = arith.constant 0 : i32
    %dma_wait3A_425 = arith.constant 0 : i32
    %dma_wait3A_426 = tpu.memref_slice %arg6[%select_n3A_424, %dma_wait3A, %dma_wait3A_425] : memref<16x8x64xf32, #tpu.memory_space<vmem>> -> memref<1x8x64xf32, #tpu.memory_space<vmem>>
    %dma_wait3A_427 = tpu.memref_squeeze %dma_wait3A_426 : memref<1x8x64xf32, #tpu.memory_space<vmem>> -> memref<8x64xf32, #tpu.memory_space<vmem>>
    %dma_wait3A_428 = arith.constant 0 : i32
    %dma_wait3A_429 = arith.constant 0 : i32
    %dma_wait3A_430 = tpu.memref_slice %arg2[%dma_wait3A_428, %dma_wait3A_429] : memref<1000000x64xf32, #tpu.memory_space<hbm>> -> memref<8x64xf32, #tpu.memory_space<hbm>>
    %dma_wait3A_431 = tpu.memref_slice %arg8[%select_n3A_424] : memref<16x!tpu.dma_semaphore, #tpu.memory_space<semaphore_mem>> -> memref<1x!tpu.dma_semaphore, #tpu.memory_space<semaphore_mem>>
    %dma_wait3A_432 = tpu.memref_squeeze %dma_wait3A_431 : memref<1x!tpu.dma_semaphore, #tpu.memory_space<semaphore_mem>> -> memref<!tpu.dma_semaphore, #tpu.memory_space<semaphore_mem>>
    %dma_wait3A_433 = arith.constant 0 : i32
    %dma_wait3A_434 = arith.constant 0 : i32
    %dma_wait3A_435 = tpu.memref_slice %arg6[%select_n3A_424, %dma_wait3A_433, %dma_wait3A_434] : memref<16x8x64xf32, #tpu.memory_space<vmem>> -> memref<1x8x64xf32, #tpu.memory_space<vmem>>
    %dma_wait3A_436 = tpu.memref_squeeze %dma_wait3A_435 : memref<1x8x64xf32, #tpu.memory_space<vmem>> -> memref<8x64xf32, #tpu.memory_space<vmem>>
    %dma_wait3A_437 = arith.constant 0 : i32
    %dma_wait3A_438 = arith.constant 0 : i32
    %dma_wait3A_439 = tpu.memref_slice %arg2[%dma_wait3A_437, %dma_wait3A_438] : memref<1000000x64xf32, #tpu.memory_space<hbm>> -> memref<8x64xf32, #tpu.memory_space<hbm>>
    tpu.wait_dma2 semaphore(%dma_wait3A_432 : memref<!tpu.dma_semaphore, #tpu.memory_space<semaphore_mem>>) src(%dma_wait3A_439 : memref<8x64xf32, #tpu.memory_space<hbm>>) dst(%dma_wait3A_436 : memref<8x64xf32, #tpu.memory_space<vmem>>)
    %slice3A_440 = vector.extract_strided_slice %get3A_413 {offsets = [0], sizes = [1], strides = [1]} : vector<16xi32> to vector<1xi32>
    %squeeze3A_441 = vector.extract %slice3A_440[0] : i32 from vector<1xi32>
    %mul3A_442 = arith.constant 0 : i32
    %mul3A_443 = vector.broadcast %mul3A_442 : i32 to vector<16xi32>
    %mul3A_444 = arith.muli %iota3A, %mul3A_443 : vector<16xi32>
    %and3A_445 = arith.constant 7 : i32
    %and3A_446 = arith.andi %squeeze3A_441, %and3A_445 : i32
    %add3A_447 = vector.broadcast %and3A_446 : i32 to vector<16xi32>
    %add3A_448 = arith.addi %mul3A_444, %add3A_447 : vector<16xi32>
    %add3A_449 = arith.constant 0 : i32
    %add3A_450 = vector.broadcast %add3A_449 : i32 to vector<16xi32>
    %add3A_451 = arith.addi %iota3A, %add3A_450 : vector<16xi32>
    %gather3A = arith.constant 0 : i32
    %gather3A_452 = arith.constant 0 : i32
    %gather3A_453 = tpu.memref_slice %arg6[%select_n3A_424, %gather3A, %gather3A_452] : memref<16x8x64xf32, #tpu.memory_space<vmem>> -> memref<1x8x64xf32, #tpu.memory_space<vmem>>
    %gather3A_454 = tpu.memref_squeeze %gather3A_453 : memref<1x8x64xf32, #tpu.memory_space<vmem>> -> memref<8x64xf32, #tpu.memory_space<vmem>>
    %gather3A_455 = tpu.vector_load_idx %gather3A_454[%add3A_448, %add3A_451] : memref<8x64xf32, #tpu.memory_space<vmem>>[vector<16xi32>, vector<16xi32>], vector<16xf32>,
    %mul3A_456 = arith.constant 0 : i32
    %mul3A_457 = vector.broadcast %mul3A_456 : i32 to vector<16xi32>
    %mul3A_458 = arith.muli %iota3A, %mul3A_457 : vector<16xi32>
    %add3A_459 = vector.broadcast %add3A_415 : i32 to vector<16xi32>
    %add3A_460 = arith.addi %mul3A_458, %add3A_459 : vector<16xi32>
    %add3A_461 = arith.constant 0 : i32
    %add3A_462 = vector.broadcast %add3A_461 : i32 to vector<16xi32>
    %add3A_463 = arith.addi %iota3A, %add3A_462 : vector<16xi32>
    tpu.vector_store_idx %arg7[%add3A_460, %add3A_463], %gather3A_455 : memref<512x64xf32, #tpu.memory_space<vmem>>[vector<16xi32>, vector<16xi32>], vector<16xf32>,
    %add3A_464 = arith.constant 16 : i32
    %add3A_465 = vector.broadcast %add3A_464 : i32 to vector<16xi32>
    %add3A_466 = arith.addi %iota3A, %add3A_465 : vector<16xi32>
    %gather3A_467 = arith.constant 0 : i32
    %gather3A_468 = arith.constant 0 : i32
    %gather3A_469 = tpu.memref_slice %arg6[%select_n3A_424, %gather3A_467, %gather3A_468] : memref<16x8x64xf32, #tpu.memory_space<vmem>> -> memref<1x8x64xf32, #tpu.memory_space<vmem>>
    %gather3A_470 = tpu.memref_squeeze %gather3A_469 : memref<1x8x64xf32, #tpu.memory_space<vmem>> -> memref<8x64xf32, #tpu.memory_space<vmem>>
    %gather3A_471 = tpu.vector_load_idx %gather3A_470[%add3A_448, %add3A_466] : memref<8x64xf32, #tpu.memory_space<vmem>>[vector<16xi32>, vector<16xi32>], vector<16xf32>,
    %mul3A_472 = arith.constant 0 : i32
    %mul3A_473 = vector.broadcast %mul3A_472 : i32 to vector<16xi32>
    %mul3A_474 = arith.muli %iota3A, %mul3A_473 : vector<16xi32>
    %add3A_475 = vector.broadcast %add3A_415 : i32 to vector<16xi32>
    %add3A_476 = arith.addi %mul3A_474, %add3A_475 : vector<16xi32>
    %add3A_477 = arith.constant 16 : i32
    %add3A_478 = vector.broadcast %add3A_477 : i32 to vector<16xi32>
    %add3A_479 = arith.addi %iota3A, %add3A_478 : vector<16xi32>
    tpu.vector_store_idx %arg7[%add3A_476, %add3A_479], %gather3A_471 : memref<512x64xf32, #tpu.memory_space<vmem>>[vector<16xi32>, vector<16xi32>], vector<16xf32>,
    %add3A_480 = arith.constant 32 : i32
    %add3A_481 = vector.broadcast %add3A_480 : i32 to vector<16xi32>
    %add3A_482 = arith.addi %iota3A, %add3A_481 : vector<16xi32>
    %gather3A_483 = arith.constant 0 : i32
    %gather3A_484 = arith.constant 0 : i32
    %gather3A_485 = tpu.memref_slice %arg6[%select_n3A_424, %gather3A_483, %gather3A_484] : memref<16x8x64xf32, #tpu.memory_space<vmem>> -> memref<1x8x64xf32, #tpu.memory_space<vmem>>
    %gather3A_486 = tpu.memref_squeeze %gather3A_485 : memref<1x8x64xf32, #tpu.memory_space<vmem>> -> memref<8x64xf32, #tpu.memory_space<vmem>>
    %gather3A_487 = tpu.vector_load_idx %gather3A_486[%add3A_448, %add3A_482] : memref<8x64xf32, #tpu.memory_space<vmem>>[vector<16xi32>, vector<16xi32>], vector<16xf32>,
    %mul3A_488 = arith.constant 0 : i32
    %mul3A_489 = vector.broadcast %mul3A_488 : i32 to vector<16xi32>
    %mul3A_490 = arith.muli %iota3A, %mul3A_489 : vector<16xi32>
    %add3A_491 = vector.broadcast %add3A_415 : i32 to vector<16xi32>
    %add3A_492 = arith.addi %mul3A_490, %add3A_491 : vector<16xi32>
    %add3A_493 = arith.constant 32 : i32
    %add3A_494 = vector.broadcast %add3A_493 : i32 to vector<16xi32>
    %add3A_495 = arith.addi %iota3A, %add3A_494 : vector<16xi32>
    tpu.vector_store_idx %arg7[%add3A_492, %add3A_495], %gather3A_487 : memref<512x64xf32, #tpu.memory_space<vmem>>[vector<16xi32>, vector<16xi32>], vector<16xf32>,
    %add3A_496 = arith.constant 48 : i32
    %add3A_497 = vector.broadcast %add3A_496 : i32 to vector<16xi32>
    %add3A_498 = arith.addi %iota3A, %add3A_497 : vector<16xi32>
    %gather3A_499 = arith.constant 0 : i32
    %gather3A_500 = arith.constant 0 : i32
    %gather3A_501 = tpu.memref_slice %arg6[%select_n3A_424, %gather3A_499, %gather3A_500] : memref<16x8x64xf32, #tpu.memory_space<vmem>> -> memref<1x8x64xf32, #tpu.memory_space<vmem>>
    %gather3A_502 = tpu.memref_squeeze %gather3A_501 : memref<1x8x64xf32, #tpu.memory_space<vmem>> -> memref<8x64xf32, #tpu.memory_space<vmem>>
    %gather3A_503 = tpu.vector_load_idx %gather3A_502[%add3A_448, %add3A_498] : memref<8x64xf32, #tpu.memory_space<vmem>>[vector<16xi32>, vector<16xi32>], vector<16xf32>,
    %mul3A_504 = arith.constant 0 : i32
    %mul3A_505 = vector.broadcast %mul3A_504 : i32 to vector<16xi32>
    %mul3A_506 = arith.muli %iota3A, %mul3A_505 : vector<16xi32>
    %add3A_507 = vector.broadcast %add3A_415 : i32 to vector<16xi32>
    %add3A_508 = arith.addi %mul3A_506, %add3A_507 : vector<16xi32>
    %add3A_509 = arith.constant 48 : i32
    %add3A_510 = vector.broadcast %add3A_509 : i32 to vector<16xi32>
    %add3A_511 = arith.addi %iota3A, %add3A_510 : vector<16xi32>
    tpu.vector_store_idx %arg7[%add3A_508, %add3A_511], %gather3A_503 : memref<512x64xf32, #tpu.memory_space<vmem>>[vector<16xi32>, vector<16xi32>], vector<16xf32>,
    %add3A_512 = arith.constant 1 : i32
    %add3A_513 = arith.addi %add3A_411, %add3A_512 : i32
    %jit3A_514 = arith.constant 16 : i32
    %eq3A_515 = arith.constant 0 : i32
    %eq3A_516 = arith.cmpi eq, %jit3A_514, %eq3A_515 : i32
    %jit3A_517 = arith.constant 1 : i32
    %select_n3A_518 = arith.select %eq3A_516, %jit3A_517, %jit3A_514 : i32
    %rem3A_519 = arith.remsi %add3A_513, %select_n3A_518 : i32
    %ne3A_520 = arith.constant 0 : i32
    %ne3A_521 = arith.cmpi ne, %rem3A_519, %ne3A_520 : i32
    %lt3A_522 = arith.constant 0 : i32
    %lt3A_523 = arith.cmpi slt, %rem3A_519, %lt3A_522 : i32
    %lt3A_524 = arith.constant 0 : i32
    %lt3A_525 = arith.cmpi slt, %select_n3A_518, %lt3A_524 : i32
    %ne3A_526 = arith.xori %lt3A_523, %lt3A_525 : i1
    %and3A_527 = arith.andi %ne3A_526, %ne3A_521 : i1
    %add3A_528 = arith.addi %rem3A_519, %select_n3A_518 : i32
    %select_n3A_529 = arith.select %and3A_527, %add3A_528, %rem3A_519 : i32
    %dma_wait3A_530 = arith.constant 0 : i32
    %dma_wait3A_531 = arith.constant 0 : i32
    %dma_wait3A_532 = tpu.memref_slice %arg6[%select_n3A_529, %dma_wait3A_530, %dma_wait3A_531] : memref<16x8x64xf32, #tpu.memory_space<vmem>> -> memref<1x8x64xf32, #tpu.memory_space<vmem>>
    %dma_wait3A_533 = tpu.memref_squeeze %dma_wait3A_532 : memref<1x8x64xf32, #tpu.memory_space<vmem>> -> memref<8x64xf32, #tpu.memory_space<vmem>>
    %dma_wait3A_534 = arith.constant 0 : i32
    %dma_wait3A_535 = arith.constant 0 : i32
    %dma_wait3A_536 = tpu.memref_slice %arg2[%dma_wait3A_534, %dma_wait3A_535] : memref<1000000x64xf32, #tpu.memory_space<hbm>> -> memref<8x64xf32, #tpu.memory_space<hbm>>
    %dma_wait3A_537 = tpu.memref_slice %arg8[%select_n3A_529] : memref<16x!tpu.dma_semaphore, #tpu.memory_space<semaphore_mem>> -> memref<1x!tpu.dma_semaphore, #tpu.memory_space<semaphore_mem>>
    %dma_wait3A_538 = tpu.memref_squeeze %dma_wait3A_537 : memref<1x!tpu.dma_semaphore, #tpu.memory_space<semaphore_mem>> -> memref<!tpu.dma_semaphore, #tpu.memory_space<semaphore_mem>>
    %dma_wait3A_539 = arith.constant 0 : i32
    %dma_wait3A_540 = arith.constant 0 : i32
    %dma_wait3A_541 = tpu.memref_slice %arg6[%select_n3A_529, %dma_wait3A_539, %dma_wait3A_540] : memref<16x8x64xf32, #tpu.memory_space<vmem>> -> memref<1x8x64xf32, #tpu.memory_space<vmem>>
    %dma_wait3A_542 = tpu.memref_squeeze %dma_wait3A_541 : memref<1x8x64xf32, #tpu.memory_space<vmem>> -> memref<8x64xf32, #tpu.memory_space<vmem>>
    %dma_wait3A_543 = arith.constant 0 : i32
    %dma_wait3A_544 = arith.constant 0 : i32
    %dma_wait3A_545 = tpu.memref_slice %arg2[%dma_wait3A_543, %dma_wait3A_544] : memref<1000000x64xf32, #tpu.memory_space<hbm>> -> memref<8x64xf32, #tpu.memory_space<hbm>>
    tpu.wait_dma2 semaphore(%dma_wait3A_538 : memref<!tpu.dma_semaphore, #tpu.memory_space<semaphore_mem>>) src(%dma_wait3A_545 : memref<8x64xf32, #tpu.memory_space<hbm>>) dst(%dma_wait3A_542 : memref<8x64xf32, #tpu.memory_space<vmem>>)
    %slice3A_546 = vector.extract_strided_slice %get3A_413 {offsets = [1], sizes = [1], strides = [1]} : vector<16xi32> to vector<1xi32>
    %squeeze3A_547 = vector.extract %slice3A_546[0] : i32 from vector<1xi32>
    %mul3A_548 = arith.constant 0 : i32
    %mul3A_549 = vector.broadcast %mul3A_548 : i32 to vector<16xi32>
    %mul3A_550 = arith.muli %iota3A, %mul3A_549 : vector<16xi32>
    %and3A_551 = arith.constant 7 : i32
    %and3A_552 = arith.andi %squeeze3A_547, %and3A_551 : i32
    %add3A_553 = vector.broadcast %and3A_552 : i32 to vector<16xi32>
    %add3A_554 = arith.addi %mul3A_550, %add3A_553 : vector<16xi32>
    %add3A_555 = arith.constant 0 : i32
    %add3A_556 = vector.broadcast %add3A_555 : i32 to vector<16xi32>
    %add3A_557 = arith.addi %iota3A, %add3A_556 : vector<16xi32>
    %gather3A_558 = arith.constant 0 : i32
    %gather3A_559 = arith.constant 0 : i32
    %gather3A_560 = tpu.memref_slice %arg6[%select_n3A_529, %gather3A_558, %gather3A_559] : memref<16x8x64xf32, #tpu.memory_space<vmem>> -> memref<1x8x64xf32, #tpu.memory_space<vmem>>
    %gather3A_561 = tpu.memref_squeeze %gather3A_560 : memref<1x8x64xf32, #tpu.memory_space<vmem>> -> memref<8x64xf32, #tpu.memory_space<vmem>>
    %gather3A_562 = tpu.vector_load_idx %gather3A_561[%add3A_554, %add3A_557] : memref<8x64xf32, #tpu.memory_space<vmem>>[vector<16xi32>, vector<16xi32>], vector<16xf32>,
    %mul3A_563 = arith.constant 0 : i32
    %mul3A_564 = vector.broadcast %mul3A_563 : i32 to vector<16xi32>
    %mul3A_565 = arith.muli %iota3A, %mul3A_564 : vector<16xi32>
    %add3A_566 = vector.broadcast %add3A_513 : i32 to vector<16xi32>
    %add3A_567 = arith.addi %mul3A_565, %add3A_566 : vector<16xi32>
    %add3A_568 = arith.constant 0 : i32
    %add3A_569 = vector.broadcast %add3A_568 : i32 to vector<16xi32>
    %add3A_570 = arith.addi %iota3A, %add3A_569 : vector<16xi32>
    tpu.vector_store_idx %arg7[%add3A_567, %add3A_570], %gather3A_562 : memref<512x64xf32, #tpu.memory_space<vmem>>[vector<16xi32>, vector<16xi32>], vector<16xf32>,
    %add3A_571 = arith.constant 16 : i32
    %add3A_572 = vector.broadcast %add3A_571 : i32 to vector<16xi32>
    %add3A_573 = arith.addi %iota3A, %add3A_572 : vector<16xi32>
    %gather3A_574 = arith.constant 0 : i32
    %gather3A_575 = arith.constant 0 : i32
    %gather3A_576 = tpu.memref_slice %arg6[%select_n3A_529, %gather3A_574, %gather3A_575] : memref<16x8x64xf32, #tpu.memory_space<vmem>> -> memref<1x8x64xf32, #tpu.memory_space<vmem>>
    %gather3A_577 = tpu.memref_squeeze %gather3A_576 : memref<1x8x64xf32, #tpu.memory_space<vmem>> -> memref<8x64xf32, #tpu.memory_space<vmem>>
    %gather3A_578 = tpu.vector_load_idx %gather3A_577[%add3A_554, %add3A_573] : memref<8x64xf32, #tpu.memory_space<vmem>>[vector<16xi32>, vector<16xi32>], vector<16xf32>,
    %mul3A_579 = arith.constant 0 : i32
    %mul3A_580 = vector.broadcast %mul3A_579 : i32 to vector<16xi32>
    %mul3A_581 = arith.muli %iota3A, %mul3A_580 : vector<16xi32>
    %add3A_582 = vector.broadcast %add3A_513 : i32 to vector<16xi32>
    %add3A_583 = arith.addi %mul3A_581, %add3A_582 : vector<16xi32>
    %add3A_584 = arith.constant 16 : i32
    %add3A_585 = vector.broadcast %add3A_584 : i32 to vector<16xi32>
    %add3A_586 = arith.addi %iota3A, %add3A_585 : vector<16xi32>
    tpu.vector_store_idx %arg7[%add3A_583, %add3A_586], %gather3A_578 : memref<512x64xf32, #tpu.memory_space<vmem>>[vector<16xi32>, vector<16xi32>], vector<16xf32>,
    %add3A_587 = arith.constant 32 : i32
    %add3A_588 = vector.broadcast %add3A_587 : i32 to vector<16xi32>
    %add3A_589 = arith.addi %iota3A, %add3A_588 : vector<16xi32>
    %gather3A_590 = arith.constant 0 : i32
    %gather3A_591 = arith.constant 0 : i32
    %gather3A_592 = tpu.memref_slice %arg6[%select_n3A_529, %gather3A_590, %gather3A_591] : memref<16x8x64xf32, #tpu.memory_space<vmem>> -> memref<1x8x64xf32, #tpu.memory_space<vmem>>
    %gather3A_593 = tpu.memref_squeeze %gather3A_592 : memref<1x8x64xf32, #tpu.memory_space<vmem>> -> memref<8x64xf32, #tpu.memory_space<vmem>>
    %gather3A_594 = tpu.vector_load_idx %gather3A_593[%add3A_554, %add3A_589] : memref<8x64xf32, #tpu.memory_space<vmem>>[vector<16xi32>, vector<16xi32>], vector<16xf32>,
    %mul3A_595 = arith.constant 0 : i32
    %mul3A_596 = vector.broadcast %mul3A_595 : i32 to vector<16xi32>
    %mul3A_597 = arith.muli %iota3A, %mul3A_596 : vector<16xi32>
    %add3A_598 = vector.broadcast %add3A_513 : i32 to vector<16xi32>
    %add3A_599 = arith.addi %mul3A_597, %add3A_598 : vector<16xi32>
    %add3A_600 = arith.constant 32 : i32
    %add3A_601 = vector.broadcast %add3A_600 : i32 to vector<16xi32>
    %add3A_602 = arith.addi %iota3A, %add3A_601 : vector<16xi32>
    tpu.vector_store_idx %arg7[%add3A_599, %add3A_602], %gather3A_594 : memref<512x64xf32, #tpu.memory_space<vmem>>[vector<16xi32>, vector<16xi32>], vector<16xf32>,
    %add3A_603 = arith.constant 48 : i32
    %add3A_604 = vector.broadcast %add3A_603 : i32 to vector<16xi32>
    %add3A_605 = arith.addi %iota3A, %add3A_604 : vector<16xi32>
    %gather3A_606 = arith.constant 0 : i32
    %gather3A_607 = arith.constant 0 : i32
    %gather3A_608 = tpu.memref_slice %arg6[%select_n3A_529, %gather3A_606, %gather3A_607] : memref<16x8x64xf32, #tpu.memory_space<vmem>> -> memref<1x8x64xf32, #tpu.memory_space<vmem>>
    %gather3A_609 = tpu.memref_squeeze %gather3A_608 : memref<1x8x64xf32, #tpu.memory_space<vmem>> -> memref<8x64xf32, #tpu.memory_space<vmem>>
    %gather3A_610 = tpu.vector_load_idx %gather3A_609[%add3A_554, %add3A_605] : memref<8x64xf32, #tpu.memory_space<vmem>>[vector<16xi32>, vector<16xi32>], vector<16xf32>,
    %mul3A_611 = arith.constant 0 : i32
    %mul3A_612 = vector.broadcast %mul3A_611 : i32 to vector<16xi32>
    %mul3A_613 = arith.muli %iota3A, %mul3A_612 : vector<16xi32>
    %add3A_614 = vector.broadcast %add3A_513 : i32 to vector<16xi32>
    %add3A_615 = arith.addi %mul3A_613, %add3A_614 : vector<16xi32>
    %add3A_616 = arith.constant 48 : i32
    %add3A_617 = vector.broadcast %add3A_616 : i32 to vector<16xi32>
    %add3A_618 = arith.addi %iota3A, %add3A_617 : vector<16xi32>
    tpu.vector_store_idx %arg7[%add3A_615, %add3A_618], %gather3A_610 : memref<512x64xf32, #tpu.memory_space<vmem>>[vector<16xi32>, vector<16xi32>], vector<16xf32>,
    %add3A_619 = arith.constant 2 : i32
    %add3A_620 = arith.addi %add3A_411, %add3A_619 : i32
    %jit3A_621 = arith.constant 16 : i32
    %eq3A_622 = arith.constant 0 : i32
    %eq3A_623 = arith.cmpi eq, %jit3A_621, %eq3A_622 : i32
    %jit3A_624 = arith.constant 1 : i32
    %select_n3A_625 = arith.select %eq3A_623, %jit3A_624, %jit3A_621 : i32
    %rem3A_626 = arith.remsi %add3A_620, %select_n3A_625 : i32
    %ne3A_627 = arith.constant 0 : i32
    %ne3A_628 = arith.cmpi ne, %rem3A_626, %ne3A_627 : i32
    %lt3A_629 = arith.constant 0 : i32
    %lt3A_630 = arith.cmpi slt, %rem3A_626, %lt3A_629 : i32
    %lt3A_631 = arith.constant 0 : i32
    %lt3A_632 = arith.cmpi slt, %select_n3A_625, %lt3A_631 : i32
    %ne3A_633 = arith.xori %lt3A_630, %lt3A_632 : i1
    %and3A_634 = arith.andi %ne3A_633, %ne3A_628 : i1
    %add3A_635 = arith.addi %rem3A_626, %select_n3A_625 : i32
    %select_n3A_636 = arith.select %and3A_634, %add3A_635, %rem3A_626 : i32
    %dma_wait3A_637 = arith.constant 0 : i32
    %dma_wait3A_638 = arith.constant 0 : i32
    %dma_wait3A_639 = tpu.memref_slice %arg6[%select_n3A_636, %dma_wait3A_637, %dma_wait3A_638] : memref<16x8x64xf32, #tpu.memory_space<vmem>> -> memref<1x8x64xf32, #tpu.memory_space<vmem>>
    %dma_wait3A_640 = tpu.memref_squeeze %dma_wait3A_639 : memref<1x8x64xf32, #tpu.memory_space<vmem>> -> memref<8x64xf32, #tpu.memory_space<vmem>>
    %dma_wait3A_641 = arith.constant 0 : i32
    %dma_wait3A_642 = arith.constant 0 : i32
    %dma_wait3A_643 = tpu.memref_slice %arg2[%dma_wait3A_641, %dma_wait3A_642] : memref<1000000x64xf32, #tpu.memory_space<hbm>> -> memref<8x64xf32, #tpu.memory_space<hbm>>
    %dma_wait3A_644 = tpu.memref_slice %arg8[%select_n3A_636] : memref<16x!tpu.dma_semaphore, #tpu.memory_space<semaphore_mem>> -> memref<1x!tpu.dma_semaphore, #tpu.memory_space<semaphore_mem>>
    %dma_wait3A_645 = tpu.memref_squeeze %dma_wait3A_644 : memref<1x!tpu.dma_semaphore, #tpu.memory_space<semaphore_mem>> -> memref<!tpu.dma_semaphore, #tpu.memory_space<semaphore_mem>>
    %dma_wait3A_646 = arith.constant 0 : i32
    %dma_wait3A_647 = arith.constant 0 : i32
    %dma_wait3A_648 = tpu.memref_slice %arg6[%select_n3A_636, %dma_wait3A_646, %dma_wait3A_647] : memref<16x8x64xf32, #tpu.memory_space<vmem>> -> memref<1x8x64xf32, #tpu.memory_space<vmem>>
    %dma_wait3A_649 = tpu.memref_squeeze %dma_wait3A_648 : memref<1x8x64xf32, #tpu.memory_space<vmem>> -> memref<8x64xf32, #tpu.memory_space<vmem>>
    %dma_wait3A_650 = arith.constant 0 : i32
    %dma_wait3A_651 = arith.constant 0 : i32
    %dma_wait3A_652 = tpu.memref_slice %arg2[%dma_wait3A_650, %dma_wait3A_651] : memref<1000000x64xf32, #tpu.memory_space<hbm>> -> memref<8x64xf32, #tpu.memory_space<hbm>>
    tpu.wait_dma2 semaphore(%dma_wait3A_645 : memref<!tpu.dma_semaphore, #tpu.memory_space<semaphore_mem>>) src(%dma_wait3A_652 : memref<8x64xf32, #tpu.memory_space<hbm>>) dst(%dma_wait3A_649 : memref<8x64xf32, #tpu.memory_space<vmem>>)
    %slice3A_653 = vector.extract_strided_slice %get3A_413 {offsets = [2], sizes = [1], strides = [1]} : vector<16xi32> to vector<1xi32>
    %squeeze3A_654 = vector.extract %slice3A_653[0] : i32 from vector<1xi32>
    %mul3A_655 = arith.constant 0 : i32
    %mul3A_656 = vector.broadcast %mul3A_655 : i32 to vector<16xi32>
    %mul3A_657 = arith.muli %iota3A, %mul3A_656 : vector<16xi32>
    %and3A_658 = arith.constant 7 : i32
    %and3A_659 = arith.andi %squeeze3A_654, %and3A_658 : i32
    %add3A_660 = vector.broadcast %and3A_659 : i32 to vector<16xi32>
    %add3A_661 = arith.addi %mul3A_657, %add3A_660 : vector<16xi32>
    %add3A_662 = arith.constant 0 : i32
    %add3A_663 = vector.broadcast %add3A_662 : i32 to vector<16xi32>
    %add3A_664 = arith.addi %iota3A, %add3A_663 : vector<16xi32>
    %gather3A_665 = arith.constant 0 : i32
    %gather3A_666 = arith.constant 0 : i32
    %gather3A_667 = tpu.memref_slice %arg6[%select_n3A_636, %gather3A_665, %gather3A_666] : memref<16x8x64xf32, #tpu.memory_space<vmem>> -> memref<1x8x64xf32, #tpu.memory_space<vmem>>
    %gather3A_668 = tpu.memref_squeeze %gather3A_667 : memref<1x8x64xf32, #tpu.memory_space<vmem>> -> memref<8x64xf32, #tpu.memory_space<vmem>>
    %gather3A_669 = tpu.vector_load_idx %gather3A_668[%add3A_661, %add3A_664] : memref<8x64xf32, #tpu.memory_space<vmem>>[vector<16xi32>, vector<16xi32>], vector<16xf32>,
    %mul3A_670 = arith.constant 0 : i32
    %mul3A_671 = vector.broadcast %mul3A_670 : i32 to vector<16xi32>
    %mul3A_672 = arith.muli %iota3A, %mul3A_671 : vector<16xi32>
    %add3A_673 = vector.broadcast %add3A_620 : i32 to vector<16xi32>
    %add3A_674 = arith.addi %mul3A_672, %add3A_673 : vector<16xi32>
    %add3A_675 = arith.constant 0 : i32
    %add3A_676 = vector.broadcast %add3A_675 : i32 to vector<16xi32>
    %add3A_677 = arith.addi %iota3A, %add3A_676 : vector<16xi32>
    tpu.vector_store_idx %arg7[%add3A_674, %add3A_677], %gather3A_669 : memref<512x64xf32, #tpu.memory_space<vmem>>[vector<16xi32>, vector<16xi32>], vector<16xf32>,
    %add3A_678 = arith.constant 16 : i32
    %add3A_679 = vector.broadcast %add3A_678 : i32 to vector<16xi32>
    %add3A_680 = arith.addi %iota3A, %add3A_679 : vector<16xi32>
    %gather3A_681 = arith.constant 0 : i32
    %gather3A_682 = arith.constant 0 : i32
    %gather3A_683 = tpu.memref_slice %arg6[%select_n3A_636, %gather3A_681, %gather3A_682] : memref<16x8x64xf32, #tpu.memory_space<vmem>> -> memref<1x8x64xf32, #tpu.memory_space<vmem>>
    %gather3A_684 = tpu.memref_squeeze %gather3A_683 : memref<1x8x64xf32, #tpu.memory_space<vmem>> -> memref<8x64xf32, #tpu.memory_space<vmem>>
    %gather3A_685 = tpu.vector_load_idx %gather3A_684[%add3A_661, %add3A_680] : memref<8x64xf32, #tpu.memory_space<vmem>>[vector<16xi32>, vector<16xi32>], vector<16xf32>,
    %mul3A_686 = arith.constant 0 : i32
    %mul3A_687 = vector.broadcast %mul3A_686 : i32 to vector<16xi32>
    %mul3A_688 = arith.muli %iota3A, %mul3A_687 : vector<16xi32>
    %add3A_689 = vector.broadcast %add3A_620 : i32 to vector<16xi32>
    %add3A_690 = arith.addi %mul3A_688, %add3A_689 : vector<16xi32>
    %add3A_691 = arith.constant 16 : i32
    %add3A_692 = vector.broadcast %add3A_691 : i32 to vector<16xi32>
    %add3A_693 = arith.addi %iota3A, %add3A_692 : vector<16xi32>
    tpu.vector_store_idx %arg7[%add3A_690, %add3A_693], %gather3A_685 : memref<512x64xf32, #tpu.memory_space<vmem>>[vector<16xi32>, vector<16xi32>], vector<16xf32>,
    %add3A_694 = arith.constant 32 : i32
    %add3A_695 = vector.broadcast %add3A_694 : i32 to vector<16xi32>
    %add3A_696 = arith.addi %iota3A, %add3A_695 : vector<16xi32>
    %gather3A_697 = arith.constant 0 : i32
    %gather3A_698 = arith.constant 0 : i32
    %gather3A_699 = tpu.memref_slice %arg6[%select_n3A_636, %gather3A_697, %gather3A_698] : memref<16x8x64xf32, #tpu.memory_space<vmem>> -> memref<1x8x64xf32, #tpu.memory_space<vmem>>
    %gather3A_700 = tpu.memref_squeeze %gather3A_699 : memref<1x8x64xf32, #tpu.memory_space<vmem>> -> memref<8x64xf32, #tpu.memory_space<vmem>>
    %gather3A_701 = tpu.vector_load_idx %gather3A_700[%add3A_661, %add3A_696] : memref<8x64xf32, #tpu.memory_space<vmem>>[vector<16xi32>, vector<16xi32>], vector<16xf32>,
    %mul3A_702 = arith.constant 0 : i32
    %mul3A_703 = vector.broadcast %mul3A_702 : i32 to vector<16xi32>
    %mul3A_704 = arith.muli %iota3A, %mul3A_703 : vector<16xi32>
    %add3A_705 = vector.broadcast %add3A_620 : i32 to vector<16xi32>
    %add3A_706 = arith.addi %mul3A_704, %add3A_705 : vector<16xi32>
    %add3A_707 = arith.constant 32 : i32
    %add3A_708 = vector.broadcast %add3A_707 : i32 to vector<16xi32>
    %add3A_709 = arith.addi %iota3A, %add3A_708 : vector<16xi32>
    tpu.vector_store_idx %arg7[%add3A_706, %add3A_709], %gather3A_701 : memref<512x64xf32, #tpu.memory_space<vmem>>[vector<16xi32>, vector<16xi32>], vector<16xf32>,
    %add3A_710 = arith.constant 48 : i32
    %add3A_711 = vector.broadcast %add3A_710 : i32 to vector<16xi32>
    %add3A_712 = arith.addi %iota3A, %add3A_711 : vector<16xi32>
    %gather3A_713 = arith.constant 0 : i32
    %gather3A_714 = arith.constant 0 : i32
    %gather3A_715 = tpu.memref_slice %arg6[%select_n3A_636, %gather3A_713, %gather3A_714] : memref<16x8x64xf32, #tpu.memory_space<vmem>> -> memref<1x8x64xf32, #tpu.memory_space<vmem>>
    %gather3A_716 = tpu.memref_squeeze %gather3A_715 : memref<1x8x64xf32, #tpu.memory_space<vmem>> -> memref<8x64xf32, #tpu.memory_space<vmem>>
    %gather3A_717 = tpu.vector_load_idx %gather3A_716[%add3A_661, %add3A_712] : memref<8x64xf32, #tpu.memory_space<vmem>>[vector<16xi32>, vector<16xi32>], vector<16xf32>,
    %mul3A_718 = arith.constant 0 : i32
    %mul3A_719 = vector.broadcast %mul3A_718 : i32 to vector<16xi32>
    %mul3A_720 = arith.muli %iota3A, %mul3A_719 : vector<16xi32>
    %add3A_721 = vector.broadcast %add3A_620 : i32 to vector<16xi32>
    %add3A_722 = arith.addi %mul3A_720, %add3A_721 : vector<16xi32>
    %add3A_723 = arith.constant 48 : i32
    %add3A_724 = vector.broadcast %add3A_723 : i32 to vector<16xi32>
    %add3A_725 = arith.addi %iota3A, %add3A_724 : vector<16xi32>
    tpu.vector_store_idx %arg7[%add3A_722, %add3A_725], %gather3A_717 : memref<512x64xf32, #tpu.memory_space<vmem>>[vector<16xi32>, vector<16xi32>], vector<16xf32>,
    %add3A_726 = arith.constant 3 : i32
    %add3A_727 = arith.addi %add3A_411, %add3A_726 : i32
    %jit3A_728 = arith.constant 16 : i32
    %eq3A_729 = arith.constant 0 : i32
    %eq3A_730 = arith.cmpi eq, %jit3A_728, %eq3A_729 : i32
    %jit3A_731 = arith.constant 1 : i32
    %select_n3A_732 = arith.select %eq3A_730, %jit3A_731, %jit3A_728 : i32
    %rem3A_733 = arith.remsi %add3A_727, %select_n3A_732 : i32
    %ne3A_734 = arith.constant 0 : i32
    %ne3A_735 = arith.cmpi ne, %rem3A_733, %ne3A_734 : i32
    %lt3A_736 = arith.constant 0 : i32
    %lt3A_737 = arith.cmpi slt, %rem3A_733, %lt3A_736 : i32
    %lt3A_738 = arith.constant 0 : i32
    %lt3A_739 = arith.cmpi slt, %select_n3A_732, %lt3A_738 : i32
    %ne3A_740 = arith.xori %lt3A_737, %lt3A_739 : i1
    %and3A_741 = arith.andi %ne3A_740, %ne3A_735 : i1
    %add3A_742 = arith.addi %rem3A_733, %select_n3A_732 : i32
    %select_n3A_743 = arith.select %and3A_741, %add3A_742, %rem3A_733 : i32
    %dma_wait3A_744 = arith.constant 0 : i32
    %dma_wait3A_745 = arith.constant 0 : i32
    %dma_wait3A_746 = tpu.memref_slice %arg6[%select_n3A_743, %dma_wait3A_744, %dma_wait3A_745] : memref<16x8x64xf32, #tpu.memory_space<vmem>> -> memref<1x8x64xf32, #tpu.memory_space<vmem>>
    %dma_wait3A_747 = tpu.memref_squeeze %dma_wait3A_746 : memref<1x8x64xf32, #tpu.memory_space<vmem>> -> memref<8x64xf32, #tpu.memory_space<vmem>>
    %dma_wait3A_748 = arith.constant 0 : i32
    %dma_wait3A_749 = arith.constant 0 : i32
    %dma_wait3A_750 = tpu.memref_slice %arg2[%dma_wait3A_748, %dma_wait3A_749] : memref<1000000x64xf32, #tpu.memory_space<hbm>> -> memref<8x64xf32, #tpu.memory_space<hbm>>
    %dma_wait3A_751 = tpu.memref_slice %arg8[%select_n3A_743] : memref<16x!tpu.dma_semaphore, #tpu.memory_space<semaphore_mem>> -> memref<1x!tpu.dma_semaphore, #tpu.memory_space<semaphore_mem>>
    %dma_wait3A_752 = tpu.memref_squeeze %dma_wait3A_751 : memref<1x!tpu.dma_semaphore, #tpu.memory_space<semaphore_mem>> -> memref<!tpu.dma_semaphore, #tpu.memory_space<semaphore_mem>>
    %dma_wait3A_753 = arith.constant 0 : i32
    %dma_wait3A_754 = arith.constant 0 : i32
    %dma_wait3A_755 = tpu.memref_slice %arg6[%select_n3A_743, %dma_wait3A_753, %dma_wait3A_754] : memref<16x8x64xf32, #tpu.memory_space<vmem>> -> memref<1x8x64xf32, #tpu.memory_space<vmem>>
    %dma_wait3A_756 = tpu.memref_squeeze %dma_wait3A_755 : memref<1x8x64xf32, #tpu.memory_space<vmem>> -> memref<8x64xf32, #tpu.memory_space<vmem>>
    %dma_wait3A_757 = arith.constant 0 : i32
    %dma_wait3A_758 = arith.constant 0 : i32
    %dma_wait3A_759 = tpu.memref_slice %arg2[%dma_wait3A_757, %dma_wait3A_758] : memref<1000000x64xf32, #tpu.memory_space<hbm>> -> memref<8x64xf32, #tpu.memory_space<hbm>>
    tpu.wait_dma2 semaphore(%dma_wait3A_752 : memref<!tpu.dma_semaphore, #tpu.memory_space<semaphore_mem>>) src(%dma_wait3A_759 : memref<8x64xf32, #tpu.memory_space<hbm>>) dst(%dma_wait3A_756 : memref<8x64xf32, #tpu.memory_space<vmem>>)
    %slice3A_760 = vector.extract_strided_slice %get3A_413 {offsets = [3], sizes = [1], strides = [1]} : vector<16xi32> to vector<1xi32>
    %squeeze3A_761 = vector.extract %slice3A_760[0] : i32 from vector<1xi32>
    %mul3A_762 = arith.constant 0 : i32
    %mul3A_763 = vector.broadcast %mul3A_762 : i32 to vector<16xi32>
    %mul3A_764 = arith.muli %iota3A, %mul3A_763 : vector<16xi32>
    %and3A_765 = arith.constant 7 : i32
    %and3A_766 = arith.andi %squeeze3A_761, %and3A_765 : i32
    %add3A_767 = vector.broadcast %and3A_766 : i32 to vector<16xi32>
    %add3A_768 = arith.addi %mul3A_764, %add3A_767 : vector<16xi32>
    %add3A_769 = arith.constant 0 : i32
    %add3A_770 = vector.broadcast %add3A_769 : i32 to vector<16xi32>
    %add3A_771 = arith.addi %iota3A, %add3A_770 : vector<16xi32>
    %gather3A_772 = arith.constant 0 : i32
    %gather3A_773 = arith.constant 0 : i32
    %gather3A_774 = tpu.memref_slice %arg6[%select_n3A_743, %gather3A_772, %gather3A_773] : memref<16x8x64xf32, #tpu.memory_space<vmem>> -> memref<1x8x64xf32, #tpu.memory_space<vmem>>
    %gather3A_775 = tpu.memref_squeeze %gather3A_774 : memref<1x8x64xf32, #tpu.memory_space<vmem>> -> memref<8x64xf32, #tpu.memory_space<vmem>>
    %gather3A_776 = tpu.vector_load_idx %gather3A_775[%add3A_768, %add3A_771] : memref<8x64xf32, #tpu.memory_space<vmem>>[vector<16xi32>, vector<16xi32>], vector<16xf32>,
    %mul3A_777 = arith.constant 0 : i32
    %mul3A_778 = vector.broadcast %mul3A_777 : i32 to vector<16xi32>
    %mul3A_779 = arith.muli %iota3A, %mul3A_778 : vector<16xi32>
    %add3A_780 = vector.broadcast %add3A_727 : i32 to vector<16xi32>
    %add3A_781 = arith.addi %mul3A_779, %add3A_780 : vector<16xi32>
    %add3A_782 = arith.constant 0 : i32
    %add3A_783 = vector.broadcast %add3A_782 : i32 to vector<16xi32>
    %add3A_784 = arith.addi %iota3A, %add3A_783 : vector<16xi32>
    tpu.vector_store_idx %arg7[%add3A_781, %add3A_784], %gather3A_776 : memref<512x64xf32, #tpu.memory_space<vmem>>[vector<16xi32>, vector<16xi32>], vector<16xf32>,
    %add3A_785 = arith.constant 16 : i32
    %add3A_786 = vector.broadcast %add3A_785 : i32 to vector<16xi32>
    %add3A_787 = arith.addi %iota3A, %add3A_786 : vector<16xi32>
    %gather3A_788 = arith.constant 0 : i32
    %gather3A_789 = arith.constant 0 : i32
    %gather3A_790 = tpu.memref_slice %arg6[%select_n3A_743, %gather3A_788, %gather3A_789] : memref<16x8x64xf32, #tpu.memory_space<vmem>> -> memref<1x8x64xf32, #tpu.memory_space<vmem>>
    %gather3A_791 = tpu.memref_squeeze %gather3A_790 : memref<1x8x64xf32, #tpu.memory_space<vmem>> -> memref<8x64xf32, #tpu.memory_space<vmem>>
    %gather3A_792 = tpu.vector_load_idx %gather3A_791[%add3A_768, %add3A_787] : memref<8x64xf32, #tpu.memory_space<vmem>>[vector<16xi32>, vector<16xi32>], vector<16xf32>,
    %mul3A_793 = arith.constant 0 : i32
    %mul3A_794 = vector.broadcast %mul3A_793 : i32 to vector<16xi32>
    %mul3A_795 = arith.muli %iota3A, %mul3A_794 : vector<16xi32>
    %add3A_796 = vector.broadcast %add3A_727 : i32 to vector<16xi32>
    %add3A_797 = arith.addi %mul3A_795, %add3A_796 : vector<16xi32>
    %add3A_798 = arith.constant 16 : i32
    %add3A_799 = vector.broadcast %add3A_798 : i32 to vector<16xi32>
    %add3A_800 = arith.addi %iota3A, %add3A_799 : vector<16xi32>
    tpu.vector_store_idx %arg7[%add3A_797, %add3A_800], %gather3A_792 : memref<512x64xf32, #tpu.memory_space<vmem>>[vector<16xi32>, vector<16xi32>], vector<16xf32>,
    %add3A_801 = arith.constant 32 : i32
    %add3A_802 = vector.broadcast %add3A_801 : i32 to vector<16xi32>
    %add3A_803 = arith.addi %iota3A, %add3A_802 : vector<16xi32>
    %gather3A_804 = arith.constant 0 : i32
    %gather3A_805 = arith.constant 0 : i32
    %gather3A_806 = tpu.memref_slice %arg6[%select_n3A_743, %gather3A_804, %gather3A_805] : memref<16x8x64xf32, #tpu.memory_space<vmem>> -> memref<1x8x64xf32, #tpu.memory_space<vmem>>
    %gather3A_807 = tpu.memref_squeeze %gather3A_806 : memref<1x8x64xf32, #tpu.memory_space<vmem>> -> memref<8x64xf32, #tpu.memory_space<vmem>>
    %gather3A_808 = tpu.vector_load_idx %gather3A_807[%add3A_768, %add3A_803] : memref<8x64xf32, #tpu.memory_space<vmem>>[vector<16xi32>, vector<16xi32>], vector<16xf32>,
    %mul3A_809 = arith.constant 0 : i32
    %mul3A_810 = vector.broadcast %mul3A_809 : i32 to vector<16xi32>
    %mul3A_811 = arith.muli %iota3A, %mul3A_810 : vector<16xi32>
    %add3A_812 = vector.broadcast %add3A_727 : i32 to vector<16xi32>
    %add3A_813 = arith.addi %mul3A_811, %add3A_812 : vector<16xi32>
    %add3A_814 = arith.constant 32 : i32
    %add3A_815 = vector.broadcast %add3A_814 : i32 to vector<16xi32>
    %add3A_816 = arith.addi %iota3A, %add3A_815 : vector<16xi32>
    tpu.vector_store_idx %arg7[%add3A_813, %add3A_816], %gather3A_808 : memref<512x64xf32, #tpu.memory_space<vmem>>[vector<16xi32>, vector<16xi32>], vector<16xf32>,
    %add3A_817 = arith.constant 48 : i32
    %add3A_818 = vector.broadcast %add3A_817 : i32 to vector<16xi32>
    %add3A_819 = arith.addi %iota3A, %add3A_818 : vector<16xi32>
    %gather3A_820 = arith.constant 0 : i32
    %gather3A_821 = arith.constant 0 : i32
    %gather3A_822 = tpu.memref_slice %arg6[%select_n3A_743, %gather3A_820, %gather3A_821] : memref<16x8x64xf32, #tpu.memory_space<vmem>> -> memref<1x8x64xf32, #tpu.memory_space<vmem>>
    %gather3A_823 = tpu.memref_squeeze %gather3A_822 : memref<1x8x64xf32, #tpu.memory_space<vmem>> -> memref<8x64xf32, #tpu.memory_space<vmem>>
    %gather3A_824 = tpu.vector_load_idx %gather3A_823[%add3A_768, %add3A_819] : memref<8x64xf32, #tpu.memory_space<vmem>>[vector<16xi32>, vector<16xi32>], vector<16xf32>,
    %mul3A_825 = arith.constant 0 : i32
    %mul3A_826 = vector.broadcast %mul3A_825 : i32 to vector<16xi32>
    %mul3A_827 = arith.muli %iota3A, %mul3A_826 : vector<16xi32>
    %add3A_828 = vector.broadcast %add3A_727 : i32 to vector<16xi32>
    %add3A_829 = arith.addi %mul3A_827, %add3A_828 : vector<16xi32>
    %add3A_830 = arith.constant 48 : i32
    %add3A_831 = vector.broadcast %add3A_830 : i32 to vector<16xi32>
    %add3A_832 = arith.addi %iota3A, %add3A_831 : vector<16xi32>
    tpu.vector_store_idx %arg7[%add3A_829, %add3A_832], %gather3A_824 : memref<512x64xf32, #tpu.memory_space<vmem>>[vector<16xi32>, vector<16xi32>], vector<16xf32>,
    %add3A_833 = arith.constant 4 : i32
    %add3A_834 = arith.addi %add3A_411, %add3A_833 : i32
    %jit3A_835 = arith.constant 16 : i32
    %eq3A_836 = arith.constant 0 : i32
    %eq3A_837 = arith.cmpi eq, %jit3A_835, %eq3A_836 : i32
    %jit3A_838 = arith.constant 1 : i32
    %select_n3A_839 = arith.select %eq3A_837, %jit3A_838, %jit3A_835 : i32
    %rem3A_840 = arith.remsi %add3A_834, %select_n3A_839 : i32
    %ne3A_841 = arith.constant 0 : i32
    %ne3A_842 = arith.cmpi ne, %rem3A_840, %ne3A_841 : i32
    %lt3A_843 = arith.constant 0 : i32
    %lt3A_844 = arith.cmpi slt, %rem3A_840, %lt3A_843 : i32
    %lt3A_845 = arith.constant 0 : i32
    %lt3A_846 = arith.cmpi slt, %select_n3A_839, %lt3A_845 : i32
    %ne3A_847 = arith.xori %lt3A_844, %lt3A_846 : i1
    %and3A_848 = arith.andi %ne3A_847, %ne3A_842 : i1
    %add3A_849 = arith.addi %rem3A_840, %select_n3A_839 : i32
    %select_n3A_850 = arith.select %and3A_848, %add3A_849, %rem3A_840 : i32
    %dma_wait3A_851 = arith.constant 0 : i32
    %dma_wait3A_852 = arith.constant 0 : i32
    %dma_wait3A_853 = tpu.memref_slice %arg6[%select_n3A_850, %dma_wait3A_851, %dma_wait3A_852] : memref<16x8x64xf32, #tpu.memory_space<vmem>> -> memref<1x8x64xf32, #tpu.memory_space<vmem>>
    %dma_wait3A_854 = tpu.memref_squeeze %dma_wait3A_853 : memref<1x8x64xf32, #tpu.memory_space<vmem>> -> memref<8x64xf32, #tpu.memory_space<vmem>>
    %dma_wait3A_855 = arith.constant 0 : i32
    %dma_wait3A_856 = arith.constant 0 : i32
    %dma_wait3A_857 = tpu.memref_slice %arg2[%dma_wait3A_855, %dma_wait3A_856] : memref<1000000x64xf32, #tpu.memory_space<hbm>> -> memref<8x64xf32, #tpu.memory_space<hbm>>
    %dma_wait3A_858 = tpu.memref_slice %arg8[%select_n3A_850] : memref<16x!tpu.dma_semaphore, #tpu.memory_space<semaphore_mem>> -> memref<1x!tpu.dma_semaphore, #tpu.memory_space<semaphore_mem>>
    %dma_wait3A_859 = tpu.memref_squeeze %dma_wait3A_858 : memref<1x!tpu.dma_semaphore, #tpu.memory_space<semaphore_mem>> -> memref<!tpu.dma_semaphore, #tpu.memory_space<semaphore_mem>>
    %dma_wait3A_860 = arith.constant 0 : i32
    %dma_wait3A_861 = arith.constant 0 : i32
    %dma_wait3A_862 = tpu.memref_slice %arg6[%select_n3A_850, %dma_wait3A_860, %dma_wait3A_861] : memref<16x8x64xf32, #tpu.memory_space<vmem>> -> memref<1x8x64xf32, #tpu.memory_space<vmem>>
    %dma_wait3A_863 = tpu.memref_squeeze %dma_wait3A_862 : memref<1x8x64xf32, #tpu.memory_space<vmem>> -> memref<8x64xf32, #tpu.memory_space<vmem>>
    %dma_wait3A_864 = arith.constant 0 : i32
    %dma_wait3A_865 = arith.constant 0 : i32
    %dma_wait3A_866 = tpu.memref_slice %arg2[%dma_wait3A_864, %dma_wait3A_865] : memref<1000000x64xf32, #tpu.memory_space<hbm>> -> memref<8x64xf32, #tpu.memory_space<hbm>>
    tpu.wait_dma2 semaphore(%dma_wait3A_859 : memref<!tpu.dma_semaphore, #tpu.memory_space<semaphore_mem>>) src(%dma_wait3A_866 : memref<8x64xf32, #tpu.memory_space<hbm>>) dst(%dma_wait3A_863 : memref<8x64xf32, #tpu.memory_space<vmem>>)
    %slice3A_867 = vector.extract_strided_slice %get3A_413 {offsets = [4], sizes = [1], strides = [1]} : vector<16xi32> to vector<1xi32>
    %squeeze3A_868 = vector.extract %slice3A_867[0] : i32 from vector<1xi32>
    %mul3A_869 = arith.constant 0 : i32
    %mul3A_870 = vector.broadcast %mul3A_869 : i32 to vector<16xi32>
    %mul3A_871 = arith.muli %iota3A, %mul3A_870 : vector<16xi32>
    %and3A_872 = arith.constant 7 : i32
    %and3A_873 = arith.andi %squeeze3A_868, %and3A_872 : i32
    %add3A_874 = vector.broadcast %and3A_873 : i32 to vector<16xi32>
    %add3A_875 = arith.addi %mul3A_871, %add3A_874 : vector<16xi32>
    %add3A_876 = arith.constant 0 : i32
    %add3A_877 = vector.broadcast %add3A_876 : i32 to vector<16xi32>
    %add3A_878 = arith.addi %iota3A, %add3A_877 : vector<16xi32>
    %gather3A_879 = arith.constant 0 : i32
    %gather3A_880 = arith.constant 0 : i32
    %gather3A_881 = tpu.memref_slice %arg6[%select_n3A_850, %gather3A_879, %gather3A_880] : memref<16x8x64xf32, #tpu.memory_space<vmem>> -> memref<1x8x64xf32, #tpu.memory_space<vmem>>
    %gather3A_882 = tpu.memref_squeeze %gather3A_881 : memref<1x8x64xf32, #tpu.memory_space<vmem>> -> memref<8x64xf32, #tpu.memory_space<vmem>>
    %gather3A_883 = tpu.vector_load_idx %gather3A_882[%add3A_875, %add3A_878] : memref<8x64xf32, #tpu.memory_space<vmem>>[vector<16xi32>, vector<16xi32>], vector<16xf32>,
    %mul3A_884 = arith.constant 0 : i32
    %mul3A_885 = vector.broadcast %mul3A_884 : i32 to vector<16xi32>
    %mul3A_886 = arith.muli %iota3A, %mul3A_885 : vector<16xi32>
    %add3A_887 = vector.broadcast %add3A_834 : i32 to vector<16xi32>
    %add3A_888 = arith.addi %mul3A_886, %add3A_887 : vector<16xi32>
    %add3A_889 = arith.constant 0 : i32
    %add3A_890 = vector.broadcast %add3A_889 : i32 to vector<16xi32>
    %add3A_891 = arith.addi %iota3A, %add3A_890 : vector<16xi32>
    tpu.vector_store_idx %arg7[%add3A_888, %add3A_891], %gather3A_883 : memref<512x64xf32, #tpu.memory_space<vmem>>[vector<16xi32>, vector<16xi32>], vector<16xf32>,
    %add3A_892 = arith.constant 16 : i32
    %add3A_893 = vector.broadcast %add3A_892 : i32 to vector<16xi32>
    %add3A_894 = arith.addi %iota3A, %add3A_893 : vector<16xi32>
    %gather3A_895 = arith.constant 0 : i32
    %gather3A_896 = arith.constant 0 : i32
    %gather3A_897 = tpu.memref_slice %arg6[%select_n3A_850, %gather3A_895, %gather3A_896] : memref<16x8x64xf32, #tpu.memory_space<vmem>> -> memref<1x8x64xf32, #tpu.memory_space<vmem>>
    %gather3A_898 = tpu.memref_squeeze %gather3A_897 : memref<1x8x64xf32, #tpu.memory_space<vmem>> -> memref<8x64xf32, #tpu.memory_space<vmem>>
    %gather3A_899 = tpu.vector_load_idx %gather3A_898[%add3A_875, %add3A_894] : memref<8x64xf32, #tpu.memory_space<vmem>>[vector<16xi32>, vector<16xi32>], vector<16xf32>,
    %mul3A_900 = arith.constant 0 : i32
    %mul3A_901 = vector.broadcast %mul3A_900 : i32 to vector<16xi32>
    %mul3A_902 = arith.muli %iota3A, %mul3A_901 : vector<16xi32>
    %add3A_903 = vector.broadcast %add3A_834 : i32 to vector<16xi32>
    %add3A_904 = arith.addi %mul3A_902, %add3A_903 : vector<16xi32>
    %add3A_905 = arith.constant 16 : i32
    %add3A_906 = vector.broadcast %add3A_905 : i32 to vector<16xi32>
    %add3A_907 = arith.addi %iota3A, %add3A_906 : vector<16xi32>
    tpu.vector_store_idx %arg7[%add3A_904, %add3A_907], %gather3A_899 : memref<512x64xf32, #tpu.memory_space<vmem>>[vector<16xi32>, vector<16xi32>], vector<16xf32>,
    %add3A_908 = arith.constant 32 : i32
    %add3A_909 = vector.broadcast %add3A_908 : i32 to vector<16xi32>
    %add3A_910 = arith.addi %iota3A, %add3A_909 : vector<16xi32>
    %gather3A_911 = arith.constant 0 : i32
    %gather3A_912 = arith.constant 0 : i32
    %gather3A_913 = tpu.memref_slice %arg6[%select_n3A_850, %gather3A_911, %gather3A_912] : memref<16x8x64xf32, #tpu.memory_space<vmem>> -> memref<1x8x64xf32, #tpu.memory_space<vmem>>
    %gather3A_914 = tpu.memref_squeeze %gather3A_913 : memref<1x8x64xf32, #tpu.memory_space<vmem>> -> memref<8x64xf32, #tpu.memory_space<vmem>>
    %gather3A_915 = tpu.vector_load_idx %gather3A_914[%add3A_875, %add3A_910] : memref<8x64xf32, #tpu.memory_space<vmem>>[vector<16xi32>, vector<16xi32>], vector<16xf32>,
    %mul3A_916 = arith.constant 0 : i32
    %mul3A_917 = vector.broadcast %mul3A_916 : i32 to vector<16xi32>
    %mul3A_918 = arith.muli %iota3A, %mul3A_917 : vector<16xi32>
    %add3A_919 = vector.broadcast %add3A_834 : i32 to vector<16xi32>
    %add3A_920 = arith.addi %mul3A_918, %add3A_919 : vector<16xi32>
    %add3A_921 = arith.constant 32 : i32
    %add3A_922 = vector.broadcast %add3A_921 : i32 to vector<16xi32>
    %add3A_923 = arith.addi %iota3A, %add3A_922 : vector<16xi32>
    tpu.vector_store_idx %arg7[%add3A_920, %add3A_923], %gather3A_915 : memref<512x64xf32, #tpu.memory_space<vmem>>[vector<16xi32>, vector<16xi32>], vector<16xf32>,
    %add3A_924 = arith.constant 48 : i32
    %add3A_925 = vector.broadcast %add3A_924 : i32 to vector<16xi32>
    %add3A_926 = arith.addi %iota3A, %add3A_925 : vector<16xi32>
    %gather3A_927 = arith.constant 0 : i32
    %gather3A_928 = arith.constant 0 : i32
    %gather3A_929 = tpu.memref_slice %arg6[%select_n3A_850, %gather3A_927, %gather3A_928] : memref<16x8x64xf32, #tpu.memory_space<vmem>> -> memref<1x8x64xf32, #tpu.memory_space<vmem>>
    %gather3A_930 = tpu.memref_squeeze %gather3A_929 : memref<1x8x64xf32, #tpu.memory_space<vmem>> -> memref<8x64xf32, #tpu.memory_space<vmem>>
    %gather3A_931 = tpu.vector_load_idx %gather3A_930[%add3A_875, %add3A_926] : memref<8x64xf32, #tpu.memory_space<vmem>>[vector<16xi32>, vector<16xi32>], vector<16xf32>,
    %mul3A_932 = arith.constant 0 : i32
    %mul3A_933 = vector.broadcast %mul3A_932 : i32 to vector<16xi32>
    %mul3A_934 = arith.muli %iota3A, %mul3A_933 : vector<16xi32>
    %add3A_935 = vector.broadcast %add3A_834 : i32 to vector<16xi32>
    %add3A_936 = arith.addi %mul3A_934, %add3A_935 : vector<16xi32>
    %add3A_937 = arith.constant 48 : i32
    %add3A_938 = vector.broadcast %add3A_937 : i32 to vector<16xi32>
    %add3A_939 = arith.addi %iota3A, %add3A_938 : vector<16xi32>
    tpu.vector_store_idx %arg7[%add3A_936, %add3A_939], %gather3A_931 : memref<512x64xf32, #tpu.memory_space<vmem>>[vector<16xi32>, vector<16xi32>], vector<16xf32>,
    %add3A_940 = arith.constant 5 : i32
    %add3A_941 = arith.addi %add3A_411, %add3A_940 : i32
    %jit3A_942 = arith.constant 16 : i32
    %eq3A_943 = arith.constant 0 : i32
    %eq3A_944 = arith.cmpi eq, %jit3A_942, %eq3A_943 : i32
    %jit3A_945 = arith.constant 1 : i32
    %select_n3A_946 = arith.select %eq3A_944, %jit3A_945, %jit3A_942 : i32
    %rem3A_947 = arith.remsi %add3A_941, %select_n3A_946 : i32
    %ne3A_948 = arith.constant 0 : i32
    %ne3A_949 = arith.cmpi ne, %rem3A_947, %ne3A_948 : i32
    %lt3A_950 = arith.constant 0 : i32
    %lt3A_951 = arith.cmpi slt, %rem3A_947, %lt3A_950 : i32
    %lt3A_952 = arith.constant 0 : i32
    %lt3A_953 = arith.cmpi slt, %select_n3A_946, %lt3A_952 : i32
    %ne3A_954 = arith.xori %lt3A_951, %lt3A_953 : i1
    %and3A_955 = arith.andi %ne3A_954, %ne3A_949 : i1
    %add3A_956 = arith.addi %rem3A_947, %select_n3A_946 : i32
    %select_n3A_957 = arith.select %and3A_955, %add3A_956, %rem3A_947 : i32
    %dma_wait3A_958 = arith.constant 0 : i32
    %dma_wait3A_959 = arith.constant 0 : i32
    %dma_wait3A_960 = tpu.memref_slice %arg6[%select_n3A_957, %dma_wait3A_958, %dma_wait3A_959] : memref<16x8x64xf32, #tpu.memory_space<vmem>> -> memref<1x8x64xf32, #tpu.memory_space<vmem>>
    %dma_wait3A_961 = tpu.memref_squeeze %dma_wait3A_960 : memref<1x8x64xf32, #tpu.memory_space<vmem>> -> memref<8x64xf32, #tpu.memory_space<vmem>>
    %dma_wait3A_962 = arith.constant 0 : i32
    %dma_wait3A_963 = arith.constant 0 : i32
    %dma_wait3A_964 = tpu.memref_slice %arg2[%dma_wait3A_962, %dma_wait3A_963] : memref<1000000x64xf32, #tpu.memory_space<hbm>> -> memref<8x64xf32, #tpu.memory_space<hbm>>
    %dma_wait3A_965 = tpu.memref_slice %arg8[%select_n3A_957] : memref<16x!tpu.dma_semaphore, #tpu.memory_space<semaphore_mem>> -> memref<1x!tpu.dma_semaphore, #tpu.memory_space<semaphore_mem>>
    %dma_wait3A_966 = tpu.memref_squeeze %dma_wait3A_965 : memref<1x!tpu.dma_semaphore, #tpu.memory_space<semaphore_mem>> -> memref<!tpu.dma_semaphore, #tpu.memory_space<semaphore_mem>>
    %dma_wait3A_967 = arith.constant 0 : i32
    %dma_wait3A_968 = arith.constant 0 : i32
    %dma_wait3A_969 = tpu.memref_slice %arg6[%select_n3A_957, %dma_wait3A_967, %dma_wait3A_968] : memref<16x8x64xf32, #tpu.memory_space<vmem>> -> memref<1x8x64xf32, #tpu.memory_space<vmem>>
    %dma_wait3A_970 = tpu.memref_squeeze %dma_wait3A_969 : memref<1x8x64xf32, #tpu.memory_space<vmem>> -> memref<8x64xf32, #tpu.memory_space<vmem>>
    %dma_wait3A_971 = arith.constant 0 : i32
    %dma_wait3A_972 = arith.constant 0 : i32
    %dma_wait3A_973 = tpu.memref_slice %arg2[%dma_wait3A_971, %dma_wait3A_972] : memref<1000000x64xf32, #tpu.memory_space<hbm>> -> memref<8x64xf32, #tpu.memory_space<hbm>>
    tpu.wait_dma2 semaphore(%dma_wait3A_966 : memref<!tpu.dma_semaphore, #tpu.memory_space<semaphore_mem>>) src(%dma_wait3A_973 : memref<8x64xf32, #tpu.memory_space<hbm>>) dst(%dma_wait3A_970 : memref<8x64xf32, #tpu.memory_space<vmem>>)
    %slice3A_974 = vector.extract_strided_slice %get3A_413 {offsets = [5], sizes = [1], strides = [1]} : vector<16xi32> to vector<1xi32>
    %squeeze3A_975 = vector.extract %slice3A_974[0] : i32 from vector<1xi32>
    %mul3A_976 = arith.constant 0 : i32
    %mul3A_977 = vector.broadcast %mul3A_976 : i32 to vector<16xi32>
    %mul3A_978 = arith.muli %iota3A, %mul3A_977 : vector<16xi32>
    %and3A_979 = arith.constant 7 : i32
    %and3A_980 = arith.andi %squeeze3A_975, %and3A_979 : i32
    %add3A_981 = vector.broadcast %and3A_980 : i32 to vector<16xi32>
    %add3A_982 = arith.addi %mul3A_978, %add3A_981 : vector<16xi32>
    %add3A_983 = arith.constant 0 : i32
    %add3A_984 = vector.broadcast %add3A_983 : i32 to vector<16xi32>
    %add3A_985 = arith.addi %iota3A, %add3A_984 : vector<16xi32>
    %gather3A_986 = arith.constant 0 : i32
    %gather3A_987 = arith.constant 0 : i32
    %gather3A_988 = tpu.memref_slice %arg6[%select_n3A_957, %gather3A_986, %gather3A_987] : memref<16x8x64xf32, #tpu.memory_space<vmem>> -> memref<1x8x64xf32, #tpu.memory_space<vmem>>
    %gather3A_989 = tpu.memref_squeeze %gather3A_988 : memref<1x8x64xf32, #tpu.memory_space<vmem>> -> memref<8x64xf32, #tpu.memory_space<vmem>>
    %gather3A_990 = tpu.vector_load_idx %gather3A_989[%add3A_982, %add3A_985] : memref<8x64xf32, #tpu.memory_space<vmem>>[vector<16xi32>, vector<16xi32>], vector<16xf32>,
    %mul3A_991 = arith.constant 0 : i32
    %mul3A_992 = vector.broadcast %mul3A_991 : i32 to vector<16xi32>
    %mul3A_993 = arith.muli %iota3A, %mul3A_992 : vector<16xi32>
    %add3A_994 = vector.broadcast %add3A_941 : i32 to vector<16xi32>
    %add3A_995 = arith.addi %mul3A_993, %add3A_994 : vector<16xi32>
    %add3A_996 = arith.constant 0 : i32
    %add3A_997 = vector.broadcast %add3A_996 : i32 to vector<16xi32>
    %add3A_998 = arith.addi %iota3A, %add3A_997 : vector<16xi32>
    tpu.vector_store_idx %arg7[%add3A_995, %add3A_998], %gather3A_990 : memref<512x64xf32, #tpu.memory_space<vmem>>[vector<16xi32>, vector<16xi32>], vector<16xf32>,
    %add3A_999 = arith.constant 16 : i32
    %add3A_1000 = vector.broadcast %add3A_999 : i32 to vector<16xi32>
    %add3A_1001 = arith.addi %iota3A, %add3A_1000 : vector<16xi32>
    %gather3A_1002 = arith.constant 0 : i32
    %gather3A_1003 = arith.constant 0 : i32
    %gather3A_1004 = tpu.memref_slice %arg6[%select_n3A_957, %gather3A_1002, %gather3A_1003] : memref<16x8x64xf32, #tpu.memory_space<vmem>> -> memref<1x8x64xf32, #tpu.memory_space<vmem>>
    %gather3A_1005 = tpu.memref_squeeze %gather3A_1004 : memref<1x8x64xf32, #tpu.memory_space<vmem>> -> memref<8x64xf32, #tpu.memory_space<vmem>>
    %gather3A_1006 = tpu.vector_load_idx %gather3A_1005[%add3A_982, %add3A_1001] : memref<8x64xf32, #tpu.memory_space<vmem>>[vector<16xi32>, vector<16xi32>], vector<16xf32>,
    %mul3A_1007 = arith.constant 0 : i32
    %mul3A_1008 = vector.broadcast %mul3A_1007 : i32 to vector<16xi32>
    %mul3A_1009 = arith.muli %iota3A, %mul3A_1008 : vector<16xi32>
    %add3A_1010 = vector.broadcast %add3A_941 : i32 to vector<16xi32>
    %add3A_1011 = arith.addi %mul3A_1009, %add3A_1010 : vector<16xi32>
    %add3A_1012 = arith.constant 16 : i32
    %add3A_1013 = vector.broadcast %add3A_1012 : i32 to vector<16xi32>
    %add3A_1014 = arith.addi %iota3A, %add3A_1013 : vector<16xi32>
    tpu.vector_store_idx %arg7[%add3A_1011, %add3A_1014], %gather3A_1006 : memref<512x64xf32, #tpu.memory_space<vmem>>[vector<16xi32>, vector<16xi32>], vector<16xf32>,
    %add3A_1015 = arith.constant 32 : i32
    %add3A_1016 = vector.broadcast %add3A_1015 : i32 to vector<16xi32>
    %add3A_1017 = arith.addi %iota3A, %add3A_1016 : vector<16xi32>
    %gather3A_1018 = arith.constant 0 : i32
    %gather3A_1019 = arith.constant 0 : i32
    %gather3A_1020 = tpu.memref_slice %arg6[%select_n3A_957, %gather3A_1018, %gather3A_1019] : memref<16x8x64xf32, #tpu.memory_space<vmem>> -> memref<1x8x64xf32, #tpu.memory_space<vmem>>
    %gather3A_1021 = tpu.memref_squeeze %gather3A_1020 : memref<1x8x64xf32, #tpu.memory_space<vmem>> -> memref<8x64xf32, #tpu.memory_space<vmem>>
    %gather3A_1022 = tpu.vector_load_idx %gather3A_1021[%add3A_982, %add3A_1017] : memref<8x64xf32, #tpu.memory_space<vmem>>[vector<16xi32>, vector<16xi32>], vector<16xf32>,
    %mul3A_1023 = arith.constant 0 : i32
    %mul3A_1024 = vector.broadcast %mul3A_1023 : i32 to vector<16xi32>
    %mul3A_1025 = arith.muli %iota3A, %mul3A_1024 : vector<16xi32>
    %add3A_1026 = vector.broadcast %add3A_941 : i32 to vector<16xi32>
    %add3A_1027 = arith.addi %mul3A_1025, %add3A_1026 : vector<16xi32>
    %add3A_1028 = arith.constant 32 : i32
    %add3A_1029 = vector.broadcast %add3A_1028 : i32 to vector<16xi32>
    %add3A_1030 = arith.addi %iota3A, %add3A_1029 : vector<16xi32>
    tpu.vector_store_idx %arg7[%add3A_1027, %add3A_1030], %gather3A_1022 : memref<512x64xf32, #tpu.memory_space<vmem>>[vector<16xi32>, vector<16xi32>], vector<16xf32>,
    %add3A_1031 = arith.constant 48 : i32
    %add3A_1032 = vector.broadcast %add3A_1031 : i32 to vector<16xi32>
    %add3A_1033 = arith.addi %iota3A, %add3A_1032 : vector<16xi32>
    %gather3A_1034 = arith.constant 0 : i32
    %gather3A_1035 = arith.constant 0 : i32
    %gather3A_1036 = tpu.memref_slice %arg6[%select_n3A_957, %gather3A_1034, %gather3A_1035] : memref<16x8x64xf32, #tpu.memory_space<vmem>> -> memref<1x8x64xf32, #tpu.memory_space<vmem>>
    %gather3A_1037 = tpu.memref_squeeze %gather3A_1036 : memref<1x8x64xf32, #tpu.memory_space<vmem>> -> memref<8x64xf32, #tpu.memory_space<vmem>>
    %gather3A_1038 = tpu.vector_load_idx %gather3A_1037[%add3A_982, %add3A_1033] : memref<8x64xf32, #tpu.memory_space<vmem>>[vector<16xi32>, vector<16xi32>], vector<16xf32>,
    %mul3A_1039 = arith.constant 0 : i32
    %mul3A_1040 = vector.broadcast %mul3A_1039 : i32 to vector<16xi32>
    %mul3A_1041 = arith.muli %iota3A, %mul3A_1040 : vector<16xi32>
    %add3A_1042 = vector.broadcast %add3A_941 : i32 to vector<16xi32>
    %add3A_1043 = arith.addi %mul3A_1041, %add3A_1042 : vector<16xi32>
    %add3A_1044 = arith.constant 48 : i32
    %add3A_1045 = vector.broadcast %add3A_1044 : i32 to vector<16xi32>
    %add3A_1046 = arith.addi %iota3A, %add3A_1045 : vector<16xi32>
    tpu.vector_store_idx %arg7[%add3A_1043, %add3A_1046], %gather3A_1038 : memref<512x64xf32, #tpu.memory_space<vmem>>[vector<16xi32>, vector<16xi32>], vector<16xf32>,
    %add3A_1047 = arith.constant 6 : i32
    %add3A_1048 = arith.addi %add3A_411, %add3A_1047 : i32
    %jit3A_1049 = arith.constant 16 : i32
    %eq3A_1050 = arith.constant 0 : i32
    %eq3A_1051 = arith.cmpi eq, %jit3A_1049, %eq3A_1050 : i32
    %jit3A_1052 = arith.constant 1 : i32
    %select_n3A_1053 = arith.select %eq3A_1051, %jit3A_1052, %jit3A_1049 : i32
    %rem3A_1054 = arith.remsi %add3A_1048, %select_n3A_1053 : i32
    %ne3A_1055 = arith.constant 0 : i32
    %ne3A_1056 = arith.cmpi ne, %rem3A_1054, %ne3A_1055 : i32
    %lt3A_1057 = arith.constant 0 : i32
    %lt3A_1058 = arith.cmpi slt, %rem3A_1054, %lt3A_1057 : i32
    %lt3A_1059 = arith.constant 0 : i32
    %lt3A_1060 = arith.cmpi slt, %select_n3A_1053, %lt3A_1059 : i32
    %ne3A_1061 = arith.xori %lt3A_1058, %lt3A_1060 : i1
    %and3A_1062 = arith.andi %ne3A_1061, %ne3A_1056 : i1
    %add3A_1063 = arith.addi %rem3A_1054, %select_n3A_1053 : i32
    %select_n3A_1064 = arith.select %and3A_1062, %add3A_1063, %rem3A_1054 : i32
    %dma_wait3A_1065 = arith.constant 0 : i32
    %dma_wait3A_1066 = arith.constant 0 : i32
    %dma_wait3A_1067 = tpu.memref_slice %arg6[%select_n3A_1064, %dma_wait3A_1065, %dma_wait3A_1066] : memref<16x8x64xf32, #tpu.memory_space<vmem>> -> memref<1x8x64xf32, #tpu.memory_space<vmem>>
    %dma_wait3A_1068 = tpu.memref_squeeze %dma_wait3A_1067 : memref<1x8x64xf32, #tpu.memory_space<vmem>> -> memref<8x64xf32, #tpu.memory_space<vmem>>
    %dma_wait3A_1069 = arith.constant 0 : i32
    %dma_wait3A_1070 = arith.constant 0 : i32
    %dma_wait3A_1071 = tpu.memref_slice %arg2[%dma_wait3A_1069, %dma_wait3A_1070] : memref<1000000x64xf32, #tpu.memory_space<hbm>> -> memref<8x64xf32, #tpu.memory_space<hbm>>
    %dma_wait3A_1072 = tpu.memref_slice %arg8[%select_n3A_1064] : memref<16x!tpu.dma_semaphore, #tpu.memory_space<semaphore_mem>> -> memref<1x!tpu.dma_semaphore, #tpu.memory_space<semaphore_mem>>
    %dma_wait3A_1073 = tpu.memref_squeeze %dma_wait3A_1072 : memref<1x!tpu.dma_semaphore, #tpu.memory_space<semaphore_mem>> -> memref<!tpu.dma_semaphore, #tpu.memory_space<semaphore_mem>>
    %dma_wait3A_1074 = arith.constant 0 : i32
    %dma_wait3A_1075 = arith.constant 0 : i32
    %dma_wait3A_1076 = tpu.memref_slice %arg6[%select_n3A_1064, %dma_wait3A_1074, %dma_wait3A_1075] : memref<16x8x64xf32, #tpu.memory_space<vmem>> -> memref<1x8x64xf32, #tpu.memory_space<vmem>>
    %dma_wait3A_1077 = tpu.memref_squeeze %dma_wait3A_1076 : memref<1x8x64xf32, #tpu.memory_space<vmem>> -> memref<8x64xf32, #tpu.memory_space<vmem>>
    %dma_wait3A_1078 = arith.constant 0 : i32
    %dma_wait3A_1079 = arith.constant 0 : i32
    %dma_wait3A_1080 = tpu.memref_slice %arg2[%dma_wait3A_1078, %dma_wait3A_1079] : memref<1000000x64xf32, #tpu.memory_space<hbm>> -> memref<8x64xf32, #tpu.memory_space<hbm>>
    tpu.wait_dma2 semaphore(%dma_wait3A_1073 : memref<!tpu.dma_semaphore, #tpu.memory_space<semaphore_mem>>) src(%dma_wait3A_1080 : memref<8x64xf32, #tpu.memory_space<hbm>>) dst(%dma_wait3A_1077 : memref<8x64xf32, #tpu.memory_space<vmem>>)
    %slice3A_1081 = vector.extract_strided_slice %get3A_413 {offsets = [6], sizes = [1], strides = [1]} : vector<16xi32> to vector<1xi32>
    %squeeze3A_1082 = vector.extract %slice3A_1081[0] : i32 from vector<1xi32>
    %mul3A_1083 = arith.constant 0 : i32
    %mul3A_1084 = vector.broadcast %mul3A_1083 : i32 to vector<16xi32>
    %mul3A_1085 = arith.muli %iota3A, %mul3A_1084 : vector<16xi32>
    %and3A_1086 = arith.constant 7 : i32
    %and3A_1087 = arith.andi %squeeze3A_1082, %and3A_1086 : i32
    %add3A_1088 = vector.broadcast %and3A_1087 : i32 to vector<16xi32>
    %add3A_1089 = arith.addi %mul3A_1085, %add3A_1088 : vector<16xi32>
    %add3A_1090 = arith.constant 0 : i32
    %add3A_1091 = vector.broadcast %add3A_1090 : i32 to vector<16xi32>
    %add3A_1092 = arith.addi %iota3A, %add3A_1091 : vector<16xi32>
    %gather3A_1093 = arith.constant 0 : i32
    %gather3A_1094 = arith.constant 0 : i32
    %gather3A_1095 = tpu.memref_slice %arg6[%select_n3A_1064, %gather3A_1093, %gather3A_1094] : memref<16x8x64xf32, #tpu.memory_space<vmem>> -> memref<1x8x64xf32, #tpu.memory_space<vmem>>
    %gather3A_1096 = tpu.memref_squeeze %gather3A_1095 : memref<1x8x64xf32, #tpu.memory_space<vmem>> -> memref<8x64xf32, #tpu.memory_space<vmem>>
    %gather3A_1097 = tpu.vector_load_idx %gather3A_1096[%add3A_1089, %add3A_1092] : memref<8x64xf32, #tpu.memory_space<vmem>>[vector<16xi32>, vector<16xi32>], vector<16xf32>,
    %mul3A_1098 = arith.constant 0 : i32
    %mul3A_1099 = vector.broadcast %mul3A_1098 : i32 to vector<16xi32>
    %mul3A_1100 = arith.muli %iota3A, %mul3A_1099 : vector<16xi32>
    %add3A_1101 = vector.broadcast %add3A_1048 : i32 to vector<16xi32>
    %add3A_1102 = arith.addi %mul3A_1100, %add3A_1101 : vector<16xi32>
    %add3A_1103 = arith.constant 0 : i32
    %add3A_1104 = vector.broadcast %add3A_1103 : i32 to vector<16xi32>
    %add3A_1105 = arith.addi %iota3A, %add3A_1104 : vector<16xi32>
    tpu.vector_store_idx %arg7[%add3A_1102, %add3A_1105], %gather3A_1097 : memref<512x64xf32, #tpu.memory_space<vmem>>[vector<16xi32>, vector<16xi32>], vector<16xf32>,
    %add3A_1106 = arith.constant 16 : i32
    %add3A_1107 = vector.broadcast %add3A_1106 : i32 to vector<16xi32>
    %add3A_1108 = arith.addi %iota3A, %add3A_1107 : vector<16xi32>
    %gather3A_1109 = arith.constant 0 : i32
    %gather3A_1110 = arith.constant 0 : i32
    %gather3A_1111 = tpu.memref_slice %arg6[%select_n3A_1064, %gather3A_1109, %gather3A_1110] : memref<16x8x64xf32, #tpu.memory_space<vmem>> -> memref<1x8x64xf32, #tpu.memory_space<vmem>>
    %gather3A_1112 = tpu.memref_squeeze %gather3A_1111 : memref<1x8x64xf32, #tpu.memory_space<vmem>> -> memref<8x64xf32, #tpu.memory_space<vmem>>
    %gather3A_1113 = tpu.vector_load_idx %gather3A_1112[%add3A_1089, %add3A_1108] : memref<8x64xf32, #tpu.memory_space<vmem>>[vector<16xi32>, vector<16xi32>], vector<16xf32>,
    %mul3A_1114 = arith.constant 0 : i32
    %mul3A_1115 = vector.broadcast %mul3A_1114 : i32 to vector<16xi32>
    %mul3A_1116 = arith.muli %iota3A, %mul3A_1115 : vector<16xi32>
    %add3A_1117 = vector.broadcast %add3A_1048 : i32 to vector<16xi32>
    %add3A_1118 = arith.addi %mul3A_1116, %add3A_1117 : vector<16xi32>
    %add3A_1119 = arith.constant 16 : i32
    %add3A_1120 = vector.broadcast %add3A_1119 : i32 to vector<16xi32>
    %add3A_1121 = arith.addi %iota3A, %add3A_1120 : vector<16xi32>
    tpu.vector_store_idx %arg7[%add3A_1118, %add3A_1121], %gather3A_1113 : memref<512x64xf32, #tpu.memory_space<vmem>>[vector<16xi32>, vector<16xi32>], vector<16xf32>,
    %add3A_1122 = arith.constant 32 : i32
    %add3A_1123 = vector.broadcast %add3A_1122 : i32 to vector<16xi32>
    %add3A_1124 = arith.addi %iota3A, %add3A_1123 : vector<16xi32>
    %gather3A_1125 = arith.constant 0 : i32
    %gather3A_1126 = arith.constant 0 : i32
    %gather3A_1127 = tpu.memref_slice %arg6[%select_n3A_1064, %gather3A_1125, %gather3A_1126] : memref<16x8x64xf32, #tpu.memory_space<vmem>> -> memref<1x8x64xf32, #tpu.memory_space<vmem>>
    %gather3A_1128 = tpu.memref_squeeze %gather3A_1127 : memref<1x8x64xf32, #tpu.memory_space<vmem>> -> memref<8x64xf32, #tpu.memory_space<vmem>>
    %gather3A_1129 = tpu.vector_load_idx %gather3A_1128[%add3A_1089, %add3A_1124] : memref<8x64xf32, #tpu.memory_space<vmem>>[vector<16xi32>, vector<16xi32>], vector<16xf32>,
    %mul3A_1130 = arith.constant 0 : i32
    %mul3A_1131 = vector.broadcast %mul3A_1130 : i32 to vector<16xi32>
    %mul3A_1132 = arith.muli %iota3A, %mul3A_1131 : vector<16xi32>
    %add3A_1133 = vector.broadcast %add3A_1048 : i32 to vector<16xi32>
    %add3A_1134 = arith.addi %mul3A_1132, %add3A_1133 : vector<16xi32>
    %add3A_1135 = arith.constant 32 : i32
    %add3A_1136 = vector.broadcast %add3A_1135 : i32 to vector<16xi32>
    %add3A_1137 = arith.addi %iota3A, %add3A_1136 : vector<16xi32>
    tpu.vector_store_idx %arg7[%add3A_1134, %add3A_1137], %gather3A_1129 : memref<512x64xf32, #tpu.memory_space<vmem>>[vector<16xi32>, vector<16xi32>], vector<16xf32>,
    %add3A_1138 = arith.constant 48 : i32
    %add3A_1139 = vector.broadcast %add3A_1138 : i32 to vector<16xi32>
    %add3A_1140 = arith.addi %iota3A, %add3A_1139 : vector<16xi32>
    %gather3A_1141 = arith.constant 0 : i32
    %gather3A_1142 = arith.constant 0 : i32
    %gather3A_1143 = tpu.memref_slice %arg6[%select_n3A_1064, %gather3A_1141, %gather3A_1142] : memref<16x8x64xf32, #tpu.memory_space<vmem>> -> memref<1x8x64xf32, #tpu.memory_space<vmem>>
    %gather3A_1144 = tpu.memref_squeeze %gather3A_1143 : memref<1x8x64xf32, #tpu.memory_space<vmem>> -> memref<8x64xf32, #tpu.memory_space<vmem>>
    %gather3A_1145 = tpu.vector_load_idx %gather3A_1144[%add3A_1089, %add3A_1140] : memref<8x64xf32, #tpu.memory_space<vmem>>[vector<16xi32>, vector<16xi32>], vector<16xf32>,
    %mul3A_1146 = arith.constant 0 : i32
    %mul3A_1147 = vector.broadcast %mul3A_1146 : i32 to vector<16xi32>
    %mul3A_1148 = arith.muli %iota3A, %mul3A_1147 : vector<16xi32>
    %add3A_1149 = vector.broadcast %add3A_1048 : i32 to vector<16xi32>
    %add3A_1150 = arith.addi %mul3A_1148, %add3A_1149 : vector<16xi32>
    %add3A_1151 = arith.constant 48 : i32
    %add3A_1152 = vector.broadcast %add3A_1151 : i32 to vector<16xi32>
    %add3A_1153 = arith.addi %iota3A, %add3A_1152 : vector<16xi32>
    tpu.vector_store_idx %arg7[%add3A_1150, %add3A_1153], %gather3A_1145 : memref<512x64xf32, #tpu.memory_space<vmem>>[vector<16xi32>, vector<16xi32>], vector<16xf32>,
    %add3A_1154 = arith.constant 7 : i32
    %add3A_1155 = arith.addi %add3A_411, %add3A_1154 : i32
    %jit3A_1156 = arith.constant 16 : i32
    %eq3A_1157 = arith.constant 0 : i32
    %eq3A_1158 = arith.cmpi eq, %jit3A_1156, %eq3A_1157 : i32
    %jit3A_1159 = arith.constant 1 : i32
    %select_n3A_1160 = arith.select %eq3A_1158, %jit3A_1159, %jit3A_1156 : i32
    %rem3A_1161 = arith.remsi %add3A_1155, %select_n3A_1160 : i32
    %ne3A_1162 = arith.constant 0 : i32
    %ne3A_1163 = arith.cmpi ne, %rem3A_1161, %ne3A_1162 : i32
    %lt3A_1164 = arith.constant 0 : i32
    %lt3A_1165 = arith.cmpi slt, %rem3A_1161, %lt3A_1164 : i32
    %lt3A_1166 = arith.constant 0 : i32
    %lt3A_1167 = arith.cmpi slt, %select_n3A_1160, %lt3A_1166 : i32
    %ne3A_1168 = arith.xori %lt3A_1165, %lt3A_1167 : i1
    %and3A_1169 = arith.andi %ne3A_1168, %ne3A_1163 : i1
    %add3A_1170 = arith.addi %rem3A_1161, %select_n3A_1160 : i32
    %select_n3A_1171 = arith.select %and3A_1169, %add3A_1170, %rem3A_1161 : i32
    %dma_wait3A_1172 = arith.constant 0 : i32
    %dma_wait3A_1173 = arith.constant 0 : i32
    %dma_wait3A_1174 = tpu.memref_slice %arg6[%select_n3A_1171, %dma_wait3A_1172, %dma_wait3A_1173] : memref<16x8x64xf32, #tpu.memory_space<vmem>> -> memref<1x8x64xf32, #tpu.memory_space<vmem>>
    %dma_wait3A_1175 = tpu.memref_squeeze %dma_wait3A_1174 : memref<1x8x64xf32, #tpu.memory_space<vmem>> -> memref<8x64xf32, #tpu.memory_space<vmem>>
    %dma_wait3A_1176 = arith.constant 0 : i32
    %dma_wait3A_1177 = arith.constant 0 : i32
    %dma_wait3A_1178 = tpu.memref_slice %arg2[%dma_wait3A_1176, %dma_wait3A_1177] : memref<1000000x64xf32, #tpu.memory_space<hbm>> -> memref<8x64xf32, #tpu.memory_space<hbm>>
    %dma_wait3A_1179 = tpu.memref_slice %arg8[%select_n3A_1171] : memref<16x!tpu.dma_semaphore, #tpu.memory_space<semaphore_mem>> -> memref<1x!tpu.dma_semaphore, #tpu.memory_space<semaphore_mem>>
    %dma_wait3A_1180 = tpu.memref_squeeze %dma_wait3A_1179 : memref<1x!tpu.dma_semaphore, #tpu.memory_space<semaphore_mem>> -> memref<!tpu.dma_semaphore, #tpu.memory_space<semaphore_mem>>
    %dma_wait3A_1181 = arith.constant 0 : i32
    %dma_wait3A_1182 = arith.constant 0 : i32
    %dma_wait3A_1183 = tpu.memref_slice %arg6[%select_n3A_1171, %dma_wait3A_1181, %dma_wait3A_1182] : memref<16x8x64xf32, #tpu.memory_space<vmem>> -> memref<1x8x64xf32, #tpu.memory_space<vmem>>
    %dma_wait3A_1184 = tpu.memref_squeeze %dma_wait3A_1183 : memref<1x8x64xf32, #tpu.memory_space<vmem>> -> memref<8x64xf32, #tpu.memory_space<vmem>>
    %dma_wait3A_1185 = arith.constant 0 : i32
    %dma_wait3A_1186 = arith.constant 0 : i32
    %dma_wait3A_1187 = tpu.memref_slice %arg2[%dma_wait3A_1185, %dma_wait3A_1186] : memref<1000000x64xf32, #tpu.memory_space<hbm>> -> memref<8x64xf32, #tpu.memory_space<hbm>>
    tpu.wait_dma2 semaphore(%dma_wait3A_1180 : memref<!tpu.dma_semaphore, #tpu.memory_space<semaphore_mem>>) src(%dma_wait3A_1187 : memref<8x64xf32, #tpu.memory_space<hbm>>) dst(%dma_wait3A_1184 : memref<8x64xf32, #tpu.memory_space<vmem>>)
    %slice3A_1188 = vector.extract_strided_slice %get3A_413 {offsets = [7], sizes = [1], strides = [1]} : vector<16xi32> to vector<1xi32>
    %squeeze3A_1189 = vector.extract %slice3A_1188[0] : i32 from vector<1xi32>
    %mul3A_1190 = arith.constant 0 : i32
    %mul3A_1191 = vector.broadcast %mul3A_1190 : i32 to vector<16xi32>
    %mul3A_1192 = arith.muli %iota3A, %mul3A_1191 : vector<16xi32>
    %and3A_1193 = arith.constant 7 : i32
    %and3A_1194 = arith.andi %squeeze3A_1189, %and3A_1193 : i32
    %add3A_1195 = vector.broadcast %and3A_1194 : i32 to vector<16xi32>
    %add3A_1196 = arith.addi %mul3A_1192, %add3A_1195 : vector<16xi32>
    %add3A_1197 = arith.constant 0 : i32
    %add3A_1198 = vector.broadcast %add3A_1197 : i32 to vector<16xi32>
    %add3A_1199 = arith.addi %iota3A, %add3A_1198 : vector<16xi32>
    %gather3A_1200 = arith.constant 0 : i32
    %gather3A_1201 = arith.constant 0 : i32
    %gather3A_1202 = tpu.memref_slice %arg6[%select_n3A_1171, %gather3A_1200, %gather3A_1201] : memref<16x8x64xf32, #tpu.memory_space<vmem>> -> memref<1x8x64xf32, #tpu.memory_space<vmem>>
    %gather3A_1203 = tpu.memref_squeeze %gather3A_1202 : memref<1x8x64xf32, #tpu.memory_space<vmem>> -> memref<8x64xf32, #tpu.memory_space<vmem>>
    %gather3A_1204 = tpu.vector_load_idx %gather3A_1203[%add3A_1196, %add3A_1199] : memref<8x64xf32, #tpu.memory_space<vmem>>[vector<16xi32>, vector<16xi32>], vector<16xf32>,
    %mul3A_1205 = arith.constant 0 : i32
    %mul3A_1206 = vector.broadcast %mul3A_1205 : i32 to vector<16xi32>
    %mul3A_1207 = arith.muli %iota3A, %mul3A_1206 : vector<16xi32>
    %add3A_1208 = vector.broadcast %add3A_1155 : i32 to vector<16xi32>
    %add3A_1209 = arith.addi %mul3A_1207, %add3A_1208 : vector<16xi32>
    %add3A_1210 = arith.constant 0 : i32
    %add3A_1211 = vector.broadcast %add3A_1210 : i32 to vector<16xi32>
    %add3A_1212 = arith.addi %iota3A, %add3A_1211 : vector<16xi32>
    tpu.vector_store_idx %arg7[%add3A_1209, %add3A_1212], %gather3A_1204 : memref<512x64xf32, #tpu.memory_space<vmem>>[vector<16xi32>, vector<16xi32>], vector<16xf32>,
    %add3A_1213 = arith.constant 16 : i32
    %add3A_1214 = vector.broadcast %add3A_1213 : i32 to vector<16xi32>
    %add3A_1215 = arith.addi %iota3A, %add3A_1214 : vector<16xi32>
    %gather3A_1216 = arith.constant 0 : i32
    %gather3A_1217 = arith.constant 0 : i32
    %gather3A_1218 = tpu.memref_slice %arg6[%select_n3A_1171, %gather3A_1216, %gather3A_1217] : memref<16x8x64xf32, #tpu.memory_space<vmem>> -> memref<1x8x64xf32, #tpu.memory_space<vmem>>
    %gather3A_1219 = tpu.memref_squeeze %gather3A_1218 : memref<1x8x64xf32, #tpu.memory_space<vmem>> -> memref<8x64xf32, #tpu.memory_space<vmem>>
    %gather3A_1220 = tpu.vector_load_idx %gather3A_1219[%add3A_1196, %add3A_1215] : memref<8x64xf32, #tpu.memory_space<vmem>>[vector<16xi32>, vector<16xi32>], vector<16xf32>,
    %mul3A_1221 = arith.constant 0 : i32
    %mul3A_1222 = vector.broadcast %mul3A_1221 : i32 to vector<16xi32>
    %mul3A_1223 = arith.muli %iota3A, %mul3A_1222 : vector<16xi32>
    %add3A_1224 = vector.broadcast %add3A_1155 : i32 to vector<16xi32>
    %add3A_1225 = arith.addi %mul3A_1223, %add3A_1224 : vector<16xi32>
    %add3A_1226 = arith.constant 16 : i32
    %add3A_1227 = vector.broadcast %add3A_1226 : i32 to vector<16xi32>
    %add3A_1228 = arith.addi %iota3A, %add3A_1227 : vector<16xi32>
    tpu.vector_store_idx %arg7[%add3A_1225, %add3A_1228], %gather3A_1220 : memref<512x64xf32, #tpu.memory_space<vmem>>[vector<16xi32>, vector<16xi32>], vector<16xf32>,
    %add3A_1229 = arith.constant 32 : i32
    %add3A_1230 = vector.broadcast %add3A_1229 : i32 to vector<16xi32>
    %add3A_1231 = arith.addi %iota3A, %add3A_1230 : vector<16xi32>
    %gather3A_1232 = arith.constant 0 : i32
    %gather3A_1233 = arith.constant 0 : i32
    %gather3A_1234 = tpu.memref_slice %arg6[%select_n3A_1171, %gather3A_1232, %gather3A_1233] : memref<16x8x64xf32, #tpu.memory_space<vmem>> -> memref<1x8x64xf32, #tpu.memory_space<vmem>>
    %gather3A_1235 = tpu.memref_squeeze %gather3A_1234 : memref<1x8x64xf32, #tpu.memory_space<vmem>> -> memref<8x64xf32, #tpu.memory_space<vmem>>
    %gather3A_1236 = tpu.vector_load_idx %gather3A_1235[%add3A_1196, %add3A_1231] : memref<8x64xf32, #tpu.memory_space<vmem>>[vector<16xi32>, vector<16xi32>], vector<16xf32>,
    %mul3A_1237 = arith.constant 0 : i32
    %mul3A_1238 = vector.broadcast %mul3A_1237 : i32 to vector<16xi32>
    %mul3A_1239 = arith.muli %iota3A, %mul3A_1238 : vector<16xi32>
    %add3A_1240 = vector.broadcast %add3A_1155 : i32 to vector<16xi32>
    %add3A_1241 = arith.addi %mul3A_1239, %add3A_1240 : vector<16xi32>
    %add3A_1242 = arith.constant 32 : i32
    %add3A_1243 = vector.broadcast %add3A_1242 : i32 to vector<16xi32>
    %add3A_1244 = arith.addi %iota3A, %add3A_1243 : vector<16xi32>
    tpu.vector_store_idx %arg7[%add3A_1241, %add3A_1244], %gather3A_1236 : memref<512x64xf32, #tpu.memory_space<vmem>>[vector<16xi32>, vector<16xi32>], vector<16xf32>,
    %add3A_1245 = arith.constant 48 : i32
    %add3A_1246 = vector.broadcast %add3A_1245 : i32 to vector<16xi32>
    %add3A_1247 = arith.addi %iota3A, %add3A_1246 : vector<16xi32>
    %gather3A_1248 = arith.constant 0 : i32
    %gather3A_1249 = arith.constant 0 : i32
    %gather3A_1250 = tpu.memref_slice %arg6[%select_n3A_1171, %gather3A_1248, %gather3A_1249] : memref<16x8x64xf32, #tpu.memory_space<vmem>> -> memref<1x8x64xf32, #tpu.memory_space<vmem>>
    %gather3A_1251 = tpu.memref_squeeze %gather3A_1250 : memref<1x8x64xf32, #tpu.memory_space<vmem>> -> memref<8x64xf32, #tpu.memory_space<vmem>>
    %gather3A_1252 = tpu.vector_load_idx %gather3A_1251[%add3A_1196, %add3A_1247] : memref<8x64xf32, #tpu.memory_space<vmem>>[vector<16xi32>, vector<16xi32>], vector<16xf32>,
    %mul3A_1253 = arith.constant 0 : i32
    %mul3A_1254 = vector.broadcast %mul3A_1253 : i32 to vector<16xi32>
    %mul3A_1255 = arith.muli %iota3A, %mul3A_1254 : vector<16xi32>
    %add3A_1256 = vector.broadcast %add3A_1155 : i32 to vector<16xi32>
    %add3A_1257 = arith.addi %mul3A_1255, %add3A_1256 : vector<16xi32>
    %add3A_1258 = arith.constant 48 : i32
    %add3A_1259 = vector.broadcast %add3A_1258 : i32 to vector<16xi32>
    %add3A_1260 = arith.addi %iota3A, %add3A_1259 : vector<16xi32>
    tpu.vector_store_idx %arg7[%add3A_1257, %add3A_1260], %gather3A_1252 : memref<512x64xf32, #tpu.memory_space<vmem>>[vector<16xi32>, vector<16xi32>], vector<16xf32>,
    %add3A_1261 = arith.constant 8 : i32
    %add3A_1262 = arith.addi %add3A_411, %add3A_1261 : i32
    %jit3A_1263 = arith.constant 16 : i32
    %eq3A_1264 = arith.constant 0 : i32
    %eq3A_1265 = arith.cmpi eq, %jit3A_1263, %eq3A_1264 : i32
    %jit3A_1266 = arith.constant 1 : i32
    %select_n3A_1267 = arith.select %eq3A_1265, %jit3A_1266, %jit3A_1263 : i32
    %rem3A_1268 = arith.remsi %add3A_1262, %select_n3A_1267 : i32
    %ne3A_1269 = arith.constant 0 : i32
    %ne3A_1270 = arith.cmpi ne, %rem3A_1268, %ne3A_1269 : i32
    %lt3A_1271 = arith.constant 0 : i32
    %lt3A_1272 = arith.cmpi slt, %rem3A_1268, %lt3A_1271 : i32
    %lt3A_1273 = arith.constant 0 : i32
    %lt3A_1274 = arith.cmpi slt, %select_n3A_1267, %lt3A_1273 : i32
    %ne3A_1275 = arith.xori %lt3A_1272, %lt3A_1274 : i1
    %and3A_1276 = arith.andi %ne3A_1275, %ne3A_1270 : i1
    %add3A_1277 = arith.addi %rem3A_1268, %select_n3A_1267 : i32
    %select_n3A_1278 = arith.select %and3A_1276, %add3A_1277, %rem3A_1268 : i32
    %dma_wait3A_1279 = arith.constant 0 : i32
    %dma_wait3A_1280 = arith.constant 0 : i32
    %dma_wait3A_1281 = tpu.memref_slice %arg6[%select_n3A_1278, %dma_wait3A_1279, %dma_wait3A_1280] : memref<16x8x64xf32, #tpu.memory_space<vmem>> -> memref<1x8x64xf32, #tpu.memory_space<vmem>>
    %dma_wait3A_1282 = tpu.memref_squeeze %dma_wait3A_1281 : memref<1x8x64xf32, #tpu.memory_space<vmem>> -> memref<8x64xf32, #tpu.memory_space<vmem>>
    %dma_wait3A_1283 = arith.constant 0 : i32
    %dma_wait3A_1284 = arith.constant 0 : i32
    %dma_wait3A_1285 = tpu.memref_slice %arg2[%dma_wait3A_1283, %dma_wait3A_1284] : memref<1000000x64xf32, #tpu.memory_space<hbm>> -> memref<8x64xf32, #tpu.memory_space<hbm>>
    %dma_wait3A_1286 = tpu.memref_slice %arg8[%select_n3A_1278] : memref<16x!tpu.dma_semaphore, #tpu.memory_space<semaphore_mem>> -> memref<1x!tpu.dma_semaphore, #tpu.memory_space<semaphore_mem>>
    %dma_wait3A_1287 = tpu.memref_squeeze %dma_wait3A_1286 : memref<1x!tpu.dma_semaphore, #tpu.memory_space<semaphore_mem>> -> memref<!tpu.dma_semaphore, #tpu.memory_space<semaphore_mem>>
    %dma_wait3A_1288 = arith.constant 0 : i32
    %dma_wait3A_1289 = arith.constant 0 : i32
    %dma_wait3A_1290 = tpu.memref_slice %arg6[%select_n3A_1278, %dma_wait3A_1288, %dma_wait3A_1289] : memref<16x8x64xf32, #tpu.memory_space<vmem>> -> memref<1x8x64xf32, #tpu.memory_space<vmem>>
    %dma_wait3A_1291 = tpu.memref_squeeze %dma_wait3A_1290 : memref<1x8x64xf32, #tpu.memory_space<vmem>> -> memref<8x64xf32, #tpu.memory_space<vmem>>
    %dma_wait3A_1292 = arith.constant 0 : i32
    %dma_wait3A_1293 = arith.constant 0 : i32
    %dma_wait3A_1294 = tpu.memref_slice %arg2[%dma_wait3A_1292, %dma_wait3A_1293] : memref<1000000x64xf32, #tpu.memory_space<hbm>> -> memref<8x64xf32, #tpu.memory_space<hbm>>
    tpu.wait_dma2 semaphore(%dma_wait3A_1287 : memref<!tpu.dma_semaphore, #tpu.memory_space<semaphore_mem>>) src(%dma_wait3A_1294 : memref<8x64xf32, #tpu.memory_space<hbm>>) dst(%dma_wait3A_1291 : memref<8x64xf32, #tpu.memory_space<vmem>>)
    %slice3A_1295 = vector.extract_strided_slice %get3A_413 {offsets = [8], sizes = [1], strides = [1]} : vector<16xi32> to vector<1xi32>
    %squeeze3A_1296 = vector.extract %slice3A_1295[0] : i32 from vector<1xi32>
    %mul3A_1297 = arith.constant 0 : i32
    %mul3A_1298 = vector.broadcast %mul3A_1297 : i32 to vector<16xi32>
    %mul3A_1299 = arith.muli %iota3A, %mul3A_1298 : vector<16xi32>
    %and3A_1300 = arith.constant 7 : i32
    %and3A_1301 = arith.andi %squeeze3A_1296, %and3A_1300 : i32
    %add3A_1302 = vector.broadcast %and3A_1301 : i32 to vector<16xi32>
    %add3A_1303 = arith.addi %mul3A_1299, %add3A_1302 : vector<16xi32>
    %add3A_1304 = arith.constant 0 : i32
    %add3A_1305 = vector.broadcast %add3A_1304 : i32 to vector<16xi32>
    %add3A_1306 = arith.addi %iota3A, %add3A_1305 : vector<16xi32>
    %gather3A_1307 = arith.constant 0 : i32
    %gather3A_1308 = arith.constant 0 : i32
    %gather3A_1309 = tpu.memref_slice %arg6[%select_n3A_1278, %gather3A_1307, %gather3A_1308] : memref<16x8x64xf32, #tpu.memory_space<vmem>> -> memref<1x8x64xf32, #tpu.memory_space<vmem>>
    %gather3A_1310 = tpu.memref_squeeze %gather3A_1309 : memref<1x8x64xf32, #tpu.memory_space<vmem>> -> memref<8x64xf32, #tpu.memory_space<vmem>>
    %gather3A_1311 = tpu.vector_load_idx %gather3A_1310[%add3A_1303, %add3A_1306] : memref<8x64xf32, #tpu.memory_space<vmem>>[vector<16xi32>, vector<16xi32>], vector<16xf32>,
    %mul3A_1312 = arith.constant 0 : i32
    %mul3A_1313 = vector.broadcast %mul3A_1312 : i32 to vector<16xi32>
    %mul3A_1314 = arith.muli %iota3A, %mul3A_1313 : vector<16xi32>
    %add3A_1315 = vector.broadcast %add3A_1262 : i32 to vector<16xi32>
    %add3A_1316 = arith.addi %mul3A_1314, %add3A_1315 : vector<16xi32>
    %add3A_1317 = arith.constant 0 : i32
    %add3A_1318 = vector.broadcast %add3A_1317 : i32 to vector<16xi32>
    %add3A_1319 = arith.addi %iota3A, %add3A_1318 : vector<16xi32>
    tpu.vector_store_idx %arg7[%add3A_1316, %add3A_1319], %gather3A_1311 : memref<512x64xf32, #tpu.memory_space<vmem>>[vector<16xi32>, vector<16xi32>], vector<16xf32>,
    %add3A_1320 = arith.constant 16 : i32
    %add3A_1321 = vector.broadcast %add3A_1320 : i32 to vector<16xi32>
    %add3A_1322 = arith.addi %iota3A, %add3A_1321 : vector<16xi32>
    %gather3A_1323 = arith.constant 0 : i32
    %gather3A_1324 = arith.constant 0 : i32
    %gather3A_1325 = tpu.memref_slice %arg6[%select_n3A_1278, %gather3A_1323, %gather3A_1324] : memref<16x8x64xf32, #tpu.memory_space<vmem>> -> memref<1x8x64xf32, #tpu.memory_space<vmem>>
    %gather3A_1326 = tpu.memref_squeeze %gather3A_1325 : memref<1x8x64xf32, #tpu.memory_space<vmem>> -> memref<8x64xf32, #tpu.memory_space<vmem>>
    %gather3A_1327 = tpu.vector_load_idx %gather3A_1326[%add3A_1303, %add3A_1322] : memref<8x64xf32, #tpu.memory_space<vmem>>[vector<16xi32>, vector<16xi32>], vector<16xf32>,
    %mul3A_1328 = arith.constant 0 : i32
    %mul3A_1329 = vector.broadcast %mul3A_1328 : i32 to vector<16xi32>
    %mul3A_1330 = arith.muli %iota3A, %mul3A_1329 : vector<16xi32>
    %add3A_1331 = vector.broadcast %add3A_1262 : i32 to vector<16xi32>
    %add3A_1332 = arith.addi %mul3A_1330, %add3A_1331 : vector<16xi32>
    %add3A_1333 = arith.constant 16 : i32
    %add3A_1334 = vector.broadcast %add3A_1333 : i32 to vector<16xi32>
    %add3A_1335 = arith.addi %iota3A, %add3A_1334 : vector<16xi32>
    tpu.vector_store_idx %arg7[%add3A_1332, %add3A_1335], %gather3A_1327 : memref<512x64xf32, #tpu.memory_space<vmem>>[vector<16xi32>, vector<16xi32>], vector<16xf32>,
    %add3A_1336 = arith.constant 32 : i32
    %add3A_1337 = vector.broadcast %add3A_1336 : i32 to vector<16xi32>
    %add3A_1338 = arith.addi %iota3A, %add3A_1337 : vector<16xi32>
    %gather3A_1339 = arith.constant 0 : i32
    %gather3A_1340 = arith.constant 0 : i32
    %gather3A_1341 = tpu.memref_slice %arg6[%select_n3A_1278, %gather3A_1339, %gather3A_1340] : memref<16x8x64xf32, #tpu.memory_space<vmem>> -> memref<1x8x64xf32, #tpu.memory_space<vmem>>
    %gather3A_1342 = tpu.memref_squeeze %gather3A_1341 : memref<1x8x64xf32, #tpu.memory_space<vmem>> -> memref<8x64xf32, #tpu.memory_space<vmem>>
    %gather3A_1343 = tpu.vector_load_idx %gather3A_1342[%add3A_1303, %add3A_1338] : memref<8x64xf32, #tpu.memory_space<vmem>>[vector<16xi32>, vector<16xi32>], vector<16xf32>,
    %mul3A_1344 = arith.constant 0 : i32
    %mul3A_1345 = vector.broadcast %mul3A_1344 : i32 to vector<16xi32>
    %mul3A_1346 = arith.muli %iota3A, %mul3A_1345 : vector<16xi32>
    %add3A_1347 = vector.broadcast %add3A_1262 : i32 to vector<16xi32>
    %add3A_1348 = arith.addi %mul3A_1346, %add3A_1347 : vector<16xi32>
    %add3A_1349 = arith.constant 32 : i32
    %add3A_1350 = vector.broadcast %add3A_1349 : i32 to vector<16xi32>
    %add3A_1351 = arith.addi %iota3A, %add3A_1350 : vector<16xi32>
    tpu.vector_store_idx %arg7[%add3A_1348, %add3A_1351], %gather3A_1343 : memref<512x64xf32, #tpu.memory_space<vmem>>[vector<16xi32>, vector<16xi32>], vector<16xf32>,
    %add3A_1352 = arith.constant 48 : i32
    %add3A_1353 = vector.broadcast %add3A_1352 : i32 to vector<16xi32>
    %add3A_1354 = arith.addi %iota3A, %add3A_1353 : vector<16xi32>
    %gather3A_1355 = arith.constant 0 : i32
    %gather3A_1356 = arith.constant 0 : i32
    %gather3A_1357 = tpu.memref_slice %arg6[%select_n3A_1278, %gather3A_1355, %gather3A_1356] : memref<16x8x64xf32, #tpu.memory_space<vmem>> -> memref<1x8x64xf32, #tpu.memory_space<vmem>>
    %gather3A_1358 = tpu.memref_squeeze %gather3A_1357 : memref<1x8x64xf32, #tpu.memory_space<vmem>> -> memref<8x64xf32, #tpu.memory_space<vmem>>
    %gather3A_1359 = tpu.vector_load_idx %gather3A_1358[%add3A_1303, %add3A_1354] : memref<8x64xf32, #tpu.memory_space<vmem>>[vector<16xi32>, vector<16xi32>], vector<16xf32>,
    %mul3A_1360 = arith.constant 0 : i32
    %mul3A_1361 = vector.broadcast %mul3A_1360 : i32 to vector<16xi32>
    %mul3A_1362 = arith.muli %iota3A, %mul3A_1361 : vector<16xi32>
    %add3A_1363 = vector.broadcast %add3A_1262 : i32 to vector<16xi32>
    %add3A_1364 = arith.addi %mul3A_1362, %add3A_1363 : vector<16xi32>
    %add3A_1365 = arith.constant 48 : i32
    %add3A_1366 = vector.broadcast %add3A_1365 : i32 to vector<16xi32>
    %add3A_1367 = arith.addi %iota3A, %add3A_1366 : vector<16xi32>
    tpu.vector_store_idx %arg7[%add3A_1364, %add3A_1367], %gather3A_1359 : memref<512x64xf32, #tpu.memory_space<vmem>>[vector<16xi32>, vector<16xi32>], vector<16xf32>,
    %add3A_1368 = arith.constant 9 : i32
    %add3A_1369 = arith.addi %add3A_411, %add3A_1368 : i32
    %jit3A_1370 = arith.constant 16 : i32
    %eq3A_1371 = arith.constant 0 : i32
    %eq3A_1372 = arith.cmpi eq, %jit3A_1370, %eq3A_1371 : i32
    %jit3A_1373 = arith.constant 1 : i32
    %select_n3A_1374 = arith.select %eq3A_1372, %jit3A_1373, %jit3A_1370 : i32
    %rem3A_1375 = arith.remsi %add3A_1369, %select_n3A_1374 : i32
    %ne3A_1376 = arith.constant 0 : i32
    %ne3A_1377 = arith.cmpi ne, %rem3A_1375, %ne3A_1376 : i32
    %lt3A_1378 = arith.constant 0 : i32
    %lt3A_1379 = arith.cmpi slt, %rem3A_1375, %lt3A_1378 : i32
    %lt3A_1380 = arith.constant 0 : i32
    %lt3A_1381 = arith.cmpi slt, %select_n3A_1374, %lt3A_1380 : i32
    %ne3A_1382 = arith.xori %lt3A_1379, %lt3A_1381 : i1
    %and3A_1383 = arith.andi %ne3A_1382, %ne3A_1377 : i1
    %add3A_1384 = arith.addi %rem3A_1375, %select_n3A_1374 : i32
    %select_n3A_1385 = arith.select %and3A_1383, %add3A_1384, %rem3A_1375 : i32
    %dma_wait3A_1386 = arith.constant 0 : i32
    %dma_wait3A_1387 = arith.constant 0 : i32
    %dma_wait3A_1388 = tpu.memref_slice %arg6[%select_n3A_1385, %dma_wait3A_1386, %dma_wait3A_1387] : memref<16x8x64xf32, #tpu.memory_space<vmem>> -> memref<1x8x64xf32, #tpu.memory_space<vmem>>
    %dma_wait3A_1389 = tpu.memref_squeeze %dma_wait3A_1388 : memref<1x8x64xf32, #tpu.memory_space<vmem>> -> memref<8x64xf32, #tpu.memory_space<vmem>>
    %dma_wait3A_1390 = arith.constant 0 : i32
    %dma_wait3A_1391 = arith.constant 0 : i32
    %dma_wait3A_1392 = tpu.memref_slice %arg2[%dma_wait3A_1390, %dma_wait3A_1391] : memref<1000000x64xf32, #tpu.memory_space<hbm>> -> memref<8x64xf32, #tpu.memory_space<hbm>>
    %dma_wait3A_1393 = tpu.memref_slice %arg8[%select_n3A_1385] : memref<16x!tpu.dma_semaphore, #tpu.memory_space<semaphore_mem>> -> memref<1x!tpu.dma_semaphore, #tpu.memory_space<semaphore_mem>>
    %dma_wait3A_1394 = tpu.memref_squeeze %dma_wait3A_1393 : memref<1x!tpu.dma_semaphore, #tpu.memory_space<semaphore_mem>> -> memref<!tpu.dma_semaphore, #tpu.memory_space<semaphore_mem>>
    %dma_wait3A_1395 = arith.constant 0 : i32
    %dma_wait3A_1396 = arith.constant 0 : i32
    %dma_wait3A_1397 = tpu.memref_slice %arg6[%select_n3A_1385, %dma_wait3A_1395, %dma_wait3A_1396] : memref<16x8x64xf32, #tpu.memory_space<vmem>> -> memref<1x8x64xf32, #tpu.memory_space<vmem>>
    %dma_wait3A_1398 = tpu.memref_squeeze %dma_wait3A_1397 : memref<1x8x64xf32, #tpu.memory_space<vmem>> -> memref<8x64xf32, #tpu.memory_space<vmem>>
    %dma_wait3A_1399 = arith.constant 0 : i32
    %dma_wait3A_1400 = arith.constant 0 : i32
    %dma_wait3A_1401 = tpu.memref_slice %arg2[%dma_wait3A_1399, %dma_wait3A_1400] : memref<1000000x64xf32, #tpu.memory_space<hbm>> -> memref<8x64xf32, #tpu.memory_space<hbm>>
    tpu.wait_dma2 semaphore(%dma_wait3A_1394 : memref<!tpu.dma_semaphore, #tpu.memory_space<semaphore_mem>>) src(%dma_wait3A_1401 : memref<8x64xf32, #tpu.memory_space<hbm>>) dst(%dma_wait3A_1398 : memref<8x64xf32, #tpu.memory_space<vmem>>)
    %slice3A_1402 = vector.extract_strided_slice %get3A_413 {offsets = [9], sizes = [1], strides = [1]} : vector<16xi32> to vector<1xi32>
    %squeeze3A_1403 = vector.extract %slice3A_1402[0] : i32 from vector<1xi32>
    %mul3A_1404 = arith.constant 0 : i32
    %mul3A_1405 = vector.broadcast %mul3A_1404 : i32 to vector<16xi32>
    %mul3A_1406 = arith.muli %iota3A, %mul3A_1405 : vector<16xi32>
    %and3A_1407 = arith.constant 7 : i32
    %and3A_1408 = arith.andi %squeeze3A_1403, %and3A_1407 : i32
    %add3A_1409 = vector.broadcast %and3A_1408 : i32 to vector<16xi32>
    %add3A_1410 = arith.addi %mul3A_1406, %add3A_1409 : vector<16xi32>
    %add3A_1411 = arith.constant 0 : i32
    %add3A_1412 = vector.broadcast %add3A_1411 : i32 to vector<16xi32>
    %add3A_1413 = arith.addi %iota3A, %add3A_1412 : vector<16xi32>
    %gather3A_1414 = arith.constant 0 : i32
    %gather3A_1415 = arith.constant 0 : i32
    %gather3A_1416 = tpu.memref_slice %arg6[%select_n3A_1385, %gather3A_1414, %gather3A_1415] : memref<16x8x64xf32, #tpu.memory_space<vmem>> -> memref<1x8x64xf32, #tpu.memory_space<vmem>>
    %gather3A_1417 = tpu.memref_squeeze %gather3A_1416 : memref<1x8x64xf32, #tpu.memory_space<vmem>> -> memref<8x64xf32, #tpu.memory_space<vmem>>
    %gather3A_1418 = tpu.vector_load_idx %gather3A_1417[%add3A_1410, %add3A_1413] : memref<8x64xf32, #tpu.memory_space<vmem>>[vector<16xi32>, vector<16xi32>], vector<16xf32>,
    %mul3A_1419 = arith.constant 0 : i32
    %mul3A_1420 = vector.broadcast %mul3A_1419 : i32 to vector<16xi32>
    %mul3A_1421 = arith.muli %iota3A, %mul3A_1420 : vector<16xi32>
    %add3A_1422 = vector.broadcast %add3A_1369 : i32 to vector<16xi32>
    %add3A_1423 = arith.addi %mul3A_1421, %add3A_1422 : vector<16xi32>
    %add3A_1424 = arith.constant 0 : i32
    %add3A_1425 = vector.broadcast %add3A_1424 : i32 to vector<16xi32>
    %add3A_1426 = arith.addi %iota3A, %add3A_1425 : vector<16xi32>
    tpu.vector_store_idx %arg7[%add3A_1423, %add3A_1426], %gather3A_1418 : memref<512x64xf32, #tpu.memory_space<vmem>>[vector<16xi32>, vector<16xi32>], vector<16xf32>,
    %add3A_1427 = arith.constant 16 : i32
    %add3A_1428 = vector.broadcast %add3A_1427 : i32 to vector<16xi32>
    %add3A_1429 = arith.addi %iota3A, %add3A_1428 : vector<16xi32>
    %gather3A_1430 = arith.constant 0 : i32
    %gather3A_1431 = arith.constant 0 : i32
    %gather3A_1432 = tpu.memref_slice %arg6[%select_n3A_1385, %gather3A_1430, %gather3A_1431] : memref<16x8x64xf32, #tpu.memory_space<vmem>> -> memref<1x8x64xf32, #tpu.memory_space<vmem>>
    %gather3A_1433 = tpu.memref_squeeze %gather3A_1432 : memref<1x8x64xf32, #tpu.memory_space<vmem>> -> memref<8x64xf32, #tpu.memory_space<vmem>>
    %gather3A_1434 = tpu.vector_load_idx %gather3A_1433[%add3A_1410, %add3A_1429] : memref<8x64xf32, #tpu.memory_space<vmem>>[vector<16xi32>, vector<16xi32>], vector<16xf32>,
    %mul3A_1435 = arith.constant 0 : i32
    %mul3A_1436 = vector.broadcast %mul3A_1435 : i32 to vector<16xi32>
    %mul3A_1437 = arith.muli %iota3A, %mul3A_1436 : vector<16xi32>
    %add3A_1438 = vector.broadcast %add3A_1369 : i32 to vector<16xi32>
    %add3A_1439 = arith.addi %mul3A_1437, %add3A_1438 : vector<16xi32>
    %add3A_1440 = arith.constant 16 : i32
    %add3A_1441 = vector.broadcast %add3A_1440 : i32 to vector<16xi32>
    %add3A_1442 = arith.addi %iota3A, %add3A_1441 : vector<16xi32>
    tpu.vector_store_idx %arg7[%add3A_1439, %add3A_1442], %gather3A_1434 : memref<512x64xf32, #tpu.memory_space<vmem>>[vector<16xi32>, vector<16xi32>], vector<16xf32>,
    %add3A_1443 = arith.constant 32 : i32
    %add3A_1444 = vector.broadcast %add3A_1443 : i32 to vector<16xi32>
    %add3A_1445 = arith.addi %iota3A, %add3A_1444 : vector<16xi32>
    %gather3A_1446 = arith.constant 0 : i32
    %gather3A_1447 = arith.constant 0 : i32
    %gather3A_1448 = tpu.memref_slice %arg6[%select_n3A_1385, %gather3A_1446, %gather3A_1447] : memref<16x8x64xf32, #tpu.memory_space<vmem>> -> memref<1x8x64xf32, #tpu.memory_space<vmem>>
    %gather3A_1449 = tpu.memref_squeeze %gather3A_1448 : memref<1x8x64xf32, #tpu.memory_space<vmem>> -> memref<8x64xf32, #tpu.memory_space<vmem>>
    %gather3A_1450 = tpu.vector_load_idx %gather3A_1449[%add3A_1410, %add3A_1445] : memref<8x64xf32, #tpu.memory_space<vmem>>[vector<16xi32>, vector<16xi32>], vector<16xf32>,
    %mul3A_1451 = arith.constant 0 : i32
    %mul3A_1452 = vector.broadcast %mul3A_1451 : i32 to vector<16xi32>
    %mul3A_1453 = arith.muli %iota3A, %mul3A_1452 : vector<16xi32>
    %add3A_1454 = vector.broadcast %add3A_1369 : i32 to vector<16xi32>
    %add3A_1455 = arith.addi %mul3A_1453, %add3A_1454 : vector<16xi32>
    %add3A_1456 = arith.constant 32 : i32
    %add3A_1457 = vector.broadcast %add3A_1456 : i32 to vector<16xi32>
    %add3A_1458 = arith.addi %iota3A, %add3A_1457 : vector<16xi32>
    tpu.vector_store_idx %arg7[%add3A_1455, %add3A_1458], %gather3A_1450 : memref<512x64xf32, #tpu.memory_space<vmem>>[vector<16xi32>, vector<16xi32>], vector<16xf32>,
    %add3A_1459 = arith.constant 48 : i32
    %add3A_1460 = vector.broadcast %add3A_1459 : i32 to vector<16xi32>
    %add3A_1461 = arith.addi %iota3A, %add3A_1460 : vector<16xi32>
    %gather3A_1462 = arith.constant 0 : i32
    %gather3A_1463 = arith.constant 0 : i32
    %gather3A_1464 = tpu.memref_slice %arg6[%select_n3A_1385, %gather3A_1462, %gather3A_1463] : memref<16x8x64xf32, #tpu.memory_space<vmem>> -> memref<1x8x64xf32, #tpu.memory_space<vmem>>
    %gather3A_1465 = tpu.memref_squeeze %gather3A_1464 : memref<1x8x64xf32, #tpu.memory_space<vmem>> -> memref<8x64xf32, #tpu.memory_space<vmem>>
    %gather3A_1466 = tpu.vector_load_idx %gather3A_1465[%add3A_1410, %add3A_1461] : memref<8x64xf32, #tpu.memory_space<vmem>>[vector<16xi32>, vector<16xi32>], vector<16xf32>,
    %mul3A_1467 = arith.constant 0 : i32
    %mul3A_1468 = vector.broadcast %mul3A_1467 : i32 to vector<16xi32>
    %mul3A_1469 = arith.muli %iota3A, %mul3A_1468 : vector<16xi32>
    %add3A_1470 = vector.broadcast %add3A_1369 : i32 to vector<16xi32>
    %add3A_1471 = arith.addi %mul3A_1469, %add3A_1470 : vector<16xi32>
    %add3A_1472 = arith.constant 48 : i32
    %add3A_1473 = vector.broadcast %add3A_1472 : i32 to vector<16xi32>
    %add3A_1474 = arith.addi %iota3A, %add3A_1473 : vector<16xi32>
    tpu.vector_store_idx %arg7[%add3A_1471, %add3A_1474], %gather3A_1466 : memref<512x64xf32, #tpu.memory_space<vmem>>[vector<16xi32>, vector<16xi32>], vector<16xf32>,
    %add3A_1475 = arith.constant 10 : i32
    %add3A_1476 = arith.addi %add3A_411, %add3A_1475 : i32
    %jit3A_1477 = arith.constant 16 : i32
    %eq3A_1478 = arith.constant 0 : i32
    %eq3A_1479 = arith.cmpi eq, %jit3A_1477, %eq3A_1478 : i32
    %jit3A_1480 = arith.constant 1 : i32
    %select_n3A_1481 = arith.select %eq3A_1479, %jit3A_1480, %jit3A_1477 : i32
    %rem3A_1482 = arith.remsi %add3A_1476, %select_n3A_1481 : i32
    %ne3A_1483 = arith.constant 0 : i32
    %ne3A_1484 = arith.cmpi ne, %rem3A_1482, %ne3A_1483 : i32
    %lt3A_1485 = arith.constant 0 : i32
    %lt3A_1486 = arith.cmpi slt, %rem3A_1482, %lt3A_1485 : i32
    %lt3A_1487 = arith.constant 0 : i32
    %lt3A_1488 = arith.cmpi slt, %select_n3A_1481, %lt3A_1487 : i32
    %ne3A_1489 = arith.xori %lt3A_1486, %lt3A_1488 : i1
    %and3A_1490 = arith.andi %ne3A_1489, %ne3A_1484 : i1
    %add3A_1491 = arith.addi %rem3A_1482, %select_n3A_1481 : i32
    %select_n3A_1492 = arith.select %and3A_1490, %add3A_1491, %rem3A_1482 : i32
    %dma_wait3A_1493 = arith.constant 0 : i32
    %dma_wait3A_1494 = arith.constant 0 : i32
    %dma_wait3A_1495 = tpu.memref_slice %arg6[%select_n3A_1492, %dma_wait3A_1493, %dma_wait3A_1494] : memref<16x8x64xf32, #tpu.memory_space<vmem>> -> memref<1x8x64xf32, #tpu.memory_space<vmem>>
    %dma_wait3A_1496 = tpu.memref_squeeze %dma_wait3A_1495 : memref<1x8x64xf32, #tpu.memory_space<vmem>> -> memref<8x64xf32, #tpu.memory_space<vmem>>
    %dma_wait3A_1497 = arith.constant 0 : i32
    %dma_wait3A_1498 = arith.constant 0 : i32
    %dma_wait3A_1499 = tpu.memref_slice %arg2[%dma_wait3A_1497, %dma_wait3A_1498] : memref<1000000x64xf32, #tpu.memory_space<hbm>> -> memref<8x64xf32, #tpu.memory_space<hbm>>
    %dma_wait3A_1500 = tpu.memref_slice %arg8[%select_n3A_1492] : memref<16x!tpu.dma_semaphore, #tpu.memory_space<semaphore_mem>> -> memref<1x!tpu.dma_semaphore, #tpu.memory_space<semaphore_mem>>
    %dma_wait3A_1501 = tpu.memref_squeeze %dma_wait3A_1500 : memref<1x!tpu.dma_semaphore, #tpu.memory_space<semaphore_mem>> -> memref<!tpu.dma_semaphore, #tpu.memory_space<semaphore_mem>>
    %dma_wait3A_1502 = arith.constant 0 : i32
    %dma_wait3A_1503 = arith.constant 0 : i32
    %dma_wait3A_1504 = tpu.memref_slice %arg6[%select_n3A_1492, %dma_wait3A_1502, %dma_wait3A_1503] : memref<16x8x64xf32, #tpu.memory_space<vmem>> -> memref<1x8x64xf32, #tpu.memory_space<vmem>>
    %dma_wait3A_1505 = tpu.memref_squeeze %dma_wait3A_1504 : memref<1x8x64xf32, #tpu.memory_space<vmem>> -> memref<8x64xf32, #tpu.memory_space<vmem>>
    %dma_wait3A_1506 = arith.constant 0 : i32
    %dma_wait3A_1507 = arith.constant 0 : i32
    %dma_wait3A_1508 = tpu.memref_slice %arg2[%dma_wait3A_1506, %dma_wait3A_1507] : memref<1000000x64xf32, #tpu.memory_space<hbm>> -> memref<8x64xf32, #tpu.memory_space<hbm>>
    tpu.wait_dma2 semaphore(%dma_wait3A_1501 : memref<!tpu.dma_semaphore, #tpu.memory_space<semaphore_mem>>) src(%dma_wait3A_1508 : memref<8x64xf32, #tpu.memory_space<hbm>>) dst(%dma_wait3A_1505 : memref<8x64xf32, #tpu.memory_space<vmem>>)
    %slice3A_1509 = vector.extract_strided_slice %get3A_413 {offsets = [10], sizes = [1], strides = [1]} : vector<16xi32> to vector<1xi32>
    %squeeze3A_1510 = vector.extract %slice3A_1509[0] : i32 from vector<1xi32>
    %mul3A_1511 = arith.constant 0 : i32
    %mul3A_1512 = vector.broadcast %mul3A_1511 : i32 to vector<16xi32>
    %mul3A_1513 = arith.muli %iota3A, %mul3A_1512 : vector<16xi32>
    %and3A_1514 = arith.constant 7 : i32
    %and3A_1515 = arith.andi %squeeze3A_1510, %and3A_1514 : i32
    %add3A_1516 = vector.broadcast %and3A_1515 : i32 to vector<16xi32>
    %add3A_1517 = arith.addi %mul3A_1513, %add3A_1516 : vector<16xi32>
    %add3A_1518 = arith.constant 0 : i32
    %add3A_1519 = vector.broadcast %add3A_1518 : i32 to vector<16xi32>
    %add3A_1520 = arith.addi %iota3A, %add3A_1519 : vector<16xi32>
    %gather3A_1521 = arith.constant 0 : i32
    %gather3A_1522 = arith.constant 0 : i32
    %gather3A_1523 = tpu.memref_slice %arg6[%select_n3A_1492, %gather3A_1521, %gather3A_1522] : memref<16x8x64xf32, #tpu.memory_space<vmem>> -> memref<1x8x64xf32, #tpu.memory_space<vmem>>
    %gather3A_1524 = tpu.memref_squeeze %gather3A_1523 : memref<1x8x64xf32, #tpu.memory_space<vmem>> -> memref<8x64xf32, #tpu.memory_space<vmem>>
    %gather3A_1525 = tpu.vector_load_idx %gather3A_1524[%add3A_1517, %add3A_1520] : memref<8x64xf32, #tpu.memory_space<vmem>>[vector<16xi32>, vector<16xi32>], vector<16xf32>,
    %mul3A_1526 = arith.constant 0 : i32
    %mul3A_1527 = vector.broadcast %mul3A_1526 : i32 to vector<16xi32>
    %mul3A_1528 = arith.muli %iota3A, %mul3A_1527 : vector<16xi32>
    %add3A_1529 = vector.broadcast %add3A_1476 : i32 to vector<16xi32>
    %add3A_1530 = arith.addi %mul3A_1528, %add3A_1529 : vector<16xi32>
    %add3A_1531 = arith.constant 0 : i32
    %add3A_1532 = vector.broadcast %add3A_1531 : i32 to vector<16xi32>
    %add3A_1533 = arith.addi %iota3A, %add3A_1532 : vector<16xi32>
    tpu.vector_store_idx %arg7[%add3A_1530, %add3A_1533], %gather3A_1525 : memref<512x64xf32, #tpu.memory_space<vmem>>[vector<16xi32>, vector<16xi32>], vector<16xf32>,
    %add3A_1534 = arith.constant 16 : i32
    %add3A_1535 = vector.broadcast %add3A_1534 : i32 to vector<16xi32>
    %add3A_1536 = arith.addi %iota3A, %add3A_1535 : vector<16xi32>
    %gather3A_1537 = arith.constant 0 : i32
    %gather3A_1538 = arith.constant 0 : i32
    %gather3A_1539 = tpu.memref_slice %arg6[%select_n3A_1492, %gather3A_1537, %gather3A_1538] : memref<16x8x64xf32, #tpu.memory_space<vmem>> -> memref<1x8x64xf32, #tpu.memory_space<vmem>>
    %gather3A_1540 = tpu.memref_squeeze %gather3A_1539 : memref<1x8x64xf32, #tpu.memory_space<vmem>> -> memref<8x64xf32, #tpu.memory_space<vmem>>
    %gather3A_1541 = tpu.vector_load_idx %gather3A_1540[%add3A_1517, %add3A_1536] : memref<8x64xf32, #tpu.memory_space<vmem>>[vector<16xi32>, vector<16xi32>], vector<16xf32>,
    %mul3A_1542 = arith.constant 0 : i32
    %mul3A_1543 = vector.broadcast %mul3A_1542 : i32 to vector<16xi32>
    %mul3A_1544 = arith.muli %iota3A, %mul3A_1543 : vector<16xi32>
    %add3A_1545 = vector.broadcast %add3A_1476 : i32 to vector<16xi32>
    %add3A_1546 = arith.addi %mul3A_1544, %add3A_1545 : vector<16xi32>
    %add3A_1547 = arith.constant 16 : i32
    %add3A_1548 = vector.broadcast %add3A_1547 : i32 to vector<16xi32>
    %add3A_1549 = arith.addi %iota3A, %add3A_1548 : vector<16xi32>
    tpu.vector_store_idx %arg7[%add3A_1546, %add3A_1549], %gather3A_1541 : memref<512x64xf32, #tpu.memory_space<vmem>>[vector<16xi32>, vector<16xi32>], vector<16xf32>,
    %add3A_1550 = arith.constant 32 : i32
    %add3A_1551 = vector.broadcast %add3A_1550 : i32 to vector<16xi32>
    %add3A_1552 = arith.addi %iota3A, %add3A_1551 : vector<16xi32>
    %gather3A_1553 = arith.constant 0 : i32
    %gather3A_1554 = arith.constant 0 : i32
    %gather3A_1555 = tpu.memref_slice %arg6[%select_n3A_1492, %gather3A_1553, %gather3A_1554] : memref<16x8x64xf32, #tpu.memory_space<vmem>> -> memref<1x8x64xf32, #tpu.memory_space<vmem>>
    %gather3A_1556 = tpu.memref_squeeze %gather3A_1555 : memref<1x8x64xf32, #tpu.memory_space<vmem>> -> memref<8x64xf32, #tpu.memory_space<vmem>>
    %gather3A_1557 = tpu.vector_load_idx %gather3A_1556[%add3A_1517, %add3A_1552] : memref<8x64xf32, #tpu.memory_space<vmem>>[vector<16xi32>, vector<16xi32>], vector<16xf32>,
    %mul3A_1558 = arith.constant 0 : i32
    %mul3A_1559 = vector.broadcast %mul3A_1558 : i32 to vector<16xi32>
    %mul3A_1560 = arith.muli %iota3A, %mul3A_1559 : vector<16xi32>
    %add3A_1561 = vector.broadcast %add3A_1476 : i32 to vector<16xi32>
    %add3A_1562 = arith.addi %mul3A_1560, %add3A_1561 : vector<16xi32>
    %add3A_1563 = arith.constant 32 : i32
    %add3A_1564 = vector.broadcast %add3A_1563 : i32 to vector<16xi32>
    %add3A_1565 = arith.addi %iota3A, %add3A_1564 : vector<16xi32>
    tpu.vector_store_idx %arg7[%add3A_1562, %add3A_1565], %gather3A_1557 : memref<512x64xf32, #tpu.memory_space<vmem>>[vector<16xi32>, vector<16xi32>], vector<16xf32>,
    %add3A_1566 = arith.constant 48 : i32
    %add3A_1567 = vector.broadcast %add3A_1566 : i32 to vector<16xi32>
    %add3A_1568 = arith.addi %iota3A, %add3A_1567 : vector<16xi32>
    %gather3A_1569 = arith.constant 0 : i32
    %gather3A_1570 = arith.constant 0 : i32
    %gather3A_1571 = tpu.memref_slice %arg6[%select_n3A_1492, %gather3A_1569, %gather3A_1570] : memref<16x8x64xf32, #tpu.memory_space<vmem>> -> memref<1x8x64xf32, #tpu.memory_space<vmem>>
    %gather3A_1572 = tpu.memref_squeeze %gather3A_1571 : memref<1x8x64xf32, #tpu.memory_space<vmem>> -> memref<8x64xf32, #tpu.memory_space<vmem>>
    %gather3A_1573 = tpu.vector_load_idx %gather3A_1572[%add3A_1517, %add3A_1568] : memref<8x64xf32, #tpu.memory_space<vmem>>[vector<16xi32>, vector<16xi32>], vector<16xf32>,
    %mul3A_1574 = arith.constant 0 : i32
    %mul3A_1575 = vector.broadcast %mul3A_1574 : i32 to vector<16xi32>
    %mul3A_1576 = arith.muli %iota3A, %mul3A_1575 : vector<16xi32>
    %add3A_1577 = vector.broadcast %add3A_1476 : i32 to vector<16xi32>
    %add3A_1578 = arith.addi %mul3A_1576, %add3A_1577 : vector<16xi32>
    %add3A_1579 = arith.constant 48 : i32
    %add3A_1580 = vector.broadcast %add3A_1579 : i32 to vector<16xi32>
    %add3A_1581 = arith.addi %iota3A, %add3A_1580 : vector<16xi32>
    tpu.vector_store_idx %arg7[%add3A_1578, %add3A_1581], %gather3A_1573 : memref<512x64xf32, #tpu.memory_space<vmem>>[vector<16xi32>, vector<16xi32>], vector<16xf32>,
    %add3A_1582 = arith.constant 11 : i32
    %add3A_1583 = arith.addi %add3A_411, %add3A_1582 : i32
    %jit3A_1584 = arith.constant 16 : i32
    %eq3A_1585 = arith.constant 0 : i32
    %eq3A_1586 = arith.cmpi eq, %jit3A_1584, %eq3A_1585 : i32
    %jit3A_1587 = arith.constant 1 : i32
    %select_n3A_1588 = arith.select %eq3A_1586, %jit3A_1587, %jit3A_1584 : i32
    %rem3A_1589 = arith.remsi %add3A_1583, %select_n3A_1588 : i32
    %ne3A_1590 = arith.constant 0 : i32
    %ne3A_1591 = arith.cmpi ne, %rem3A_1589, %ne3A_1590 : i32
    %lt3A_1592 = arith.constant 0 : i32
    %lt3A_1593 = arith.cmpi slt, %rem3A_1589, %lt3A_1592 : i32
    %lt3A_1594 = arith.constant 0 : i32
    %lt3A_1595 = arith.cmpi slt, %select_n3A_1588, %lt3A_1594 : i32
    %ne3A_1596 = arith.xori %lt3A_1593, %lt3A_1595 : i1
    %and3A_1597 = arith.andi %ne3A_1596, %ne3A_1591 : i1
    %add3A_1598 = arith.addi %rem3A_1589, %select_n3A_1588 : i32
    %select_n3A_1599 = arith.select %and3A_1597, %add3A_1598, %rem3A_1589 : i32
    %dma_wait3A_1600 = arith.constant 0 : i32
    %dma_wait3A_1601 = arith.constant 0 : i32
    %dma_wait3A_1602 = tpu.memref_slice %arg6[%select_n3A_1599, %dma_wait3A_1600, %dma_wait3A_1601] : memref<16x8x64xf32, #tpu.memory_space<vmem>> -> memref<1x8x64xf32, #tpu.memory_space<vmem>>
    %dma_wait3A_1603 = tpu.memref_squeeze %dma_wait3A_1602 : memref<1x8x64xf32, #tpu.memory_space<vmem>> -> memref<8x64xf32, #tpu.memory_space<vmem>>
    %dma_wait3A_1604 = arith.constant 0 : i32
    %dma_wait3A_1605 = arith.constant 0 : i32
    %dma_wait3A_1606 = tpu.memref_slice %arg2[%dma_wait3A_1604, %dma_wait3A_1605] : memref<1000000x64xf32, #tpu.memory_space<hbm>> -> memref<8x64xf32, #tpu.memory_space<hbm>>
    %dma_wait3A_1607 = tpu.memref_slice %arg8[%select_n3A_1599] : memref<16x!tpu.dma_semaphore, #tpu.memory_space<semaphore_mem>> -> memref<1x!tpu.dma_semaphore, #tpu.memory_space<semaphore_mem>>
    %dma_wait3A_1608 = tpu.memref_squeeze %dma_wait3A_1607 : memref<1x!tpu.dma_semaphore, #tpu.memory_space<semaphore_mem>> -> memref<!tpu.dma_semaphore, #tpu.memory_space<semaphore_mem>>
    %dma_wait3A_1609 = arith.constant 0 : i32
    %dma_wait3A_1610 = arith.constant 0 : i32
    %dma_wait3A_1611 = tpu.memref_slice %arg6[%select_n3A_1599, %dma_wait3A_1609, %dma_wait3A_1610] : memref<16x8x64xf32, #tpu.memory_space<vmem>> -> memref<1x8x64xf32, #tpu.memory_space<vmem>>
    %dma_wait3A_1612 = tpu.memref_squeeze %dma_wait3A_1611 : memref<1x8x64xf32, #tpu.memory_space<vmem>> -> memref<8x64xf32, #tpu.memory_space<vmem>>
    %dma_wait3A_1613 = arith.constant 0 : i32
    %dma_wait3A_1614 = arith.constant 0 : i32
    %dma_wait3A_1615 = tpu.memref_slice %arg2[%dma_wait3A_1613, %dma_wait3A_1614] : memref<1000000x64xf32, #tpu.memory_space<hbm>> -> memref<8x64xf32, #tpu.memory_space<hbm>>
    tpu.wait_dma2 semaphore(%dma_wait3A_1608 : memref<!tpu.dma_semaphore, #tpu.memory_space<semaphore_mem>>) src(%dma_wait3A_1615 : memref<8x64xf32, #tpu.memory_space<hbm>>) dst(%dma_wait3A_1612 : memref<8x64xf32, #tpu.memory_space<vmem>>)
    %slice3A_1616 = vector.extract_strided_slice %get3A_413 {offsets = [11], sizes = [1], strides = [1]} : vector<16xi32> to vector<1xi32>
    %squeeze3A_1617 = vector.extract %slice3A_1616[0] : i32 from vector<1xi32>
    %mul3A_1618 = arith.constant 0 : i32
    %mul3A_1619 = vector.broadcast %mul3A_1618 : i32 to vector<16xi32>
    %mul3A_1620 = arith.muli %iota3A, %mul3A_1619 : vector<16xi32>
    %and3A_1621 = arith.constant 7 : i32
    %and3A_1622 = arith.andi %squeeze3A_1617, %and3A_1621 : i32
    %add3A_1623 = vector.broadcast %and3A_1622 : i32 to vector<16xi32>
    %add3A_1624 = arith.addi %mul3A_1620, %add3A_1623 : vector<16xi32>
    %add3A_1625 = arith.constant 0 : i32
    %add3A_1626 = vector.broadcast %add3A_1625 : i32 to vector<16xi32>
    %add3A_1627 = arith.addi %iota3A, %add3A_1626 : vector<16xi32>
    %gather3A_1628 = arith.constant 0 : i32
    %gather3A_1629 = arith.constant 0 : i32
    %gather3A_1630 = tpu.memref_slice %arg6[%select_n3A_1599, %gather3A_1628, %gather3A_1629] : memref<16x8x64xf32, #tpu.memory_space<vmem>> -> memref<1x8x64xf32, #tpu.memory_space<vmem>>
    %gather3A_1631 = tpu.memref_squeeze %gather3A_1630 : memref<1x8x64xf32, #tpu.memory_space<vmem>> -> memref<8x64xf32, #tpu.memory_space<vmem>>
    %gather3A_1632 = tpu.vector_load_idx %gather3A_1631[%add3A_1624, %add3A_1627] : memref<8x64xf32, #tpu.memory_space<vmem>>[vector<16xi32>, vector<16xi32>], vector<16xf32>,
    %mul3A_1633 = arith.constant 0 : i32
    %mul3A_1634 = vector.broadcast %mul3A_1633 : i32 to vector<16xi32>
    %mul3A_1635 = arith.muli %iota3A, %mul3A_1634 : vector<16xi32>
    %add3A_1636 = vector.broadcast %add3A_1583 : i32 to vector<16xi32>
    %add3A_1637 = arith.addi %mul3A_1635, %add3A_1636 : vector<16xi32>
    %add3A_1638 = arith.constant 0 : i32
    %add3A_1639 = vector.broadcast %add3A_1638 : i32 to vector<16xi32>
    %add3A_1640 = arith.addi %iota3A, %add3A_1639 : vector<16xi32>
    tpu.vector_store_idx %arg7[%add3A_1637, %add3A_1640], %gather3A_1632 : memref<512x64xf32, #tpu.memory_space<vmem>>[vector<16xi32>, vector<16xi32>], vector<16xf32>,
    %add3A_1641 = arith.constant 16 : i32
    %add3A_1642 = vector.broadcast %add3A_1641 : i32 to vector<16xi32>
    %add3A_1643 = arith.addi %iota3A, %add3A_1642 : vector<16xi32>
    %gather3A_1644 = arith.constant 0 : i32
    %gather3A_1645 = arith.constant 0 : i32
    %gather3A_1646 = tpu.memref_slice %arg6[%select_n3A_1599, %gather3A_1644, %gather3A_1645] : memref<16x8x64xf32, #tpu.memory_space<vmem>> -> memref<1x8x64xf32, #tpu.memory_space<vmem>>
    %gather3A_1647 = tpu.memref_squeeze %gather3A_1646 : memref<1x8x64xf32, #tpu.memory_space<vmem>> -> memref<8x64xf32, #tpu.memory_space<vmem>>
    %gather3A_1648 = tpu.vector_load_idx %gather3A_1647[%add3A_1624, %add3A_1643] : memref<8x64xf32, #tpu.memory_space<vmem>>[vector<16xi32>, vector<16xi32>], vector<16xf32>,
    %mul3A_1649 = arith.constant 0 : i32
    %mul3A_1650 = vector.broadcast %mul3A_1649 : i32 to vector<16xi32>
    %mul3A_1651 = arith.muli %iota3A, %mul3A_1650 : vector<16xi32>
    %add3A_1652 = vector.broadcast %add3A_1583 : i32 to vector<16xi32>
    %add3A_1653 = arith.addi %mul3A_1651, %add3A_1652 : vector<16xi32>
    %add3A_1654 = arith.constant 16 : i32
    %add3A_1655 = vector.broadcast %add3A_1654 : i32 to vector<16xi32>
    %add3A_1656 = arith.addi %iota3A, %add3A_1655 : vector<16xi32>
    tpu.vector_store_idx %arg7[%add3A_1653, %add3A_1656], %gather3A_1648 : memref<512x64xf32, #tpu.memory_space<vmem>>[vector<16xi32>, vector<16xi32>], vector<16xf32>,
    %add3A_1657 = arith.constant 32 : i32
    %add3A_1658 = vector.broadcast %add3A_1657 : i32 to vector<16xi32>
    %add3A_1659 = arith.addi %iota3A, %add3A_1658 : vector<16xi32>
    %gather3A_1660 = arith.constant 0 : i32
    %gather3A_1661 = arith.constant 0 : i32
    %gather3A_1662 = tpu.memref_slice %arg6[%select_n3A_1599, %gather3A_1660, %gather3A_1661] : memref<16x8x64xf32, #tpu.memory_space<vmem>> -> memref<1x8x64xf32, #tpu.memory_space<vmem>>
    %gather3A_1663 = tpu.memref_squeeze %gather3A_1662 : memref<1x8x64xf32, #tpu.memory_space<vmem>> -> memref<8x64xf32, #tpu.memory_space<vmem>>
    %gather3A_1664 = tpu.vector_load_idx %gather3A_1663[%add3A_1624, %add3A_1659] : memref<8x64xf32, #tpu.memory_space<vmem>>[vector<16xi32>, vector<16xi32>], vector<16xf32>,
    %mul3A_1665 = arith.constant 0 : i32
    %mul3A_1666 = vector.broadcast %mul3A_1665 : i32 to vector<16xi32>
    %mul3A_1667 = arith.muli %iota3A, %mul3A_1666 : vector<16xi32>
    %add3A_1668 = vector.broadcast %add3A_1583 : i32 to vector<16xi32>
    %add3A_1669 = arith.addi %mul3A_1667, %add3A_1668 : vector<16xi32>
    %add3A_1670 = arith.constant 32 : i32
    %add3A_1671 = vector.broadcast %add3A_1670 : i32 to vector<16xi32>
    %add3A_1672 = arith.addi %iota3A, %add3A_1671 : vector<16xi32>
    tpu.vector_store_idx %arg7[%add3A_1669, %add3A_1672], %gather3A_1664 : memref<512x64xf32, #tpu.memory_space<vmem>>[vector<16xi32>, vector<16xi32>], vector<16xf32>,
    %add3A_1673 = arith.constant 48 : i32
    %add3A_1674 = vector.broadcast %add3A_1673 : i32 to vector<16xi32>
    %add3A_1675 = arith.addi %iota3A, %add3A_1674 : vector<16xi32>
    %gather3A_1676 = arith.constant 0 : i32
    %gather3A_1677 = arith.constant 0 : i32
    %gather3A_1678 = tpu.memref_slice %arg6[%select_n3A_1599, %gather3A_1676, %gather3A_1677] : memref<16x8x64xf32, #tpu.memory_space<vmem>> -> memref<1x8x64xf32, #tpu.memory_space<vmem>>
    %gather3A_1679 = tpu.memref_squeeze %gather3A_1678 : memref<1x8x64xf32, #tpu.memory_space<vmem>> -> memref<8x64xf32, #tpu.memory_space<vmem>>
    %gather3A_1680 = tpu.vector_load_idx %gather3A_1679[%add3A_1624, %add3A_1675] : memref<8x64xf32, #tpu.memory_space<vmem>>[vector<16xi32>, vector<16xi32>], vector<16xf32>,
    %mul3A_1681 = arith.constant 0 : i32
    %mul3A_1682 = vector.broadcast %mul3A_1681 : i32 to vector<16xi32>
    %mul3A_1683 = arith.muli %iota3A, %mul3A_1682 : vector<16xi32>
    %add3A_1684 = vector.broadcast %add3A_1583 : i32 to vector<16xi32>
    %add3A_1685 = arith.addi %mul3A_1683, %add3A_1684 : vector<16xi32>
    %add3A_1686 = arith.constant 48 : i32
    %add3A_1687 = vector.broadcast %add3A_1686 : i32 to vector<16xi32>
    %add3A_1688 = arith.addi %iota3A, %add3A_1687 : vector<16xi32>
    tpu.vector_store_idx %arg7[%add3A_1685, %add3A_1688], %gather3A_1680 : memref<512x64xf32, #tpu.memory_space<vmem>>[vector<16xi32>, vector<16xi32>], vector<16xf32>,
    %add3A_1689 = arith.constant 12 : i32
    %add3A_1690 = arith.addi %add3A_411, %add3A_1689 : i32
    %jit3A_1691 = arith.constant 16 : i32
    %eq3A_1692 = arith.constant 0 : i32
    %eq3A_1693 = arith.cmpi eq, %jit3A_1691, %eq3A_1692 : i32
    %jit3A_1694 = arith.constant 1 : i32
    %select_n3A_1695 = arith.select %eq3A_1693, %jit3A_1694, %jit3A_1691 : i32
    %rem3A_1696 = arith.remsi %add3A_1690, %select_n3A_1695 : i32
    %ne3A_1697 = arith.constant 0 : i32
    %ne3A_1698 = arith.cmpi ne, %rem3A_1696, %ne3A_1697 : i32
    %lt3A_1699 = arith.constant 0 : i32
    %lt3A_1700 = arith.cmpi slt, %rem3A_1696, %lt3A_1699 : i32
    %lt3A_1701 = arith.constant 0 : i32
    %lt3A_1702 = arith.cmpi slt, %select_n3A_1695, %lt3A_1701 : i32
    %ne3A_1703 = arith.xori %lt3A_1700, %lt3A_1702 : i1
    %and3A_1704 = arith.andi %ne3A_1703, %ne3A_1698 : i1
    %add3A_1705 = arith.addi %rem3A_1696, %select_n3A_1695 : i32
    %select_n3A_1706 = arith.select %and3A_1704, %add3A_1705, %rem3A_1696 : i32
    %dma_wait3A_1707 = arith.constant 0 : i32
    %dma_wait3A_1708 = arith.constant 0 : i32
    %dma_wait3A_1709 = tpu.memref_slice %arg6[%select_n3A_1706, %dma_wait3A_1707, %dma_wait3A_1708] : memref<16x8x64xf32, #tpu.memory_space<vmem>> -> memref<1x8x64xf32, #tpu.memory_space<vmem>>
    %dma_wait3A_1710 = tpu.memref_squeeze %dma_wait3A_1709 : memref<1x8x64xf32, #tpu.memory_space<vmem>> -> memref<8x64xf32, #tpu.memory_space<vmem>>
    %dma_wait3A_1711 = arith.constant 0 : i32
    %dma_wait3A_1712 = arith.constant 0 : i32
    %dma_wait3A_1713 = tpu.memref_slice %arg2[%dma_wait3A_1711, %dma_wait3A_1712] : memref<1000000x64xf32, #tpu.memory_space<hbm>> -> memref<8x64xf32, #tpu.memory_space<hbm>>
    %dma_wait3A_1714 = tpu.memref_slice %arg8[%select_n3A_1706] : memref<16x!tpu.dma_semaphore, #tpu.memory_space<semaphore_mem>> -> memref<1x!tpu.dma_semaphore, #tpu.memory_space<semaphore_mem>>
    %dma_wait3A_1715 = tpu.memref_squeeze %dma_wait3A_1714 : memref<1x!tpu.dma_semaphore, #tpu.memory_space<semaphore_mem>> -> memref<!tpu.dma_semaphore, #tpu.memory_space<semaphore_mem>>
    %dma_wait3A_1716 = arith.constant 0 : i32
    %dma_wait3A_1717 = arith.constant 0 : i32
    %dma_wait3A_1718 = tpu.memref_slice %arg6[%select_n3A_1706, %dma_wait3A_1716, %dma_wait3A_1717] : memref<16x8x64xf32, #tpu.memory_space<vmem>> -> memref<1x8x64xf32, #tpu.memory_space<vmem>>
    %dma_wait3A_1719 = tpu.memref_squeeze %dma_wait3A_1718 : memref<1x8x64xf32, #tpu.memory_space<vmem>> -> memref<8x64xf32, #tpu.memory_space<vmem>>
    %dma_wait3A_1720 = arith.constant 0 : i32
    %dma_wait3A_1721 = arith.constant 0 : i32
    %dma_wait3A_1722 = tpu.memref_slice %arg2[%dma_wait3A_1720, %dma_wait3A_1721] : memref<1000000x64xf32, #tpu.memory_space<hbm>> -> memref<8x64xf32, #tpu.memory_space<hbm>>
    tpu.wait_dma2 semaphore(%dma_wait3A_1715 : memref<!tpu.dma_semaphore, #tpu.memory_space<semaphore_mem>>) src(%dma_wait3A_1722 : memref<8x64xf32, #tpu.memory_space<hbm>>) dst(%dma_wait3A_1719 : memref<8x64xf32, #tpu.memory_space<vmem>>)
    %slice3A_1723 = vector.extract_strided_slice %get3A_413 {offsets = [12], sizes = [1], strides = [1]} : vector<16xi32> to vector<1xi32>
    %squeeze3A_1724 = vector.extract %slice3A_1723[0] : i32 from vector<1xi32>
    %mul3A_1725 = arith.constant 0 : i32
    %mul3A_1726 = vector.broadcast %mul3A_1725 : i32 to vector<16xi32>
    %mul3A_1727 = arith.muli %iota3A, %mul3A_1726 : vector<16xi32>
    %and3A_1728 = arith.constant 7 : i32
    %and3A_1729 = arith.andi %squeeze3A_1724, %and3A_1728 : i32
    %add3A_1730 = vector.broadcast %and3A_1729 : i32 to vector<16xi32>
    %add3A_1731 = arith.addi %mul3A_1727, %add3A_1730 : vector<16xi32>
    %add3A_1732 = arith.constant 0 : i32
    %add3A_1733 = vector.broadcast %add3A_1732 : i32 to vector<16xi32>
    %add3A_1734 = arith.addi %iota3A, %add3A_1733 : vector<16xi32>
    %gather3A_1735 = arith.constant 0 : i32
    %gather3A_1736 = arith.constant 0 : i32
    %gather3A_1737 = tpu.memref_slice %arg6[%select_n3A_1706, %gather3A_1735, %gather3A_1736] : memref<16x8x64xf32, #tpu.memory_space<vmem>> -> memref<1x8x64xf32, #tpu.memory_space<vmem>>
    %gather3A_1738 = tpu.memref_squeeze %gather3A_1737 : memref<1x8x64xf32, #tpu.memory_space<vmem>> -> memref<8x64xf32, #tpu.memory_space<vmem>>
    %gather3A_1739 = tpu.vector_load_idx %gather3A_1738[%add3A_1731, %add3A_1734] : memref<8x64xf32, #tpu.memory_space<vmem>>[vector<16xi32>, vector<16xi32>], vector<16xf32>,
    %mul3A_1740 = arith.constant 0 : i32
    %mul3A_1741 = vector.broadcast %mul3A_1740 : i32 to vector<16xi32>
    %mul3A_1742 = arith.muli %iota3A, %mul3A_1741 : vector<16xi32>
    %add3A_1743 = vector.broadcast %add3A_1690 : i32 to vector<16xi32>
    %add3A_1744 = arith.addi %mul3A_1742, %add3A_1743 : vector<16xi32>
    %add3A_1745 = arith.constant 0 : i32
    %add3A_1746 = vector.broadcast %add3A_1745 : i32 to vector<16xi32>
    %add3A_1747 = arith.addi %iota3A, %add3A_1746 : vector<16xi32>
    tpu.vector_store_idx %arg7[%add3A_1744, %add3A_1747], %gather3A_1739 : memref<512x64xf32, #tpu.memory_space<vmem>>[vector<16xi32>, vector<16xi32>], vector<16xf32>,
    %add3A_1748 = arith.constant 16 : i32
    %add3A_1749 = vector.broadcast %add3A_1748 : i32 to vector<16xi32>
    %add3A_1750 = arith.addi %iota3A, %add3A_1749 : vector<16xi32>
    %gather3A_1751 = arith.constant 0 : i32
    %gather3A_1752 = arith.constant 0 : i32
    %gather3A_1753 = tpu.memref_slice %arg6[%select_n3A_1706, %gather3A_1751, %gather3A_1752] : memref<16x8x64xf32, #tpu.memory_space<vmem>> -> memref<1x8x64xf32, #tpu.memory_space<vmem>>
    %gather3A_1754 = tpu.memref_squeeze %gather3A_1753 : memref<1x8x64xf32, #tpu.memory_space<vmem>> -> memref<8x64xf32, #tpu.memory_space<vmem>>
    %gather3A_1755 = tpu.vector_load_idx %gather3A_1754[%add3A_1731, %add3A_1750] : memref<8x64xf32, #tpu.memory_space<vmem>>[vector<16xi32>, vector<16xi32>], vector<16xf32>,
    %mul3A_1756 = arith.constant 0 : i32
    %mul3A_1757 = vector.broadcast %mul3A_1756 : i32 to vector<16xi32>
    %mul3A_1758 = arith.muli %iota3A, %mul3A_1757 : vector<16xi32>
    %add3A_1759 = vector.broadcast %add3A_1690 : i32 to vector<16xi32>
    %add3A_1760 = arith.addi %mul3A_1758, %add3A_1759 : vector<16xi32>
    %add3A_1761 = arith.constant 16 : i32
    %add3A_1762 = vector.broadcast %add3A_1761 : i32 to vector<16xi32>
    %add3A_1763 = arith.addi %iota3A, %add3A_1762 : vector<16xi32>
    tpu.vector_store_idx %arg7[%add3A_1760, %add3A_1763], %gather3A_1755 : memref<512x64xf32, #tpu.memory_space<vmem>>[vector<16xi32>, vector<16xi32>], vector<16xf32>,
    %add3A_1764 = arith.constant 32 : i32
    %add3A_1765 = vector.broadcast %add3A_1764 : i32 to vector<16xi32>
    %add3A_1766 = arith.addi %iota3A, %add3A_1765 : vector<16xi32>
    %gather3A_1767 = arith.constant 0 : i32
    %gather3A_1768 = arith.constant 0 : i32
    %gather3A_1769 = tpu.memref_slice %arg6[%select_n3A_1706, %gather3A_1767, %gather3A_1768] : memref<16x8x64xf32, #tpu.memory_space<vmem>> -> memref<1x8x64xf32, #tpu.memory_space<vmem>>
    %gather3A_1770 = tpu.memref_squeeze %gather3A_1769 : memref<1x8x64xf32, #tpu.memory_space<vmem>> -> memref<8x64xf32, #tpu.memory_space<vmem>>
    %gather3A_1771 = tpu.vector_load_idx %gather3A_1770[%add3A_1731, %add3A_1766] : memref<8x64xf32, #tpu.memory_space<vmem>>[vector<16xi32>, vector<16xi32>], vector<16xf32>,
    %mul3A_1772 = arith.constant 0 : i32
    %mul3A_1773 = vector.broadcast %mul3A_1772 : i32 to vector<16xi32>
    %mul3A_1774 = arith.muli %iota3A, %mul3A_1773 : vector<16xi32>
    %add3A_1775 = vector.broadcast %add3A_1690 : i32 to vector<16xi32>
    %add3A_1776 = arith.addi %mul3A_1774, %add3A_1775 : vector<16xi32>
    %add3A_1777 = arith.constant 32 : i32
    %add3A_1778 = vector.broadcast %add3A_1777 : i32 to vector<16xi32>
    %add3A_1779 = arith.addi %iota3A, %add3A_1778 : vector<16xi32>
    tpu.vector_store_idx %arg7[%add3A_1776, %add3A_1779], %gather3A_1771 : memref<512x64xf32, #tpu.memory_space<vmem>>[vector<16xi32>, vector<16xi32>], vector<16xf32>,
    %add3A_1780 = arith.constant 48 : i32
    %add3A_1781 = vector.broadcast %add3A_1780 : i32 to vector<16xi32>
    %add3A_1782 = arith.addi %iota3A, %add3A_1781 : vector<16xi32>
    %gather3A_1783 = arith.constant 0 : i32
    %gather3A_1784 = arith.constant 0 : i32
    %gather3A_1785 = tpu.memref_slice %arg6[%select_n3A_1706, %gather3A_1783, %gather3A_1784] : memref<16x8x64xf32, #tpu.memory_space<vmem>> -> memref<1x8x64xf32, #tpu.memory_space<vmem>>
    %gather3A_1786 = tpu.memref_squeeze %gather3A_1785 : memref<1x8x64xf32, #tpu.memory_space<vmem>> -> memref<8x64xf32, #tpu.memory_space<vmem>>
    %gather3A_1787 = tpu.vector_load_idx %gather3A_1786[%add3A_1731, %add3A_1782] : memref<8x64xf32, #tpu.memory_space<vmem>>[vector<16xi32>, vector<16xi32>], vector<16xf32>,
    %mul3A_1788 = arith.constant 0 : i32
    %mul3A_1789 = vector.broadcast %mul3A_1788 : i32 to vector<16xi32>
    %mul3A_1790 = arith.muli %iota3A, %mul3A_1789 : vector<16xi32>
    %add3A_1791 = vector.broadcast %add3A_1690 : i32 to vector<16xi32>
    %add3A_1792 = arith.addi %mul3A_1790, %add3A_1791 : vector<16xi32>
    %add3A_1793 = arith.constant 48 : i32
    %add3A_1794 = vector.broadcast %add3A_1793 : i32 to vector<16xi32>
    %add3A_1795 = arith.addi %iota3A, %add3A_1794 : vector<16xi32>
    tpu.vector_store_idx %arg7[%add3A_1792, %add3A_1795], %gather3A_1787 : memref<512x64xf32, #tpu.memory_space<vmem>>[vector<16xi32>, vector<16xi32>], vector<16xf32>,
    %add3A_1796 = arith.constant 13 : i32
    %add3A_1797 = arith.addi %add3A_411, %add3A_1796 : i32
    %jit3A_1798 = arith.constant 16 : i32
    %eq3A_1799 = arith.constant 0 : i32
    %eq3A_1800 = arith.cmpi eq, %jit3A_1798, %eq3A_1799 : i32
    %jit3A_1801 = arith.constant 1 : i32
    %select_n3A_1802 = arith.select %eq3A_1800, %jit3A_1801, %jit3A_1798 : i32
    %rem3A_1803 = arith.remsi %add3A_1797, %select_n3A_1802 : i32
    %ne3A_1804 = arith.constant 0 : i32
    %ne3A_1805 = arith.cmpi ne, %rem3A_1803, %ne3A_1804 : i32
    %lt3A_1806 = arith.constant 0 : i32
    %lt3A_1807 = arith.cmpi slt, %rem3A_1803, %lt3A_1806 : i32
    %lt3A_1808 = arith.constant 0 : i32
    %lt3A_1809 = arith.cmpi slt, %select_n3A_1802, %lt3A_1808 : i32
    %ne3A_1810 = arith.xori %lt3A_1807, %lt3A_1809 : i1
    %and3A_1811 = arith.andi %ne3A_1810, %ne3A_1805 : i1
    %add3A_1812 = arith.addi %rem3A_1803, %select_n3A_1802 : i32
    %select_n3A_1813 = arith.select %and3A_1811, %add3A_1812, %rem3A_1803 : i32
    %dma_wait3A_1814 = arith.constant 0 : i32
    %dma_wait3A_1815 = arith.constant 0 : i32
    %dma_wait3A_1816 = tpu.memref_slice %arg6[%select_n3A_1813, %dma_wait3A_1814, %dma_wait3A_1815] : memref<16x8x64xf32, #tpu.memory_space<vmem>> -> memref<1x8x64xf32, #tpu.memory_space<vmem>>
    %dma_wait3A_1817 = tpu.memref_squeeze %dma_wait3A_1816 : memref<1x8x64xf32, #tpu.memory_space<vmem>> -> memref<8x64xf32, #tpu.memory_space<vmem>>
    %dma_wait3A_1818 = arith.constant 0 : i32
    %dma_wait3A_1819 = arith.constant 0 : i32
    %dma_wait3A_1820 = tpu.memref_slice %arg2[%dma_wait3A_1818, %dma_wait3A_1819] : memref<1000000x64xf32, #tpu.memory_space<hbm>> -> memref<8x64xf32, #tpu.memory_space<hbm>>
    %dma_wait3A_1821 = tpu.memref_slice %arg8[%select_n3A_1813] : memref<16x!tpu.dma_semaphore, #tpu.memory_space<semaphore_mem>> -> memref<1x!tpu.dma_semaphore, #tpu.memory_space<semaphore_mem>>
    %dma_wait3A_1822 = tpu.memref_squeeze %dma_wait3A_1821 : memref<1x!tpu.dma_semaphore, #tpu.memory_space<semaphore_mem>> -> memref<!tpu.dma_semaphore, #tpu.memory_space<semaphore_mem>>
    %dma_wait3A_1823 = arith.constant 0 : i32
    %dma_wait3A_1824 = arith.constant 0 : i32
    %dma_wait3A_1825 = tpu.memref_slice %arg6[%select_n3A_1813, %dma_wait3A_1823, %dma_wait3A_1824] : memref<16x8x64xf32, #tpu.memory_space<vmem>> -> memref<1x8x64xf32, #tpu.memory_space<vmem>>
    %dma_wait3A_1826 = tpu.memref_squeeze %dma_wait3A_1825 : memref<1x8x64xf32, #tpu.memory_space<vmem>> -> memref<8x64xf32, #tpu.memory_space<vmem>>
    %dma_wait3A_1827 = arith.constant 0 : i32
    %dma_wait3A_1828 = arith.constant 0 : i32
    %dma_wait3A_1829 = tpu.memref_slice %arg2[%dma_wait3A_1827, %dma_wait3A_1828] : memref<1000000x64xf32, #tpu.memory_space<hbm>> -> memref<8x64xf32, #tpu.memory_space<hbm>>
    tpu.wait_dma2 semaphore(%dma_wait3A_1822 : memref<!tpu.dma_semaphore, #tpu.memory_space<semaphore_mem>>) src(%dma_wait3A_1829 : memref<8x64xf32, #tpu.memory_space<hbm>>) dst(%dma_wait3A_1826 : memref<8x64xf32, #tpu.memory_space<vmem>>)
    %slice3A_1830 = vector.extract_strided_slice %get3A_413 {offsets = [13], sizes = [1], strides = [1]} : vector<16xi32> to vector<1xi32>
    %squeeze3A_1831 = vector.extract %slice3A_1830[0] : i32 from vector<1xi32>
    %mul3A_1832 = arith.constant 0 : i32
    %mul3A_1833 = vector.broadcast %mul3A_1832 : i32 to vector<16xi32>
    %mul3A_1834 = arith.muli %iota3A, %mul3A_1833 : vector<16xi32>
    %and3A_1835 = arith.constant 7 : i32
    %and3A_1836 = arith.andi %squeeze3A_1831, %and3A_1835 : i32
    %add3A_1837 = vector.broadcast %and3A_1836 : i32 to vector<16xi32>
    %add3A_1838 = arith.addi %mul3A_1834, %add3A_1837 : vector<16xi32>
    %add3A_1839 = arith.constant 0 : i32
    %add3A_1840 = vector.broadcast %add3A_1839 : i32 to vector<16xi32>
    %add3A_1841 = arith.addi %iota3A, %add3A_1840 : vector<16xi32>
    %gather3A_1842 = arith.constant 0 : i32
    %gather3A_1843 = arith.constant 0 : i32
    %gather3A_1844 = tpu.memref_slice %arg6[%select_n3A_1813, %gather3A_1842, %gather3A_1843] : memref<16x8x64xf32, #tpu.memory_space<vmem>> -> memref<1x8x64xf32, #tpu.memory_space<vmem>>
    %gather3A_1845 = tpu.memref_squeeze %gather3A_1844 : memref<1x8x64xf32, #tpu.memory_space<vmem>> -> memref<8x64xf32, #tpu.memory_space<vmem>>
    %gather3A_1846 = tpu.vector_load_idx %gather3A_1845[%add3A_1838, %add3A_1841] : memref<8x64xf32, #tpu.memory_space<vmem>>[vector<16xi32>, vector<16xi32>], vector<16xf32>,
    %mul3A_1847 = arith.constant 0 : i32
    %mul3A_1848 = vector.broadcast %mul3A_1847 : i32 to vector<16xi32>
    %mul3A_1849 = arith.muli %iota3A, %mul3A_1848 : vector<16xi32>
    %add3A_1850 = vector.broadcast %add3A_1797 : i32 to vector<16xi32>
    %add3A_1851 = arith.addi %mul3A_1849, %add3A_1850 : vector<16xi32>
    %add3A_1852 = arith.constant 0 : i32
    %add3A_1853 = vector.broadcast %add3A_1852 : i32 to vector<16xi32>
    %add3A_1854 = arith.addi %iota3A, %add3A_1853 : vector<16xi32>
    tpu.vector_store_idx %arg7[%add3A_1851, %add3A_1854], %gather3A_1846 : memref<512x64xf32, #tpu.memory_space<vmem>>[vector<16xi32>, vector<16xi32>], vector<16xf32>,
    %add3A_1855 = arith.constant 16 : i32
    %add3A_1856 = vector.broadcast %add3A_1855 : i32 to vector<16xi32>
    %add3A_1857 = arith.addi %iota3A, %add3A_1856 : vector<16xi32>
    %gather3A_1858 = arith.constant 0 : i32
    %gather3A_1859 = arith.constant 0 : i32
    %gather3A_1860 = tpu.memref_slice %arg6[%select_n3A_1813, %gather3A_1858, %gather3A_1859] : memref<16x8x64xf32, #tpu.memory_space<vmem>> -> memref<1x8x64xf32, #tpu.memory_space<vmem>>
    %gather3A_1861 = tpu.memref_squeeze %gather3A_1860 : memref<1x8x64xf32, #tpu.memory_space<vmem>> -> memref<8x64xf32, #tpu.memory_space<vmem>>
    %gather3A_1862 = tpu.vector_load_idx %gather3A_1861[%add3A_1838, %add3A_1857] : memref<8x64xf32, #tpu.memory_space<vmem>>[vector<16xi32>, vector<16xi32>], vector<16xf32>,
    %mul3A_1863 = arith.constant 0 : i32
    %mul3A_1864 = vector.broadcast %mul3A_1863 : i32 to vector<16xi32>
    %mul3A_1865 = arith.muli %iota3A, %mul3A_1864 : vector<16xi32>
    %add3A_1866 = vector.broadcast %add3A_1797 : i32 to vector<16xi32>
    %add3A_1867 = arith.addi %mul3A_1865, %add3A_1866 : vector<16xi32>
    %add3A_1868 = arith.constant 16 : i32
    %add3A_1869 = vector.broadcast %add3A_1868 : i32 to vector<16xi32>
    %add3A_1870 = arith.addi %iota3A, %add3A_1869 : vector<16xi32>
    tpu.vector_store_idx %arg7[%add3A_1867, %add3A_1870], %gather3A_1862 : memref<512x64xf32, #tpu.memory_space<vmem>>[vector<16xi32>, vector<16xi32>], vector<16xf32>,
    %add3A_1871 = arith.constant 32 : i32
    %add3A_1872 = vector.broadcast %add3A_1871 : i32 to vector<16xi32>
    %add3A_1873 = arith.addi %iota3A, %add3A_1872 : vector<16xi32>
    %gather3A_1874 = arith.constant 0 : i32
    %gather3A_1875 = arith.constant 0 : i32
    %gather3A_1876 = tpu.memref_slice %arg6[%select_n3A_1813, %gather3A_1874, %gather3A_1875] : memref<16x8x64xf32, #tpu.memory_space<vmem>> -> memref<1x8x64xf32, #tpu.memory_space<vmem>>
    %gather3A_1877 = tpu.memref_squeeze %gather3A_1876 : memref<1x8x64xf32, #tpu.memory_space<vmem>> -> memref<8x64xf32, #tpu.memory_space<vmem>>
    %gather3A_1878 = tpu.vector_load_idx %gather3A_1877[%add3A_1838, %add3A_1873] : memref<8x64xf32, #tpu.memory_space<vmem>>[vector<16xi32>, vector<16xi32>], vector<16xf32>,
    %mul3A_1879 = arith.constant 0 : i32
    %mul3A_1880 = vector.broadcast %mul3A_1879 : i32 to vector<16xi32>
    %mul3A_1881 = arith.muli %iota3A, %mul3A_1880 : vector<16xi32>
    %add3A_1882 = vector.broadcast %add3A_1797 : i32 to vector<16xi32>
    %add3A_1883 = arith.addi %mul3A_1881, %add3A_1882 : vector<16xi32>
    %add3A_1884 = arith.constant 32 : i32
    %add3A_1885 = vector.broadcast %add3A_1884 : i32 to vector<16xi32>
    %add3A_1886 = arith.addi %iota3A, %add3A_1885 : vector<16xi32>
    tpu.vector_store_idx %arg7[%add3A_1883, %add3A_1886], %gather3A_1878 : memref<512x64xf32, #tpu.memory_space<vmem>>[vector<16xi32>, vector<16xi32>], vector<16xf32>,
    %add3A_1887 = arith.constant 48 : i32
    %add3A_1888 = vector.broadcast %add3A_1887 : i32 to vector<16xi32>
    %add3A_1889 = arith.addi %iota3A, %add3A_1888 : vector<16xi32>
    %gather3A_1890 = arith.constant 0 : i32
    %gather3A_1891 = arith.constant 0 : i32
    %gather3A_1892 = tpu.memref_slice %arg6[%select_n3A_1813, %gather3A_1890, %gather3A_1891] : memref<16x8x64xf32, #tpu.memory_space<vmem>> -> memref<1x8x64xf32, #tpu.memory_space<vmem>>
    %gather3A_1893 = tpu.memref_squeeze %gather3A_1892 : memref<1x8x64xf32, #tpu.memory_space<vmem>> -> memref<8x64xf32, #tpu.memory_space<vmem>>
    %gather3A_1894 = tpu.vector_load_idx %gather3A_1893[%add3A_1838, %add3A_1889] : memref<8x64xf32, #tpu.memory_space<vmem>>[vector<16xi32>, vector<16xi32>], vector<16xf32>,
    %mul3A_1895 = arith.constant 0 : i32
    %mul3A_1896 = vector.broadcast %mul3A_1895 : i32 to vector<16xi32>
    %mul3A_1897 = arith.muli %iota3A, %mul3A_1896 : vector<16xi32>
    %add3A_1898 = vector.broadcast %add3A_1797 : i32 to vector<16xi32>
    %add3A_1899 = arith.addi %mul3A_1897, %add3A_1898 : vector<16xi32>
    %add3A_1900 = arith.constant 48 : i32
    %add3A_1901 = vector.broadcast %add3A_1900 : i32 to vector<16xi32>
    %add3A_1902 = arith.addi %iota3A, %add3A_1901 : vector<16xi32>
    tpu.vector_store_idx %arg7[%add3A_1899, %add3A_1902], %gather3A_1894 : memref<512x64xf32, #tpu.memory_space<vmem>>[vector<16xi32>, vector<16xi32>], vector<16xf32>,
    %add3A_1903 = arith.constant 14 : i32
    %add3A_1904 = arith.addi %add3A_411, %add3A_1903 : i32
    %jit3A_1905 = arith.constant 16 : i32
    %eq3A_1906 = arith.constant 0 : i32
    %eq3A_1907 = arith.cmpi eq, %jit3A_1905, %eq3A_1906 : i32
    %jit3A_1908 = arith.constant 1 : i32
    %select_n3A_1909 = arith.select %eq3A_1907, %jit3A_1908, %jit3A_1905 : i32
    %rem3A_1910 = arith.remsi %add3A_1904, %select_n3A_1909 : i32
    %ne3A_1911 = arith.constant 0 : i32
    %ne3A_1912 = arith.cmpi ne, %rem3A_1910, %ne3A_1911 : i32
    %lt3A_1913 = arith.constant 0 : i32
    %lt3A_1914 = arith.cmpi slt, %rem3A_1910, %lt3A_1913 : i32
    %lt3A_1915 = arith.constant 0 : i32
    %lt3A_1916 = arith.cmpi slt, %select_n3A_1909, %lt3A_1915 : i32
    %ne3A_1917 = arith.xori %lt3A_1914, %lt3A_1916 : i1
    %and3A_1918 = arith.andi %ne3A_1917, %ne3A_1912 : i1
    %add3A_1919 = arith.addi %rem3A_1910, %select_n3A_1909 : i32
    %select_n3A_1920 = arith.select %and3A_1918, %add3A_1919, %rem3A_1910 : i32
    %dma_wait3A_1921 = arith.constant 0 : i32
    %dma_wait3A_1922 = arith.constant 0 : i32
    %dma_wait3A_1923 = tpu.memref_slice %arg6[%select_n3A_1920, %dma_wait3A_1921, %dma_wait3A_1922] : memref<16x8x64xf32, #tpu.memory_space<vmem>> -> memref<1x8x64xf32, #tpu.memory_space<vmem>>
    %dma_wait3A_1924 = tpu.memref_squeeze %dma_wait3A_1923 : memref<1x8x64xf32, #tpu.memory_space<vmem>> -> memref<8x64xf32, #tpu.memory_space<vmem>>
    %dma_wait3A_1925 = arith.constant 0 : i32
    %dma_wait3A_1926 = arith.constant 0 : i32
    %dma_wait3A_1927 = tpu.memref_slice %arg2[%dma_wait3A_1925, %dma_wait3A_1926] : memref<1000000x64xf32, #tpu.memory_space<hbm>> -> memref<8x64xf32, #tpu.memory_space<hbm>>
    %dma_wait3A_1928 = tpu.memref_slice %arg8[%select_n3A_1920] : memref<16x!tpu.dma_semaphore, #tpu.memory_space<semaphore_mem>> -> memref<1x!tpu.dma_semaphore, #tpu.memory_space<semaphore_mem>>
    %dma_wait3A_1929 = tpu.memref_squeeze %dma_wait3A_1928 : memref<1x!tpu.dma_semaphore, #tpu.memory_space<semaphore_mem>> -> memref<!tpu.dma_semaphore, #tpu.memory_space<semaphore_mem>>
    %dma_wait3A_1930 = arith.constant 0 : i32
    %dma_wait3A_1931 = arith.constant 0 : i32
    %dma_wait3A_1932 = tpu.memref_slice %arg6[%select_n3A_1920, %dma_wait3A_1930, %dma_wait3A_1931] : memref<16x8x64xf32, #tpu.memory_space<vmem>> -> memref<1x8x64xf32, #tpu.memory_space<vmem>>
    %dma_wait3A_1933 = tpu.memref_squeeze %dma_wait3A_1932 : memref<1x8x64xf32, #tpu.memory_space<vmem>> -> memref<8x64xf32, #tpu.memory_space<vmem>>
    %dma_wait3A_1934 = arith.constant 0 : i32
    %dma_wait3A_1935 = arith.constant 0 : i32
    %dma_wait3A_1936 = tpu.memref_slice %arg2[%dma_wait3A_1934, %dma_wait3A_1935] : memref<1000000x64xf32, #tpu.memory_space<hbm>> -> memref<8x64xf32, #tpu.memory_space<hbm>>
    tpu.wait_dma2 semaphore(%dma_wait3A_1929 : memref<!tpu.dma_semaphore, #tpu.memory_space<semaphore_mem>>) src(%dma_wait3A_1936 : memref<8x64xf32, #tpu.memory_space<hbm>>) dst(%dma_wait3A_1933 : memref<8x64xf32, #tpu.memory_space<vmem>>)
    %slice3A_1937 = vector.extract_strided_slice %get3A_413 {offsets = [14], sizes = [1], strides = [1]} : vector<16xi32> to vector<1xi32>
    %squeeze3A_1938 = vector.extract %slice3A_1937[0] : i32 from vector<1xi32>
    %mul3A_1939 = arith.constant 0 : i32
    %mul3A_1940 = vector.broadcast %mul3A_1939 : i32 to vector<16xi32>
    %mul3A_1941 = arith.muli %iota3A, %mul3A_1940 : vector<16xi32>
    %and3A_1942 = arith.constant 7 : i32
    %and3A_1943 = arith.andi %squeeze3A_1938, %and3A_1942 : i32
    %add3A_1944 = vector.broadcast %and3A_1943 : i32 to vector<16xi32>
    %add3A_1945 = arith.addi %mul3A_1941, %add3A_1944 : vector<16xi32>
    %add3A_1946 = arith.constant 0 : i32
    %add3A_1947 = vector.broadcast %add3A_1946 : i32 to vector<16xi32>
    %add3A_1948 = arith.addi %iota3A, %add3A_1947 : vector<16xi32>
    %gather3A_1949 = arith.constant 0 : i32
    %gather3A_1950 = arith.constant 0 : i32
    %gather3A_1951 = tpu.memref_slice %arg6[%select_n3A_1920, %gather3A_1949, %gather3A_1950] : memref<16x8x64xf32, #tpu.memory_space<vmem>> -> memref<1x8x64xf32, #tpu.memory_space<vmem>>
    %gather3A_1952 = tpu.memref_squeeze %gather3A_1951 : memref<1x8x64xf32, #tpu.memory_space<vmem>> -> memref<8x64xf32, #tpu.memory_space<vmem>>
    %gather3A_1953 = tpu.vector_load_idx %gather3A_1952[%add3A_1945, %add3A_1948] : memref<8x64xf32, #tpu.memory_space<vmem>>[vector<16xi32>, vector<16xi32>], vector<16xf32>,
    %mul3A_1954 = arith.constant 0 : i32
    %mul3A_1955 = vector.broadcast %mul3A_1954 : i32 to vector<16xi32>
    %mul3A_1956 = arith.muli %iota3A, %mul3A_1955 : vector<16xi32>
    %add3A_1957 = vector.broadcast %add3A_1904 : i32 to vector<16xi32>
    %add3A_1958 = arith.addi %mul3A_1956, %add3A_1957 : vector<16xi32>
    %add3A_1959 = arith.constant 0 : i32
    %add3A_1960 = vector.broadcast %add3A_1959 : i32 to vector<16xi32>
    %add3A_1961 = arith.addi %iota3A, %add3A_1960 : vector<16xi32>
    tpu.vector_store_idx %arg7[%add3A_1958, %add3A_1961], %gather3A_1953 : memref<512x64xf32, #tpu.memory_space<vmem>>[vector<16xi32>, vector<16xi32>], vector<16xf32>,
    %add3A_1962 = arith.constant 16 : i32
    %add3A_1963 = vector.broadcast %add3A_1962 : i32 to vector<16xi32>
    %add3A_1964 = arith.addi %iota3A, %add3A_1963 : vector<16xi32>
    %gather3A_1965 = arith.constant 0 : i32
    %gather3A_1966 = arith.constant 0 : i32
    %gather3A_1967 = tpu.memref_slice %arg6[%select_n3A_1920, %gather3A_1965, %gather3A_1966] : memref<16x8x64xf32, #tpu.memory_space<vmem>> -> memref<1x8x64xf32, #tpu.memory_space<vmem>>
    %gather3A_1968 = tpu.memref_squeeze %gather3A_1967 : memref<1x8x64xf32, #tpu.memory_space<vmem>> -> memref<8x64xf32, #tpu.memory_space<vmem>>
    %gather3A_1969 = tpu.vector_load_idx %gather3A_1968[%add3A_1945, %add3A_1964] : memref<8x64xf32, #tpu.memory_space<vmem>>[vector<16xi32>, vector<16xi32>], vector<16xf32>,
    %mul3A_1970 = arith.constant 0 : i32
    %mul3A_1971 = vector.broadcast %mul3A_1970 : i32 to vector<16xi32>
    %mul3A_1972 = arith.muli %iota3A, %mul3A_1971 : vector<16xi32>
    %add3A_1973 = vector.broadcast %add3A_1904 : i32 to vector<16xi32>
    %add3A_1974 = arith.addi %mul3A_1972, %add3A_1973 : vector<16xi32>
    %add3A_1975 = arith.constant 16 : i32
    %add3A_1976 = vector.broadcast %add3A_1975 : i32 to vector<16xi32>
    %add3A_1977 = arith.addi %iota3A, %add3A_1976 : vector<16xi32>
    tpu.vector_store_idx %arg7[%add3A_1974, %add3A_1977], %gather3A_1969 : memref<512x64xf32, #tpu.memory_space<vmem>>[vector<16xi32>, vector<16xi32>], vector<16xf32>,
    %add3A_1978 = arith.constant 32 : i32
    %add3A_1979 = vector.broadcast %add3A_1978 : i32 to vector<16xi32>
    %add3A_1980 = arith.addi %iota3A, %add3A_1979 : vector<16xi32>
    %gather3A_1981 = arith.constant 0 : i32
    %gather3A_1982 = arith.constant 0 : i32
    %gather3A_1983 = tpu.memref_slice %arg6[%select_n3A_1920, %gather3A_1981, %gather3A_1982] : memref<16x8x64xf32, #tpu.memory_space<vmem>> -> memref<1x8x64xf32, #tpu.memory_space<vmem>>
    %gather3A_1984 = tpu.memref_squeeze %gather3A_1983 : memref<1x8x64xf32, #tpu.memory_space<vmem>> -> memref<8x64xf32, #tpu.memory_space<vmem>>
    %gather3A_1985 = tpu.vector_load_idx %gather3A_1984[%add3A_1945, %add3A_1980] : memref<8x64xf32, #tpu.memory_space<vmem>>[vector<16xi32>, vector<16xi32>], vector<16xf32>,
    %mul3A_1986 = arith.constant 0 : i32
    %mul3A_1987 = vector.broadcast %mul3A_1986 : i32 to vector<16xi32>
    %mul3A_1988 = arith.muli %iota3A, %mul3A_1987 : vector<16xi32>
    %add3A_1989 = vector.broadcast %add3A_1904 : i32 to vector<16xi32>
    %add3A_1990 = arith.addi %mul3A_1988, %add3A_1989 : vector<16xi32>
    %add3A_1991 = arith.constant 32 : i32
    %add3A_1992 = vector.broadcast %add3A_1991 : i32 to vector<16xi32>
    %add3A_1993 = arith.addi %iota3A, %add3A_1992 : vector<16xi32>
    tpu.vector_store_idx %arg7[%add3A_1990, %add3A_1993], %gather3A_1985 : memref<512x64xf32, #tpu.memory_space<vmem>>[vector<16xi32>, vector<16xi32>], vector<16xf32>,
    %add3A_1994 = arith.constant 48 : i32
    %add3A_1995 = vector.broadcast %add3A_1994 : i32 to vector<16xi32>
    %add3A_1996 = arith.addi %iota3A, %add3A_1995 : vector<16xi32>
    %gather3A_1997 = arith.constant 0 : i32
    %gather3A_1998 = arith.constant 0 : i32
    %gather3A_1999 = tpu.memref_slice %arg6[%select_n3A_1920, %gather3A_1997, %gather3A_1998] : memref<16x8x64xf32, #tpu.memory_space<vmem>> -> memref<1x8x64xf32, #tpu.memory_space<vmem>>
    %gather3A_2000 = tpu.memref_squeeze %gather3A_1999 : memref<1x8x64xf32, #tpu.memory_space<vmem>> -> memref<8x64xf32, #tpu.memory_space<vmem>>
    %gather3A_2001 = tpu.vector_load_idx %gather3A_2000[%add3A_1945, %add3A_1996] : memref<8x64xf32, #tpu.memory_space<vmem>>[vector<16xi32>, vector<16xi32>], vector<16xf32>,
    %mul3A_2002 = arith.constant 0 : i32
    %mul3A_2003 = vector.broadcast %mul3A_2002 : i32 to vector<16xi32>
    %mul3A_2004 = arith.muli %iota3A, %mul3A_2003 : vector<16xi32>
    %add3A_2005 = vector.broadcast %add3A_1904 : i32 to vector<16xi32>
    %add3A_2006 = arith.addi %mul3A_2004, %add3A_2005 : vector<16xi32>
    %add3A_2007 = arith.constant 48 : i32
    %add3A_2008 = vector.broadcast %add3A_2007 : i32 to vector<16xi32>
    %add3A_2009 = arith.addi %iota3A, %add3A_2008 : vector<16xi32>
    tpu.vector_store_idx %arg7[%add3A_2006, %add3A_2009], %gather3A_2001 : memref<512x64xf32, #tpu.memory_space<vmem>>[vector<16xi32>, vector<16xi32>], vector<16xf32>,
    %add3A_2010 = arith.constant 15 : i32
    %add3A_2011 = arith.addi %add3A_411, %add3A_2010 : i32
    %jit3A_2012 = arith.constant 16 : i32
    %eq3A_2013 = arith.constant 0 : i32
    %eq3A_2014 = arith.cmpi eq, %jit3A_2012, %eq3A_2013 : i32
    %jit3A_2015 = arith.constant 1 : i32
    %select_n3A_2016 = arith.select %eq3A_2014, %jit3A_2015, %jit3A_2012 : i32
    %rem3A_2017 = arith.remsi %add3A_2011, %select_n3A_2016 : i32
    %ne3A_2018 = arith.constant 0 : i32
    %ne3A_2019 = arith.cmpi ne, %rem3A_2017, %ne3A_2018 : i32
    %lt3A_2020 = arith.constant 0 : i32
    %lt3A_2021 = arith.cmpi slt, %rem3A_2017, %lt3A_2020 : i32
    %lt3A_2022 = arith.constant 0 : i32
    %lt3A_2023 = arith.cmpi slt, %select_n3A_2016, %lt3A_2022 : i32
    %ne3A_2024 = arith.xori %lt3A_2021, %lt3A_2023 : i1
    %and3A_2025 = arith.andi %ne3A_2024, %ne3A_2019 : i1
    %add3A_2026 = arith.addi %rem3A_2017, %select_n3A_2016 : i32
    %select_n3A_2027 = arith.select %and3A_2025, %add3A_2026, %rem3A_2017 : i32
    %dma_wait3A_2028 = arith.constant 0 : i32
    %dma_wait3A_2029 = arith.constant 0 : i32
    %dma_wait3A_2030 = tpu.memref_slice %arg6[%select_n3A_2027, %dma_wait3A_2028, %dma_wait3A_2029] : memref<16x8x64xf32, #tpu.memory_space<vmem>> -> memref<1x8x64xf32, #tpu.memory_space<vmem>>
    %dma_wait3A_2031 = tpu.memref_squeeze %dma_wait3A_2030 : memref<1x8x64xf32, #tpu.memory_space<vmem>> -> memref<8x64xf32, #tpu.memory_space<vmem>>
    %dma_wait3A_2032 = arith.constant 0 : i32
    %dma_wait3A_2033 = arith.constant 0 : i32
    %dma_wait3A_2034 = tpu.memref_slice %arg2[%dma_wait3A_2032, %dma_wait3A_2033] : memref<1000000x64xf32, #tpu.memory_space<hbm>> -> memref<8x64xf32, #tpu.memory_space<hbm>>
    %dma_wait3A_2035 = tpu.memref_slice %arg8[%select_n3A_2027] : memref<16x!tpu.dma_semaphore, #tpu.memory_space<semaphore_mem>> -> memref<1x!tpu.dma_semaphore, #tpu.memory_space<semaphore_mem>>
    %dma_wait3A_2036 = tpu.memref_squeeze %dma_wait3A_2035 : memref<1x!tpu.dma_semaphore, #tpu.memory_space<semaphore_mem>> -> memref<!tpu.dma_semaphore, #tpu.memory_space<semaphore_mem>>
    %dma_wait3A_2037 = arith.constant 0 : i32
    %dma_wait3A_2038 = arith.constant 0 : i32
    %dma_wait3A_2039 = tpu.memref_slice %arg6[%select_n3A_2027, %dma_wait3A_2037, %dma_wait3A_2038] : memref<16x8x64xf32, #tpu.memory_space<vmem>> -> memref<1x8x64xf32, #tpu.memory_space<vmem>>
    %dma_wait3A_2040 = tpu.memref_squeeze %dma_wait3A_2039 : memref<1x8x64xf32, #tpu.memory_space<vmem>> -> memref<8x64xf32, #tpu.memory_space<vmem>>
    %dma_wait3A_2041 = arith.constant 0 : i32
    %dma_wait3A_2042 = arith.constant 0 : i32
    %dma_wait3A_2043 = tpu.memref_slice %arg2[%dma_wait3A_2041, %dma_wait3A_2042] : memref<1000000x64xf32, #tpu.memory_space<hbm>> -> memref<8x64xf32, #tpu.memory_space<hbm>>
    tpu.wait_dma2 semaphore(%dma_wait3A_2036 : memref<!tpu.dma_semaphore, #tpu.memory_space<semaphore_mem>>) src(%dma_wait3A_2043 : memref<8x64xf32, #tpu.memory_space<hbm>>) dst(%dma_wait3A_2040 : memref<8x64xf32, #tpu.memory_space<vmem>>)
    %slice3A_2044 = vector.extract_strided_slice %get3A_413 {offsets = [15], sizes = [1], strides = [1]} : vector<16xi32> to vector<1xi32>
    %squeeze3A_2045 = vector.extract %slice3A_2044[0] : i32 from vector<1xi32>
    %mul3A_2046 = arith.constant 0 : i32
    %mul3A_2047 = vector.broadcast %mul3A_2046 : i32 to vector<16xi32>
    %mul3A_2048 = arith.muli %iota3A, %mul3A_2047 : vector<16xi32>
    %and3A_2049 = arith.constant 7 : i32
    %and3A_2050 = arith.andi %squeeze3A_2045, %and3A_2049 : i32
    %add3A_2051 = vector.broadcast %and3A_2050 : i32 to vector<16xi32>
    %add3A_2052 = arith.addi %mul3A_2048, %add3A_2051 : vector<16xi32>
    %add3A_2053 = arith.constant 0 : i32
    %add3A_2054 = vector.broadcast %add3A_2053 : i32 to vector<16xi32>
    %add3A_2055 = arith.addi %iota3A, %add3A_2054 : vector<16xi32>
    %gather3A_2056 = arith.constant 0 : i32
    %gather3A_2057 = arith.constant 0 : i32
    %gather3A_2058 = tpu.memref_slice %arg6[%select_n3A_2027, %gather3A_2056, %gather3A_2057] : memref<16x8x64xf32, #tpu.memory_space<vmem>> -> memref<1x8x64xf32, #tpu.memory_space<vmem>>
    %gather3A_2059 = tpu.memref_squeeze %gather3A_2058 : memref<1x8x64xf32, #tpu.memory_space<vmem>> -> memref<8x64xf32, #tpu.memory_space<vmem>>
    %gather3A_2060 = tpu.vector_load_idx %gather3A_2059[%add3A_2052, %add3A_2055] : memref<8x64xf32, #tpu.memory_space<vmem>>[vector<16xi32>, vector<16xi32>], vector<16xf32>,
    %mul3A_2061 = arith.constant 0 : i32
    %mul3A_2062 = vector.broadcast %mul3A_2061 : i32 to vector<16xi32>
    %mul3A_2063 = arith.muli %iota3A, %mul3A_2062 : vector<16xi32>
    %add3A_2064 = vector.broadcast %add3A_2011 : i32 to vector<16xi32>
    %add3A_2065 = arith.addi %mul3A_2063, %add3A_2064 : vector<16xi32>
    %add3A_2066 = arith.constant 0 : i32
    %add3A_2067 = vector.broadcast %add3A_2066 : i32 to vector<16xi32>
    %add3A_2068 = arith.addi %iota3A, %add3A_2067 : vector<16xi32>
    tpu.vector_store_idx %arg7[%add3A_2065, %add3A_2068], %gather3A_2060 : memref<512x64xf32, #tpu.memory_space<vmem>>[vector<16xi32>, vector<16xi32>], vector<16xf32>,
    %add3A_2069 = arith.constant 16 : i32
    %add3A_2070 = vector.broadcast %add3A_2069 : i32 to vector<16xi32>
    %add3A_2071 = arith.addi %iota3A, %add3A_2070 : vector<16xi32>
    %gather3A_2072 = arith.constant 0 : i32
    %gather3A_2073 = arith.constant 0 : i32
    %gather3A_2074 = tpu.memref_slice %arg6[%select_n3A_2027, %gather3A_2072, %gather3A_2073] : memref<16x8x64xf32, #tpu.memory_space<vmem>> -> memref<1x8x64xf32, #tpu.memory_space<vmem>>
    %gather3A_2075 = tpu.memref_squeeze %gather3A_2074 : memref<1x8x64xf32, #tpu.memory_space<vmem>> -> memref<8x64xf32, #tpu.memory_space<vmem>>
    %gather3A_2076 = tpu.vector_load_idx %gather3A_2075[%add3A_2052, %add3A_2071] : memref<8x64xf32, #tpu.memory_space<vmem>>[vector<16xi32>, vector<16xi32>], vector<16xf32>,
    %mul3A_2077 = arith.constant 0 : i32
    %mul3A_2078 = vector.broadcast %mul3A_2077 : i32 to vector<16xi32>
    %mul3A_2079 = arith.muli %iota3A, %mul3A_2078 : vector<16xi32>
    %add3A_2080 = vector.broadcast %add3A_2011 : i32 to vector<16xi32>
    %add3A_2081 = arith.addi %mul3A_2079, %add3A_2080 : vector<16xi32>
    %add3A_2082 = arith.constant 16 : i32
    %add3A_2083 = vector.broadcast %add3A_2082 : i32 to vector<16xi32>
    %add3A_2084 = arith.addi %iota3A, %add3A_2083 : vector<16xi32>
    tpu.vector_store_idx %arg7[%add3A_2081, %add3A_2084], %gather3A_2076 : memref<512x64xf32, #tpu.memory_space<vmem>>[vector<16xi32>, vector<16xi32>], vector<16xf32>,
    %add3A_2085 = arith.constant 32 : i32
    %add3A_2086 = vector.broadcast %add3A_2085 : i32 to vector<16xi32>
    %add3A_2087 = arith.addi %iota3A, %add3A_2086 : vector<16xi32>
    %gather3A_2088 = arith.constant 0 : i32
    %gather3A_2089 = arith.constant 0 : i32
    %gather3A_2090 = tpu.memref_slice %arg6[%select_n3A_2027, %gather3A_2088, %gather3A_2089] : memref<16x8x64xf32, #tpu.memory_space<vmem>> -> memref<1x8x64xf32, #tpu.memory_space<vmem>>
    %gather3A_2091 = tpu.memref_squeeze %gather3A_2090 : memref<1x8x64xf32, #tpu.memory_space<vmem>> -> memref<8x64xf32, #tpu.memory_space<vmem>>
    %gather3A_2092 = tpu.vector_load_idx %gather3A_2091[%add3A_2052, %add3A_2087] : memref<8x64xf32, #tpu.memory_space<vmem>>[vector<16xi32>, vector<16xi32>], vector<16xf32>,
    %mul3A_2093 = arith.constant 0 : i32
    %mul3A_2094 = vector.broadcast %mul3A_2093 : i32 to vector<16xi32>
    %mul3A_2095 = arith.muli %iota3A, %mul3A_2094 : vector<16xi32>
    %add3A_2096 = vector.broadcast %add3A_2011 : i32 to vector<16xi32>
    %add3A_2097 = arith.addi %mul3A_2095, %add3A_2096 : vector<16xi32>
    %add3A_2098 = arith.constant 32 : i32
    %add3A_2099 = vector.broadcast %add3A_2098 : i32 to vector<16xi32>
    %add3A_2100 = arith.addi %iota3A, %add3A_2099 : vector<16xi32>
    tpu.vector_store_idx %arg7[%add3A_2097, %add3A_2100], %gather3A_2092 : memref<512x64xf32, #tpu.memory_space<vmem>>[vector<16xi32>, vector<16xi32>], vector<16xf32>,
    %add3A_2101 = arith.constant 48 : i32
    %add3A_2102 = vector.broadcast %add3A_2101 : i32 to vector<16xi32>
    %add3A_2103 = arith.addi %iota3A, %add3A_2102 : vector<16xi32>
    %gather3A_2104 = arith.constant 0 : i32
    %gather3A_2105 = arith.constant 0 : i32
    %gather3A_2106 = tpu.memref_slice %arg6[%select_n3A_2027, %gather3A_2104, %gather3A_2105] : memref<16x8x64xf32, #tpu.memory_space<vmem>> -> memref<1x8x64xf32, #tpu.memory_space<vmem>>
    %gather3A_2107 = tpu.memref_squeeze %gather3A_2106 : memref<1x8x64xf32, #tpu.memory_space<vmem>> -> memref<8x64xf32, #tpu.memory_space<vmem>>
    %gather3A_2108 = tpu.vector_load_idx %gather3A_2107[%add3A_2052, %add3A_2103] : memref<8x64xf32, #tpu.memory_space<vmem>>[vector<16xi32>, vector<16xi32>], vector<16xf32>,
    %mul3A_2109 = arith.constant 0 : i32
    %mul3A_2110 = vector.broadcast %mul3A_2109 : i32 to vector<16xi32>
    %mul3A_2111 = arith.muli %iota3A, %mul3A_2110 : vector<16xi32>
    %add3A_2112 = vector.broadcast %add3A_2011 : i32 to vector<16xi32>
    %add3A_2113 = arith.addi %mul3A_2111, %add3A_2112 : vector<16xi32>
    %add3A_2114 = arith.constant 48 : i32
    %add3A_2115 = vector.broadcast %add3A_2114 : i32 to vector<16xi32>
    %add3A_2116 = arith.addi %iota3A, %add3A_2115 : vector<16xi32>
    tpu.vector_store_idx %arg7[%add3A_2113, %add3A_2116], %gather3A_2108 : memref<512x64xf32, #tpu.memory_space<vmem>>[vector<16xi32>, vector<16xi32>], vector<16xf32>,
    %scan3A_2117 = arith.constant 1 : i32
    "tpu.region"() ({
      %run_scoped3A = tpu.sem_alloc : memref<!tpu.dma_semaphore, #tpu.memory_space<semaphore_mem>>
      %dma_start3A_2118 = arith.constant 0 : i32
      %dma_start3A_2119 = tpu.memref_slice %arg4[%mul3A_2, %dma_start3A_2118] : memref<16384x64xf32, #tpu.memory_space<hbm>> -> memref<512x64xf32, #tpu.memory_space<hbm>>
      %dma_start3A_2120 = arith.constant 0 : i32
      %dma_start3A_2121 = tpu.memref_slice %arg4[%mul3A_2, %dma_start3A_2120] : memref<16384x64xf32, #tpu.memory_space<hbm>> -> memref<512x64xf32, #tpu.memory_space<hbm>>
      tpu.enqueue_dma source(%arg7 : memref<512x64xf32, #tpu.memory_space<vmem>>) target(%dma_start3A_2121 : memref<512x64xf32, #tpu.memory_space<hbm>>) target_semaphore(%run_scoped3A : memref<!tpu.dma_semaphore, #tpu.memory_space<semaphore_mem>>)
      %dma_wait3A_2122 = arith.constant 0 : i32
      %dma_wait3A_2123 = tpu.memref_slice %arg4[%mul3A_2, %dma_wait3A_2122] : memref<16384x64xf32, #tpu.memory_space<hbm>> -> memref<512x64xf32, #tpu.memory_space<hbm>>
      %dma_wait3A_2124 = arith.constant 0 : i32
      %dma_wait3A_2125 = tpu.memref_slice %arg4[%mul3A_2, %dma_wait3A_2124] : memref<16384x64xf32, #tpu.memory_space<hbm>> -> memref<512x64xf32, #tpu.memory_space<hbm>>
      tpu.wait_dma2 semaphore(%run_scoped3A : memref<!tpu.dma_semaphore, #tpu.memory_space<semaphore_mem>>) src(%arg7 : memref<512x64xf32, #tpu.memory_space<vmem>>) dst(%dma_wait3A_2125 : memref<512x64xf32, #tpu.memory_space<hbm>>)
      tpu.yield
    }) : () -> ()
    return
  }
}

module attributes {stable_mosaic.version = 14 : i64} {
  func.func @_dense_body(%arg0: memref<16384x64xf32, #tpu.memory_space<vmem>>, %arg1: memref<32x64xf32, #tpu.memory_space<vmem>>, %arg2: memref<64x32xf32, #tpu.memory_space<vmem>>, %arg3: memref<1x64xf32, #tpu.memory_space<vmem>>, %arg4: memref<16384x64xf32, #tpu.memory_space<vmem>>, %arg5: memref<1x1xf32, #tpu.memory_space<smem>>) attributes {dimension_semantics = [], scalar_prefetch = 0 : i64, scratch_operands = 0 : i64, tpu.core_type = #tpu.core_type<tc>} {
    %get3A = arith.constant 0 : index
    %get3A_0 = arith.constant 0 : index
    %get3A_1 = vector.load %arg0[%get3A, %get3A_0] : memref<16384x64xf32, #tpu.memory_space<vmem>>, vector<16384x64xf32>
    %get3A_2 = arith.constant 0 : index
    %get3A_3 = arith.constant 0 : index
    %get3A_4 = vector.load %arg1[%get3A_2, %get3A_3] : memref<32x64xf32, #tpu.memory_space<vmem>>, vector<32x64xf32>
    %get3A_5 = arith.constant 0 : index
    %get3A_6 = arith.constant 0 : index
    %get3A_7 = vector.load %arg2[%get3A_5, %get3A_6] : memref<64x32xf32, #tpu.memory_space<vmem>>, vector<64x32xf32>
    %dot_general3A = arith.constant dense<0.000000e+00> : vector<16384x32xf32>
    %dot_general3A_8 = tpu.matmul %get3A_1, %get3A_4, %dot_general3A {dimension_numbers = #tpu.dot_dimension_numbers<[1], [1], [0], [0], [0, 0, 1, 0], [], []>, transpose_lhs_hint = false} : vector<16384x64xf32>, vector<32x64xf32>, vector<16384x32xf32> -> vector<16384x32xf32>
    %ge3A = arith.constant 0.000000e+00 : f32
    %ge3A_9 = vector.broadcast %ge3A : f32 to vector<16384x32xf32>
    %ge3A_10 = arith.cmpf oge, %dot_general3A_8, %ge3A_9 : vector<16384x32xf32>
    %convert_element_type3A = arith.extui %ge3A_10 : vector<16384x32xi1> to vector<16384x32xi32>
    %convert_element_type3A_11 = arith.sitofp %convert_element_type3A : vector<16384x32xi32> to vector<16384x32xf32>
    %dot_general3A_12 = arith.constant dense<0.000000e+00> : vector<16384x64xf32>
    %dot_general3A_13 = tpu.matmul %convert_element_type3A_11, %get3A_7, %dot_general3A_12 {dimension_numbers = #tpu.dot_dimension_numbers<[1], [1], [0], [0], [0, 0, 1, 0], [], []>, transpose_lhs_hint = false} : vector<16384x32xf32>, vector<64x32xf32>, vector<16384x64xf32> -> vector<16384x64xf32>
    %get3A_14 = arith.constant 0 : index
    %get3A_15 = arith.constant 0 : index
    %get3A_16 = vector.load %arg3[%get3A_14, %get3A_15] : memref<1x64xf32, #tpu.memory_space<vmem>>, vector<1x64xf32>
    %add3A = vector.broadcast %get3A_16 : vector<1x64xf32> to vector<16384x64xf32>
    %add3A_17 = arith.addf %dot_general3A_13, %add3A : vector<16384x64xf32>
    %swap3A = arith.constant 0 : index
    %swap3A_18 = arith.constant 0 : index
    %swap3A_19 = vector.load %arg4[%swap3A, %swap3A_18] : memref<16384x64xf32, #tpu.memory_space<vmem>>, vector<16384x64xf32>
    tpu.vector_store %arg4[%swap3A, %swap3A_18], %add3A_17 {strides = array<i32>} : memref<16384x64xf32, #tpu.memory_space<vmem>>, vector<16384x64xf32>,
    %dot_general3A_20 = arith.constant dense<0.000000e+00> : vector<64x64xf32>
    %dot_general3A_21 = tpu.matmul %get3A_7, %get3A_4, %dot_general3A_20 {dimension_numbers = #tpu.dot_dimension_numbers<[1], [0], [0], [1], [0, 0, 1, 1], [], []>, transpose_lhs_hint = false} : vector<64x32xf32>, vector<32x64xf32>, vector<64x64xf32> -> vector<64x64xf32>
    %iota3A = tpu.iota {dimensions = array<i32: 0>} : vector<64x64xi32>
    %iota3A_22 = tpu.iota {dimensions = array<i32: 1>} : vector<64x64xi32>
    %eq3A = arith.cmpi eq, %iota3A, %iota3A_22 : vector<64x64xi32>
    %convert_element_type3A_23 = arith.extui %eq3A : vector<64x64xi1> to vector<64x64xi32>
    %convert_element_type3A_24 = arith.sitofp %convert_element_type3A_23 : vector<64x64xi32> to vector<64x64xf32>
    %sub3A = arith.subf %dot_general3A_21, %convert_element_type3A_24 : vector<64x64xf32>
    %mul3A = arith.mulf %sub3A, %sub3A : vector<64x64xf32>
    %reduce_sum3A = vector.shape_cast %mul3A : vector<64x64xf32> to vector<1x64x64xf32>
    %reduce_sum3A_25 = arith.constant dense<0.000000e+00> : vector<1xf32>
    %reduce_sum3A_26 = vector.multi_reduction <add>, %reduce_sum3A, %reduce_sum3A_25 [1, 2] : vector<1x64x64xf32> to vector<1xf32>
    %reduce_sum3A_27 = vector.shape_cast %reduce_sum3A_26 : vector<1xf32> to vector<1x1x1xf32>
    %reduce_sum3A_28 = vector.extract %reduce_sum3A_27[0, 0, 0] : f32 from vector<1x1x1xf32>
    %sqrt3A = math.sqrt %reduce_sum3A_28 : f32
    %swap3A_29 = arith.constant 0 : index
    %swap3A_30 = arith.constant 0 : index
    %swap3A_31 = memref.load %arg5[%swap3A_29, %swap3A_30] : memref<1x1xf32, #tpu.memory_space<smem>>
    memref.store %sqrt3A, %arg5[%swap3A_29, %swap3A_30] : memref<1x1xf32, #tpu.memory_space<smem>>
    return
  }
}

</mosaic_0001>

<sc_bundles>
// kernel: kernel.4.cloned.1.call-start
scs
__scs_entry_jumppad:
0x0: {  	(pc) =	sbr.rel $0x88, $3  }
0x1: {  	(tag) =	ssettag $0x0;
	lr =	simm.s32 $0x1  }
0x2: {  	[smem:$0x3F9C] =	sst lr;
	_ =	strace $0xD0000000  }
0x3: {  	_ = 	snop  }
0x4: {  	_ = 	snop  }
0x5: {  	_ = 	snop  }
0x6: {  	_ = 	snop  }
0x7: {  	_ = 	snop  }
__scs_overlays_trampoline_lowered:
0x8: {  	[smem:$0x3FAB] =	sst s0  }
0x9: {  	[smem:$0x3FAC] =	sst s1  }
0xa: {  	[smem:$0x3FAD] =	sst s2  }
0xb: {  	[smem:$0x3FAE] =	sst s3  }
0xc: {  	[smem:$0x3FAF] =	sst s4  }
0xd: {  	[smem:$0x3FB0] =	sst s5  }
0xe: {  	[smem:$0x3FB1] =	sst s6  }
0xf: {  	[smem:$0x3FB2] =	sst s7  }
0x10: {  	[smem:$0x3FB3] =	sst s8  }
0x11: {  	[smem:$0x3FB4] =	sst s9;
	s0 =	simm.s32 @!p0 $0x0  }
0x12: {  	s1 =	sld [smem:$0x3F9A];
	s0 =	simm.s32 @p0 $0x1  }
0x13: {  	[smem:$0x3FB5] =	sst s0;
	s0 =	simm.s32 @!p1 $0x0  }
0x14: {  	s2 =	sld [smem:$0x3F99];
	s0 =	simm.s32 @p1 $0x1  }
0x15: {  	[smem:$0x3FB6] =	sst s0;
	s0 =	simm.s32 @!p2 $0x0  }
0x16: {  	s3 =	sld [smem:$0x3FDB];
	s0 =	simm.s32 @p2 $0x1  }
0x17: {  	s4 =	simm.s32 $0x1BF5;
	[smem:$0x3FB8] =	sst s0  }
0x18: {  	s0 =	sld [smem:$0x3F9B];
	_ =	swait.ge [sflag:s4], $0x0  }
0x19: {  	s7 =	sld [smem:$0x3F9C]  }
0x1a: {  	s8 =	sadd.s32 $0xFFFFE003, lr  }
0x1b: {  	s9 =	sadd.s32 $0xFFFFFEF7, lr;
	s5 =	simm.s32 $0xFFFFFFFF;
	p2 =	slt.u32 s8, $0xFFFFF086  }
0x1c: {  	p1 =	slt.u32 s9, $0xF7A;
	s5 =	simm.s32 @!p2 $0x0  }
0x1d: {  	s5 =	simm.s32 @p1 $0x1;
	p0 =	seq.s32 s7, s2  }
0x1e: {  	s7 =	smul.u32 @!p0 $0xF7A, s2;
	p2 =	seq.s32 @!p0 s5, $0x0  }
0x1f: {  	s9 =	smul.u32 $0xF7A, s1;
	s8 =	simm.s32 @!p0 $0x1BF5;
	p2 =	por !p2, p0  }
0x20: {  	[sflag:s8] =	ssyncset.s32 @!p0 $0xFFFFF086;
	s6 =	sadd.s32 @!p0 s3, s7;
	s7 =	simm.s32 @!p0 $0x108  }
0x21: {  	s3 =	sadd.s32 s3, s9;
	s6 =	sadd.s32 @!p0 $0x88, s6;
	s7 =	simm.s32 @p2 $0x1082  }
0x22: {  	[simem:s7], [sflag:s8] =	dma.local @!p0 [hbm:s6], $0xF7A  }
0x23: {  	s9 =	sor.u32 $0xD0000000, s2;
	s6 =	simm.s32 $0x108;
	_ =	swait.ge @!p0 [sflag:s8], $0x0  }
0x24: {  	s3 =	sadd.s32 $0x88, s3;
	s6 =	simm.s32 @!p1 $0x1082;
	[sflag:s4] =	ssyncset.s32 $0xFFFFF086  }
0x25: {  	[simem:s6], [sflag:s4] =	dma.local [hbm:s3], $0xF7A  }
0x26: {  	[smem:$0x3F9C] =	sst s1;
	(tag) =	ssettag s2;
	_ =	strace s9  }
0x27: {  	s1 =	sld [smem:$0x3FAC]  }
0x28: {  	s2 =	sld [smem:$0x3FAD]  }
0x29: {  	s4 =	sld [smem:$0x3FAF]  }
0x2a: {  	p0 =	seq.s32 s5, $0x0;
	s5 =	sld [smem:$0x3FB0]  }
0x2b: {  	s6 =	sld [smem:$0x3FB1]  }
0x2c: {  	s7 =	sld [smem:$0x3FB2]  }
0x2d: {  	s3 =	simm.s32 $0x108;
	s8 =	sld [smem:$0x3FB3]  }
0x2e: {  	s3 =	simm.s32 @!p0 $0x1082;
	s9 =	sld [smem:$0x3FB4]  }
0x2f: {  	lr =	sadd.s32 s0, s3;
	s0 =	sld [smem:$0x3FAB]  }
0x30: {  	s3 =	sld [smem:$0x3FAE]  }
0x31: {  	[smem:$0x3FB7] =	sst s10  }
0x32: {  	s10 =	sld [smem:$0x3FB5];
	_ =	sdelay $0x3  }
0x33: {  	p0 =	seq.s32 s10, $0x1;
	s10 =	sld [smem:$0x3FB7];
	_ =	sdelay $0x3  }
0x34: {  	[smem:$0x3FB7] =	sst s10  }
0x35: {  	s10 =	sld [smem:$0x3FB6];
	_ =	sdelay $0x3  }
0x36: {  	p1 =	seq.s32 s10, $0x1;
	s10 =	sld [smem:$0x3FB7];
	_ =	sdelay $0x3  }
0x37: {  	[smem:$0x3FB7] =	sst s10  }
0x38: {  	s10 =	sld [smem:$0x3FB8]  }
0x39: {  	_ = 	snop;
	(pc) =	sbr.ind lr, $3  }
0x3a: {  	_ = 	snop  }
0x3b: {  	_ = 	snop  }
0x3c: {  	p2 =	seq.s32 s10, $0x1;
	s10 =	sld [smem:$0x3FB7]  }
0x3d: {  	_ =	shalt  }
0x3e: {  	_ =	shalt  }
0x3f: {  	_ =	shalt  }
0x40: {  	_ =	shalt  }
0x41: {  	_ =	shalt  }
0x42: {  	_ =	shalt  }
0x43: {  	_ =	shalt  }
0x44: {  	_ =	shalt  }
0x45: {  	_ =	shalt  }
0x46: {  	_ =	shalt  }
0x47: {  	_ =	shalt  }
0x48: {  	_ =	shalt  }
0x49: {  	_ =	shalt  }
0x4a: {  	_ =	shalt  }
0x4b: {  	_ =	shalt  }
0x4c: {  	_ =	shalt  }
0x4d: {  	_ =	shalt  }
0x4e: {  	_ =	shalt  }
0x4f: {  	_ =	shalt  }
0x50: {  	_ =	shalt  }
0x51: {  	_ =	shalt  }
0x52: {  	_ =	shalt  }
0x53: {  	_ =	shalt  }
0x54: {  	_ =	shalt  }
0x55: {  	_ =	shalt  }
0x56: {  	_ =	shalt  }
0x57: {  	_ =	shalt  }
0x58: {  	_ =	shalt  }
0x59: {  	_ =	shalt  }
0x5a: {  	_ =	shalt  }
0x5b: {  	_ =	shalt  }
0x5c: {  	_ =	shalt  }
0x5d: {  	_ =	shalt  }
0x5e: {  	_ =	shalt  }
0x5f: {  	_ =	shalt  }
0x60: {  	_ =	shalt  }
0x61: {  	_ =	shalt  }
0x62: {  	_ =	shalt  }
0x63: {  	_ =	shalt  }
0x64: {  	_ =	shalt  }
0x65: {  	_ =	shalt  }
0x66: {  	_ =	shalt  }
0x67: {  	_ =	shalt  }
0x68: {  	_ =	shalt  }
0x69: {  	_ =	shalt  }
0x6a: {  	_ =	shalt  }
0x6b: {  	_ =	shalt  }
0x6c: {  	_ =	shalt  }
0x6d: {  	_ =	shalt  }
0x6e: {  	_ =	shalt  }
0x6f: {  	_ =	shalt  }
0x70: {  	_ =	shalt  }
0x71: {  	_ =	shalt  }
0x72: {  	_ =	shalt  }
0x73: {  	_ =	shalt  }
0x74: {  	_ =	shalt  }
0x75: {  	_ =	shalt  }
0x76: {  	_ =	shalt  }
0x77: {  	_ =	shalt  }
0x78: {  	_ =	shalt  }
0x79: {  	_ =	shalt  }
0x7a: {  	_ =	shalt  }
0x7b: {  	_ =	shalt  }
0x7c: {  	_ =	shalt  }
0x7d: {  	_ =	shalt  }
0x7e: {  	_ =	shalt  }
0x7f: {  	_ =	shalt  }
0x80: {  	_ =	shalt  }
0x81: {  	_ =	shalt  }
0x82: {  	_ =	shalt  }
0x83: {  	_ =	shalt  }
0x84: {  	_ =	shalt  }
0x85: {  	_ =	shalt  }
0x86: {  	_ =	shalt  }
0x87: {  	_ =	shalt  }
.Lfunc_end0:
.L_simem_size_0:
called_computation_lowered:
.L_overlay_start_0:
0x88: {  	s2 =	sld [smem:$0x3FD9]  }
0x89: {  	s3 =	sld [smem:$0x3FFE];
	_ =	sdelay $0x1  }
0x8a: {  	s1 =	srdreg.scid  }
0x8b: {  	s0 =	sand.u32 $0x1, s1  }
0x8c: {  	s17 =	sshll.u32 s0, $0xA;
	s2 =	sadd.s32 s3, s2  }
0x8d: {  	s2 =	sadd.s32 s2, s17  }
0x8e: {  	[smem:$0x3FC3] =	sst s2  }
0x8f: {  	_ = 	snop  }
0x90: {  	s2 =	sld [smem:$0x3FC9];
	(tm) =	ssettm $0x1  }
0x91: {  	s18 =	sld [smem:$0x3FFB];
	_ =	sdelay $0x3  }
0x92: {  	_ =	strace s18  }
0x93: {  	s3 =	sld [smem:$0x3FFC];
	_ =	sdelay $0x3  }
0x94: {  	_ =	strace s3  }
0x95: {  	s3 =	sld [smem:$0x3FFD];
	_ =	sdelay $0x3  }
0x96: {  	_ =	strace s3  }
0x97: {  	_ =	strace $0x8FFFFFFF  }
0x98: {  	s19 =	sld [smem:$0x3FDB];
	_ =	sdelay $0x1  }
0x99: {  	s4 =	simm.s32 $_scs_section_size  }
0x9a: {  	s5 =	simm.s32 $_size__tile_overlayer_lowered;
	s6 =	simm.s32 $_tile_overlayer_lowered  }
0x9b: {  	s22 =	simm.s32 $0x1BFF;
	s21 =	sshll.u32 s6, $0x1;
	s3 =	sadd.s32 s4, s19  }
0x9c: {  	s7 =	simm.s32 $0x0;
	s20 =	sshll.u32 s5, $0x1;
	s5 =	sadd.s32 s21, s3  }
0x9d: {  	[timem:s7], [sflag:s22] =	dma.local [hbm:s5], s20  }
0x9e: {  	_ =	swait.ge [sflag:s22], s20  }
0x9f: {  	s4 =	ssub.s32 $0x0, s20;
	[sflag:s22] =	ssyncset.done $0x0  }
0xa0: {  	[sflag:s22] =	ssyncadd.s32 s4;
	_ =	sdelay $0x1  }
0xa1: {  	s23 =	simm.s32 $0x1B8B  }
0xa2: {  	_ =	swait.ge [sflag:s23], $0x1  }
0xa3: {  	[sflag:s23] =	ssyncset.done $0x0  }
0xa4: {  	s25 =	simm.s32 $0x1B8E;
	s24 =	sld [smem:$0x3FFE];
	[sflag:s23] =	ssyncadd.s32 $0xFFFFFFFF  }
0xa5: {  	s26 =	simm.s32 $execute0_lowered;
	[smem:$0x3FD2] =	sst s25  }
0xa6: {  	s5 =	sshll.u32 s26, $0x1;
	_ =	strace $0x80000046;
	[dreg:$0x1] =	wrdreg $0xFFFFFFFF  }
0xa7: {  	s28 =	simm.s32 $_size_execute0_lowered;
	s3 =	sadd.s32 s3, s5;
	[dreg:$0x0] =	wrdreg $0x0  }
0xa8: {  	s5 =	sshll.u32 s28, $0x1;
	[dreg:$0x2] =	wrdreg s3  }
0xa9: {  	[dreg:$0x3] =	wrdreg s5  }
0xaa: {  	[dreg:$0x4] =	wrdreg $0xC0  }
0xab: {  	_ =	task [dreg:s7], $0x5FFFF  }
0xac: {  	[dreg:$0x1] =	wrdreg $0xFFFFFFFF  }
0xad: {  	[dreg:$0x0] =	wrdreg $0x60  }
0xae: {  	[dreg:$0x2] =	wrdreg s24  }
0xaf: {  	[dreg:$0x3] =	wrdreg s2  }
0xb0: {  	[dreg:$0x4] =	wrdreg $0x9  }
0xb1: {  	_ =	task.clear_ibuf [dreg:s7], $0x5FFFF;
	_ =	strace $0x90000046  }
0xb2: {  	s29 =	simm.s32 $0x9;
	_ =	strace $0x80000048  }
0xb3: {  	_ =	swait.ge [sflag:s29], $0x1  }
0xb4: {  	[sflag:s29] =	ssyncadd.s32 $0xFFFFFFFF  }
0xb5: {  	_ =	strace $0x90000048  }
0xb6: {  	_ =	sfence  }
0xb7: {  	s30 =	sld [smem:$0x0];
	_ =	sdelay $0x2  }
0xb8: {  	s31 =	sshll.u32 s1, $0xD;
	s1 =	sshrl.u32 s1, $0x2  }
0xb9: {  	s3 =	sand.u32 $0x4000, s31;
	s1 =	sadd.s32 s1, s30  }
0xba: {  	s0 =	sor.u32 s3, s0;
	s1 =	sshll.u32 s1, $0x11  }
0xbb: {  	s0 =	sor.u32 s1, s0  }
0xbc: {  	s0 =	sadd.s32 $0x8F2B, s0  }
0xbd: {  	[sflag:s0] =	ssyncadd.remote.s32 $0x1  }
0xbe: {  	_ =	sfence.sel $0xFFFF  }
0xbf: {  	[dreg:$0x0] =	wrdreg $0xFFFFFFFF;
	(pc) =	sbr.abs _section_cstart, $3  }
0xc0: {  	[dreg:$0x1] =	wrdreg $0xFFFFFFFF  }
0xc1: {  	_ =	task.clear_ibuf [dreg:s7], $0x2FFFF;
	_ =	strace $0x9FFFFFFF  }
0xc2: {  	(tm) =	ssettm $0x7FFFFFFF  }
0xc3: {  	_ =	shalt  }
tec
execute0_lowered:
.L_overlay_start_1:
0x0: {  	(tag) =	ssettag $0x1  }
0x1: {  	v0 =	vlaneseq.u32  }
0x2: {  	v1 =	vor.u32 $0x10, v0;
	v2 =	vor.u32 $0x20, v0;
	v3 =	vor.u32 $0x30, v0  }
0x3: {  	v4 =	vor.u32 $0xF800, v0;
	v6 =	vor.u32 $0xF820, v0;
	v7 =	vor.u32 $0xF830, v0  }
0x4: {  	s0 =	rddreg [dreg:$0x0];
	v8 =	vor.u32 $0xF880, v0;
	v9 =	vor.u32 $0xF890, v0;
	v10 =	vor.u32 $0xF8A0, v0  }
0x5: {  	s1 =	rddreg [dreg:$0x1];
	v11 =	vor.u32 $0xF8B0, v0;
	v12 =	vor.u32 $0xF900, v0;
	v13 =	vor.u32 $0xF910, v0  }
0x6: {  	s3 =	srdreg.scid;
	s2 =	simm.s32 $0x0;
	s5 =	stileid.u32;
	v14 =	vor.u32 $0xF920, v0;
	v15 =	vor.u32 $0xF930, v0;
	v16 =	vor.u32 $0xF980, v0  }
0x7: {  	s8 =	simm.s32 $0x200;
	s9 =	simm.s32 $0x600;
	s10 =	simm.s32 $0xA00;
	v17 =	vor.u32 $0xF990, v0;
	v18 =	vor.u32 $0xF9A0, v0;
	v19 =	vor.u32 $0xF9B0, v0  }
0x8: {  	s11 =	simm.s32 $0xE00;
	s12 =	simm.s32 $0x1200;
	s13 =	simm.s32 $0x1600;
	v20 =	vor.u32 $0xFA00, v0;
	v21 =	vor.u32 $0xFA10, v0;
	v22 =	vor.u32 $0xFA20, v0  }
0x9: {  	s14 =	simm.s32 $0x1A00;
	s15 =	simm.s32 $0x1E00;
	s16 =	simm.s32 $0x2200;
	v23 =	vor.u32 $0xFA30, v0;
	v24 =	vor.u32 $0xFA80, v0;
	v25 =	vor.u32 $0xFA90, v0  }
0xa: {  	s17 =	simm.s32 $0x2600;
	s18 =	simm.s32 $0x2A00;
	s19 =	simm.s32 $0x2E00;
	v26 =	vor.u32 $0xFAA0, v0;
	v27 =	vor.u32 $0xFAB0, v0;
	v28 =	vor.u32 $0xFB00, v0  }
0xb: {  	s20 =	simm.s32 $0x3200;
	s21 =	simm.s32 $0x3600;
	s22 =	simm.s32 $0x3A00;
	v29 =	vor.u32 $0xFB10, v0;
	v30 =	vor.u32 $0xFB20, v0;
	v31 =	vor.u32 $0xFB30, v0  }
0xc: {  	s23 =	simm.s32 $0x3E00;
	s7 =	simm.s32 $0x4;
	s24 =	simm.s32 $0x5;
	v32 =	vor.u32 $0xFB80, v0;
	v33 =	vor.u32 $0xFB90, v0;
	v34 =	vor.u32 $0xFBA0, v0  }
0xd: {  	s28 =	simm.s32 $0x7;
	s29 =	simm.s32 $0x10;
	s4 =	sand.u32 $0x1, s3;
	v35 =	vor.u32 $0xFBB0, v0;
	v36 =	vor.u32 $0xFC00, v0;
	v37 =	vor.u32 $0xFC10, v0  }
0xe: {  	[smem:$0x7FF] =	sst s2;
	s25 =	sshll.u32 s5, $0xA;
	v38 =	vor.u32 $0xFC20, v0;
	v39 =	vor.u32 $0xFC30, v0;
	v40 =	vor.u32 $0xFC80, v0;
	s26 =	sshll.u32 s4, $0x9  }
0xf: {  	s3 =	sadd.s32 $0xE00, s0;
	v41 =	vor.u32 $0xFC90, v0;
	v42 =	vor.u32 $0xFCA0, v0;
	[tilespmem:$0x1FFE0] =	vst v4;
	v4 =	vor.u32 $0xF810, v0;
	s4 =	ssub.s32 $0x2, s4;
	s5 =	sor.u32 s26, s25  }
0x10: {  	v43 =	vor.u32 $0xFCB0, v0;
	v44 =	vor.u32 $0xFD00, v0;
	v45 =	vor.u32 $0xFD10, v0;
	[tilespmem:$0x1FFF0] =	vst v4;
	s30 =	sshrl.u32 s4, $0x1;
	s25 =	simm.s32 $0x4200;
	s26 =	simm.s32 $0x6  }
0x11: {  	v46 =	vor.u32 $0xFD20, v0;
	v47 =	vor.u32 $0xFD30, v0;
	v48 =	vor.u32 $0xFD80, v0;
	_ =	strace $0x80000047;
	s6 =	sshll.u32 s5, $0x4;
	s5 =	sshrl.u32 s5, $0x3  }
0x12: {  	v49 =	vor.u32 $0xFD90, v0;
	v50 =	vor.u32 $0xFDA0, v0;
	v51 =	vor.u32 $0xFDB0, v0;
	s4 =	ssub.s32 s4, s30;
	s0 =	sadd.s32 s6, s0;
	s1 =	sadd.s32 s1, s5  }
0x13: {  	v52 =	vor.u32 $0xFE00, v0;
	v53 =	vor.u32 $0xFE10, v0;
	v54 =	vor.u32 $0xFE20, v0;
	s31 =	smax.u32 s4, $0x1;
	s4 =	simm.s32 $0x1;
	[dreg:$0x3] =	wrdreg s1  }
0x14: {  	v55 =	vor.u32 $0xFE30, v0;
	v56 =	vor.u32 $0xFE80, v0;
	v57 =	vor.u32 $0xFE90, v0;
	s5 =	simm.s32 $0x0;
	s0 =	sadd.s32 $0xF43200, s0;
	[dreg:$0x5] =	wrdreg s31  }
0x15: {  	v58 =	vor.u32 $0xFEA0, v0;
	v59 =	vor.u32 $0xFEB0, v0;
	v60 =	vor.u32 $0xFF00, v0;
	s6 =	simm.s32 $0x3;
	s1 =	simm.s32 $0x11;
	[dreg:$0x4] =	wrdreg s0  }
.LBB2_1:
0x16: {  	[dreg:$0x6] =	wrdreg s5  }
0x17: {  	s0 =	rddreg [dreg:$0x3]  }
0x18: {  	[tilespmem:s2], [sflag:$0x11] =	stream.linear.gather [hbm4b:s0+s2], $0x200, $0x38;
	[tilespmem:$0x14200] =	vst v63  }
0x19: {  	_ =	swait.ge [sflag:s1], $0x200  }
0x1a: {  	[sflag:s1] =	ssyncset.done $0x0  }
0x1b: {  	[sflag:s1] =	ssyncadd.s32 $0xFFFFFE00  }
0x1c: {  	v61 =	vld [tilespmem:$0x0];
	_ =	sdelay $0x4  }
0x1d: {  	v61 =	vshll.u32 v61, $0x4  }
0x1e: {  	(v2sf) =	vpush v61, $0x0  }
0x1f: {  	(v2sf) =	vpush v61, $0x1;
	_ =	sdelay $0x5  }
0x20: {  	(v2sf) =	vpush v61, $0x2;
	_ =	sdelay $0x1  }
0x21: {  	(v2sf) =	vpush v61, $0x3;
	_ =	sdelay $0x5  }
0x22: {  	s5 =	spop (v2sf);
	(v2sf) =	vpush v61, $0x4  }
0x23: {  	s1 =	spop (v2sf);
	(v2sf) =	vpush v61, $0x5;
	_ =	sdelay $0x4  }
0x24: {  	s0 =	sand.u32 $0xFFFFF80, s5  }
0x25: {  	s0 =	sadd.s32 s3, s0;
	s5 =	spop (v2sf);
	(v2sf) =	vpush v61, $0x6  }
0x26: {  	[tilespmem:s8], [sflag:$0x1] =	stream.linear.gather [hbm4b:s0+s2], $0x400, $0x38;
	[tilespmem:$0x14200] =	vst v63  }
0x27: {  	s0 =	sand.u32 $0xFFFFF80, s1;
	s1 =	spop (v2sf);
	(v2sf) =	vpush v61, $0x7  }
0x28: {  	s0 =	sadd.s32 s3, s0  }
0x29: {  	[tilespmem:s9], [sflag:$0x2] =	stream.linear.gather [hbm4b:s0+s2], $0x400, $0x38;
	[tilespmem:$0x14200] =	vst v63  }
0x2a: {  	s0 =	sand.u32 $0xFFFFF80, s5  }
0x2b: {  	s0 =	sadd.s32 s3, s0  }
0x2c: {  	[tilespmem:s10], [sflag:$0x3] =	stream.linear.gather [hbm4b:s0+s2], $0x400, $0x38;
	[tilespmem:$0x14200] =	vst v63  }
0x2d: {  	s0 =	sand.u32 $0xFFFFF80, s1;
	s5 =	spop (v2sf);
	(v2sf) =	vpush v61, $0x8  }
0x2e: {  	s0 =	sadd.s32 s3, s0;
	s1 =	spop (v2sf);
	(v2sf) =	vpush v61, $0x9  }
0x2f: {  	[tilespmem:s11], [sflag:$0x4] =	stream.linear.gather [hbm4b:s0+s2], $0x400, $0x38;
	[tilespmem:$0x14200] =	vst v63  }
0x30: {  	s0 =	sand.u32 $0xFFFFF80, s5;
	(v2sf) =	vpush v61, $0xA  }
0x31: {  	s0 =	sadd.s32 s3, s0  }
0x32: {  	[tilespmem:s12], [sflag:$0x5] =	stream.linear.gather [hbm4b:s0+s2], $0x400, $0x38;
	[tilespmem:$0x14200] =	vst v63  }
0x33: {  	s0 =	sand.u32 $0xFFFFF80, s1  }
0x34: {  	s5 =	spop (v2sf);
	s0 =	sadd.s32 s3, s0  }
0x35: {  	(v2sf) =	vpush v61, $0xB;
	[tilespmem:s13], [sflag:$0x6] =	stream.linear.gather [hbm4b:s0+s2], $0x400, $0x38;
	[tilespmem:$0x14200] =	vst v63  }
0x36: {  	s1 =	spop (v2sf);
	(v2sf) =	vpush v61, $0xC;
	s0 =	sand.u32 $0xFFFFF80, s5  }
0x37: {  	s0 =	sadd.s32 s3, s0  }
0x38: {  	[tilespmem:s14], [sflag:$0x7] =	stream.linear.gather [hbm4b:s0+s2], $0x400, $0x38;
	[tilespmem:$0x14200] =	vst v63  }
0x39: {  	s0 =	sand.u32 $0xFFFFF80, s1  }
0x3a: {  	s0 =	sadd.s32 s3, s0  }
0x3b: {  	[tilespmem:s15], [sflag:$0x8] =	stream.linear.gather [hbm4b:s0+s2], $0x400, $0x38;
	[tilespmem:$0x14200] =	vst v63  }
0x3c: {  	s5 =	spop (v2sf);
	(v2sf) =	vpush v61, $0xD  }
0x3d: {  	s1 =	spop (v2sf);
	(v2sf) =	vpush v61, $0xE  }
0x3e: {  	s0 =	sand.u32 $0xFFFFF80, s5  }
0x3f: {  	s0 =	sadd.s32 s3, s0;
	s5 =	spop (v2sf)  }
0x40: {  	(v2sf) =	vpush v61, $0xF;
	[tilespmem:s16], [sflag:$0x9] =	stream.linear.gather [hbm4b:s0+s2], $0x400, $0x38;
	[tilespmem:$0x14200] =	vst v63  }
0x41: {  	s0 =	sand.u32 $0xFFFFF80, s1  }
0x42: {  	s0 =	sadd.s32 s3, s0  }
0x43: {  	[tilespmem:s17], [sflag:$0xA] =	stream.linear.gather [hbm4b:s0+s2], $0x400, $0x38;
	[tilespmem:$0x14200] =	vst v63  }
0x44: {  	s30 =	spop (v2sf);
	s0 =	sand.u32 $0xFFFFF80, s5  }
0x45: {  	s1 =	sand.u32 $0xFFFFF80, s30;
	s30 =	spop (v2sf);
	s0 =	sadd.s32 s3, s0  }
0x46: {  	[tilespmem:s18], [sflag:$0xB] =	stream.linear.gather [hbm4b:s0+s2], $0x400, $0x38;
	[tilespmem:$0x14200] =	vst v63  }
0x47: {  	s0 =	sadd.s32 s3, s1;
	s1 =	sand.u32 $0xFFFFF80, s30  }
0x48: {  	[tilespmem:s19], [sflag:$0xC] =	stream.linear.gather [hbm4b:s0+s2], $0x400, $0x38;
	[tilespmem:$0x14200] =	vst v63  }
0x49: {  	s0 =	sadd.s32 s3, s1  }
0x4a: {  	[tilespmem:s20], [sflag:$0xD] =	stream.linear.gather [hbm4b:s0+s2], $0x400, $0x38;
	[tilespmem:$0x14200] =	vst v63  }
0x4b: {  	s30 =	spop (v2sf)  }
0x4c: {  	s1 =	sand.u32 $0xFFFFF80, s30;
	s30 =	spop (v2sf)  }
0x4d: {  	s0 =	sadd.s32 s3, s1;
	s1 =	sand.u32 $0xFFFFF80, s30  }
0x4e: {  	[tilespmem:s21], [sflag:$0xE] =	stream.linear.gather [hbm4b:s0+s2], $0x400, $0x38;
	[tilespmem:$0x14200] =	vst v63  }
0x4f: {  	s0 =	sadd.s32 s3, s1;
	s1 =	spop (v2sf)  }
0x50: {  	[tilespmem:s22], [sflag:$0xF] =	stream.linear.gather [hbm4b:s0+s2], $0x400, $0x38;
	[tilespmem:$0x14200] =	vst v63  }
0x51: {  	s31 =	simm.s32 $0xF;
	s0 =	sand.u32 $0xFFFFF80, s1  }
0x52: {  	s5 =	simm.s32 $0x2;
	s30 =	simm.s32 $0x10;
	s0 =	sadd.s32 s3, s0  }
0x53: {  	[tilespmem:s23], [sflag:$0x10] =	stream.linear.gather [hbm4b:s0+s2], $0x400, $0x38;
	[tilespmem:$0x14200] =	vst v63  }
.LBB2_2:
0x54: {  	v61 =	vld [tilespmem:s30+$0xFFFFFFF0];
	_ =	sdelay $0x3  }
0x55: {  	v62 =	vld [tilespmem:s30+$0x0];
	_ =	swait.ge [sflag:s4], $0x400  }
0x56: {  	(v2sf) =	vpush v61, $0x0;
	_ =	sdelay $0xe  }
0x57: {  	s0 =	spop (v2sf)  }
0x58: {  	s0 =	sand.u32 $0x7, s0  }
0x59: {  	s1 =	sshll.u32 s0, $0x7  }
0x5a: {  	v63 =	vor.u32 s1, v0;
	_ =	sdelay $0x2  }
0x5b: {  	[sflag:s4] =	ssyncset.done $0x0;
	s0 =	sshll.u32 s31, $0x7  }
0x5c: {  	[sflag:s4] =	ssyncadd.s32 $0xFFFFFC00;
	s4 =	sadd.s32 $0xFFFFF880, s0  }
0x5d: {  	v4 =	vor.u32 s4, v0;
	v63 =	vld.idx.msk [tilespmem:v63+s8+$0x0], $0xffff  }
0x5e: {  	v5 =	vor.u32 s1, v1;
	_ =	sdelay $0x3  }
0x5f: {  	v62 =	vshll.u32 v62, $0x4;
	[tilespmem:v4+s25+$0x0] =	vst.idx.msk $0xffff, v63  }
0x60: {  	(v2sf) =	vpush v62, $0x0;
	v4 =	vld.idx.msk [tilespmem:v5+s8+$0x0], $0xffff;
	v5 =	vor.u32 s4, v1  }
0x61: {  	v63 =	vor.u32 s1, v2;
	_ =	sdelay $0x3  }
0x62: {  	[tilespmem:v5+s25+$0x0] =	vst.idx.msk $0xffff, v4  }
0x63: {  	v5 =	vor.u32 s4, v2;
	v4 =	vld.idx.msk [tilespmem:v63+s8+$0x0], $0xffff  }
0x64: {  	v63 =	vor.u32 s1, v3;
	_ =	sdelay $0x3  }
0x65: {  	[tilespmem:v5+s25+$0x0] =	vst.idx.msk $0xffff, v4  }
0x66: {  	v5 =	vor.u32 s4, v3;
	v4 =	vld.idx.msk [tilespmem:v63+s8+$0x0], $0xffff;
	_ =	sdelay $0x2  }
0x67: {  	s4 =	spop (v2sf)  }
0x68: {  	s1 =	sand.u32 $0xFFFFF80, s4  }
0x69: {  	s1 =	sadd.s32 s3, s1;
	[tilespmem:v5+s25+$0x0] =	vst.idx.msk $0xffff, v4  }
0x6a: {  	[tilespmem:s8], [sflag:$0x1] =	stream.linear.gather [hbm4b:s1+s2], $0x400, $0x38;
	[tilespmem:$0x14200] =	vst v63  }
0x6b: {  	_ =	swait.ge [sflag:s5], $0x400  }
0x6c: {  	(v2sf) =	vpush v61, $0x1;
	_ =	sdelay $0xe  }
0x6d: {  	s4 =	spop (v2sf)  }
0x6e: {  	s1 =	sand.u32 $0x7, s4  }
0x6f: {  	s1 =	sshll.u32 s1, $0x7  }
0x70: {  	v4 =	vor.u32 s1, v0;
	_ =	sdelay $0x2  }
0x71: {  	[sflag:s5] =	ssyncset.done $0x0  }
0x72: {  	[sflag:s5] =	ssyncadd.s32 $0xFFFFFC00;
	s4 =	sadd.s32 $0xFFFFF900, s0  }
0x73: {  	v5 =	vor.u32 s4, v0;
	v4 =	vld.idx.msk [tilespmem:v4+s9+$0x0], $0xffff  }
0x74: {  	v63 =	vor.u32 s1, v1;
	_ =	sdelay $0x3  }
0x75: {  	[tilespmem:v5+s25+$0x0] =	vst.idx.msk $0xffff, v4  }
0x76: {  	(v2sf) =	vpush v62, $0x1;
	v5 =	vor.u32 s4, v1;
	v4 =	vld.idx.msk [tilespmem:v63+s9+$0x0], $0xffff  }
0x77: {  	v63 =	vor.u32 s1, v2;
	_ =	sdelay $0x3  }
0x78: {  	[tilespmem:v5+s25+$0x0] =	vst.idx.msk $0xffff, v4  }
0x79: {  	v5 =	vor.u32 s4, v2;
	v4 =	vld.idx.msk [tilespmem:v63+s9+$0x0], $0xffff  }
0x7a: {  	v63 =	vor.u32 s1, v3;
	_ =	sdelay $0x3  }
0x7b: {  	[tilespmem:v5+s25+$0x0] =	vst.idx.msk $0xffff, v4  }
0x7c: {  	v5 =	vor.u32 s4, v3;
	v4 =	vld.idx.msk [tilespmem:v63+s9+$0x0], $0xffff;
	_ =	sdelay $0x2  }
0x7d: {  	s4 =	spop (v2sf)  }
0x7e: {  	s1 =	sand.u32 $0xFFFFF80, s4  }
0x7f: {  	s1 =	sadd.s32 s3, s1;
	[tilespmem:v5+s25+$0x0] =	vst.idx.msk $0xffff, v4  }
0x80: {  	[tilespmem:s9], [sflag:$0x2] =	stream.linear.gather [hbm4b:s1+s2], $0x400, $0x38;
	[tilespmem:$0x14200] =	vst v63  }
0x81: {  	_ =	swait.ge [sflag:s6], $0x400  }
0x82: {  	(v2sf) =	vpush v61, $0x2;
	_ =	sdelay $0xe  }
0x83: {  	s4 =	spop (v2sf)  }
0x84: {  	s1 =	sand.u32 $0x7, s4  }
0x85: {  	s1 =	sshll.u32 s1, $0x7  }
0x86: {  	v4 =	vor.u32 s1, v0;
	_ =	sdelay $0x2  }
0x87: {  	[sflag:s6] =	ssyncset.done $0x0  }
0x88: {  	[sflag:s6] =	ssyncadd.s32 $0xFFFFFC00;
	s4 =	sadd.s32 $0xFFFFF980, s0  }
0x89: {  	v5 =	vor.u32 s4, v0;
	v4 =	vld.idx.msk [tilespmem:v4+s10+$0x0], $0xffff  }
0x8a: {  	v63 =	vor.u32 s1, v1;
	_ =	sdelay $0x3  }
0x8b: {  	[tilespmem:v5+s25+$0x0] =	vst.idx.msk $0xffff, v4  }
0x8c: {  	(v2sf) =	vpush v62, $0x2;
	v5 =	vor.u32 s4, v1;
	v4 =	vld.idx.msk [tilespmem:v63+s10+$0x0], $0xffff  }
0x8d: {  	v63 =	vor.u32 s1, v2;
	_ =	sdelay $0x3  }
0x8e: {  	[tilespmem:v5+s25+$0x0] =	vst.idx.msk $0xffff, v4  }
0x8f: {  	v5 =	vor.u32 s4, v2;
	v4 =	vld.idx.msk [tilespmem:v63+s10+$0x0], $0xffff  }
0x90: {  	v63 =	vor.u32 s1, v3;
	_ =	sdelay $0x3  }
0x91: {  	[tilespmem:v5+s25+$0x0] =	vst.idx.msk $0xffff, v4  }
0x92: {  	v5 =	vor.u32 s4, v3;
	v4 =	vld.idx.msk [tilespmem:v63+s10+$0x0], $0xffff;
	_ =	sdelay $0x2  }
0x93: {  	s4 =	spop (v2sf)  }
0x94: {  	s1 =	sand.u32 $0xFFFFF80, s4  }
0x95: {  	s1 =	sadd.s32 s3, s1;
	[tilespmem:v5+s25+$0x0] =	vst.idx.msk $0xffff, v4  }
0x96: {  	[tilespmem:s10], [sflag:$0x3] =	stream.linear.gather [hbm4b:s1+s2], $0x400, $0x38;
	[tilespmem:$0x14200] =	vst v63  }
0x97: {  	_ =	swait.ge [sflag:s7], $0x400  }
0x98: {  	(v2sf) =	vpush v61, $0x3;
	_ =	sdelay $0xe  }
0x99: {  	s4 =	spop (v2sf)  }
0x9a: {  	s1 =	sand.u32 $0x7, s4  }
0x9b: {  	s1 =	sshll.u32 s1, $0x7  }
0x9c: {  	v4 =	vor.u32 s1, v0;
	_ =	sdelay $0x2  }
0x9d: {  	[sflag:s7] =	ssyncset.done $0x0  }
0x9e: {  	[sflag:s7] =	ssyncadd.s32 $0xFFFFFC00;
	s4 =	sadd.s32 $0xFFFFFA00, s0  }
0x9f: {  	v5 =	vor.u32 s4, v0;
	v4 =	vld.idx.msk [tilespmem:v4+s11+$0x0], $0xffff  }
0xa0: {  	v63 =	vor.u32 s1, v1;
	_ =	sdelay $0x3  }
0xa1: {  	[tilespmem:v5+s25+$0x0] =	vst.idx.msk $0xffff, v4  }
0xa2: {  	(v2sf) =	vpush v62, $0x3;
	v5 =	vor.u32 s4, v1;
	v4 =	vld.idx.msk [tilespmem:v63+s11+$0x0], $0xffff  }
0xa3: {  	v63 =	vor.u32 s1, v2;
	_ =	sdelay $0x3  }
0xa4: {  	[tilespmem:v5+s25+$0x0] =	vst.idx.msk $0xffff, v4  }
0xa5: {  	v5 =	vor.u32 s4, v2;
	v4 =	vld.idx.msk [tilespmem:v63+s11+$0x0], $0xffff  }
0xa6: {  	v63 =	vor.u32 s1, v3;
	_ =	sdelay $0x3  }
0xa7: {  	[tilespmem:v5+s25+$0x0] =	vst.idx.msk $0xffff, v4  }
0xa8: {  	v5 =	vor.u32 s4, v3;
	v4 =	vld.idx.msk [tilespmem:v63+s11+$0x0], $0xffff;
	_ =	sdelay $0x2  }
0xa9: {  	s4 =	spop (v2sf)  }
0xaa: {  	s1 =	sand.u32 $0xFFFFF80, s4  }
0xab: {  	s1 =	sadd.s32 s3, s1;
	[tilespmem:v5+s25+$0x0] =	vst.idx.msk $0xffff, v4  }
0xac: {  	[tilespmem:s11], [sflag:$0x4] =	stream.linear.gather [hbm4b:s1+s2], $0x400, $0x38;
	[tilespmem:$0x14200] =	vst v63  }
0xad: {  	_ =	swait.ge [sflag:s24], $0x400  }
0xae: {  	(v2sf) =	vpush v61, $0x4;
	_ =	sdelay $0xe  }
0xaf: {  	s4 =	spop (v2sf)  }
0xb0: {  	s1 =	sand.u32 $0x7, s4  }
0xb1: {  	s1 =	sshll.u32 s1, $0x7  }
0xb2: {  	v4 =	vor.u32 s1, v0;
	_ =	sdelay $0x2  }
0xb3: {  	[sflag:s24] =	ssyncset.done $0x0  }
0xb4: {  	[sflag:s24] =	ssyncadd.s32 $0xFFFFFC00;
	s4 =	sadd.s32 $0xFFFFFA80, s0  }
0xb5: {  	v5 =	vor.u32 s4, v0;
	v4 =	vld.idx.msk [tilespmem:v4+s12+$0x0], $0xffff  }
0xb6: {  	v63 =	vor.u32 s1, v1;
	_ =	sdelay $0x3  }
0xb7: {  	[tilespmem:v5+s25+$0x0] =	vst.idx.msk $0xffff, v4  }
0xb8: {  	(v2sf) =	vpush v62, $0x4;
	v5 =	vor.u32 s4, v1;
	v4 =	vld.idx.msk [tilespmem:v63+s12+$0x0], $0xffff  }
0xb9: {  	v63 =	vor.u32 s1, v2;
	_ =	sdelay $0x3  }
0xba: {  	[tilespmem:v5+s25+$0x0] =	vst.idx.msk $0xffff, v4  }
0xbb: {  	v5 =	vor.u32 s4, v2;
	v4 =	vld.idx.msk [tilespmem:v63+s12+$0x0], $0xffff  }
0xbc: {  	v63 =	vor.u32 s1, v3;
	_ =	sdelay $0x3  }
0xbd: {  	[tilespmem:v5+s25+$0x0] =	vst.idx.msk $0xffff, v4  }
0xbe: {  	v5 =	vor.u32 s4, v3;
	v4 =	vld.idx.msk [tilespmem:v63+s12+$0x0], $0xffff;
	_ =	sdelay $0x2  }
0xbf: {  	s4 =	spop (v2sf)  }
0xc0: {  	s1 =	sand.u32 $0xFFFFF80, s4  }
0xc1: {  	s1 =	sadd.s32 s3, s1;
	[tilespmem:v5+s25+$0x0] =	vst.idx.msk $0xffff, v4  }
0xc2: {  	[tilespmem:s12], [sflag:$0x5] =	stream.linear.gather [hbm4b:s1+s2], $0x400, $0x38;
	[tilespmem:$0x14200] =	vst v63  }
0xc3: {  	_ =	swait.ge [sflag:s26], $0x400  }
0xc4: {  	(v2sf) =	vpush v61, $0x5;
	_ =	sdelay $0xe  }
0xc5: {  	s4 =	spop (v2sf)  }
0xc6: {  	s1 =	sand.u32 $0x7, s4  }
0xc7: {  	s1 =	sshll.u32 s1, $0x7  }
0xc8: {  	v4 =	vor.u32 s1, v0;
	_ =	sdelay $0x2  }
0xc9: {  	[sflag:s26] =	ssyncset.done $0x0  }
0xca: {  	[sflag:s26] =	ssyncadd.s32 $0xFFFFFC00;
	s4 =	sadd.s32 $0xFFFFFB00, s0  }
0xcb: {  	v5 =	vor.u32 s4, v0;
	v4 =	vld.idx.msk [tilespmem:v4+s13+$0x0], $0xffff  }
0xcc: {  	v63 =	vor.u32 s1, v1;
	_ =	sdelay $0x3  }
0xcd: {  	[tilespmem:v5+s25+$0x0] =	vst.idx.msk $0xffff, v4  }
0xce: {  	(v2sf) =	vpush v62, $0x5;
	v5 =	vor.u32 s4, v1;
	v4 =	vld.idx.msk [tilespmem:v63+s13+$0x0], $0xffff  }
0xcf: {  	v63 =	vor.u32 s1, v2;
	_ =	sdelay $0x3  }
0xd0: {  	[tilespmem:v5+s25+$0x0] =	vst.idx.msk $0xffff, v4  }
0xd1: {  	v5 =	vor.u32 s4, v2;
	v4 =	vld.idx.msk [tilespmem:v63+s13+$0x0], $0xffff  }
0xd2: {  	v63 =	vor.u32 s1, v3;
	_ =	sdelay $0x3  }
0xd3: {  	[tilespmem:v5+s25+$0x0] =	vst.idx.msk $0xffff, v4  }
0xd4: {  	v5 =	vor.u32 s4, v3;
	v4 =	vld.idx.msk [tilespmem:v63+s13+$0x0], $0xffff;
	_ =	sdelay $0x2  }
0xd5: {  	s4 =	spop (v2sf)  }
0xd6: {  	s1 =	sand.u32 $0xFFFFF80, s4  }
0xd7: {  	s1 =	sadd.s32 s3, s1;
	[tilespmem:v5+s25+$0x0] =	vst.idx.msk $0xffff, v4  }
0xd8: {  	[tilespmem:s13], [sflag:$0x6] =	stream.linear.gather [hbm4b:s1+s2], $0x400, $0x38;
	[tilespmem:$0x14200] =	vst v63  }
0xd9: {  	_ =	swait.ge [sflag:s28], $0x400  }
0xda: {  	(v2sf) =	vpush v61, $0x6;
	_ =	sdelay $0xe  }
0xdb: {  	s4 =	spop (v2sf)  }
0xdc: {  	s1 =	sand.u32 $0x7, s4  }
0xdd: {  	s1 =	sshll.u32 s1, $0x7  }
0xde: {  	v4 =	vor.u32 s1, v0;
	_ =	sdelay $0x2  }
0xdf: {  	[sflag:s28] =	ssyncset.done $0x0  }
0xe0: {  	[sflag:s28] =	ssyncadd.s32 $0xFFFFFC00;
	s4 =	sadd.s32 $0xFFFFFB80, s0  }
0xe1: {  	v5 =	vor.u32 s4, v0;
	v4 =	vld.idx.msk [tilespmem:v4+s14+$0x0], $0xffff  }
0xe2: {  	v63 =	vor.u32 s1, v1;
	_ =	sdelay $0x3  }
0xe3: {  	[tilespmem:v5+s25+$0x0] =	vst.idx.msk $0xffff, v4  }
0xe4: {  	(v2sf) =	vpush v62, $0x6;
	v5 =	vor.u32 s4, v1;
	v4 =	vld.idx.msk [tilespmem:v63+s14+$0x0], $0xffff  }
0xe5: {  	v63 =	vor.u32 s1, v2;
	_ =	sdelay $0x3  }
0xe6: {  	[tilespmem:v5+s25+$0x0] =	vst.idx.msk $0xffff, v4  }
0xe7: {  	v5 =	vor.u32 s4, v2;
	v4 =	vld.idx.msk [tilespmem:v63+s14+$0x0], $0xffff  }
0xe8: {  	v63 =	vor.u32 s1, v3;
	_ =	sdelay $0x3  }
0xe9: {  	[tilespmem:v5+s25+$0x0] =	vst.idx.msk $0xffff, v4  }
0xea: {  	v5 =	vor.u32 s4, v3;
	v4 =	vld.idx.msk [tilespmem:v63+s14+$0x0], $0xffff;
	_ =	sdelay $0x2  }
0xeb: {  	s4 =	spop (v2sf)  }
0xec: {  	s1 =	sand.u32 $0xFFFFF80, s4  }
0xed: {  	s4 =	simm.s32 $0x8;
	s1 =	sadd.s32 s3, s1;
	[tilespmem:v5+s25+$0x0] =	vst.idx.msk $0xffff, v4  }
0xee: {  	[tilespmem:s14], [sflag:$0x7] =	stream.linear.gather [hbm4b:s1+s2], $0x400, $0x38;
	[tilespmem:$0x14200] =	vst v63  }
0xef: {  	_ =	swait.ge [sflag:s4], $0x400  }
0xf0: {  	(v2sf) =	vpush v61, $0x7;
	_ =	sdelay $0xe  }
0xf1: {  	s1 =	spop (v2sf)  }
0xf2: {  	s1 =	sand.u32 $0x7, s1  }
0xf3: {  	s1 =	sshll.u32 s1, $0x7  }
0xf4: {  	v4 =	vor.u32 s1, v0;
	_ =	sdelay $0x2  }
0xf5: {  	[sflag:s4] =	ssyncset.done $0x0  }
0xf6: {  	[sflag:s4] =	ssyncadd.s32 $0xFFFFFC00;
	s4 =	sadd.s32 $0xFFFFFC00, s0  }
0xf7: {  	v5 =	vor.u32 s4, v0;
	v4 =	vld.idx.msk [tilespmem:v4+s15+$0x0], $0xffff  }
0xf8: {  	v63 =	vor.u32 s1, v1;
	_ =	sdelay $0x3  }
0xf9: {  	[tilespmem:v5+s25+$0x0] =	vst.idx.msk $0xffff, v4  }
0xfa: {  	(v2sf) =	vpush v62, $0x7;
	v5 =	vor.u32 s4, v1;
	v4 =	vld.idx.msk [tilespmem:v63+s15+$0x0], $0xffff  }
0xfb: {  	v63 =	vor.u32 s1, v2;
	_ =	sdelay $0x3  }
0xfc: {  	[tilespmem:v5+s25+$0x0] =	vst.idx.msk $0xffff, v4  }
0xfd: {  	v5 =	vor.u32 s4, v2;
	v4 =	vld.idx.msk [tilespmem:v63+s15+$0x0], $0xffff  }
0xfe: {  	v63 =	vor.u32 s1, v3;
	_ =	sdelay $0x3  }
0xff: {  	[tilespmem:v5+s25+$0x0] =	vst.idx.msk $0xffff, v4  }
0x100: {  	v5 =	vor.u32 s4, v3;
	v4 =	vld.idx.msk [tilespmem:v63+s15+$0x0], $0xffff;
	_ =	sdelay $0x2  }
0x101: {  	s4 =	spop (v2sf)  }
0x102: {  	s1 =	sand.u32 $0xFFFFF80, s4  }
0x103: {  	s4 =	simm.s32 $0x9;
	s1 =	sadd.s32 s3, s1;
	[tilespmem:v5+s25+$0x0] =	vst.idx.msk $0xffff, v4  }
0x104: {  	[tilespmem:s15], [sflag:$0x8] =	stream.linear.gather [hbm4b:s1+s2], $0x400, $0x38;
	[tilespmem:$0x14200] =	vst v63  }
0x105: {  	_ =	swait.ge [sflag:s4], $0x400  }
0x106: {  	(v2sf) =	vpush v61, $0x8;
	_ =	sdelay $0xe  }
0x107: {  	s1 =	spop (v2sf)  }
0x108: {  	s1 =	sand.u32 $0x7, s1  }
0x109: {  	s1 =	sshll.u32 s1, $0x7  }
0x10a: {  	v4 =	vor.u32 s1, v0;
	_ =	sdelay $0x2  }
0x10b: {  	[sflag:s4] =	ssyncset.done $0x0  }
0x10c: {  	[sflag:s4] =	ssyncadd.s32 $0xFFFFFC00;
	s4 =	sadd.s32 $0xFFFFFC80, s0  }
0x10d: {  	v5 =	vor.u32 s4, v0;
	v4 =	vld.idx.msk [tilespmem:v4+s16+$0x0], $0xffff  }
0x10e: {  	v63 =	vor.u32 s1, v1;
	_ =	sdelay $0x3  }
0x10f: {  	[tilespmem:v5+s25+$0x0] =	vst.idx.msk $0xffff, v4  }
0x110: {  	(v2sf) =	vpush v62, $0x8;
	v5 =	vor.u32 s4, v1;
	v4 =	vld.idx.msk [tilespmem:v63+s16+$0x0], $0xffff  }
0x111: {  	v63 =	vor.u32 s1, v2;
	_ =	sdelay $0x3  }
0x112: {  	[tilespmem:v5+s25+$0x0] =	vst.idx.msk $0xffff, v4  }
0x113: {  	v5 =	vor.u32 s4, v2;
	v4 =	vld.idx.msk [tilespmem:v63+s16+$0x0], $0xffff  }
0x114: {  	v63 =	vor.u32 s1, v3;
	_ =	sdelay $0x3  }
0x115: {  	[tilespmem:v5+s25+$0x0] =	vst.idx.msk $0xffff, v4  }
0x116: {  	v5 =	vor.u32 s4, v3;
	v4 =	vld.idx.msk [tilespmem:v63+s16+$0x0], $0xffff;
	_ =	sdelay $0x2  }
0x117: {  	s4 =	spop (v2sf)  }
0x118: {  	s1 =	sand.u32 $0xFFFFF80, s4  }
0x119: {  	s4 =	simm.s32 $0xA;
	s1 =	sadd.s32 s3, s1;
	[tilespmem:v5+s25+$0x0] =	vst.idx.msk $0xffff, v4  }
0x11a: {  	[tilespmem:s16], [sflag:$0x9] =	stream.linear.gather [hbm4b:s1+s2], $0x400, $0x38;
	[tilespmem:$0x14200] =	vst v63  }
0x11b: {  	_ =	swait.ge [sflag:s4], $0x400  }
0x11c: {  	(v2sf) =	vpush v61, $0x9;
	_ =	sdelay $0xe  }
0x11d: {  	s1 =	spop (v2sf)  }
0x11e: {  	s1 =	sand.u32 $0x7, s1  }
0x11f: {  	s1 =	sshll.u32 s1, $0x7  }
0x120: {  	v4 =	vor.u32 s1, v0;
	_ =	sdelay $0x2  }
0x121: {  	[sflag:s4] =	ssyncset.done $0x0  }
0x122: {  	[sflag:s4] =	ssyncadd.s32 $0xFFFFFC00;
	s4 =	sadd.s32 $0xFFFFFD00, s0  }
0x123: {  	v5 =	vor.u32 s4, v0;
	v4 =	vld.idx.msk [tilespmem:v4+s17+$0x0], $0xffff  }
0x124: {  	v63 =	vor.u32 s1, v1;
	_ =	sdelay $0x3  }
0x125: {  	[tilespmem:v5+s25+$0x0] =	vst.idx.msk $0xffff, v4  }
0x126: {  	(v2sf) =	vpush v62, $0x9;
	v5 =	vor.u32 s4, v1;
	v4 =	vld.idx.msk [tilespmem:v63+s17+$0x0], $0xffff  }
0x127: {  	v63 =	vor.u32 s1, v2;
	_ =	sdelay $0x3  }
0x128: {  	[tilespmem:v5+s25+$0x0] =	vst.idx.msk $0xffff, v4  }
0x129: {  	v5 =	vor.u32 s4, v2;
	v4 =	vld.idx.msk [tilespmem:v63+s17+$0x0], $0xffff  }
0x12a: {  	v63 =	vor.u32 s1, v3;
	_ =	sdelay $0x3  }
0x12b: {  	[tilespmem:v5+s25+$0x0] =	vst.idx.msk $0xffff, v4  }
0x12c: {  	v5 =	vor.u32 s4, v3;
	v4 =	vld.idx.msk [tilespmem:v63+s17+$0x0], $0xffff;
	_ =	sdelay $0x2  }
0x12d: {  	s4 =	spop (v2sf)  }
0x12e: {  	s1 =	sand.u32 $0xFFFFF80, s4  }
0x12f: {  	s4 =	simm.s32 $0xB;
	s1 =	sadd.s32 s3, s1;
	[tilespmem:v5+s25+$0x0] =	vst.idx.msk $0xffff, v4  }
0x130: {  	[tilespmem:s17], [sflag:$0xA] =	stream.linear.gather [hbm4b:s1+s2], $0x400, $0x38;
	[tilespmem:$0x14200] =	vst v63  }
0x131: {  	_ =	swait.ge [sflag:s4], $0x400  }
0x132: {  	(v2sf) =	vpush v61, $0xA;
	_ =	sdelay $0xe  }
0x133: {  	s1 =	spop (v2sf)  }
0x134: {  	s1 =	sand.u32 $0x7, s1  }
0x135: {  	s1 =	sshll.u32 s1, $0x7  }
0x136: {  	v4 =	vor.u32 s1, v0;
	_ =	sdelay $0x2  }
0x137: {  	[sflag:s4] =	ssyncset.done $0x0  }
0x138: {  	[sflag:s4] =	ssyncadd.s32 $0xFFFFFC00;
	s4 =	sadd.s32 $0xFFFFFD80, s0  }
0x139: {  	v5 =	vor.u32 s4, v0;
	v4 =	vld.idx.msk [tilespmem:v4+s18+$0x0], $0xffff  }
0x13a: {  	v63 =	vor.u32 s1, v1;
	_ =	sdelay $0x3  }
0x13b: {  	[tilespmem:v5+s25+$0x0] =	vst.idx.msk $0xffff, v4  }
0x13c: {  	(v2sf) =	vpush v62, $0xA;
	v5 =	vor.u32 s4, v1;
	v4 =	vld.idx.msk [tilespmem:v63+s18+$0x0], $0xffff  }
0x13d: {  	v63 =	vor.u32 s1, v2;
	_ =	sdelay $0x3  }
0x13e: {  	[tilespmem:v5+s25+$0x0] =	vst.idx.msk $0xffff, v4  }
0x13f: {  	v5 =	vor.u32 s4, v2;
	v4 =	vld.idx.msk [tilespmem:v63+s18+$0x0], $0xffff  }
0x140: {  	v63 =	vor.u32 s1, v3;
	_ =	sdelay $0x3  }
0x141: {  	[tilespmem:v5+s25+$0x0] =	vst.idx.msk $0xffff, v4  }
0x142: {  	v5 =	vor.u32 s4, v3;
	v4 =	vld.idx.msk [tilespmem:v63+s18+$0x0], $0xffff;
	_ =	sdelay $0x2  }
0x143: {  	s4 =	spop (v2sf)  }
0x144: {  	s1 =	sand.u32 $0xFFFFF80, s4  }
0x145: {  	s4 =	simm.s32 $0xC;
	s1 =	sadd.s32 s3, s1;
	[tilespmem:v5+s25+$0x0] =	vst.idx.msk $0xffff, v4  }
0x146: {  	[tilespmem:s18], [sflag:$0xB] =	stream.linear.gather [hbm4b:s1+s2], $0x400, $0x38;
	[tilespmem:$0x14200] =	vst v63  }
0x147: {  	_ =	swait.ge [sflag:s4], $0x400  }
0x148: {  	(v2sf) =	vpush v61, $0xB;
	_ =	sdelay $0xe  }
0x149: {  	s1 =	spop (v2sf)  }
0x14a: {  	s1 =	sand.u32 $0x7, s1  }
0x14b: {  	s1 =	sshll.u32 s1, $0x7  }
0x14c: {  	v4 =	vor.u32 s1, v0;
	_ =	sdelay $0x2  }
0x14d: {  	[sflag:s4] =	ssyncset.done $0x0  }
0x14e: {  	[sflag:s4] =	ssyncadd.s32 $0xFFFFFC00;
	s4 =	sadd.s32 $0xFFFFFE00, s0  }
0x14f: {  	v5 =	vor.u32 s4, v0;
	v4 =	vld.idx.msk [tilespmem:v4+s19+$0x0], $0xffff  }
0x150: {  	v63 =	vor.u32 s1, v1;
	_ =	sdelay $0x3  }
0x151: {  	[tilespmem:v5+s25+$0x0] =	vst.idx.msk $0xffff, v4  }
0x152: {  	(v2sf) =	vpush v62, $0xB;
	v5 =	vor.u32 s4, v1;
	v4 =	vld.idx.msk [tilespmem:v63+s19+$0x0], $0xffff  }
0x153: {  	v63 =	vor.u32 s1, v2;
	_ =	sdelay $0x3  }
0x154: {  	[tilespmem:v5+s25+$0x0] =	vst.idx.msk $0xffff, v4  }
0x155: {  	v5 =	vor.u32 s4, v2;
	v4 =	vld.idx.msk [tilespmem:v63+s19+$0x0], $0xffff  }
0x156: {  	v63 =	vor.u32 s1, v3;
	_ =	sdelay $0x3  }
0x157: {  	[tilespmem:v5+s25+$0x0] =	vst.idx.msk $0xffff, v4  }
0x158: {  	v5 =	vor.u32 s4, v3;
	v4 =	vld.idx.msk [tilespmem:v63+s19+$0x0], $0xffff;
	_ =	sdelay $0x2  }
0x159: {  	s4 =	spop (v2sf)  }
0x15a: {  	s1 =	sand.u32 $0xFFFFF80, s4  }
0x15b: {  	s4 =	simm.s32 $0xD;
	s1 =	sadd.s32 s3, s1;
	[tilespmem:v5+s25+$0x0] =	vst.idx.msk $0xffff, v4  }
0x15c: {  	[tilespmem:s19], [sflag:$0xC] =	stream.linear.gather [hbm4b:s1+s2], $0x400, $0x38;
	[tilespmem:$0x14200] =	vst v63  }
0x15d: {  	_ =	swait.ge [sflag:s4], $0x400  }
0x15e: {  	(v2sf) =	vpush v61, $0xC;
	_ =	sdelay $0xe  }
0x15f: {  	s1 =	spop (v2sf)  }
0x160: {  	s1 =	sand.u32 $0x7, s1  }
0x161: {  	s1 =	sshll.u32 s1, $0x7  }
0x162: {  	v4 =	vor.u32 s1, v0;
	_ =	sdelay $0x2  }
0x163: {  	[sflag:s4] =	ssyncset.done $0x0  }
0x164: {  	[sflag:s4] =	ssyncadd.s32 $0xFFFFFC00;
	s4 =	sadd.s32 $0xFFFFFE80, s0  }
0x165: {  	v5 =	vor.u32 s4, v0;
	v4 =	vld.idx.msk [tilespmem:v4+s20+$0x0], $0xffff  }
0x166: {  	v63 =	vor.u32 s1, v1;
	_ =	sdelay $0x3  }
0x167: {  	[tilespmem:v5+s25+$0x0] =	vst.idx.msk $0xffff, v4  }
0x168: {  	(v2sf) =	vpush v62, $0xC;
	v5 =	vor.u32 s4, v1;
	v4 =	vld.idx.msk [tilespmem:v63+s20+$0x0], $0xffff  }
0x169: {  	v63 =	vor.u32 s1, v2;
	_ =	sdelay $0x3  }
0x16a: {  	[tilespmem:v5+s25+$0x0] =	vst.idx.msk $0xffff, v4  }
0x16b: {  	v5 =	vor.u32 s4, v2;
	v4 =	vld.idx.msk [tilespmem:v63+s20+$0x0], $0xffff  }
0x16c: {  	v63 =	vor.u32 s1, v3;
	_ =	sdelay $0x3  }
0x16d: {  	[tilespmem:v5+s25+$0x0] =	vst.idx.msk $0xffff, v4  }
0x16e: {  	v5 =	vor.u32 s4, v3;
	v4 =	vld.idx.msk [tilespmem:v63+s20+$0x0], $0xffff;
	_ =	sdelay $0x2  }
0x16f: {  	s4 =	spop (v2sf)  }
0x170: {  	s1 =	sand.u32 $0xFFFFF80, s4  }
0x171: {  	s4 =	simm.s32 $0xE;
	s1 =	sadd.s32 s3, s1;
	[tilespmem:v5+s25+$0x0] =	vst.idx.msk $0xffff, v4  }
0x172: {  	[tilespmem:s20], [sflag:$0xD] =	stream.linear.gather [hbm4b:s1+s2], $0x400, $0x38;
	[tilespmem:$0x14200] =	vst v63  }
0x173: {  	_ =	swait.ge [sflag:s4], $0x400  }
0x174: {  	(v2sf) =	vpush v61, $0xD;
	_ =	sdelay $0xe  }
0x175: {  	s1 =	spop (v2sf)  }
0x176: {  	s1 =	sand.u32 $0x7, s1  }
0x177: {  	s1 =	sshll.u32 s1, $0x7  }
0x178: {  	v4 =	vor.u32 s1, v0;
	_ =	sdelay $0x2  }
0x179: {  	[sflag:s4] =	ssyncset.done $0x0  }
0x17a: {  	[sflag:s4] =	ssyncadd.s32 $0xFFFFFC00;
	s4 =	sadd.s32 $0xFFFFFF00, s0  }
0x17b: {  	v5 =	vor.u32 s4, v0;
	v4 =	vld.idx.msk [tilespmem:v4+s21+$0x0], $0xffff  }
0x17c: {  	v63 =	vor.u32 s1, v1;
	_ =	sdelay $0x3  }
0x17d: {  	[tilespmem:v5+s25+$0x0] =	vst.idx.msk $0xffff, v4  }
0x17e: {  	(v2sf) =	vpush v62, $0xD;
	v5 =	vor.u32 s4, v1;
	v4 =	vld.idx.msk [tilespmem:v63+s21+$0x0], $0xffff  }
0x17f: {  	v63 =	vor.u32 s1, v2;
	_ =	sdelay $0x3  }
0x180: {  	[tilespmem:v5+s25+$0x0] =	vst.idx.msk $0xffff, v4  }
0x181: {  	v5 =	vor.u32 s4, v2;
	v4 =	vld.idx.msk [tilespmem:v63+s21+$0x0], $0xffff  }
0x182: {  	v63 =	vor.u32 s1, v3;
	_ =	sdelay $0x3  }
0x183: {  	[tilespmem:v5+s25+$0x0] =	vst.idx.msk $0xffff, v4  }
0x184: {  	v5 =	vor.u32 s4, v3;
	v4 =	vld.idx.msk [tilespmem:v63+s21+$0x0], $0xffff;
	_ =	sdelay $0x2  }
0x185: {  	s4 =	spop (v2sf)  }
0x186: {  	s1 =	sand.u32 $0xFFFFF80, s4  }
0x187: {  	s4 =	simm.s32 $0xF;
	s1 =	sadd.s32 s3, s1;
	[tilespmem:v5+s25+$0x0] =	vst.idx.msk $0xffff, v4  }
0x188: {  	[tilespmem:s21], [sflag:$0xE] =	stream.linear.gather [hbm4b:s1+s2], $0x400, $0x38;
	[tilespmem:$0x14200] =	vst v63  }
0x189: {  	_ =	swait.ge [sflag:s4], $0x400  }
0x18a: {  	(v2sf) =	vpush v61, $0xE;
	_ =	sdelay $0xe  }
0x18b: {  	s1 =	spop (v2sf)  }
0x18c: {  	s1 =	sand.u32 $0x7, s1  }
0x18d: {  	s1 =	sshll.u32 s1, $0x7  }
0x18e: {  	v4 =	vor.u32 s1, v0;
	_ =	sdelay $0x2  }
0x18f: {  	[sflag:s4] =	ssyncset.done $0x0  }
0x190: {  	[sflag:s4] =	ssyncadd.s32 $0xFFFFFC00;
	s4 =	sadd.s32 $0xFFFFFF80, s0  }
0x191: {  	v5 =	vor.u32 s4, v0;
	v4 =	vld.idx.msk [tilespmem:v4+s22+$0x0], $0xffff  }
0x192: {  	v63 =	vor.u32 s1, v1;
	_ =	sdelay $0x3  }
0x193: {  	[tilespmem:v5+s25+$0x0] =	vst.idx.msk $0xffff, v4  }
0x194: {  	(v2sf) =	vpush v62, $0xE;
	v5 =	vor.u32 s4, v1;
	v4 =	vld.idx.msk [tilespmem:v63+s22+$0x0], $0xffff  }
0x195: {  	v63 =	vor.u32 s1, v2;
	_ =	sdelay $0x3  }
0x196: {  	[tilespmem:v5+s25+$0x0] =	vst.idx.msk $0xffff, v4  }
0x197: {  	v5 =	vor.u32 s4, v2;
	v4 =	vld.idx.msk [tilespmem:v63+s22+$0x0], $0xffff  }
0x198: {  	v63 =	vor.u32 s1, v3;
	_ =	sdelay $0x3  }
0x199: {  	[tilespmem:v5+s25+$0x0] =	vst.idx.msk $0xffff, v4  }
0x19a: {  	v5 =	vor.u32 s4, v3;
	v4 =	vld.idx.msk [tilespmem:v63+s22+$0x0], $0xffff;
	_ =	sdelay $0x2  }
0x19b: {  	s1 =	spop (v2sf)  }
0x19c: {  	s1 =	sand.u32 $0xFFFFF80, s1  }
0x19d: {  	s1 =	sadd.s32 s3, s1;
	[tilespmem:v5+s25+$0x0] =	vst.idx.msk $0xffff, v4  }
0x19e: {  	[tilespmem:s22], [sflag:$0xF] =	stream.linear.gather [hbm4b:s1+s2], $0x400, $0x38;
	[tilespmem:$0x14200] =	vst v63  }
0x19f: {  	_ =	swait.ge [sflag:s29], $0x400  }
0x1a0: {  	(v2sf) =	vpush v61, $0xF;
	_ =	sdelay $0xe  }
0x1a1: {  	s1 =	spop (v2sf)  }
0x1a2: {  	s1 =	sand.u32 $0x7, s1  }
0x1a3: {  	s1 =	sshll.u32 s1, $0x7  }
0x1a4: {  	v4 =	vor.u32 s1, v0;
	_ =	sdelay $0x2  }
0x1a5: {  	[sflag:s29] =	ssyncset.done $0x0  }
0x1a6: {  	[sflag:s29] =	ssyncadd.s32 $0xFFFFFC00  }
0x1a7: {  	v5 =	vor.u32 s0, v0;
	v4 =	vld.idx.msk [tilespmem:v4+s23+$0x0], $0xffff  }
0x1a8: {  	v61 =	vor.u32 s1, v1;
	_ =	sdelay $0x3  }
0x1a9: {  	[tilespmem:v5+s25+$0x0] =	vst.idx.msk $0xffff, v4  }
0x1aa: {  	(v2sf) =	vpush v62, $0xF;
	v5 =	vor.u32 s0, v1;
	v4 =	vld.idx.msk [tilespmem:v61+s23+$0x0], $0xffff  }
0x1ab: {  	v61 =	vor.u32 s1, v2;
	_ =	sdelay $0x3  }
0x1ac: {  	[tilespmem:v5+s25+$0x0] =	vst.idx.msk $0xffff, v4  }
0x1ad: {  	v5 =	vor.u32 s0, v2;
	v4 =	vld.idx.msk [tilespmem:v61+s23+$0x0], $0xffff  }
0x1ae: {  	v61 =	vor.u32 s1, v3;
	_ =	sdelay $0x3  }
0x1af: {  	[tilespmem:v5+s25+$0x0] =	vst.idx.msk $0xffff, v4  }
0x1b0: {  	v5 =	vor.u32 s0, v3;
	v4 =	vld.idx.msk [tilespmem:v61+s23+$0x0], $0xffff  }
0x1b1: {  	p0 =	sne.s32 s31, $0x1EF  }
.Ltmp0:
0x1b2: {  	_ = 	snop;
	(pc) =	sbr.rel @p0 .LBB2_2-.Ltmp0, $4  }
0x1b3: {  	s1 =	spop (v2sf)  }
0x1b4: {  	s30 =	sadd.s32 $0x10, s30;
	s0 =	sand.u32 $0xFFFFF80, s1  }
0x1b5: {  	s31 =	sadd.s32 $0x10, s31;
	s4 =	simm.s32 $0x1;
	s0 =	sadd.s32 s3, s0;
	[tilespmem:v5+s25+$0x0] =	vst.idx.msk $0xffff, v4  }
0x1b6: {  	[tilespmem:s23], [sflag:$0x10] =	stream.linear.gather [hbm4b:s0+s2], $0x400, $0x38;
	[tilespmem:$0x14200] =	vst v63  }
0x1b7: {  	v61 =	vld [tilespmem:$0x1F0];
	_ =	sdelay $0x3  }
0x1b8: {  	_ =	swait.ge [sflag:s4], $0x400  }
0x1b9: {  	(v2sf) =	vpush v61, $0x0;
	_ =	sdelay $0xe  }
0x1ba: {  	s0 =	spop (v2sf)  }
0x1bb: {  	s0 =	sand.u32 $0x7, s0  }
0x1bc: {  	s0 =	sshll.u32 s0, $0x7  }
0x1bd: {  	v4 =	vor.u32 s0, v0;
	_ =	sdelay $0x1  }
0x1be: {  	v62 =	vld [tilespmem:$0x1FFE0]  }
0x1bf: {  	[sflag:s4] =	ssyncset.done $0x0  }
0x1c0: {  	[sflag:s4] =	ssyncadd.s32 $0xFFFFFC00  }
0x1c1: {  	v4 =	vld.idx.msk [tilespmem:v4+s8+$0x0], $0xffff;
	_ =	sdelay $0x2  }
0x1c2: {  	v5 =	vor.u32 s0, v1;
	_ =	sdelay $0x1  }
0x1c3: {  	[tilespmem:v62+s25+$0x0] =	vst.idx.msk $0xffff, v4;
	v62 =	vld [tilespmem:$0x1FFF0];
	_ =	sdelay $0x2  }
0x1c4: {  	v4 =	vld.idx.msk [tilespmem:v5+s8+$0x0], $0xffff  }
0x1c5: {  	v5 =	vor.u32 s0, v2;
	_ =	sdelay $0x3  }
0x1c6: {  	[tilespmem:v62+s25+$0x0] =	vst.idx.msk $0xffff, v4  }
0x1c7: {  	v4 =	vld.idx.msk [tilespmem:v5+s8+$0x0], $0xffff  }
0x1c8: {  	v5 =	vor.u32 s0, v3;
	_ =	sdelay $0x3  }
0x1c9: {  	[tilespmem:v6+s25+$0x0] =	vst.idx.msk $0xffff, v4  }
0x1ca: {  	v4 =	vld.idx.msk [tilespmem:v5+s8+$0x0], $0xffff;
	_ =	sdelay $0x4  }
0x1cb: {  	[tilespmem:v7+s25+$0x0] =	vst.idx.msk $0xffff, v4  }
0x1cc: {  	_ =	swait.ge [sflag:s5], $0x400  }
0x1cd: {  	(v2sf) =	vpush v61, $0x1;
	_ =	sdelay $0xe  }
0x1ce: {  	s1 =	spop (v2sf)  }
0x1cf: {  	s0 =	sand.u32 $0x7, s1  }
0x1d0: {  	s0 =	sshll.u32 s0, $0x7  }
0x1d1: {  	v4 =	vor.u32 s0, v0;
	_ =	sdelay $0x2  }
0x1d2: {  	[sflag:s5] =	ssyncset.done $0x0  }
0x1d3: {  	[sflag:s5] =	ssyncadd.s32 $0xFFFFFC00  }
0x1d4: {  	v4 =	vld.idx.msk [tilespmem:v4+s9+$0x0], $0xffff  }
0x1d5: {  	v5 =	vor.u32 s0, v1;
	_ =	sdelay $0x3  }
0x1d6: {  	[tilespmem:v8+s25+$0x0] =	vst.idx.msk $0xffff, v4  }
0x1d7: {  	v4 =	vld.idx.msk [tilespmem:v5+s9+$0x0], $0xffff  }
0x1d8: {  	v5 =	vor.u32 s0, v2;
	_ =	sdelay $0x3  }
0x1d9: {  	[tilespmem:v9+s25+$0x0] =	vst.idx.msk $0xffff, v4  }
0x1da: {  	v4 =	vld.idx.msk [tilespmem:v5+s9+$0x0], $0xffff  }
0x1db: {  	v5 =	vor.u32 s0, v3;
	_ =	sdelay $0x3  }
0x1dc: {  	[tilespmem:v10+s25+$0x0] =	vst.idx.msk $0xffff, v4  }
0x1dd: {  	v4 =	vld.idx.msk [tilespmem:v5+s9+$0x0], $0xffff;
	_ =	sdelay $0x4  }
0x1de: {  	[tilespmem:v11+s25+$0x0] =	vst.idx.msk $0xffff, v4  }
0x1df: {  	_ =	swait.ge [sflag:s6], $0x400  }
0x1e0: {  	(v2sf) =	vpush v61, $0x2;
	_ =	sdelay $0xe  }
0x1e1: {  	s5 =	spop (v2sf)  }
0x1e2: {  	s0 =	sand.u32 $0x7, s5  }
0x1e3: {  	s0 =	sshll.u32 s0, $0x7  }
0x1e4: {  	v4 =	vor.u32 s0, v0;
	_ =	sdelay $0x2  }
0x1e5: {  	[sflag:s6] =	ssyncset.done $0x0  }
0x1e6: {  	[sflag:s6] =	ssyncadd.s32 $0xFFFFFC00  }
0x1e7: {  	v4 =	vld.idx.msk [tilespmem:v4+s10+$0x0], $0xffff  }
0x1e8: {  	v5 =	vor.u32 s0, v1;
	_ =	sdelay $0x3  }
0x1e9: {  	[tilespmem:v12+s25+$0x0] =	vst.idx.msk $0xffff, v4  }
0x1ea: {  	v4 =	vld.idx.msk [tilespmem:v5+s10+$0x0], $0xffff  }
0x1eb: {  	v5 =	vor.u32 s0, v2;
	_ =	sdelay $0x3  }
0x1ec: {  	[tilespmem:v13+s25+$0x0] =	vst.idx.msk $0xffff, v4  }
0x1ed: {  	v4 =	vld.idx.msk [tilespmem:v5+s10+$0x0], $0xffff  }
0x1ee: {  	v5 =	vor.u32 s0, v3;
	_ =	sdelay $0x3  }
0x1ef: {  	[tilespmem:v14+s25+$0x0] =	vst.idx.msk $0xffff, v4  }
0x1f0: {  	v4 =	vld.idx.msk [tilespmem:v5+s10+$0x0], $0xffff;
	_ =	sdelay $0x4  }
0x1f1: {  	[tilespmem:v15+s25+$0x0] =	vst.idx.msk $0xffff, v4  }
0x1f2: {  	_ =	swait.ge [sflag:s7], $0x400  }
0x1f3: {  	(v2sf) =	vpush v61, $0x3;
	_ =	sdelay $0xe  }
0x1f4: {  	s30 =	spop (v2sf)  }
0x1f5: {  	s0 =	sand.u32 $0x7, s30  }
0x1f6: {  	s0 =	sshll.u32 s0, $0x7  }
0x1f7: {  	v4 =	vor.u32 s0, v0;
	_ =	sdelay $0x2  }
0x1f8: {  	[sflag:s7] =	ssyncset.done $0x0  }
0x1f9: {  	[sflag:s7] =	ssyncadd.s32 $0xFFFFFC00  }
0x1fa: {  	v4 =	vld.idx.msk [tilespmem:v4+s11+$0x0], $0xffff  }
0x1fb: {  	v5 =	vor.u32 s0, v1;
	_ =	sdelay $0x3  }
0x1fc: {  	[tilespmem:v16+s25+$0x0] =	vst.idx.msk $0xffff, v4  }
0x1fd: {  	v4 =	vld.idx.msk [tilespmem:v5+s11+$0x0], $0xffff  }
0x1fe: {  	v5 =	vor.u32 s0, v2;
	_ =	sdelay $0x3  }
0x1ff: {  	[tilespmem:v17+s25+$0x0] =	vst.idx.msk $0xffff, v4  }
0x200: {  	v4 =	vld.idx.msk [tilespmem:v5+s11+$0x0], $0xffff  }
0x201: {  	v5 =	vor.u32 s0, v3;
	_ =	sdelay $0x3  }
0x202: {  	[tilespmem:v18+s25+$0x0] =	vst.idx.msk $0xffff, v4  }
0x203: {  	v4 =	vld.idx.msk [tilespmem:v5+s11+$0x0], $0xffff;
	_ =	sdelay $0x4  }
0x204: {  	[tilespmem:v19+s25+$0x0] =	vst.idx.msk $0xffff, v4  }
0x205: {  	_ =	swait.ge [sflag:s24], $0x400  }
0x206: {  	(v2sf) =	vpush v61, $0x4;
	_ =	sdelay $0xe  }
0x207: {  	s31 =	spop (v2sf)  }
0x208: {  	s0 =	sand.u32 $0x7, s31  }
0x209: {  	s0 =	sshll.u32 s0, $0x7  }
0x20a: {  	v4 =	vor.u32 s0, v0;
	_ =	sdelay $0x2  }
0x20b: {  	[sflag:s24] =	ssyncset.done $0x0  }
0x20c: {  	[sflag:s24] =	ssyncadd.s32 $0xFFFFFC00  }
0x20d: {  	v4 =	vld.idx.msk [tilespmem:v4+s12+$0x0], $0xffff  }
0x20e: {  	v5 =	vor.u32 s0, v1;
	_ =	sdelay $0x3  }
0x20f: {  	[tilespmem:v20+s25+$0x0] =	vst.idx.msk $0xffff, v4  }
0x210: {  	v4 =	vld.idx.msk [tilespmem:v5+s12+$0x0], $0xffff  }
0x211: {  	v5 =	vor.u32 s0, v2;
	_ =	sdelay $0x3  }
0x212: {  	[tilespmem:v21+s25+$0x0] =	vst.idx.msk $0xffff, v4  }
0x213: {  	v4 =	vld.idx.msk [tilespmem:v5+s12+$0x0], $0xffff  }
0x214: {  	v5 =	vor.u32 s0, v3;
	_ =	sdelay $0x3  }
0x215: {  	[tilespmem:v22+s25+$0x0] =	vst.idx.msk $0xffff, v4  }
0x216: {  	v4 =	vld.idx.msk [tilespmem:v5+s12+$0x0], $0xffff;
	_ =	sdelay $0x4  }
0x217: {  	[tilespmem:v23+s25+$0x0] =	vst.idx.msk $0xffff, v4  }
0x218: {  	_ =	swait.ge [sflag:s26], $0x400  }
0x219: {  	(v2sf) =	vpush v61, $0x5;
	_ =	sdelay $0xe  }
0x21a: {  	s1 =	spop (v2sf)  }
0x21b: {  	s0 =	sand.u32 $0x7, s1  }
0x21c: {  	s0 =	sshll.u32 s0, $0x7  }
0x21d: {  	v4 =	vor.u32 s0, v0;
	_ =	sdelay $0x2  }
0x21e: {  	[sflag:s26] =	ssyncset.done $0x0  }
0x21f: {  	[sflag:s26] =	ssyncadd.s32 $0xFFFFFC00  }
0x220: {  	v4 =	vld.idx.msk [tilespmem:v4+s13+$0x0], $0xffff  }
0x221: {  	v5 =	vor.u32 s0, v1;
	_ =	sdelay $0x3  }
0x222: {  	[tilespmem:v24+s25+$0x0] =	vst.idx.msk $0xffff, v4  }
0x223: {  	v4 =	vld.idx.msk [tilespmem:v5+s13+$0x0], $0xffff  }
0x224: {  	v5 =	vor.u32 s0, v2;
	_ =	sdelay $0x3  }
0x225: {  	[tilespmem:v25+s25+$0x0] =	vst.idx.msk $0xffff, v4  }
0x226: {  	v4 =	vld.idx.msk [tilespmem:v5+s13+$0x0], $0xffff  }
0x227: {  	v5 =	vor.u32 s0, v3;
	_ =	sdelay $0x3  }
0x228: {  	[tilespmem:v26+s25+$0x0] =	vst.idx.msk $0xffff, v4  }
0x229: {  	v4 =	vld.idx.msk [tilespmem:v5+s13+$0x0], $0xffff;
	_ =	sdelay $0x4  }
0x22a: {  	[tilespmem:v27+s25+$0x0] =	vst.idx.msk $0xffff, v4  }
0x22b: {  	_ =	swait.ge [sflag:s28], $0x400  }
0x22c: {  	(v2sf) =	vpush v61, $0x6;
	_ =	sdelay $0xe  }
0x22d: {  	s5 =	spop (v2sf)  }
0x22e: {  	s0 =	sand.u32 $0x7, s5  }
0x22f: {  	s0 =	sshll.u32 s0, $0x7  }
0x230: {  	v4 =	vor.u32 s0, v0;
	_ =	sdelay $0x2  }
0x231: {  	[sflag:s28] =	ssyncset.done $0x0  }
0x232: {  	[sflag:s28] =	ssyncadd.s32 $0xFFFFFC00  }
0x233: {  	v4 =	vld.idx.msk [tilespmem:v4+s14+$0x0], $0xffff  }
0x234: {  	v5 =	vor.u32 s0, v1;
	_ =	sdelay $0x3  }
0x235: {  	[tilespmem:v28+s25+$0x0] =	vst.idx.msk $0xffff, v4  }
0x236: {  	v4 =	vld.idx.msk [tilespmem:v5+s14+$0x0], $0xffff  }
0x237: {  	v5 =	vor.u32 s0, v2;
	_ =	sdelay $0x3  }
0x238: {  	[tilespmem:v29+s25+$0x0] =	vst.idx.msk $0xffff, v4  }
0x239: {  	v4 =	vld.idx.msk [tilespmem:v5+s14+$0x0], $0xffff  }
0x23a: {  	v5 =	vor.u32 s0, v3;
	_ =	sdelay $0x3  }
0x23b: {  	[tilespmem:v30+s25+$0x0] =	vst.idx.msk $0xffff, v4  }
0x23c: {  	v4 =	vld.idx.msk [tilespmem:v5+s14+$0x0], $0xffff;
	_ =	sdelay $0x4  }
0x23d: {  	s1 =	simm.s32 $0x8;
	[tilespmem:v31+s25+$0x0] =	vst.idx.msk $0xffff, v4  }
0x23e: {  	_ =	swait.ge [sflag:s1], $0x400  }
0x23f: {  	(v2sf) =	vpush v61, $0x7;
	_ =	sdelay $0xe  }
0x240: {  	s30 =	spop (v2sf)  }
0x241: {  	s0 =	sand.u32 $0x7, s30  }
0x242: {  	s0 =	sshll.u32 s0, $0x7  }
0x243: {  	v4 =	vor.u32 s0, v0;
	_ =	sdelay $0x2  }
0x244: {  	[sflag:s1] =	ssyncset.done $0x0  }
0x245: {  	[sflag:s1] =	ssyncadd.s32 $0xFFFFFC00  }
0x246: {  	v4 =	vld.idx.msk [tilespmem:v4+s15+$0x0], $0xffff  }
0x247: {  	v5 =	vor.u32 s0, v1;
	_ =	sdelay $0x3  }
0x248: {  	[tilespmem:v32+s25+$0x0] =	vst.idx.msk $0xffff, v4  }
0x249: {  	v4 =	vld.idx.msk [tilespmem:v5+s15+$0x0], $0xffff  }
0x24a: {  	v5 =	vor.u32 s0, v2;
	_ =	sdelay $0x3  }
0x24b: {  	[tilespmem:v33+s25+$0x0] =	vst.idx.msk $0xffff, v4  }
0x24c: {  	v4 =	vld.idx.msk [tilespmem:v5+s15+$0x0], $0xffff  }
0x24d: {  	v5 =	vor.u32 s0, v3;
	_ =	sdelay $0x3  }
0x24e: {  	[tilespmem:v34+s25+$0x0] =	vst.idx.msk $0xffff, v4  }
0x24f: {  	v4 =	vld.idx.msk [tilespmem:v5+s15+$0x0], $0xffff;
	_ =	sdelay $0x4  }
0x250: {  	s31 =	simm.s32 $0x9;
	[tilespmem:v35+s25+$0x0] =	vst.idx.msk $0xffff, v4  }
0x251: {  	_ =	swait.ge [sflag:s31], $0x400  }
0x252: {  	(v2sf) =	vpush v61, $0x8;
	_ =	sdelay $0xe  }
0x253: {  	s5 =	spop (v2sf)  }
0x254: {  	s0 =	sand.u32 $0x7, s5  }
0x255: {  	s0 =	sshll.u32 s0, $0x7  }
0x256: {  	v4 =	vor.u32 s0, v0;
	_ =	sdelay $0x2  }
0x257: {  	[sflag:s31] =	ssyncset.done $0x0  }
0x258: {  	[sflag:s31] =	ssyncadd.s32 $0xFFFFFC00  }
0x259: {  	v4 =	vld.idx.msk [tilespmem:v4+s16+$0x0], $0xffff  }
0x25a: {  	v5 =	vor.u32 s0, v1;
	_ =	sdelay $0x3  }
0x25b: {  	[tilespmem:v36+s25+$0x0] =	vst.idx.msk $0xffff, v4  }
0x25c: {  	v4 =	vld.idx.msk [tilespmem:v5+s16+$0x0], $0xffff  }
0x25d: {  	v5 =	vor.u32 s0, v2;
	_ =	sdelay $0x3  }
0x25e: {  	[tilespmem:v37+s25+$0x0] =	vst.idx.msk $0xffff, v4  }
0x25f: {  	v4 =	vld.idx.msk [tilespmem:v5+s16+$0x0], $0xffff  }
0x260: {  	v5 =	vor.u32 s0, v3;
	_ =	sdelay $0x3  }
0x261: {  	[tilespmem:v38+s25+$0x0] =	vst.idx.msk $0xffff, v4  }
0x262: {  	v4 =	vld.idx.msk [tilespmem:v5+s16+$0x0], $0xffff;
	_ =	sdelay $0x4  }
0x263: {  	s30 =	simm.s32 $0xA;
	[tilespmem:v39+s25+$0x0] =	vst.idx.msk $0xffff, v4  }
0x264: {  	_ =	swait.ge [sflag:s30], $0x400  }
0x265: {  	(v2sf) =	vpush v61, $0x9;
	_ =	sdelay $0xe  }
0x266: {  	s31 =	spop (v2sf)  }
0x267: {  	s0 =	sand.u32 $0x7, s31  }
0x268: {  	s0 =	sshll.u32 s0, $0x7  }
0x269: {  	v4 =	vor.u32 s0, v0;
	_ =	sdelay $0x2  }
0x26a: {  	[sflag:s30] =	ssyncset.done $0x0  }
0x26b: {  	[sflag:s30] =	ssyncadd.s32 $0xFFFFFC00  }
0x26c: {  	v4 =	vld.idx.msk [tilespmem:v4+s17+$0x0], $0xffff  }
0x26d: {  	v5 =	vor.u32 s0, v1;
	_ =	sdelay $0x3  }
0x26e: {  	[tilespmem:v40+s25+$0x0] =	vst.idx.msk $0xffff, v4  }
0x26f: {  	v4 =	vld.idx.msk [tilespmem:v5+s17+$0x0], $0xffff  }
0x270: {  	v5 =	vor.u32 s0, v2;
	_ =	sdelay $0x3  }
0x271: {  	[tilespmem:v41+s25+$0x0] =	vst.idx.msk $0xffff, v4  }
0x272: {  	v4 =	vld.idx.msk [tilespmem:v5+s17+$0x0], $0xffff  }
0x273: {  	v5 =	vor.u32 s0, v3;
	_ =	sdelay $0x3  }
0x274: {  	[tilespmem:v42+s25+$0x0] =	vst.idx.msk $0xffff, v4  }
0x275: {  	v4 =	vld.idx.msk [tilespmem:v5+s17+$0x0], $0xffff;
	_ =	sdelay $0x4  }
0x276: {  	s5 =	simm.s32 $0xB;
	[tilespmem:v43+s25+$0x0] =	vst.idx.msk $0xffff, v4  }
0x277: {  	_ =	swait.ge [sflag:s5], $0x400  }
0x278: {  	(v2sf) =	vpush v61, $0xA;
	_ =	sdelay $0xe  }
0x279: {  	s30 =	spop (v2sf)  }
0x27a: {  	s0 =	sand.u32 $0x7, s30  }
0x27b: {  	s0 =	sshll.u32 s0, $0x7  }
0x27c: {  	v4 =	vor.u32 s0, v0;
	_ =	sdelay $0x2  }
0x27d: {  	[sflag:s5] =	ssyncset.done $0x0  }
0x27e: {  	[sflag:s5] =	ssyncadd.s32 $0xFFFFFC00  }
0x27f: {  	v4 =	vld.idx.msk [tilespmem:v4+s18+$0x0], $0xffff  }
0x280: {  	v5 =	vor.u32 s0, v1;
	_ =	sdelay $0x3  }
0x281: {  	[tilespmem:v44+s25+$0x0] =	vst.idx.msk $0xffff, v4  }
0x282: {  	v4 =	vld.idx.msk [tilespmem:v5+s18+$0x0], $0xffff  }
0x283: {  	v5 =	vor.u32 s0, v2;
	_ =	sdelay $0x3  }
0x284: {  	[tilespmem:v45+s25+$0x0] =	vst.idx.msk $0xffff, v4  }
0x285: {  	v4 =	vld.idx.msk [tilespmem:v5+s18+$0x0], $0xffff  }
0x286: {  	v5 =	vor.u32 s0, v3;
	_ =	sdelay $0x3  }
0x287: {  	[tilespmem:v46+s25+$0x0] =	vst.idx.msk $0xffff, v4  }
0x288: {  	v4 =	vld.idx.msk [tilespmem:v5+s18+$0x0], $0xffff;
	_ =	sdelay $0x4  }
0x289: {  	s31 =	simm.s32 $0xC;
	[tilespmem:v47+s25+$0x0] =	vst.idx.msk $0xffff, v4  }
0x28a: {  	_ =	swait.ge [sflag:s31], $0x400  }
0x28b: {  	(v2sf) =	vpush v61, $0xB;
	_ =	sdelay $0xe  }
0x28c: {  	s5 =	spop (v2sf)  }
0x28d: {  	s0 =	sand.u32 $0x7, s5  }
0x28e: {  	s0 =	sshll.u32 s0, $0x7  }
0x28f: {  	v4 =	vor.u32 s0, v0;
	_ =	sdelay $0x2  }
0x290: {  	[sflag:s31] =	ssyncset.done $0x0  }
0x291: {  	[sflag:s31] =	ssyncadd.s32 $0xFFFFFC00  }
0x292: {  	v4 =	vld.idx.msk [tilespmem:v4+s19+$0x0], $0xffff  }
0x293: {  	v5 =	vor.u32 s0, v1;
	_ =	sdelay $0x3  }
0x294: {  	[tilespmem:v48+s25+$0x0] =	vst.idx.msk $0xffff, v4  }
0x295: {  	v4 =	vld.idx.msk [tilespmem:v5+s19+$0x0], $0xffff  }
0x296: {  	v5 =	vor.u32 s0, v2;
	_ =	sdelay $0x3  }
0x297: {  	[tilespmem:v49+s25+$0x0] =	vst.idx.msk $0xffff, v4  }
0x298: {  	v4 =	vld.idx.msk [tilespmem:v5+s19+$0x0], $0xffff  }
0x299: {  	v5 =	vor.u32 s0, v3;
	_ =	sdelay $0x3  }
0x29a: {  	[tilespmem:v50+s25+$0x0] =	vst.idx.msk $0xffff, v4  }
0x29b: {  	v4 =	vld.idx.msk [tilespmem:v5+s19+$0x0], $0xffff;
	_ =	sdelay $0x4  }
0x29c: {  	s30 =	simm.s32 $0xD;
	[tilespmem:v51+s25+$0x0] =	vst.idx.msk $0xffff, v4  }
0x29d: {  	_ =	swait.ge [sflag:s30], $0x400  }
0x29e: {  	(v2sf) =	vpush v61, $0xC;
	_ =	sdelay $0xe  }
0x29f: {  	s31 =	spop (v2sf)  }
0x2a0: {  	s0 =	sand.u32 $0x7, s31  }
0x2a1: {  	s0 =	sshll.u32 s0, $0x7  }
0x2a2: {  	v4 =	vor.u32 s0, v0;
	_ =	sdelay $0x2  }
0x2a3: {  	[sflag:s30] =	ssyncset.done $0x0  }
0x2a4: {  	[sflag:s30] =	ssyncadd.s32 $0xFFFFFC00  }
0x2a5: {  	v4 =	vld.idx.msk [tilespmem:v4+s20+$0x0], $0xffff  }
0x2a6: {  	v5 =	vor.u32 s0, v1;
	_ =	sdelay $0x3  }
0x2a7: {  	[tilespmem:v52+s25+$0x0] =	vst.idx.msk $0xffff, v4  }
0x2a8: {  	v4 =	vld.idx.msk [tilespmem:v5+s20+$0x0], $0xffff  }
0x2a9: {  	v5 =	vor.u32 s0, v2;
	_ =	sdelay $0x3  }
0x2aa: {  	[tilespmem:v53+s25+$0x0] =	vst.idx.msk $0xffff, v4  }
0x2ab: {  	v4 =	vld.idx.msk [tilespmem:v5+s20+$0x0], $0xffff  }
0x2ac: {  	v5 =	vor.u32 s0, v3;
	_ =	sdelay $0x3  }
0x2ad: {  	[tilespmem:v54+s25+$0x0] =	vst.idx.msk $0xffff, v4  }
0x2ae: {  	v4 =	vld.idx.msk [tilespmem:v5+s20+$0x0], $0xffff;
	_ =	sdelay $0x4  }
0x2af: {  	s5 =	simm.s32 $0xE;
	[tilespmem:v55+s25+$0x0] =	vst.idx.msk $0xffff, v4  }
0x2b0: {  	_ =	swait.ge [sflag:s5], $0x400  }
0x2b1: {  	(v2sf) =	vpush v61, $0xD;
	_ =	sdelay $0xe  }
0x2b2: {  	s30 =	spop (v2sf)  }
0x2b3: {  	s0 =	sand.u32 $0x7, s30  }
0x2b4: {  	s0 =	sshll.u32 s0, $0x7  }
0x2b5: {  	v4 =	vor.u32 s0, v0;
	_ =	sdelay $0x2  }
0x2b6: {  	[sflag:s5] =	ssyncset.done $0x0  }
0x2b7: {  	[sflag:s5] =	ssyncadd.s32 $0xFFFFFC00  }
0x2b8: {  	v4 =	vld.idx.msk [tilespmem:v4+s21+$0x0], $0xffff  }
0x2b9: {  	v5 =	vor.u32 s0, v1;
	_ =	sdelay $0x3  }
0x2ba: {  	[tilespmem:v56+s25+$0x0] =	vst.idx.msk $0xffff, v4  }
0x2bb: {  	v4 =	vld.idx.msk [tilespmem:v5+s21+$0x0], $0xffff  }
0x2bc: {  	v5 =	vor.u32 s0, v2;
	_ =	sdelay $0x3  }
0x2bd: {  	[tilespmem:v57+s25+$0x0] =	vst.idx.msk $0xffff, v4  }
0x2be: {  	v4 =	vld.idx.msk [tilespmem:v5+s21+$0x0], $0xffff  }
0x2bf: {  	v5 =	vor.u32 s0, v3;
	_ =	sdelay $0x3  }
0x2c0: {  	[tilespmem:v58+s25+$0x0] =	vst.idx.msk $0xffff, v4  }
0x2c1: {  	v4 =	vld.idx.msk [tilespmem:v5+s21+$0x0], $0xffff;
	_ =	sdelay $0x4  }
0x2c2: {  	s31 =	simm.s32 $0xF;
	[tilespmem:v59+s25+$0x0] =	vst.idx.msk $0xffff, v4  }
0x2c3: {  	_ =	swait.ge [sflag:s31], $0x400  }
0x2c4: {  	(v2sf) =	vpush v61, $0xE;
	_ =	sdelay $0xe  }
0x2c5: {  	s5 =	spop (v2sf)  }
0x2c6: {  	s0 =	sand.u32 $0x7, s5  }
0x2c7: {  	s0 =	sshll.u32 s0, $0x7  }
0x2c8: {  	v4 =	vor.u32 s0, v0;
	_ =	sdelay $0x2  }
0x2c9: {  	[sflag:s31] =	ssyncset.done $0x0  }
0x2ca: {  	[sflag:s31] =	ssyncadd.s32 $0xFFFFFC00  }
0x2cb: {  	v4 =	vld.idx.msk [tilespmem:v4+s22+$0x0], $0xffff  }
0x2cc: {  	v5 =	vor.u32 s0, v1;
	_ =	sdelay $0x3  }
0x2cd: {  	[tilespmem:v60+s25+$0x0] =	vst.idx.msk $0xffff, v4  }
0x2ce: {  	v4 =	vld.idx.msk [tilespmem:v5+s22+$0x0], $0xffff;
	v5 =	vor.u32 $0xFF10, v0  }
0x2cf: {  	v62 =	vor.u32 s0, v2;
	_ =	sdelay $0x3  }
0x2d0: {  	[tilespmem:v5+s25+$0x0] =	vst.idx.msk $0xffff, v4  }
0x2d1: {  	v5 =	vor.u32 $0xFF20, v0;
	v4 =	vld.idx.msk [tilespmem:v62+s22+$0x0], $0xffff  }
0x2d2: {  	v62 =	vor.u32 s0, v3;
	_ =	sdelay $0x3  }
0x2d3: {  	[tilespmem:v5+s25+$0x0] =	vst.idx.msk $0xffff, v4  }
0x2d4: {  	v5 =	vor.u32 $0xFF30, v0;
	v4 =	vld.idx.msk [tilespmem:v62+s22+$0x0], $0xffff;
	_ =	sdelay $0x4  }
0x2d5: {  	s30 =	simm.s32 $0x10;
	[tilespmem:v5+s25+$0x0] =	vst.idx.msk $0xffff, v4  }
0x2d6: {  	_ =	swait.ge [sflag:s30], $0x400  }
0x2d7: {  	(v2sf) =	vpush v61, $0xF;
	_ =	sdelay $0xe  }
0x2d8: {  	s31 =	spop (v2sf)  }
0x2d9: {  	s0 =	sand.u32 $0x7, s31  }
0x2da: {  	s0 =	sshll.u32 s0, $0x7  }
0x2db: {  	v4 =	vor.u32 s0, v0;
	_ =	sdelay $0x2  }
0x2dc: {  	[sflag:s30] =	ssyncset.done $0x0  }
0x2dd: {  	[sflag:s30] =	ssyncadd.s32 $0xFFFFFC00  }
0x2de: {  	v5 =	vor.u32 $0xFF80, v0;
	v4 =	vld.idx.msk [tilespmem:v4+s23+$0x0], $0xffff  }
0x2df: {  	v61 =	vor.u32 s0, v1;
	_ =	sdelay $0x3  }
0x2e0: {  	[tilespmem:v5+s25+$0x0] =	vst.idx.msk $0xffff, v4  }
0x2e1: {  	v5 =	vor.u32 $0xFF90, v0;
	v4 =	vld.idx.msk [tilespmem:v61+s23+$0x0], $0xffff  }
0x2e2: {  	v61 =	vor.u32 s0, v2;
	_ =	sdelay $0x3  }
0x2e3: {  	[tilespmem:v5+s25+$0x0] =	vst.idx.msk $0xffff, v4  }
0x2e4: {  	v5 =	vor.u32 $0xFFA0, v0;
	v4 =	vld.idx.msk [tilespmem:v61+s23+$0x0], $0xffff  }
0x2e5: {  	v61 =	vor.u32 s0, v3;
	_ =	sdelay $0x3  }
0x2e6: {  	[tilespmem:v5+s25+$0x0] =	vst.idx.msk $0xffff, v4  }
0x2e7: {  	v5 =	vor.u32 $0xFFB0, v0;
	v4 =	vld.idx.msk [tilespmem:v61+s23+$0x0], $0xffff;
	_ =	sdelay $0x4  }
0x2e8: {  	s1 =	simm.s32 $0x11;
	s5 =	rddreg [dreg:$0x4];
	[tilespmem:v5+s25+$0x0] =	vst.idx.msk $0xffff, v4  }
0x2e9: {  	[hbm4b:s5+s2] =	stream.linear.scatter [tilespmem:s25], [sflag:$0x11], $0x10000, $0x38;
	[tilespmem:$0x14200] =	vst v63  }
0x2ea: {  	_ =	swait.ge [sflag:s1], $0x10000  }
0x2eb: {  	s30 =	rddreg [dreg:$0x6]  }
0x2ec: {  	s31 =	rddreg [dreg:$0x5];
	s5 =	sadd.s32 $0x1, s30  }
0x2ed: {  	p0 =	sne.s32 s5, s31  }
.Ltmp1:
0x2ee: {  	_ = 	snop;
	(pc) =	sbr.rel @p0 .LBB2_1-.Ltmp1, $3  }
0x2ef: {  	_ =	sdelay $0x1  }
0x2f0: {  	[sflag:s1] =	ssyncset.done $0x0  }
0x2f1: {  	[sflag:s1] =	ssyncadd.s32 $0xFFFF0000  }
0x2f2: {  	_ =	sfence.sel $0x180000  }
0x2f3: {  	[bflag:$0x0] =	sbarrier.arrive $0xFFFF  }
0x2f4: {  	_ =	strace $0x90000047  }
0x2f5: {  	s0 =	stileid.u32;
	[bflag:$0x2] =	sbarrier.arrive $0xFFFF  }
0x2f6: {  	p0 =	sne.s32 s0, $0x0;
	s0 =	rddreg [dreg:$0x2]  }
0x2f7: {  	s0 =	sadd.s32 @!p0 $0x100000, s0  }
0x2f8: {  	[sflag:s0] =	ssyncadd.tile.s32 @!p0 $0x1;
	_ =	shalt  }
.Lfunc_end2:
_tile_overlayer_lowered:
.L_overlay_start_2:
0x2f9: {  	(tag) =	ssettag $0x2  }
0x2fa: {  	s0 =	rddreg [dreg:$0x0];
	s2 =	stileid.u32  }
0x2fb: {  	s1 =	rddreg [dreg:$0x1];
	p0 =	sne.s32 s2, $0x0  }
0x2fc: {  	s3 =	rddreg [dreg:$0x2];
	[bflag:$0x3] =	sbarrier.arrive $0xFFFF;
	s2 =	simm.s32 @!p0 $0x1C11  }
0x2fd: {  	[timem:s3], [sflag:s2] =	dma.local @!p0 [hbm:s0], s1  }
0x2fe: {  	s0 =	simm.s32 @!p0 $0x11  }
0x2ff: {  	_ =	swait.ge @!p0 [sflag:s0], s1  }
0x300: {  	s1 =	ssub.s32 @!p0 $0x0, s1;
	[sflag:s0] =	ssyncset.done @!p0 $0x0  }
0x301: {  	[sflag:s0] =	ssyncadd.s32 @!p0 s1  }
0x302: {  	[bflag:$0x3] =	sbarrier.arrive $0xFFFF  }
0x303: {  	_ =	shalt  }

</sc_bundles>
